<compile_context>
chip_gen: v7x
topology: tpu7x:2x2x1
jax: 0.10.2.dev20260603
libtpu: 0.0.44.dev20260713+nightly
codegen_flags: <defaults>
</compile_context>

<pallas_src>
import functools

import jax
import jax.numpy as jnp
from jax import lax
from jax.experimental import pallas as pl
from jax.experimental.pallas import tpu as pltpu
from jax.experimental.pallas import tpu_sc as plsc

N_NODES = 10000
D = 128
N_EDGES = 320000
NUM_GRAPHS = 1024
NC = 2
NS = 16
NW = NC * NS
E_PER_W = N_EDGES // NW
CHUNK = 80
KIN = 5
KOUT = E_PER_W // (CHUNK * KIN)
ECH = 125
EKIN = 4
EKOUT = E_PER_W // (ECH * EKIN)
N_PAD = 10240
ROWS_PER_S = N_PAD // NS
G_PER_W = NUM_GRAPHS // NW
PCH = 64

_mesh = plsc.VectorSubcoreMesh(core_axis_name="c", subcore_axis_name="s")


def _zero_vmem(ref, nrows, width):
  def row(i, carry):
    for j in range(width // 16):
      ref[i, pl.ds(16 * j, 16)] = jnp.zeros((16,), jnp.float32)
    return carry
  lax.fori_loop(0, nrows, row, 0)


def _edge_body(feat, srcr, dstr, agg_out, src_a, dst_a, src_b, dst_b,
               rows_a, rows_b, agg_sh, sem_a, sem_b, sem_ia, sem_ib):
  cid = lax.axis_index("c")
  sid = lax.axis_index("s")
  wid = sid * NC + cid
  M = EKOUT // 2

  _zero_vmem(rows_a, 80, D)
  for c in range(ROWS_PER_S // 80):
    off = sid * ROWS_PER_S + c * 80
    pltpu.sync_copy(rows_a.at[pl.ds(0, 80)], agg_sh.at[pl.ds(off, 80)])
  plsc.subcore_barrier()

  pltpu.sync_copy(srcr.at[wid, 0], src_a)
  pltpu.sync_copy(dstr.at[wid, 0], dst_a)
  pltpu.async_copy(feat.at[src_a.at[0]], rows_a, sem_a)

  def outer(m, carry):
    dib0 = pltpu.async_copy(srcr.at[wid, 2 * m + 1], src_b, sem_ib)
    dib1 = pltpu.async_copy(dstr.at[wid, 2 * m + 1], dst_b, sem_ib)
    for j in range(EKIN):
      cur, csem = (rows_a, sem_a) if j % 2 == 0 else (rows_b, sem_b)
      nxt, nsem = (rows_b, sem_b) if j % 2 == 0 else (rows_a, sem_a)
      pltpu.make_async_copy(feat.at[src_a.at[j]], cur, csem).wait()
      if j + 1 < EKIN:
        pltpu.async_copy(feat.at[src_a.at[j + 1]], nxt, nsem)
      else:
        dib0.wait()
        dib1.wait()
        pltpu.async_copy(feat.at[src_b.at[0]], nxt, nsem)
      pltpu.sync_copy(cur, agg_sh.at[dst_a.at[j]], add=True)

    @pl.when(m < M - 1)
    def _():
      pltpu.async_copy(srcr.at[wid, 2 * m + 2], src_a, sem_ia)
      pltpu.async_copy(dstr.at[wid, 2 * m + 2], dst_a, sem_ia)

    for j in range(EKIN):
      cur, csem = (rows_a, sem_a) if j % 2 == 0 else (rows_b, sem_b)
      nxt, nsem = (rows_b, sem_b) if j % 2 == 0 else (rows_a, sem_a)
      pltpu.make_async_copy(feat.at[src_b.at[j]], cur, csem).wait()
      if j + 1 < EKIN:
        pltpu.async_copy(feat.at[src_b.at[j + 1]], nxt, nsem)
      else:
        @pl.when(m < M - 1)
        def _():
          pltpu.make_async_copy(srcr.at[wid, 0], src_a, sem_ia).wait()
          pltpu.make_async_copy(dstr.at[wid, 0], dst_a, sem_ia).wait()
          pltpu.async_copy(feat.at[src_a.at[0]], nxt, nsem)
      pltpu.sync_copy(cur, agg_sh.at[dst_b.at[j]], add=True)
    return carry
  lax.fori_loop(0, M, outer, 0)

  plsc.subcore_barrier()
  for c in range(ROWS_PER_S // 80):
    off = sid * ROWS_PER_S + c * 80
    pltpu.sync_copy(agg_sh.at[pl.ds(off, 80)],
                    agg_out.at[cid, pl.ds(off, 80)])


_edge_kernel = functools.partial(
    pl.kernel,
    out_type=jax.ShapeDtypeStruct((NC, N_PAD, D), jnp.float32),
    mesh=_mesh,
    scratch_types=[
        pltpu.VMEM((EKIN, ECH), jnp.int32),
        pltpu.VMEM((EKIN, ECH), jnp.int32),
        pltpu.VMEM((EKIN, ECH), jnp.int32),
        pltpu.VMEM((EKIN, ECH), jnp.int32),
        pltpu.VMEM((ECH, D), jnp.float32),
        pltpu.VMEM((ECH, D), jnp.float32),
        pltpu.VMEM_SHARED((N_PAD, D), jnp.float32),
        pltpu.SemaphoreType.DMA,
        pltpu.SemaphoreType.DMA,
        pltpu.SemaphoreType.DMA,
        pltpu.SemaphoreType.DMA,
    ],
    compiler_params=pltpu.CompilerParams(needs_layout_passes=False),
)(_edge_body)


def _deg_body(dstr, deg_out, dst_v, hist_v, sem):
  cid = lax.axis_index("c")
  sid = lax.axis_index("s")
  wid = sid * NC + cid

  _zero_vmem(hist_v, N_PAD // D, D)
  ones16 = jnp.full((16,), 1.0, jnp.float32)

  def outer(k, carry):
    pltpu.sync_copy(dstr.at[wid, k], dst_v)
    for j in range(KIN):
      for t in range(CHUNK // 16):
        idx = dst_v[j, pl.ds(16 * t, 16)]
        plsc.addupdate_scatter(hist_v, [idx >> 7, idx & 127], ones16)
    return carry
  lax.fori_loop(0, KOUT, outer, 0)

  pltpu.sync_copy(hist_v, deg_out.at[wid])


_deg_kernel = functools.partial(
    pl.kernel,
    out_type=jax.ShapeDtypeStruct((NW, N_PAD // D, D), jnp.float32),
    mesh=_mesh,
    scratch_types=[
        pltpu.VMEM((KIN, CHUNK), jnp.int32),
        pltpu.VMEM((N_PAD // D, D), jnp.float32),
        pltpu.SemaphoreType.DMA,
    ],
    compiler_params=pltpu.CompilerParams(needs_layout_passes=False),
)(_deg_body)


def _pool_body(h2r, nbp, idsr, ctab, pool_out, char_out,
               pool_v, rows_v, nbc_v, probe_v, cidx_v, crow_v, sem):
  cid = lax.axis_index("c")
  sid = lax.axis_index("s")
  wid = sid * NC + cid
  g0 = wid * G_PER_W

  pltpu.sync_copy(idsr, cidx_v)
  pltpu.async_copy(ctab.at[cidx_v.at[pl.ds(g0, G_PER_W)]], crow_v, sem).wait()
  pltpu.sync_copy(crow_v, char_out.at[pl.ds(g0, G_PER_W)])

  _zero_vmem(pool_v, G_PER_W, D)

  def search(target):
    def body(_, s):
      lo, hi = s
      mid = (lo + hi) // 2
      pltpu.sync_copy(nbp.at[pl.ds(mid * 8, 16)], probe_v.at[pl.ds(0, 16)])
      v = probe_v[pl.ds(0, 16)][0]
      lo2 = jnp.where(v < target, mid + 1, lo)
      hi2 = jnp.where(v < target, hi, mid)
      return (lo2, hi2)
    p, _ = lax.fori_loop(0, 11, body, (0, N_NODES // 8))
    base = jnp.maximum(p - 1, 0) * 8
    pltpu.sync_copy(nbp.at[pl.ds(base, 16)], probe_v.at[pl.ds(0, 16)])
    cnt = jnp.int32(0)
    for i in range(8):
      vi = probe_v[pl.ds(i, 16)][0]
      cnt = cnt + jnp.where(vi < target, 1, 0)
    return base + jnp.where(p > 0, cnt, 0)

  lo = search(g0)
  hi = search(g0 + G_PER_W)

  la = (lo // 8) * 8
  nchunks = (hi - la + PCH - 1) // PCH

  def ck(k, carry):
    n0 = la + k * PCH
    n0c = jnp.minimum(n0, N_NODES - PCH)
    pltpu.sync_copy(h2r.at[pl.ds(n0c, PCH)], rows_v)
    pltpu.sync_copy(nbp.at[pl.ds(n0c, PCH)], nbc_v.at[pl.ds(0, PCH)])

    def rb(r, c2):
      n = n0c + r
      ok = jnp.logical_and(n >= lo, n < hi)
      @pl.when(ok)
      def _():
        tgt = nbc_v[pl.ds(r, 16)][0] - g0
        for j in range(D // 16):
          sl = pl.ds(16 * j, 16)
          pool_v[tgt, sl] = jnp.maximum(pool_v[tgt, sl], rows_v[r, sl])
      return c2
    lax.fori_loop(0, PCH, rb, 0)
    return carry
  lax.fori_loop(0, nchunks, ck, 0)

  pltpu.sync_copy(pool_v, pool_out.at[pl.ds(g0, G_PER_W)])


_pool_kernel = functools.partial(
    pl.kernel,
    out_type=(
        jax.ShapeDtypeStruct((NUM_GRAPHS, D), jnp.float32),
        jax.ShapeDtypeStruct((NUM_GRAPHS, D), jnp.float32),
    ),
    mesh=_mesh,
    scratch_types=[
        pltpu.VMEM((G_PER_W, D), jnp.float32),
        pltpu.VMEM((PCH, D), jnp.float32),
        pltpu.VMEM((PCH + 16,), jnp.int32),
        pltpu.VMEM((32,), jnp.int32),
        pltpu.VMEM((NUM_GRAPHS,), jnp.int32),
        pltpu.VMEM((G_PER_W, D), jnp.float32),
        pltpu.SemaphoreType.DMA,
    ],
    compiler_params=pltpu.CompilerParams(needs_layout_passes=False),
)(_pool_body)


def _dense_body(agg_ref, deg_ref, x_ref, wl_ref, b_ref, wr_ref, o_ref):
  agg = agg_ref[0] + agg_ref[1]
  bn = agg.shape[0]
  hist = jnp.sum(deg_ref[...], axis=0)
  hrep = jnp.broadcast_to(hist[:, None, :], (bn // D, D, D)).reshape(bn, D)
  rows = lax.broadcasted_iota(jnp.int32, (bn, D), 0)
  cols = lax.broadcasted_iota(jnp.int32, (bn, D), 1)
  deg = jnp.sum(jnp.where((rows % D) == cols, hrep, 0.0), axis=1,
                keepdims=True)
  mean = agg / jnp.maximum(deg, 1.0)
  h = lax.dot_general(mean, wl_ref[...], (((1,), (1,)), ((), ())),
                      preferred_element_type=jnp.float32)
  h = h + b_ref[...][None, :]
  h = h + lax.dot_general(x_ref[...], wr_ref[...], (((1,), (1,)), ((), ())),
                          preferred_element_type=jnp.float32)
  o_ref[...] = jnp.maximum(h, 0.0)


def _dense(agg, deg, x, W_l, b_l, W_r):
  bn = 1024
  grid = (N_PAD // bn,)
  return pl.pallas_call(
      _dense_body,
      grid=grid,
      in_specs=[
          pl.BlockSpec((NC, bn, D), lambda i: (0, i, 0)),
          pl.BlockSpec((NW, bn // D, D), lambda i: (0, i, 0)),
          pl.BlockSpec((bn, D), lambda i: (i, 0)),
          pl.BlockSpec((D, D), lambda i: (0, 0)),
          pl.BlockSpec((D,), lambda i: (0,)),
          pl.BlockSpec((D, D), lambda i: (0, 0)),
      ],
      out_specs=pl.BlockSpec((bn, D), lambda i: (i, 0)),
      out_shape=jax.ShapeDtypeStruct((N_PAD, D), jnp.float32),
  )(agg, deg, x, W_l, b_l, W_r)


def _final_body(ch_ref, pool_ref, w_ref, b_ref, o_ref):
  o_ref[:, 0:D] = ch_ref[...]
  gf = lax.dot_general(pool_ref[...], w_ref[...], (((1,), (1,)), ((), ())),
                       preferred_element_type=jnp.float32)
  o_ref[:, D:2 * D] = gf + b_ref[...][None, :]


def _final(char_e, pooled, W_out, b_out):
  return pl.pallas_call(
      _final_body,
      out_shape=jax.ShapeDtypeStruct((NUM_GRAPHS, 2 * D), jnp.float32),
  )(char_e, pooled, W_out, b_out)


def kernel(data, x, edge_index, node_batch, char_table,
           W_l1, b_l1, W_r1, W_l2, b_l2, W_r2, W_out, b_out):
  ids = data.reshape(NUM_GRAPHS)
  srcr = edge_index[0].reshape(NW, EKOUT, EKIN, ECH)
  dstr = edge_index[1].reshape(NW, EKOUT, EKIN, ECH)
  dstr_deg = edge_index[1].reshape(NW, KOUT, KIN, CHUNK)
  x_pad = jnp.pad(x, ((0, N_PAD - N_NODES), (0, 0)))
  nbp = jnp.pad(node_batch, (0, 16), constant_values=NUM_GRAPHS)

  agg1 = _edge_kernel(x_pad, srcr, dstr)
  deg = _deg_kernel(dstr_deg)
  h1 = _dense(agg1, deg, x_pad, W_l1, b_l1, W_r1)
  agg2 = _edge_kernel(h1, srcr, dstr)
  h2 = _dense(agg2, deg, h1, W_l2, b_l2, W_r2)

  pooled, char_e = _pool_kernel(h2, nbp, ids, char_table)
  emb = _final(char_e, pooled, W_out, b_out)
  return emb.reshape(32, 32, 2 * D)

# --- scband reference (transcript-rebuilt; emitter-appended) ---
"""Pipeline reference for scband-char-graph-embedding-33191507264280 (READ-ONLY COPY).

The authoritative reference and input builder live on the scoring server;
editing this copy changes nothing except your own understanding.
"""

import jax, jax.numpy as jnp
import numpy as np

B, L = 32, 32
NUM_GRAPHS = B * L
N_NODES = 10000
N_EDGES = 320000
D_FEAT = 128
HIDDEN = 128
GRAPH_EMB = 128
CHAR_EMB = 128
VOCAB = 8000
OUT = CHAR_EMB + GRAPH_EMB


def _uni(key, shape):
    s = 1.0 / np.sqrt(shape[-1])
    return jax.random.uniform(key, shape, minval=-s, maxval=s, dtype=jnp.float32)


def setup_inputs(seed: int = 0):
    key = jax.random.key(seed)
    ks = jax.random.split(key, 14)
    data = jax.random.randint(ks[0], (B, L), 0, VOCAB, dtype=jnp.int32)
    x = jax.random.normal(ks[1], (N_NODES, D_FEAT), dtype=jnp.float32)
    edge_index = jax.random.randint(ks[2], (2, N_EDGES), 0, N_NODES, dtype=jnp.int32)
    node_batch = jnp.sort(jax.random.randint(ks[3], (N_NODES,), 0, NUM_GRAPHS, dtype=jnp.int32))
    char_table = jax.random.uniform(ks[4], (VOCAB, CHAR_EMB), minval=-0.1, maxval=0.1, dtype=jnp.float32)
    W_l1 = _uni(ks[5], (HIDDEN, D_FEAT))
    b_l1 = jnp.zeros((HIDDEN,), dtype=jnp.float32)
    W_r1 = _uni(ks[6], (HIDDEN, D_FEAT))
    W_l2 = _uni(ks[7], (HIDDEN, HIDDEN))
    b_l2 = jnp.zeros((HIDDEN,), dtype=jnp.float32)
    W_r2 = _uni(ks[8], (HIDDEN, HIDDEN))
    W_out = _uni(ks[9], (GRAPH_EMB, HIDDEN))
    b_out = jnp.zeros((GRAPH_EMB,), dtype=jnp.float32)
    return {"data": data, "x": x, "edge_index": edge_index, "node_batch": node_batch,
            "char_table": char_table, "W_l1": W_l1, "b_l1": b_l1, "W_r1": W_r1,
            "W_l2": W_l2, "b_l2": b_l2, "W_r2": W_r2, "W_out": W_out, "b_out": b_out}


def _sage(x, src, dst, W_l, b_l, W_r):
    # PyG SAGEConv (mean aggr): out = lin_l(mean_{j in N(i)} x_j) + lin_r(x_i)
    msg = x[src]
    agg = jax.ops.segment_sum(msg, dst, num_segments=N_NODES)
    deg = jax.ops.segment_sum(jnp.ones((src.shape[0], 1), dtype=x.dtype), dst, num_segments=N_NODES)
    mean = agg / jnp.maximum(deg, 1.0)
    return mean @ W_l.T + b_l + x @ W_r.T


def reference(data, x, edge_index, node_batch, char_table, W_l1, b_l1, W_r1, W_l2, b_l2, W_r2, W_out, b_out):
    ids = data.reshape(-1)
    # char embedding lookup (dropout is identity in eval mode)
    char_e = jnp.take(char_table, ids, axis=0)
    src, dst = edge_index[0], edge_index[1]
    # MyGCN with pool='max', batch_norm='none'
    h = jax.nn.relu(_sage(x, src, dst, W_l1, b_l1, W_r1))
    h = jax.nn.relu(_sage(h, src, dst, W_l2, b_l2, W_r2))
    pooled = jax.ops.segment_max(h, node_batch, num_segments=NUM_GRAPHS)
    pooled = jnp.where(jnp.isfinite(pooled), pooled, 0.0)
    graph_feat = pooled @ W_out.T + b_out
    emb = jnp.concatenate([char_e, graph_feat], axis=-1)
    return emb.reshape(B, L, OUT)

if __name__ == "__main__":
    import jax
    _d = setup_inputs()
    print(jax.jit(kernel)(*tuple(_d.values())))

</pallas_src>

<mosaic_0001>
#map = affine_map<(d0, d1) -> (0, 0)>
#map1 = affine_map<(d0, d1) -> (0, 0, 0, 0)>
#map2 = affine_map<(d0, d1) -> (0, 0, 0)>
module attributes {stable_mosaic.version = 14 : i64} {
  func.func @_edge_body(%arg0: i32, %arg1: i32, %arg2: memref<10240x128xf32, #tpu.memory_space<hbm>>, %arg3: memref<32x20x4x125xi32, #tpu.memory_space<hbm>>, %arg4: memref<32x20x4x125xi32, #tpu.memory_space<hbm>>, %arg5: memref<2x10240x128xf32, #tpu.memory_space<hbm>>, %arg6: memref<4x125xi32, #tpu.memory_space<vmem>>, %arg7: memref<4x125xi32, #tpu.memory_space<vmem>>, %arg8: memref<4x125xi32, #tpu.memory_space<vmem>>, %arg9: memref<4x125xi32, #tpu.memory_space<vmem>>, %arg10: memref<125x128xf32, #tpu.memory_space<vmem>>, %arg11: memref<125x128xf32, #tpu.memory_space<vmem>>, %arg12: memref<10240x128xf32, #tpu.memory_space<vmem_shared>>, %arg13: memref<!tpu.dma_semaphore, #tpu.memory_space<semaphore_mem>>, %arg14: memref<!tpu.dma_semaphore, #tpu.memory_space<semaphore_mem>>, %arg15: memref<!tpu.dma_semaphore, #tpu.memory_space<semaphore_mem>>, %arg16: memref<!tpu.dma_semaphore, #tpu.memory_space<semaphore_mem>>) attributes {dimension_semantics = [#tpu.dimension_semantics<core_parallel>, #tpu.dimension_semantics<subcore_parallel>], iteration_bounds = array<i64: 2, 16>, scalar_prefetch = 0 : i64, scratch_operands = 11 : i64, tpu.core_type = #tpu.core_type<sc_vector_subcore>, window_params = [{transform_indices = #map}, {transform_indices = #map1}, {transform_indices = #map1}, {transform_indices = #map2}]} {
    %mul3A = arith.constant 2 : i32
    %mul3A_0 = arith.muli %arg1, %mul3A : i32
    %add3A = arith.addi %mul3A_0, %arg0 : i32
    %scan3A = arith.constant 0 : i32
    %scan3A_1 = arith.constant 0 : i32
    %scan3A_2 = arith.constant 80 : i32
    %scan3A_3 = arith.addi %scan3A_1, %scan3A_2 : i32
    %scan3A_4 = arith.constant 1 : i32
    scf.for %scan3A_84 = %scan3A_1 to %scan3A_3 step %scan3A_4  : i32 {
      %broadcast_in_dim3A = arith.constant 0.000000e+00 : f32
      %broadcast_in_dim3A_85 = vector.broadcast %broadcast_in_dim3A : f32 to vector<16xf32>
      %swap3A = arith.index_cast %scan3A_84 : i32 to index
      %swap3A_86 = arith.constant 0 : index
      %swap3A_87 = tpu.vector_load %arg10[%swap3A, %swap3A_86] {strides = array<i32>} : memref<125x128xf32, #tpu.memory_space<vmem>>, vector<16xf32>,
      tpu.vector_store %arg10[%swap3A, %swap3A_86], %broadcast_in_dim3A_85 {strides = array<i32>} : memref<125x128xf32, #tpu.memory_space<vmem>>, vector<16xf32>,
      %broadcast_in_dim3A_88 = arith.constant 0.000000e+00 : f32
      %broadcast_in_dim3A_89 = vector.broadcast %broadcast_in_dim3A_88 : f32 to vector<16xf32>
      %swap3A_90 = arith.index_cast %scan3A_84 : i32 to index
      %swap3A_91 = arith.constant 16 : index
      %swap3A_92 = tpu.vector_load %arg10[%swap3A_90, %swap3A_91] {strides = array<i32>} : memref<125x128xf32, #tpu.memory_space<vmem>>, vector<16xf32>,
      tpu.vector_store %arg10[%swap3A_90, %swap3A_91], %broadcast_in_dim3A_89 {strides = array<i32>} : memref<125x128xf32, #tpu.memory_space<vmem>>, vector<16xf32>,
      %broadcast_in_dim3A_93 = arith.constant 0.000000e+00 : f32
      %broadcast_in_dim3A_94 = vector.broadcast %broadcast_in_dim3A_93 : f32 to vector<16xf32>
      %swap3A_95 = arith.index_cast %scan3A_84 : i32 to index
      %swap3A_96 = arith.constant 32 : index
      %swap3A_97 = tpu.vector_load %arg10[%swap3A_95, %swap3A_96] {strides = array<i32>} : memref<125x128xf32, #tpu.memory_space<vmem>>, vector<16xf32>,
      tpu.vector_store %arg10[%swap3A_95, %swap3A_96], %broadcast_in_dim3A_94 {strides = array<i32>} : memref<125x128xf32, #tpu.memory_space<vmem>>, vector<16xf32>,
      %broadcast_in_dim3A_98 = arith.constant 0.000000e+00 : f32
      %broadcast_in_dim3A_99 = vector.broadcast %broadcast_in_dim3A_98 : f32 to vector<16xf32>
      %swap3A_100 = arith.index_cast %scan3A_84 : i32 to index
      %swap3A_101 = arith.constant 48 : index
      %swap3A_102 = tpu.vector_load %arg10[%swap3A_100, %swap3A_101] {strides = array<i32>} : memref<125x128xf32, #tpu.memory_space<vmem>>, vector<16xf32>,
      tpu.vector_store %arg10[%swap3A_100, %swap3A_101], %broadcast_in_dim3A_99 {strides = array<i32>} : memref<125x128xf32, #tpu.memory_space<vmem>>, vector<16xf32>,
      %broadcast_in_dim3A_103 = arith.constant 0.000000e+00 : f32
      %broadcast_in_dim3A_104 = vector.broadcast %broadcast_in_dim3A_103 : f32 to vector<16xf32>
      %swap3A_105 = arith.index_cast %scan3A_84 : i32 to index
      %swap3A_106 = arith.constant 64 : index
      %swap3A_107 = tpu.vector_load %arg10[%swap3A_105, %swap3A_106] {strides = array<i32>} : memref<125x128xf32, #tpu.memory_space<vmem>>, vector<16xf32>,
      tpu.vector_store %arg10[%swap3A_105, %swap3A_106], %broadcast_in_dim3A_104 {strides = array<i32>} : memref<125x128xf32, #tpu.memory_space<vmem>>, vector<16xf32>,
      %broadcast_in_dim3A_108 = arith.constant 0.000000e+00 : f32
      %broadcast_in_dim3A_109 = vector.broadcast %broadcast_in_dim3A_108 : f32 to vector<16xf32>
      %swap3A_110 = arith.index_cast %scan3A_84 : i32 to index
      %swap3A_111 = arith.constant 80 : index
      %swap3A_112 = tpu.vector_load %arg10[%swap3A_110, %swap3A_111] {strides = array<i32>} : memref<125x128xf32, #tpu.memory_space<vmem>>, vector<16xf32>,
      tpu.vector_store %arg10[%swap3A_110, %swap3A_111], %broadcast_in_dim3A_109 {strides = array<i32>} : memref<125x128xf32, #tpu.memory_space<vmem>>, vector<16xf32>,
      %broadcast_in_dim3A_113 = arith.constant 0.000000e+00 : f32
      %broadcast_in_dim3A_114 = vector.broadcast %broadcast_in_dim3A_113 : f32 to vector<16xf32>
      %swap3A_115 = arith.index_cast %scan3A_84 : i32 to index
      %swap3A_116 = arith.constant 96 : index
      %swap3A_117 = tpu.vector_load %arg10[%swap3A_115, %swap3A_116] {strides = array<i32>} : memref<125x128xf32, #tpu.memory_space<vmem>>, vector<16xf32>,
      tpu.vector_store %arg10[%swap3A_115, %swap3A_116], %broadcast_in_dim3A_114 {strides = array<i32>} : memref<125x128xf32, #tpu.memory_space<vmem>>, vector<16xf32>,
      %broadcast_in_dim3A_118 = arith.constant 0.000000e+00 : f32
      %broadcast_in_dim3A_119 = vector.broadcast %broadcast_in_dim3A_118 : f32 to vector<16xf32>
      %swap3A_120 = arith.index_cast %scan3A_84 : i32 to index
      %swap3A_121 = arith.constant 112 : index
      %swap3A_122 = tpu.vector_load %arg10[%swap3A_120, %swap3A_121] {strides = array<i32>} : memref<125x128xf32, #tpu.memory_space<vmem>>, vector<16xf32>,
      tpu.vector_store %arg10[%swap3A_120, %swap3A_121], %broadcast_in_dim3A_119 {strides = array<i32>} : memref<125x128xf32, #tpu.memory_space<vmem>>, vector<16xf32>,
    }
    %scan3A_5 = arith.constant 80 : i32
    %mul3A_6 = arith.constant 640 : i32
    %mul3A_7 = arith.muli %arg1, %mul3A_6 : i32
    %add3A_8 = arith.constant 0 : i32
    %add3A_9 = arith.addi %mul3A_7, %add3A_8 : i32
    "tpu.region"() ({
      %run_scoped3A_84 = tpu.sem_alloc : memref<!tpu.dma_semaphore, #tpu.memory_space<semaphore_mem>>
      %dma_start3A_85 = arith.constant 0 : i32
      %dma_start3A_86 = arith.constant 0 : i32
      %dma_start3A_87 = tpu.memref_slice %arg10[%dma_start3A_85, %dma_start3A_86] : memref<125x128xf32, #tpu.memory_space<vmem>> -> memref<80x128xf32, #tpu.memory_space<vmem>>
      %dma_start3A_88 = arith.constant 0 : i32
      %dma_start3A_89 = tpu.memref_slice %arg12[%add3A_9, %dma_start3A_88] : memref<10240x128xf32, #tpu.memory_space<vmem_shared>> -> memref<80x128xf32, #tpu.memory_space<vmem_shared>>
      %dma_start3A_90 = arith.constant 0 : i32
      %dma_start3A_91 = tpu.memref_slice %arg12[%add3A_9, %dma_start3A_90] : memref<10240x128xf32, #tpu.memory_space<vmem_shared>> -> memref<80x128xf32, #tpu.memory_space<vmem_shared>>
      %dma_start3A_92 = arith.constant 0 : i32
      %dma_start3A_93 = arith.constant 0 : i32
      %dma_start3A_94 = tpu.memref_slice %arg10[%dma_start3A_92, %dma_start3A_93] : memref<125x128xf32, #tpu.memory_space<vmem>> -> memref<80x128xf32, #tpu.memory_space<vmem>>
      tpu.enqueue_dma source(%dma_start3A_94 : memref<80x128xf32, #tpu.memory_space<vmem>>) target(%dma_start3A_91 : memref<80x128xf32, #tpu.memory_space<vmem_shared>>) target_semaphore(%run_scoped3A_84 : memref<!tpu.dma_semaphore, #tpu.memory_space<semaphore_mem>>)
      %dma_wait3A = arith.constant 0 : i32
      %dma_wait3A_95 = arith.constant 0 : i32
      %dma_wait3A_96 = tpu.memref_slice %arg10[%dma_wait3A, %dma_wait3A_95] : memref<125x128xf32, #tpu.memory_space<vmem>> -> memref<80x128xf32, #tpu.memory_space<vmem>>
      %dma_wait3A_97 = arith.constant 0 : i32
      %dma_wait3A_98 = tpu.memref_slice %arg12[%add3A_9, %dma_wait3A_97] : memref<10240x128xf32, #tpu.memory_space<vmem_shared>> -> memref<80x128xf32, #tpu.memory_space<vmem_shared>>
      %dma_wait3A_99 = arith.constant 0 : i32
      %dma_wait3A_100 = tpu.memref_slice %arg12[%add3A_9, %dma_wait3A_99] : memref<10240x128xf32, #tpu.memory_space<vmem_shared>> -> memref<80x128xf32, #tpu.memory_space<vmem_shared>>
      %dma_wait3A_101 = arith.constant 0 : i32
      %dma_wait3A_102 = arith.constant 0 : i32
      %dma_wait3A_103 = tpu.memref_slice %arg10[%dma_wait3A_101, %dma_wait3A_102] : memref<125x128xf32, #tpu.memory_space<vmem>> -> memref<80x128xf32, #tpu.memory_space<vmem>>
      tpu.wait_dma2 semaphore(%run_scoped3A_84 : memref<!tpu.dma_semaphore, #tpu.memory_space<semaphore_mem>>) src(%dma_wait3A_103 : memref<80x128xf32, #tpu.memory_space<vmem>>) dst(%dma_wait3A_100 : memref<80x128xf32, #tpu.memory_space<vmem_shared>>)
      tpu.yield
    }) : () -> ()
    %mul3A_10 = arith.constant 640 : i32
    %mul3A_11 = arith.muli %arg1, %mul3A_10 : i32
    %add3A_12 = arith.constant 80 : i32
    %add3A_13 = arith.addi %mul3A_11, %add3A_12 : i32
    "tpu.region"() ({
      %run_scoped3A_84 = tpu.sem_alloc : memref<!tpu.dma_semaphore, #tpu.memory_space<semaphore_mem>>
      %dma_start3A_85 = arith.constant 0 : i32
      %dma_start3A_86 = arith.constant 0 : i32
      %dma_start3A_87 = tpu.memref_slice %arg10[%dma_start3A_85, %dma_start3A_86] : memref<125x128xf32, #tpu.memory_space<vmem>> -> memref<80x128xf32, #tpu.memory_space<vmem>>
      %dma_start3A_88 = arith.constant 0 : i32
      %dma_start3A_89 = tpu.memref_slice %arg12[%add3A_13, %dma_start3A_88] : memref<10240x128xf32, #tpu.memory_space<vmem_shared>> -> memref<80x128xf32, #tpu.memory_space<vmem_shared>>
      %dma_start3A_90 = arith.constant 0 : i32
      %dma_start3A_91 = tpu.memref_slice %arg12[%add3A_13, %dma_start3A_90] : memref<10240x128xf32, #tpu.memory_space<vmem_shared>> -> memref<80x128xf32, #tpu.memory_space<vmem_shared>>
      %dma_start3A_92 = arith.constant 0 : i32
      %dma_start3A_93 = arith.constant 0 : i32
      %dma_start3A_94 = tpu.memref_slice %arg10[%dma_start3A_92, %dma_start3A_93] : memref<125x128xf32, #tpu.memory_space<vmem>> -> memref<80x128xf32, #tpu.memory_space<vmem>>
      tpu.enqueue_dma source(%dma_start3A_94 : memref<80x128xf32, #tpu.memory_space<vmem>>) target(%dma_start3A_91 : memref<80x128xf32, #tpu.memory_space<vmem_shared>>) target_semaphore(%run_scoped3A_84 : memref<!tpu.dma_semaphore, #tpu.memory_space<semaphore_mem>>)
      %dma_wait3A = arith.constant 0 : i32
      %dma_wait3A_95 = arith.constant 0 : i32
      %dma_wait3A_96 = tpu.memref_slice %arg10[%dma_wait3A, %dma_wait3A_95] : memref<125x128xf32, #tpu.memory_space<vmem>> -> memref<80x128xf32, #tpu.memory_space<vmem>>
      %dma_wait3A_97 = arith.constant 0 : i32
      %dma_wait3A_98 = tpu.memref_slice %arg12[%add3A_13, %dma_wait3A_97] : memref<10240x128xf32, #tpu.memory_space<vmem_shared>> -> memref<80x128xf32, #tpu.memory_space<vmem_shared>>
      %dma_wait3A_99 = arith.constant 0 : i32
      %dma_wait3A_100 = tpu.memref_slice %arg12[%add3A_13, %dma_wait3A_99] : memref<10240x128xf32, #tpu.memory_space<vmem_shared>> -> memref<80x128xf32, #tpu.memory_space<vmem_shared>>
      %dma_wait3A_101 = arith.constant 0 : i32
      %dma_wait3A_102 = arith.constant 0 : i32
      %dma_wait3A_103 = tpu.memref_slice %arg10[%dma_wait3A_101, %dma_wait3A_102] : memref<125x128xf32, #tpu.memory_space<vmem>> -> memref<80x128xf32, #tpu.memory_space<vmem>>
      tpu.wait_dma2 semaphore(%run_scoped3A_84 : memref<!tpu.dma_semaphore, #tpu.memory_space<semaphore_mem>>) src(%dma_wait3A_103 : memref<80x128xf32, #tpu.memory_space<vmem>>) dst(%dma_wait3A_100 : memref<80x128xf32, #tpu.memory_space<vmem_shared>>)
      tpu.yield
    }) : () -> ()
    %mul3A_14 = arith.constant 640 : i32
    %mul3A_15 = arith.muli %arg1, %mul3A_14 : i32
    %add3A_16 = arith.constant 160 : i32
    %add3A_17 = arith.addi %mul3A_15, %add3A_16 : i32
    "tpu.region"() ({
      %run_scoped3A_84 = tpu.sem_alloc : memref<!tpu.dma_semaphore, #tpu.memory_space<semaphore_mem>>
      %dma_start3A_85 = arith.constant 0 : i32
      %dma_start3A_86 = arith.constant 0 : i32
      %dma_start3A_87 = tpu.memref_slice %arg10[%dma_start3A_85, %dma_start3A_86] : memref<125x128xf32, #tpu.memory_space<vmem>> -> memref<80x128xf32, #tpu.memory_space<vmem>>
      %dma_start3A_88 = arith.constant 0 : i32
      %dma_start3A_89 = tpu.memref_slice %arg12[%add3A_17, %dma_start3A_88] : memref<10240x128xf32, #tpu.memory_space<vmem_shared>> -> memref<80x128xf32, #tpu.memory_space<vmem_shared>>
      %dma_start3A_90 = arith.constant 0 : i32
      %dma_start3A_91 = tpu.memref_slice %arg12[%add3A_17, %dma_start3A_90] : memref<10240x128xf32, #tpu.memory_space<vmem_shared>> -> memref<80x128xf32, #tpu.memory_space<vmem_shared>>
      %dma_start3A_92 = arith.constant 0 : i32
      %dma_start3A_93 = arith.constant 0 : i32
      %dma_start3A_94 = tpu.memref_slice %arg10[%dma_start3A_92, %dma_start3A_93] : memref<125x128xf32, #tpu.memory_space<vmem>> -> memref<80x128xf32, #tpu.memory_space<vmem>>
      tpu.enqueue_dma source(%dma_start3A_94 : memref<80x128xf32, #tpu.memory_space<vmem>>) target(%dma_start3A_91 : memref<80x128xf32, #tpu.memory_space<vmem_shared>>) target_semaphore(%run_scoped3A_84 : memref<!tpu.dma_semaphore, #tpu.memory_space<semaphore_mem>>)
      %dma_wait3A = arith.constant 0 : i32
      %dma_wait3A_95 = arith.constant 0 : i32
      %dma_wait3A_96 = tpu.memref_slice %arg10[%dma_wait3A, %dma_wait3A_95] : memref<125x128xf32, #tpu.memory_space<vmem>> -> memref<80x128xf32, #tpu.memory_space<vmem>>
      %dma_wait3A_97 = arith.constant 0 : i32
      %dma_wait3A_98 = tpu.memref_slice %arg12[%add3A_17, %dma_wait3A_97] : memref<10240x128xf32, #tpu.memory_space<vmem_shared>> -> memref<80x128xf32, #tpu.memory_space<vmem_shared>>
      %dma_wait3A_99 = arith.constant 0 : i32
      %dma_wait3A_100 = tpu.memref_slice %arg12[%add3A_17, %dma_wait3A_99] : memref<10240x128xf32, #tpu.memory_space<vmem_shared>> -> memref<80x128xf32, #tpu.memory_space<vmem_shared>>
      %dma_wait3A_101 = arith.constant 0 : i32
      %dma_wait3A_102 = arith.constant 0 : i32
      %dma_wait3A_103 = tpu.memref_slice %arg10[%dma_wait3A_101, %dma_wait3A_102] : memref<125x128xf32, #tpu.memory_space<vmem>> -> memref<80x128xf32, #tpu.memory_space<vmem>>
      tpu.wait_dma2 semaphore(%run_scoped3A_84 : memref<!tpu.dma_semaphore, #tpu.memory_space<semaphore_mem>>) src(%dma_wait3A_103 : memref<80x128xf32, #tpu.memory_space<vmem>>) dst(%dma_wait3A_100 : memref<80x128xf32, #tpu.memory_space<vmem_shared>>)
      tpu.yield
    }) : () -> ()
    %mul3A_18 = arith.constant 640 : i32
    %mul3A_19 = arith.muli %arg1, %mul3A_18 : i32
    %add3A_20 = arith.constant 240 : i32
    %add3A_21 = arith.addi %mul3A_19, %add3A_20 : i32
    "tpu.region"() ({
      %run_scoped3A_84 = tpu.sem_alloc : memref<!tpu.dma_semaphore, #tpu.memory_space<semaphore_mem>>
      %dma_start3A_85 = arith.constant 0 : i32
      %dma_start3A_86 = arith.constant 0 : i32
      %dma_start3A_87 = tpu.memref_slice %arg10[%dma_start3A_85, %dma_start3A_86] : memref<125x128xf32, #tpu.memory_space<vmem>> -> memref<80x128xf32, #tpu.memory_space<vmem>>
      %dma_start3A_88 = arith.constant 0 : i32
      %dma_start3A_89 = tpu.memref_slice %arg12[%add3A_21, %dma_start3A_88] : memref<10240x128xf32, #tpu.memory_space<vmem_shared>> -> memref<80x128xf32, #tpu.memory_space<vmem_shared>>
      %dma_start3A_90 = arith.constant 0 : i32
      %dma_start3A_91 = tpu.memref_slice %arg12[%add3A_21, %dma_start3A_90] : memref<10240x128xf32, #tpu.memory_space<vmem_shared>> -> memref<80x128xf32, #tpu.memory_space<vmem_shared>>
      %dma_start3A_92 = arith.constant 0 : i32
      %dma_start3A_93 = arith.constant 0 : i32
      %dma_start3A_94 = tpu.memref_slice %arg10[%dma_start3A_92, %dma_start3A_93] : memref<125x128xf32, #tpu.memory_space<vmem>> -> memref<80x128xf32, #tpu.memory_space<vmem>>
      tpu.enqueue_dma source(%dma_start3A_94 : memref<80x128xf32, #tpu.memory_space<vmem>>) target(%dma_start3A_91 : memref<80x128xf32, #tpu.memory_space<vmem_shared>>) target_semaphore(%run_scoped3A_84 : memref<!tpu.dma_semaphore, #tpu.memory_space<semaphore_mem>>)
      %dma_wait3A = arith.constant 0 : i32
      %dma_wait3A_95 = arith.constant 0 : i32
      %dma_wait3A_96 = tpu.memref_slice %arg10[%dma_wait3A, %dma_wait3A_95] : memref<125x128xf32, #tpu.memory_space<vmem>> -> memref<80x128xf32, #tpu.memory_space<vmem>>
      %dma_wait3A_97 = arith.constant 0 : i32
      %dma_wait3A_98 = tpu.memref_slice %arg12[%add3A_21, %dma_wait3A_97] : memref<10240x128xf32, #tpu.memory_space<vmem_shared>> -> memref<80x128xf32, #tpu.memory_space<vmem_shared>>
      %dma_wait3A_99 = arith.constant 0 : i32
      %dma_wait3A_100 = tpu.memref_slice %arg12[%add3A_21, %dma_wait3A_99] : memref<10240x128xf32, #tpu.memory_space<vmem_shared>> -> memref<80x128xf32, #tpu.memory_space<vmem_shared>>
      %dma_wait3A_101 = arith.constant 0 : i32
      %dma_wait3A_102 = arith.constant 0 : i32
      %dma_wait3A_103 = tpu.memref_slice %arg10[%dma_wait3A_101, %dma_wait3A_102] : memref<125x128xf32, #tpu.memory_space<vmem>> -> memref<80x128xf32, #tpu.memory_space<vmem>>
      tpu.wait_dma2 semaphore(%run_scoped3A_84 : memref<!tpu.dma_semaphore, #tpu.memory_space<semaphore_mem>>) src(%dma_wait3A_103 : memref<80x128xf32, #tpu.memory_space<vmem>>) dst(%dma_wait3A_100 : memref<80x128xf32, #tpu.memory_space<vmem_shared>>)
      tpu.yield
    }) : () -> ()
    %mul3A_22 = arith.constant 640 : i32
    %mul3A_23 = arith.muli %arg1, %mul3A_22 : i32
    %add3A_24 = arith.constant 320 : i32
    %add3A_25 = arith.addi %mul3A_23, %add3A_24 : i32
    "tpu.region"() ({
      %run_scoped3A_84 = tpu.sem_alloc : memref<!tpu.dma_semaphore, #tpu.memory_space<semaphore_mem>>
      %dma_start3A_85 = arith.constant 0 : i32
      %dma_start3A_86 = arith.constant 0 : i32
      %dma_start3A_87 = tpu.memref_slice %arg10[%dma_start3A_85, %dma_start3A_86] : memref<125x128xf32, #tpu.memory_space<vmem>> -> memref<80x128xf32, #tpu.memory_space<vmem>>
      %dma_start3A_88 = arith.constant 0 : i32
      %dma_start3A_89 = tpu.memref_slice %arg12[%add3A_25, %dma_start3A_88] : memref<10240x128xf32, #tpu.memory_space<vmem_shared>> -> memref<80x128xf32, #tpu.memory_space<vmem_shared>>
      %dma_start3A_90 = arith.constant 0 : i32
      %dma_start3A_91 = tpu.memref_slice %arg12[%add3A_25, %dma_start3A_90] : memref<10240x128xf32, #tpu.memory_space<vmem_shared>> -> memref<80x128xf32, #tpu.memory_space<vmem_shared>>
      %dma_start3A_92 = arith.constant 0 : i32
      %dma_start3A_93 = arith.constant 0 : i32
      %dma_start3A_94 = tpu.memref_slice %arg10[%dma_start3A_92, %dma_start3A_93] : memref<125x128xf32, #tpu.memory_space<vmem>> -> memref<80x128xf32, #tpu.memory_space<vmem>>
      tpu.enqueue_dma source(%dma_start3A_94 : memref<80x128xf32, #tpu.memory_space<vmem>>) target(%dma_start3A_91 : memref<80x128xf32, #tpu.memory_space<vmem_shared>>) target_semaphore(%run_scoped3A_84 : memref<!tpu.dma_semaphore, #tpu.memory_space<semaphore_mem>>)
      %dma_wait3A = arith.constant 0 : i32
      %dma_wait3A_95 = arith.constant 0 : i32
      %dma_wait3A_96 = tpu.memref_slice %arg10[%dma_wait3A, %dma_wait3A_95] : memref<125x128xf32, #tpu.memory_space<vmem>> -> memref<80x128xf32, #tpu.memory_space<vmem>>
      %dma_wait3A_97 = arith.constant 0 : i32
      %dma_wait3A_98 = tpu.memref_slice %arg12[%add3A_25, %dma_wait3A_97] : memref<10240x128xf32, #tpu.memory_space<vmem_shared>> -> memref<80x128xf32, #tpu.memory_space<vmem_shared>>
      %dma_wait3A_99 = arith.constant 0 : i32
      %dma_wait3A_100 = tpu.memref_slice %arg12[%add3A_25, %dma_wait3A_99] : memref<10240x128xf32, #tpu.memory_space<vmem_shared>> -> memref<80x128xf32, #tpu.memory_space<vmem_shared>>
      %dma_wait3A_101 = arith.constant 0 : i32
      %dma_wait3A_102 = arith.constant 0 : i32
      %dma_wait3A_103 = tpu.memref_slice %arg10[%dma_wait3A_101, %dma_wait3A_102] : memref<125x128xf32, #tpu.memory_space<vmem>> -> memref<80x128xf32, #tpu.memory_space<vmem>>
      tpu.wait_dma2 semaphore(%run_scoped3A_84 : memref<!tpu.dma_semaphore, #tpu.memory_space<semaphore_mem>>) src(%dma_wait3A_103 : memref<80x128xf32, #tpu.memory_space<vmem>>) dst(%dma_wait3A_100 : memref<80x128xf32, #tpu.memory_space<vmem_shared>>)
      tpu.yield
    }) : () -> ()
    %mul3A_26 = arith.constant 640 : i32
    %mul3A_27 = arith.muli %arg1, %mul3A_26 : i32
    %add3A_28 = arith.constant 400 : i32
    %add3A_29 = arith.addi %mul3A_27, %add3A_28 : i32
    "tpu.region"() ({
      %run_scoped3A_84 = tpu.sem_alloc : memref<!tpu.dma_semaphore, #tpu.memory_space<semaphore_mem>>
      %dma_start3A_85 = arith.constant 0 : i32
      %dma_start3A_86 = arith.constant 0 : i32
      %dma_start3A_87 = tpu.memref_slice %arg10[%dma_start3A_85, %dma_start3A_86] : memref<125x128xf32, #tpu.memory_space<vmem>> -> memref<80x128xf32, #tpu.memory_space<vmem>>
      %dma_start3A_88 = arith.constant 0 : i32
      %dma_start3A_89 = tpu.memref_slice %arg12[%add3A_29, %dma_start3A_88] : memref<10240x128xf32, #tpu.memory_space<vmem_shared>> -> memref<80x128xf32, #tpu.memory_space<vmem_shared>>
      %dma_start3A_90 = arith.constant 0 : i32
      %dma_start3A_91 = tpu.memref_slice %arg12[%add3A_29, %dma_start3A_90] : memref<10240x128xf32, #tpu.memory_space<vmem_shared>> -> memref<80x128xf32, #tpu.memory_space<vmem_shared>>
      %dma_start3A_92 = arith.constant 0 : i32
      %dma_start3A_93 = arith.constant 0 : i32
      %dma_start3A_94 = tpu.memref_slice %arg10[%dma_start3A_92, %dma_start3A_93] : memref<125x128xf32, #tpu.memory_space<vmem>> -> memref<80x128xf32, #tpu.memory_space<vmem>>
      tpu.enqueue_dma source(%dma_start3A_94 : memref<80x128xf32, #tpu.memory_space<vmem>>) target(%dma_start3A_91 : memref<80x128xf32, #tpu.memory_space<vmem_shared>>) target_semaphore(%run_scoped3A_84 : memref<!tpu.dma_semaphore, #tpu.memory_space<semaphore_mem>>)
      %dma_wait3A = arith.constant 0 : i32
      %dma_wait3A_95 = arith.constant 0 : i32
      %dma_wait3A_96 = tpu.memref_slice %arg10[%dma_wait3A, %dma_wait3A_95] : memref<125x128xf32, #tpu.memory_space<vmem>> -> memref<80x128xf32, #tpu.memory_space<vmem>>
      %dma_wait3A_97 = arith.constant 0 : i32
      %dma_wait3A_98 = tpu.memref_slice %arg12[%add3A_29, %dma_wait3A_97] : memref<10240x128xf32, #tpu.memory_space<vmem_shared>> -> memref<80x128xf32, #tpu.memory_space<vmem_shared>>
      %dma_wait3A_99 = arith.constant 0 : i32
      %dma_wait3A_100 = tpu.memref_slice %arg12[%add3A_29, %dma_wait3A_99] : memref<10240x128xf32, #tpu.memory_space<vmem_shared>> -> memref<80x128xf32, #tpu.memory_space<vmem_shared>>
      %dma_wait3A_101 = arith.constant 0 : i32
      %dma_wait3A_102 = arith.constant 0 : i32
      %dma_wait3A_103 = tpu.memref_slice %arg10[%dma_wait3A_101, %dma_wait3A_102] : memref<125x128xf32, #tpu.memory_space<vmem>> -> memref<80x128xf32, #tpu.memory_space<vmem>>
      tpu.wait_dma2 semaphore(%run_scoped3A_84 : memref<!tpu.dma_semaphore, #tpu.memory_space<semaphore_mem>>) src(%dma_wait3A_103 : memref<80x128xf32, #tpu.memory_space<vmem>>) dst(%dma_wait3A_100 : memref<80x128xf32, #tpu.memory_space<vmem_shared>>)
      tpu.yield
    }) : () -> ()
    %mul3A_30 = arith.constant 640 : i32
    %mul3A_31 = arith.muli %arg1, %mul3A_30 : i32
    %add3A_32 = arith.constant 480 : i32
    %add3A_33 = arith.addi %mul3A_31, %add3A_32 : i32
    "tpu.region"() ({
      %run_scoped3A_84 = tpu.sem_alloc : memref<!tpu.dma_semaphore, #tpu.memory_space<semaphore_mem>>
      %dma_start3A_85 = arith.constant 0 : i32
      %dma_start3A_86 = arith.constant 0 : i32
      %dma_start3A_87 = tpu.memref_slice %arg10[%dma_start3A_85, %dma_start3A_86] : memref<125x128xf32, #tpu.memory_space<vmem>> -> memref<80x128xf32, #tpu.memory_space<vmem>>
      %dma_start3A_88 = arith.constant 0 : i32
      %dma_start3A_89 = tpu.memref_slice %arg12[%add3A_33, %dma_start3A_88] : memref<10240x128xf32, #tpu.memory_space<vmem_shared>> -> memref<80x128xf32, #tpu.memory_space<vmem_shared>>
      %dma_start3A_90 = arith.constant 0 : i32
      %dma_start3A_91 = tpu.memref_slice %arg12[%add3A_33, %dma_start3A_90] : memref<10240x128xf32, #tpu.memory_space<vmem_shared>> -> memref<80x128xf32, #tpu.memory_space<vmem_shared>>
      %dma_start3A_92 = arith.constant 0 : i32
      %dma_start3A_93 = arith.constant 0 : i32
      %dma_start3A_94 = tpu.memref_slice %arg10[%dma_start3A_92, %dma_start3A_93] : memref<125x128xf32, #tpu.memory_space<vmem>> -> memref<80x128xf32, #tpu.memory_space<vmem>>
      tpu.enqueue_dma source(%dma_start3A_94 : memref<80x128xf32, #tpu.memory_space<vmem>>) target(%dma_start3A_91 : memref<80x128xf32, #tpu.memory_space<vmem_shared>>) target_semaphore(%run_scoped3A_84 : memref<!tpu.dma_semaphore, #tpu.memory_space<semaphore_mem>>)
      %dma_wait3A = arith.constant 0 : i32
      %dma_wait3A_95 = arith.constant 0 : i32
      %dma_wait3A_96 = tpu.memref_slice %arg10[%dma_wait3A, %dma_wait3A_95] : memref<125x128xf32, #tpu.memory_space<vmem>> -> memref<80x128xf32, #tpu.memory_space<vmem>>
      %dma_wait3A_97 = arith.constant 0 : i32
      %dma_wait3A_98 = tpu.memref_slice %arg12[%add3A_33, %dma_wait3A_97] : memref<10240x128xf32, #tpu.memory_space<vmem_shared>> -> memref<80x128xf32, #tpu.memory_space<vmem_shared>>
      %dma_wait3A_99 = arith.constant 0 : i32
      %dma_wait3A_100 = tpu.memref_slice %arg12[%add3A_33, %dma_wait3A_99] : memref<10240x128xf32, #tpu.memory_space<vmem_shared>> -> memref<80x128xf32, #tpu.memory_space<vmem_shared>>
      %dma_wait3A_101 = arith.constant 0 : i32
      %dma_wait3A_102 = arith.constant 0 : i32
      %dma_wait3A_103 = tpu.memref_slice %arg10[%dma_wait3A_101, %dma_wait3A_102] : memref<125x128xf32, #tpu.memory_space<vmem>> -> memref<80x128xf32, #tpu.memory_space<vmem>>
      tpu.wait_dma2 semaphore(%run_scoped3A_84 : memref<!tpu.dma_semaphore, #tpu.memory_space<semaphore_mem>>) src(%dma_wait3A_103 : memref<80x128xf32, #tpu.memory_space<vmem>>) dst(%dma_wait3A_100 : memref<80x128xf32, #tpu.memory_space<vmem_shared>>)
      tpu.yield
    }) : () -> ()
    %mul3A_34 = arith.constant 640 : i32
    %mul3A_35 = arith.muli %arg1, %mul3A_34 : i32
    %add3A_36 = arith.constant 560 : i32
    %add3A_37 = arith.addi %mul3A_35, %add3A_36 : i32
    "tpu.region"() ({
      %run_scoped3A_84 = tpu.sem_alloc : memref<!tpu.dma_semaphore, #tpu.memory_space<semaphore_mem>>
      %dma_start3A_85 = arith.constant 0 : i32
      %dma_start3A_86 = arith.constant 0 : i32
      %dma_start3A_87 = tpu.memref_slice %arg10[%dma_start3A_85, %dma_start3A_86] : memref<125x128xf32, #tpu.memory_space<vmem>> -> memref<80x128xf32, #tpu.memory_space<vmem>>
      %dma_start3A_88 = arith.constant 0 : i32
      %dma_start3A_89 = tpu.memref_slice %arg12[%add3A_37, %dma_start3A_88] : memref<10240x128xf32, #tpu.memory_space<vmem_shared>> -> memref<80x128xf32, #tpu.memory_space<vmem_shared>>
      %dma_start3A_90 = arith.constant 0 : i32
      %dma_start3A_91 = tpu.memref_slice %arg12[%add3A_37, %dma_start3A_90] : memref<10240x128xf32, #tpu.memory_space<vmem_shared>> -> memref<80x128xf32, #tpu.memory_space<vmem_shared>>
      %dma_start3A_92 = arith.constant 0 : i32
      %dma_start3A_93 = arith.constant 0 : i32
      %dma_start3A_94 = tpu.memref_slice %arg10[%dma_start3A_92, %dma_start3A_93] : memref<125x128xf32, #tpu.memory_space<vmem>> -> memref<80x128xf32, #tpu.memory_space<vmem>>
      tpu.enqueue_dma source(%dma_start3A_94 : memref<80x128xf32, #tpu.memory_space<vmem>>) target(%dma_start3A_91 : memref<80x128xf32, #tpu.memory_space<vmem_shared>>) target_semaphore(%run_scoped3A_84 : memref<!tpu.dma_semaphore, #tpu.memory_space<semaphore_mem>>)
      %dma_wait3A = arith.constant 0 : i32
      %dma_wait3A_95 = arith.constant 0 : i32
      %dma_wait3A_96 = tpu.memref_slice %arg10[%dma_wait3A, %dma_wait3A_95] : memref<125x128xf32, #tpu.memory_space<vmem>> -> memref<80x128xf32, #tpu.memory_space<vmem>>
      %dma_wait3A_97 = arith.constant 0 : i32
      %dma_wait3A_98 = tpu.memref_slice %arg12[%add3A_37, %dma_wait3A_97] : memref<10240x128xf32, #tpu.memory_space<vmem_shared>> -> memref<80x128xf32, #tpu.memory_space<vmem_shared>>
      %dma_wait3A_99 = arith.constant 0 : i32
      %dma_wait3A_100 = tpu.memref_slice %arg12[%add3A_37, %dma_wait3A_99] : memref<10240x128xf32, #tpu.memory_space<vmem_shared>> -> memref<80x128xf32, #tpu.memory_space<vmem_shared>>
      %dma_wait3A_101 = arith.constant 0 : i32
      %dma_wait3A_102 = arith.constant 0 : i32
      %dma_wait3A_103 = tpu.memref_slice %arg10[%dma_wait3A_101, %dma_wait3A_102] : memref<125x128xf32, #tpu.memory_space<vmem>> -> memref<80x128xf32, #tpu.memory_space<vmem>>
      tpu.wait_dma2 semaphore(%run_scoped3A_84 : memref<!tpu.dma_semaphore, #tpu.memory_space<semaphore_mem>>) src(%dma_wait3A_103 : memref<80x128xf32, #tpu.memory_space<vmem>>) dst(%dma_wait3A_100 : memref<80x128xf32, #tpu.memory_space<vmem_shared>>)
      tpu.yield
    }) : () -> ()
    %barrier3A = arith.constant 0 : index
    tpu.barrier barrier_id(%barrier3A)
    %run_scoped3A = arith.constant 0 : i32
    "tpu.region"() ({
      %run_scoped3A_84 = tpu.sem_alloc : memref<!tpu.dma_semaphore, #tpu.memory_space<semaphore_mem>>
      %dma_start3A_85 = arith.constant 0 : i32
      %dma_start3A_86 = arith.constant 0 : i32
      %dma_start3A_87 = tpu.memref_slice %arg3[%add3A, %run_scoped3A, %dma_start3A_85, %dma_start3A_86] : memref<32x20x4x125xi32, #tpu.memory_space<hbm>> -> memref<1x1x4x125xi32, #tpu.memory_space<hbm>>
      %dma_start3A_88 = tpu.memref_squeeze %dma_start3A_87 : memref<1x1x4x125xi32, #tpu.memory_space<hbm>> -> memref<4x125xi32, #tpu.memory_space<hbm>>
      %dma_start3A_89 = arith.constant 0 : i32
      %dma_start3A_90 = arith.constant 0 : i32
      %dma_start3A_91 = tpu.memref_slice %arg3[%add3A, %run_scoped3A, %dma_start3A_89, %dma_start3A_90] : memref<32x20x4x125xi32, #tpu.memory_space<hbm>> -> memref<1x1x4x125xi32, #tpu.memory_space<hbm>>
      %dma_start3A_92 = tpu.memref_squeeze %dma_start3A_91 : memref<1x1x4x125xi32, #tpu.memory_space<hbm>> -> memref<4x125xi32, #tpu.memory_space<hbm>>
      tpu.enqueue_dma source(%dma_start3A_92 : memref<4x125xi32, #tpu.memory_space<hbm>>) target(%arg6 : memref<4x125xi32, #tpu.memory_space<vmem>>) target_semaphore(%run_scoped3A_84 : memref<!tpu.dma_semaphore, #tpu.memory_space<semaphore_mem>>)
      %dma_wait3A = arith.constant 0 : i32
      %dma_wait3A_93 = arith.constant 0 : i32
      %dma_wait3A_94 = tpu.memref_slice %arg3[%add3A, %run_scoped3A, %dma_wait3A, %dma_wait3A_93] : memref<32x20x4x125xi32, #tpu.memory_space<hbm>> -> memref<1x1x4x125xi32, #tpu.memory_space<hbm>>
      %dma_wait3A_95 = tpu.memref_squeeze %dma_wait3A_94 : memref<1x1x4x125xi32, #tpu.memory_space<hbm>> -> memref<4x125xi32, #tpu.memory_space<hbm>>
      %dma_wait3A_96 = arith.constant 0 : i32
      %dma_wait3A_97 = arith.constant 0 : i32
      %dma_wait3A_98 = tpu.memref_slice %arg3[%add3A, %run_scoped3A, %dma_wait3A_96, %dma_wait3A_97] : memref<32x20x4x125xi32, #tpu.memory_space<hbm>> -> memref<1x1x4x125xi32, #tpu.memory_space<hbm>>
      %dma_wait3A_99 = tpu.memref_squeeze %dma_wait3A_98 : memref<1x1x4x125xi32, #tpu.memory_space<hbm>> -> memref<4x125xi32, #tpu.memory_space<hbm>>
      tpu.wait_dma2 semaphore(%run_scoped3A_84 : memref<!tpu.dma_semaphore, #tpu.memory_space<semaphore_mem>>) src(%dma_wait3A_99 : memref<4x125xi32, #tpu.memory_space<hbm>>) dst(%arg6 : memref<4x125xi32, #tpu.memory_space<vmem>>)
      tpu.yield
    }) : () -> ()
    %run_scoped3A_38 = arith.constant 0 : i32
    "tpu.region"() ({
      %run_scoped3A_84 = tpu.sem_alloc : memref<!tpu.dma_semaphore, #tpu.memory_space<semaphore_mem>>
      %dma_start3A_85 = arith.constant 0 : i32
      %dma_start3A_86 = arith.constant 0 : i32
      %dma_start3A_87 = tpu.memref_slice %arg4[%add3A, %run_scoped3A_38, %dma_start3A_85, %dma_start3A_86] : memref<32x20x4x125xi32, #tpu.memory_space<hbm>> -> memref<1x1x4x125xi32, #tpu.memory_space<hbm>>
      %dma_start3A_88 = tpu.memref_squeeze %dma_start3A_87 : memref<1x1x4x125xi32, #tpu.memory_space<hbm>> -> memref<4x125xi32, #tpu.memory_space<hbm>>
      %dma_start3A_89 = arith.constant 0 : i32
      %dma_start3A_90 = arith.constant 0 : i32
      %dma_start3A_91 = tpu.memref_slice %arg4[%add3A, %run_scoped3A_38, %dma_start3A_89, %dma_start3A_90] : memref<32x20x4x125xi32, #tpu.memory_space<hbm>> -> memref<1x1x4x125xi32, #tpu.memory_space<hbm>>
      %dma_start3A_92 = tpu.memref_squeeze %dma_start3A_91 : memref<1x1x4x125xi32, #tpu.memory_space<hbm>> -> memref<4x125xi32, #tpu.memory_space<hbm>>
      tpu.enqueue_dma source(%dma_start3A_92 : memref<4x125xi32, #tpu.memory_space<hbm>>) target(%arg7 : memref<4x125xi32, #tpu.memory_space<vmem>>) target_semaphore(%run_scoped3A_84 : memref<!tpu.dma_semaphore, #tpu.memory_space<semaphore_mem>>)
      %dma_wait3A = arith.constant 0 : i32
      %dma_wait3A_93 = arith.constant 0 : i32
      %dma_wait3A_94 = tpu.memref_slice %arg4[%add3A, %run_scoped3A_38, %dma_wait3A, %dma_wait3A_93] : memref<32x20x4x125xi32, #tpu.memory_space<hbm>> -> memref<1x1x4x125xi32, #tpu.memory_space<hbm>>
      %dma_wait3A_95 = tpu.memref_squeeze %dma_wait3A_94 : memref<1x1x4x125xi32, #tpu.memory_space<hbm>> -> memref<4x125xi32, #tpu.memory_space<hbm>>
      %dma_wait3A_96 = arith.constant 0 : i32
      %dma_wait3A_97 = arith.constant 0 : i32
      %dma_wait3A_98 = tpu.memref_slice %arg4[%add3A, %run_scoped3A_38, %dma_wait3A_96, %dma_wait3A_97] : memref<32x20x4x125xi32, #tpu.memory_space<hbm>> -> memref<1x1x4x125xi32, #tpu.memory_space<hbm>>
      %dma_wait3A_99 = tpu.memref_squeeze %dma_wait3A_98 : memref<1x1x4x125xi32, #tpu.memory_space<hbm>> -> memref<4x125xi32, #tpu.memory_space<hbm>>
      tpu.wait_dma2 semaphore(%run_scoped3A_84 : memref<!tpu.dma_semaphore, #tpu.memory_space<semaphore_mem>>) src(%dma_wait3A_99 : memref<4x125xi32, #tpu.memory_space<hbm>>) dst(%arg7 : memref<4x125xi32, #tpu.memory_space<vmem>>)
      tpu.yield
    }) : () -> ()
    %dma_start3A = arith.constant 0 : i32
    %dma_start3A_39 = arith.constant 0 : i32
    %dma_start3A_40 = tpu.memref_slice %arg6[%dma_start3A, %dma_start3A_39] : memref<4x125xi32, #tpu.memory_space<vmem>> -> memref<1x125xi32, #tpu.memory_space<vmem>>
    %dma_start3A_41 = tpu.memref_squeeze %dma_start3A_40 : memref<1x125xi32, #tpu.memory_space<vmem>> -> memref<125xi32, #tpu.memory_space<vmem>>
    %dma_start3A_42 = arith.constant 0 : i32
    %dma_start3A_43 = arith.constant 0 : i32
    %dma_start3A_44 = tpu.memref_slice %arg2[%dma_start3A_42, %dma_start3A_43] : memref<10240x128xf32, #tpu.memory_space<hbm>> -> memref<10240x128xf32, #tpu.memory_space<hbm>>
    tpu.enqueue_indirect_dma source(%dma_start3A_44 : memref<10240x128xf32, #tpu.memory_space<hbm>>) target(%arg10 : memref<125x128xf32, #tpu.memory_space<vmem>>) offsets(%dma_start3A_41 : memref<125xi32, #tpu.memory_space<vmem>>) semaphore(%arg13 : memref<!tpu.dma_semaphore, #tpu.memory_space<semaphore_mem>>)
    %scan3A_45 = arith.constant 0 : i32
    %scan3A_46 = arith.constant 0 : i32
    %scan3A_47 = arith.constant 10 : i32
    %scan3A_48 = arith.addi %scan3A_46, %scan3A_47 : i32
    %scan3A_49 = arith.constant 1 : i32
    scf.for %scan3A_84 = %scan3A_46 to %scan3A_48 step %scan3A_49  : i32 {
      %mul3A_85 = arith.constant 2 : i32
      %mul3A_86 = arith.muli %mul3A_85, %scan3A_84 : i32
      %add3A_87 = arith.constant 1 : i32
      %add3A_88 = arith.addi %mul3A_86, %add3A_87 : i32
      %dma_start3A_89 = arith.constant 0 : i32
      %dma_start3A_90 = arith.constant 0 : i32
      %dma_start3A_91 = tpu.memref_slice %arg3[%add3A, %add3A_88, %dma_start3A_89, %dma_start3A_90] : memref<32x20x4x125xi32, #tpu.memory_space<hbm>> -> memref<1x1x4x125xi32, #tpu.memory_space<hbm>>
      %dma_start3A_92 = tpu.memref_squeeze %dma_start3A_91 : memref<1x1x4x125xi32, #tpu.memory_space<hbm>> -> memref<4x125xi32, #tpu.memory_space<hbm>>
      %dma_start3A_93 = arith.constant 0 : i32
      %dma_start3A_94 = arith.constant 0 : i32
      %dma_start3A_95 = tpu.memref_slice %arg3[%add3A, %add3A_88, %dma_start3A_93, %dma_start3A_94] : memref<32x20x4x125xi32, #tpu.memory_space<hbm>> -> memref<1x1x4x125xi32, #tpu.memory_space<hbm>>
      %dma_start3A_96 = tpu.memref_squeeze %dma_start3A_95 : memref<1x1x4x125xi32, #tpu.memory_space<hbm>> -> memref<4x125xi32, #tpu.memory_space<hbm>>
      tpu.enqueue_dma source(%dma_start3A_96 : memref<4x125xi32, #tpu.memory_space<hbm>>) target(%arg8 : memref<4x125xi32, #tpu.memory_space<vmem>>) target_semaphore(%arg16 : memref<!tpu.dma_semaphore, #tpu.memory_space<semaphore_mem>>)
      %mul3A_97 = arith.constant 2 : i32
      %mul3A_98 = arith.muli %mul3A_97, %scan3A_84 : i32
      %add3A_99 = arith.constant 1 : i32
      %add3A_100 = arith.addi %mul3A_98, %add3A_99 : i32
      %dma_start3A_101 = arith.constant 0 : i32
      %dma_start3A_102 = arith.constant 0 : i32
      %dma_start3A_103 = tpu.memref_slice %arg4[%add3A, %add3A_100, %dma_start3A_101, %dma_start3A_102] : memref<32x20x4x125xi32, #tpu.memory_space<hbm>> -> memref<1x1x4x125xi32, #tpu.memory_space<hbm>>
      %dma_start3A_104 = tpu.memref_squeeze %dma_start3A_103 : memref<1x1x4x125xi32, #tpu.memory_space<hbm>> -> memref<4x125xi32, #tpu.memory_space<hbm>>
      %dma_start3A_105 = arith.constant 0 : i32
      %dma_start3A_106 = arith.constant 0 : i32
      %dma_start3A_107 = tpu.memref_slice %arg4[%add3A, %add3A_100, %dma_start3A_105, %dma_start3A_106] : memref<32x20x4x125xi32, #tpu.memory_space<hbm>> -> memref<1x1x4x125xi32, #tpu.memory_space<hbm>>
      %dma_start3A_108 = tpu.memref_squeeze %dma_start3A_107 : memref<1x1x4x125xi32, #tpu.memory_space<hbm>> -> memref<4x125xi32, #tpu.memory_space<hbm>>
      tpu.enqueue_dma source(%dma_start3A_108 : memref<4x125xi32, #tpu.memory_space<hbm>>) target(%arg9 : memref<4x125xi32, #tpu.memory_space<vmem>>) target_semaphore(%arg16 : memref<!tpu.dma_semaphore, #tpu.memory_space<semaphore_mem>>)
      %dma_wait3A = arith.constant 0 : i32
      %dma_wait3A_109 = arith.constant 0 : i32
      %dma_wait3A_110 = tpu.memref_slice %arg6[%dma_wait3A, %dma_wait3A_109] : memref<4x125xi32, #tpu.memory_space<vmem>> -> memref<1x125xi32, #tpu.memory_space<vmem>>
      %dma_wait3A_111 = tpu.memref_squeeze %dma_wait3A_110 : memref<1x125xi32, #tpu.memory_space<vmem>> -> memref<125xi32, #tpu.memory_space<vmem>>
      %dma_wait3A_112 = arith.constant 0 : i32
      %dma_wait3A_113 = arith.constant 0 : i32
      %dma_wait3A_114 = tpu.memref_slice %arg2[%dma_wait3A_112, %dma_wait3A_113] : memref<10240x128xf32, #tpu.memory_space<hbm>> -> memref<10240x128xf32, #tpu.memory_space<hbm>>
      tpu.wait_indirect_dma semaphore(%arg13 : memref<!tpu.dma_semaphore, #tpu.memory_space<semaphore_mem>>) src(%dma_wait3A_114 : memref<10240x128xf32, #tpu.memory_space<hbm>>) dst(%arg10 : memref<125x128xf32, #tpu.memory_space<vmem>>)
      %dma_start3A_115 = arith.constant 1 : i32
      %dma_start3A_116 = arith.constant 0 : i32
      %dma_start3A_117 = tpu.memref_slice %arg6[%dma_start3A_115, %dma_start3A_116] : memref<4x125xi32, #tpu.memory_space<vmem>> -> memref<1x125xi32, #tpu.memory_space<vmem>>
      %dma_start3A_118 = tpu.memref_squeeze %dma_start3A_117 : memref<1x125xi32, #tpu.memory_space<vmem>> -> memref<125xi32, #tpu.memory_space<vmem>>
      %dma_start3A_119 = arith.constant 0 : i32
      %dma_start3A_120 = arith.constant 0 : i32
      %dma_start3A_121 = tpu.memref_slice %arg2[%dma_start3A_119, %dma_start3A_120] : memref<10240x128xf32, #tpu.memory_space<hbm>> -> memref<10240x128xf32, #tpu.memory_space<hbm>>
      tpu.enqueue_indirect_dma source(%dma_start3A_121 : memref<10240x128xf32, #tpu.memory_space<hbm>>) target(%arg11 : memref<125x128xf32, #tpu.memory_space<vmem>>) offsets(%dma_start3A_118 : memref<125xi32, #tpu.memory_space<vmem>>) semaphore(%arg14 : memref<!tpu.dma_semaphore, #tpu.memory_space<semaphore_mem>>)
      %run_scoped3A_122 = arith.constant 0 : i32
      "tpu.region"() ({
        %run_scoped3A_244 = tpu.sem_alloc : memref<!tpu.dma_semaphore, #tpu.memory_space<semaphore_mem>>
        %dma_start3A_245 = arith.constant 0 : i32
        %dma_start3A_246 = tpu.memref_slice %arg7[%run_scoped3A_122, %dma_start3A_245] : memref<4x125xi32, #tpu.memory_space<vmem>> -> memref<1x125xi32, #tpu.memory_space<vmem>>
        %dma_start3A_247 = tpu.memref_squeeze %dma_start3A_246 : memref<1x125xi32, #tpu.memory_space<vmem>> -> memref<125xi32, #tpu.memory_space<vmem>>
        %dma_start3A_248 = arith.constant 0 : i32
        %dma_start3A_249 = arith.constant 0 : i32
        %dma_start3A_250 = tpu.memref_slice %arg12[%dma_start3A_248, %dma_start3A_249] : memref<10240x128xf32, #tpu.memory_space<vmem_shared>> -> memref<10240x128xf32, #tpu.memory_space<vmem_shared>>
        tpu.enqueue_indirect_dma source(%arg10 : memref<125x128xf32, #tpu.memory_space<vmem>>) target(%dma_start3A_250 : memref<10240x128xf32, #tpu.memory_space<vmem_shared>>) offsets(%dma_start3A_247 : memref<125xi32, #tpu.memory_space<vmem>>) semaphore(%run_scoped3A_244 : memref<!tpu.dma_semaphore, #tpu.memory_space<semaphore_mem>>) {add = true}
        %dma_wait3A_251 = arith.constant 0 : i32
        %dma_wait3A_252 = tpu.memref_slice %arg7[%run_scoped3A_122, %dma_wait3A_251] : memref<4x125xi32, #tpu.memory_space<vmem>> -> memref<1x125xi32, #tpu.memory_space<vmem>>
        %dma_wait3A_253 = tpu.memref_squeeze %dma_wait3A_252 : memref<1x125xi32, #tpu.memory_space<vmem>> -> memref<125xi32, #tpu.memory_space<vmem>>
        %dma_wait3A_254 = arith.constant 0 : i32
        %dma_wait3A_255 = arith.constant 0 : i32
        %dma_wait3A_256 = tpu.memref_slice %arg12[%dma_wait3A_254, %dma_wait3A_255] : memref<10240x128xf32, #tpu.memory_space<vmem_shared>> -> memref<10240x128xf32, #tpu.memory_space<vmem_shared>>
        tpu.wait_indirect_dma semaphore(%run_scoped3A_244 : memref<!tpu.dma_semaphore, #tpu.memory_space<semaphore_mem>>) src(%arg10 : memref<125x128xf32, #tpu.memory_space<vmem>>) dst(%dma_wait3A_256 : memref<10240x128xf32, #tpu.memory_space<vmem_shared>>)
        tpu.yield
      }) : () -> ()
      %dma_wait3A_123 = arith.constant 1 : i32
      %dma_wait3A_124 = arith.constant 0 : i32
      %dma_wait3A_125 = tpu.memref_slice %arg6[%dma_wait3A_123, %dma_wait3A_124] : memref<4x125xi32, #tpu.memory_space<vmem>> -> memref<1x125xi32, #tpu.memory_space<vmem>>
      %dma_wait3A_126 = tpu.memref_squeeze %dma_wait3A_125 : memref<1x125xi32, #tpu.memory_space<vmem>> -> memref<125xi32, #tpu.memory_space<vmem>>
      %dma_wait3A_127 = arith.constant 0 : i32
      %dma_wait3A_128 = arith.constant 0 : i32
      %dma_wait3A_129 = tpu.memref_slice %arg2[%dma_wait3A_127, %dma_wait3A_128] : memref<10240x128xf32, #tpu.memory_space<hbm>> -> memref<10240x128xf32, #tpu.memory_space<hbm>>
      tpu.wait_indirect_dma semaphore(%arg14 : memref<!tpu.dma_semaphore, #tpu.memory_space<semaphore_mem>>) src(%dma_wait3A_129 : memref<10240x128xf32, #tpu.memory_space<hbm>>) dst(%arg11 : memref<125x128xf32, #tpu.memory_space<vmem>>)
      %dma_start3A_130 = arith.constant 2 : i32
      %dma_start3A_131 = arith.constant 0 : i32
      %dma_start3A_132 = tpu.memref_slice %arg6[%dma_start3A_130, %dma_start3A_131] : memref<4x125xi32, #tpu.memory_space<vmem>> -> memref<1x125xi32, #tpu.memory_space<vmem>>
      %dma_start3A_133 = tpu.memref_squeeze %dma_start3A_132 : memref<1x125xi32, #tpu.memory_space<vmem>> -> memref<125xi32, #tpu.memory_space<vmem>>
      %dma_start3A_134 = arith.constant 0 : i32
      %dma_start3A_135 = arith.constant 0 : i32
      %dma_start3A_136 = tpu.memref_slice %arg2[%dma_start3A_134, %dma_start3A_135] : memref<10240x128xf32, #tpu.memory_space<hbm>> -> memref<10240x128xf32, #tpu.memory_space<hbm>>
      tpu.enqueue_indirect_dma source(%dma_start3A_136 : memref<10240x128xf32, #tpu.memory_space<hbm>>) target(%arg10 : memref<125x128xf32, #tpu.memory_space<vmem>>) offsets(%dma_start3A_133 : memref<125xi32, #tpu.memory_space<vmem>>) semaphore(%arg13 : memref<!tpu.dma_semaphore, #tpu.memory_space<semaphore_mem>>)
      %run_scoped3A_137 = arith.constant 1 : i32
      "tpu.region"() ({
        %run_scoped3A_244 = tpu.sem_alloc : memref<!tpu.dma_semaphore, #tpu.memory_space<semaphore_mem>>
        %dma_start3A_245 = arith.constant 0 : i32
        %dma_start3A_246 = tpu.memref_slice %arg7[%run_scoped3A_137, %dma_start3A_245] : memref<4x125xi32, #tpu.memory_space<vmem>> -> memref<1x125xi32, #tpu.memory_space<vmem>>
        %dma_start3A_247 = tpu.memref_squeeze %dma_start3A_246 : memref<1x125xi32, #tpu.memory_space<vmem>> -> memref<125xi32, #tpu.memory_space<vmem>>
        %dma_start3A_248 = arith.constant 0 : i32
        %dma_start3A_249 = arith.constant 0 : i32
        %dma_start3A_250 = tpu.memref_slice %arg12[%dma_start3A_248, %dma_start3A_249] : memref<10240x128xf32, #tpu.memory_space<vmem_shared>> -> memref<10240x128xf32, #tpu.memory_space<vmem_shared>>
        tpu.enqueue_indirect_dma source(%arg11 : memref<125x128xf32, #tpu.memory_space<vmem>>) target(%dma_start3A_250 : memref<10240x128xf32, #tpu.memory_space<vmem_shared>>) offsets(%dma_start3A_247 : memref<125xi32, #tpu.memory_space<vmem>>) semaphore(%run_scoped3A_244 : memref<!tpu.dma_semaphore, #tpu.memory_space<semaphore_mem>>) {add = true}
        %dma_wait3A_251 = arith.constant 0 : i32
        %dma_wait3A_252 = tpu.memref_slice %arg7[%run_scoped3A_137, %dma_wait3A_251] : memref<4x125xi32, #tpu.memory_space<vmem>> -> memref<1x125xi32, #tpu.memory_space<vmem>>
        %dma_wait3A_253 = tpu.memref_squeeze %dma_wait3A_252 : memref<1x125xi32, #tpu.memory_space<vmem>> -> memref<125xi32, #tpu.memory_space<vmem>>
        %dma_wait3A_254 = arith.constant 0 : i32
        %dma_wait3A_255 = arith.constant 0 : i32
        %dma_wait3A_256 = tpu.memref_slice %arg12[%dma_wait3A_254, %dma_wait3A_255] : memref<10240x128xf32, #tpu.memory_space<vmem_shared>> -> memref<10240x128xf32, #tpu.memory_space<vmem_shared>>
        tpu.wait_indirect_dma semaphore(%run_scoped3A_244 : memref<!tpu.dma_semaphore, #tpu.memory_space<semaphore_mem>>) src(%arg11 : memref<125x128xf32, #tpu.memory_space<vmem>>) dst(%dma_wait3A_256 : memref<10240x128xf32, #tpu.memory_space<vmem_shared>>)
        tpu.yield
      }) : () -> ()
      %dma_wait3A_138 = arith.constant 2 : i32
      %dma_wait3A_139 = arith.constant 0 : i32
      %dma_wait3A_140 = tpu.memref_slice %arg6[%dma_wait3A_138, %dma_wait3A_139] : memref<4x125xi32, #tpu.memory_space<vmem>> -> memref<1x125xi32, #tpu.memory_space<vmem>>
      %dma_wait3A_141 = tpu.memref_squeeze %dma_wait3A_140 : memref<1x125xi32, #tpu.memory_space<vmem>> -> memref<125xi32, #tpu.memory_space<vmem>>
      %dma_wait3A_142 = arith.constant 0 : i32
      %dma_wait3A_143 = arith.constant 0 : i32
      %dma_wait3A_144 = tpu.memref_slice %arg2[%dma_wait3A_142, %dma_wait3A_143] : memref<10240x128xf32, #tpu.memory_space<hbm>> -> memref<10240x128xf32, #tpu.memory_space<hbm>>
      tpu.wait_indirect_dma semaphore(%arg13 : memref<!tpu.dma_semaphore, #tpu.memory_space<semaphore_mem>>) src(%dma_wait3A_144 : memref<10240x128xf32, #tpu.memory_space<hbm>>) dst(%arg10 : memref<125x128xf32, #tpu.memory_space<vmem>>)
      %dma_start3A_145 = arith.constant 3 : i32
      %dma_start3A_146 = arith.constant 0 : i32
      %dma_start3A_147 = tpu.memref_slice %arg6[%dma_start3A_145, %dma_start3A_146] : memref<4x125xi32, #tpu.memory_space<vmem>> -> memref<1x125xi32, #tpu.memory_space<vmem>>
      %dma_start3A_148 = tpu.memref_squeeze %dma_start3A_147 : memref<1x125xi32, #tpu.memory_space<vmem>> -> memref<125xi32, #tpu.memory_space<vmem>>
      %dma_start3A_149 = arith.constant 0 : i32
      %dma_start3A_150 = arith.constant 0 : i32
      %dma_start3A_151 = tpu.memref_slice %arg2[%dma_start3A_149, %dma_start3A_150] : memref<10240x128xf32, #tpu.memory_space<hbm>> -> memref<10240x128xf32, #tpu.memory_space<hbm>>
      tpu.enqueue_indirect_dma source(%dma_start3A_151 : memref<10240x128xf32, #tpu.memory_space<hbm>>) target(%arg11 : memref<125x128xf32, #tpu.memory_space<vmem>>) offsets(%dma_start3A_148 : memref<125xi32, #tpu.memory_space<vmem>>) semaphore(%arg14 : memref<!tpu.dma_semaphore, #tpu.memory_space<semaphore_mem>>)
      %run_scoped3A_152 = arith.constant 2 : i32
      "tpu.region"() ({
        %run_scoped3A_244 = tpu.sem_alloc : memref<!tpu.dma_semaphore, #tpu.memory_space<semaphore_mem>>
        %dma_start3A_245 = arith.constant 0 : i32
        %dma_start3A_246 = tpu.memref_slice %arg7[%run_scoped3A_152, %dma_start3A_245] : memref<4x125xi32, #tpu.memory_space<vmem>> -> memref<1x125xi32, #tpu.memory_space<vmem>>
        %dma_start3A_247 = tpu.memref_squeeze %dma_start3A_246 : memref<1x125xi32, #tpu.memory_space<vmem>> -> memref<125xi32, #tpu.memory_space<vmem>>
        %dma_start3A_248 = arith.constant 0 : i32
        %dma_start3A_249 = arith.constant 0 : i32
        %dma_start3A_250 = tpu.memref_slice %arg12[%dma_start3A_248, %dma_start3A_249] : memref<10240x128xf32, #tpu.memory_space<vmem_shared>> -> memref<10240x128xf32, #tpu.memory_space<vmem_shared>>
        tpu.enqueue_indirect_dma source(%arg10 : memref<125x128xf32, #tpu.memory_space<vmem>>) target(%dma_start3A_250 : memref<10240x128xf32, #tpu.memory_space<vmem_shared>>) offsets(%dma_start3A_247 : memref<125xi32, #tpu.memory_space<vmem>>) semaphore(%run_scoped3A_244 : memref<!tpu.dma_semaphore, #tpu.memory_space<semaphore_mem>>) {add = true}
        %dma_wait3A_251 = arith.constant 0 : i32
        %dma_wait3A_252 = tpu.memref_slice %arg7[%run_scoped3A_152, %dma_wait3A_251] : memref<4x125xi32, #tpu.memory_space<vmem>> -> memref<1x125xi32, #tpu.memory_space<vmem>>
        %dma_wait3A_253 = tpu.memref_squeeze %dma_wait3A_252 : memref<1x125xi32, #tpu.memory_space<vmem>> -> memref<125xi32, #tpu.memory_space<vmem>>
        %dma_wait3A_254 = arith.constant 0 : i32
        %dma_wait3A_255 = arith.constant 0 : i32
        %dma_wait3A_256 = tpu.memref_slice %arg12[%dma_wait3A_254, %dma_wait3A_255] : memref<10240x128xf32, #tpu.memory_space<vmem_shared>> -> memref<10240x128xf32, #tpu.memory_space<vmem_shared>>
        tpu.wait_indirect_dma semaphore(%run_scoped3A_244 : memref<!tpu.dma_semaphore, #tpu.memory_space<semaphore_mem>>) src(%arg10 : memref<125x128xf32, #tpu.memory_space<vmem>>) dst(%dma_wait3A_256 : memref<10240x128xf32, #tpu.memory_space<vmem_shared>>)
        tpu.yield
      }) : () -> ()
      %dma_wait3A_153 = arith.constant 3 : i32
      %dma_wait3A_154 = arith.constant 0 : i32
      %dma_wait3A_155 = tpu.memref_slice %arg6[%dma_wait3A_153, %dma_wait3A_154] : memref<4x125xi32, #tpu.memory_space<vmem>> -> memref<1x125xi32, #tpu.memory_space<vmem>>
      %dma_wait3A_156 = tpu.memref_squeeze %dma_wait3A_155 : memref<1x125xi32, #tpu.memory_space<vmem>> -> memref<125xi32, #tpu.memory_space<vmem>>
      %dma_wait3A_157 = arith.constant 0 : i32
      %dma_wait3A_158 = arith.constant 0 : i32
      %dma_wait3A_159 = tpu.memref_slice %arg2[%dma_wait3A_157, %dma_wait3A_158] : memref<10240x128xf32, #tpu.memory_space<hbm>> -> memref<10240x128xf32, #tpu.memory_space<hbm>>
      tpu.wait_indirect_dma semaphore(%arg14 : memref<!tpu.dma_semaphore, #tpu.memory_space<semaphore_mem>>) src(%dma_wait3A_159 : memref<10240x128xf32, #tpu.memory_space<hbm>>) dst(%arg11 : memref<125x128xf32, #tpu.memory_space<vmem>>)
      %dma_wait3A_160 = arith.constant 0 : i32
      %dma_wait3A_161 = arith.constant 0 : i32
      %dma_wait3A_162 = tpu.memref_slice %arg3[%add3A, %add3A_88, %dma_wait3A_160, %dma_wait3A_161] : memref<32x20x4x125xi32, #tpu.memory_space<hbm>> -> memref<1x1x4x125xi32, #tpu.memory_space<hbm>>
      %dma_wait3A_163 = tpu.memref_squeeze %dma_wait3A_162 : memref<1x1x4x125xi32, #tpu.memory_space<hbm>> -> memref<4x125xi32, #tpu.memory_space<hbm>>
      %dma_wait3A_164 = arith.constant 0 : i32
      %dma_wait3A_165 = arith.constant 0 : i32
      %dma_wait3A_166 = tpu.memref_slice %arg3[%add3A, %add3A_88, %dma_wait3A_164, %dma_wait3A_165] : memref<32x20x4x125xi32, #tpu.memory_space<hbm>> -> memref<1x1x4x125xi32, #tpu.memory_space<hbm>>
      %dma_wait3A_167 = tpu.memref_squeeze %dma_wait3A_166 : memref<1x1x4x125xi32, #tpu.memory_space<hbm>> -> memref<4x125xi32, #tpu.memory_space<hbm>>
      tpu.wait_dma2 semaphore(%arg16 : memref<!tpu.dma_semaphore, #tpu.memory_space<semaphore_mem>>) src(%dma_wait3A_167 : memref<4x125xi32, #tpu.memory_space<hbm>>) dst(%arg8 : memref<4x125xi32, #tpu.memory_space<vmem>>)
      %dma_wait3A_168 = arith.constant 0 : i32
      %dma_wait3A_169 = arith.constant 0 : i32
      %dma_wait3A_170 = tpu.memref_slice %arg4[%add3A, %add3A_100, %dma_wait3A_168, %dma_wait3A_169] : memref<32x20x4x125xi32, #tpu.memory_space<hbm>> -> memref<1x1x4x125xi32, #tpu.memory_space<hbm>>
      %dma_wait3A_171 = tpu.memref_squeeze %dma_wait3A_170 : memref<1x1x4x125xi32, #tpu.memory_space<hbm>> -> memref<4x125xi32, #tpu.memory_space<hbm>>
      %dma_wait3A_172 = arith.constant 0 : i32
      %dma_wait3A_173 = arith.constant 0 : i32
      %dma_wait3A_174 = tpu.memref_slice %arg4[%add3A, %add3A_100, %dma_wait3A_172, %dma_wait3A_173] : memref<32x20x4x125xi32, #tpu.memory_space<hbm>> -> memref<1x1x4x125xi32, #tpu.memory_space<hbm>>
      %dma_wait3A_175 = tpu.memref_squeeze %dma_wait3A_174 : memref<1x1x4x125xi32, #tpu.memory_space<hbm>> -> memref<4x125xi32, #tpu.memory_space<hbm>>
      tpu.wait_dma2 semaphore(%arg16 : memref<!tpu.dma_semaphore, #tpu.memory_space<semaphore_mem>>) src(%dma_wait3A_175 : memref<4x125xi32, #tpu.memory_space<hbm>>) dst(%arg9 : memref<4x125xi32, #tpu.memory_space<vmem>>)
      %dma_start3A_176 = arith.constant 0 : i32
      %dma_start3A_177 = arith.constant 0 : i32
      %dma_start3A_178 = tpu.memref_slice %arg8[%dma_start3A_176, %dma_start3A_177] : memref<4x125xi32, #tpu.memory_space<vmem>> -> memref<1x125xi32, #tpu.memory_space<vmem>>
      %dma_start3A_179 = tpu.memref_squeeze %dma_start3A_178 : memref<1x125xi32, #tpu.memory_space<vmem>> -> memref<125xi32, #tpu.memory_space<vmem>>
      %dma_start3A_180 = arith.constant 0 : i32
      %dma_start3A_181 = arith.constant 0 : i32
      %dma_start3A_182 = tpu.memref_slice %arg2[%dma_start3A_180, %dma_start3A_181] : memref<10240x128xf32, #tpu.memory_space<hbm>> -> memref<10240x128xf32, #tpu.memory_space<hbm>>
      tpu.enqueue_indirect_dma source(%dma_start3A_182 : memref<10240x128xf32, #tpu.memory_space<hbm>>) target(%arg10 : memref<125x128xf32, #tpu.memory_space<vmem>>) offsets(%dma_start3A_179 : memref<125xi32, #tpu.memory_space<vmem>>) semaphore(%arg13 : memref<!tpu.dma_semaphore, #tpu.memory_space<semaphore_mem>>)
      %run_scoped3A_183 = arith.constant 3 : i32
      "tpu.region"() ({
        %run_scoped3A_244 = tpu.sem_alloc : memref<!tpu.dma_semaphore, #tpu.memory_space<semaphore_mem>>
        %dma_start3A_245 = arith.constant 0 : i32
        %dma_start3A_246 = tpu.memref_slice %arg7[%run_scoped3A_183, %dma_start3A_245] : memref<4x125xi32, #tpu.memory_space<vmem>> -> memref<1x125xi32, #tpu.memory_space<vmem>>
        %dma_start3A_247 = tpu.memref_squeeze %dma_start3A_246 : memref<1x125xi32, #tpu.memory_space<vmem>> -> memref<125xi32, #tpu.memory_space<vmem>>
        %dma_start3A_248 = arith.constant 0 : i32
        %dma_start3A_249 = arith.constant 0 : i32
        %dma_start3A_250 = tpu.memref_slice %arg12[%dma_start3A_248, %dma_start3A_249] : memref<10240x128xf32, #tpu.memory_space<vmem_shared>> -> memref<10240x128xf32, #tpu.memory_space<vmem_shared>>
        tpu.enqueue_indirect_dma source(%arg11 : memref<125x128xf32, #tpu.memory_space<vmem>>) target(%dma_start3A_250 : memref<10240x128xf32, #tpu.memory_space<vmem_shared>>) offsets(%dma_start3A_247 : memref<125xi32, #tpu.memory_space<vmem>>) semaphore(%run_scoped3A_244 : memref<!tpu.dma_semaphore, #tpu.memory_space<semaphore_mem>>) {add = true}
        %dma_wait3A_251 = arith.constant 0 : i32
        %dma_wait3A_252 = tpu.memref_slice %arg7[%run_scoped3A_183, %dma_wait3A_251] : memref<4x125xi32, #tpu.memory_space<vmem>> -> memref<1x125xi32, #tpu.memory_space<vmem>>
        %dma_wait3A_253 = tpu.memref_squeeze %dma_wait3A_252 : memref<1x125xi32, #tpu.memory_space<vmem>> -> memref<125xi32, #tpu.memory_space<vmem>>
        %dma_wait3A_254 = arith.constant 0 : i32
        %dma_wait3A_255 = arith.constant 0 : i32
        %dma_wait3A_256 = tpu.memref_slice %arg12[%dma_wait3A_254, %dma_wait3A_255] : memref<10240x128xf32, #tpu.memory_space<vmem_shared>> -> memref<10240x128xf32, #tpu.memory_space<vmem_shared>>
        tpu.wait_indirect_dma semaphore(%run_scoped3A_244 : memref<!tpu.dma_semaphore, #tpu.memory_space<semaphore_mem>>) src(%arg11 : memref<125x128xf32, #tpu.memory_space<vmem>>) dst(%dma_wait3A_256 : memref<10240x128xf32, #tpu.memory_space<vmem_shared>>)
        tpu.yield
      }) : () -> ()
      %lt3A = arith.constant 9 : i32
      %lt3A_184 = arith.cmpi slt, %scan3A_84, %lt3A : i32
      %convert_element_type3A = arith.extui %lt3A_184 : i1 to i32
      %cond3A = arith.constant 0 : i32
      %cond3A_185 = arith.cmpi ne, %convert_element_type3A, %cond3A : i32
      scf.if %cond3A_185 {
        %mul3A_244 = arith.constant 2 : i32
        %mul3A_245 = arith.muli %mul3A_244, %scan3A_84 : i32
        %add3A_246 = arith.constant 2 : i32
        %add3A_247 = arith.addi %mul3A_245, %add3A_246 : i32
        %dma_start3A_248 = arith.constant 0 : i32
        %dma_start3A_249 = arith.constant 0 : i32
        %dma_start3A_250 = tpu.memref_slice %arg3[%add3A, %add3A_247, %dma_start3A_248, %dma_start3A_249] : memref<32x20x4x125xi32, #tpu.memory_space<hbm>> -> memref<1x1x4x125xi32, #tpu.memory_space<hbm>>
        %dma_start3A_251 = tpu.memref_squeeze %dma_start3A_250 : memref<1x1x4x125xi32, #tpu.memory_space<hbm>> -> memref<4x125xi32, #tpu.memory_space<hbm>>
        %dma_start3A_252 = arith.constant 0 : i32
        %dma_start3A_253 = arith.constant 0 : i32
        %dma_start3A_254 = tpu.memref_slice %arg3[%add3A, %add3A_247, %dma_start3A_252, %dma_start3A_253] : memref<32x20x4x125xi32, #tpu.memory_space<hbm>> -> memref<1x1x4x125xi32, #tpu.memory_space<hbm>>
        %dma_start3A_255 = tpu.memref_squeeze %dma_start3A_254 : memref<1x1x4x125xi32, #tpu.memory_space<hbm>> -> memref<4x125xi32, #tpu.memory_space<hbm>>
        tpu.enqueue_dma source(%dma_start3A_255 : memref<4x125xi32, #tpu.memory_space<hbm>>) target(%arg6 : memref<4x125xi32, #tpu.memory_space<vmem>>) target_semaphore(%arg15 : memref<!tpu.dma_semaphore, #tpu.memory_space<semaphore_mem>>)
        %mul3A_256 = arith.constant 2 : i32
        %mul3A_257 = arith.muli %mul3A_256, %scan3A_84 : i32
        %add3A_258 = arith.constant 2 : i32
        %add3A_259 = arith.addi %mul3A_257, %add3A_258 : i32
        %dma_start3A_260 = arith.constant 0 : i32
        %dma_start3A_261 = arith.constant 0 : i32
        %dma_start3A_262 = tpu.memref_slice %arg4[%add3A, %add3A_259, %dma_start3A_260, %dma_start3A_261] : memref<32x20x4x125xi32, #tpu.memory_space<hbm>> -> memref<1x1x4x125xi32, #tpu.memory_space<hbm>>
        %dma_start3A_263 = tpu.memref_squeeze %dma_start3A_262 : memref<1x1x4x125xi32, #tpu.memory_space<hbm>> -> memref<4x125xi32, #tpu.memory_space<hbm>>
        %dma_start3A_264 = arith.constant 0 : i32
        %dma_start3A_265 = arith.constant 0 : i32
        %dma_start3A_266 = tpu.memref_slice %arg4[%add3A, %add3A_259, %dma_start3A_264, %dma_start3A_265] : memref<32x20x4x125xi32, #tpu.memory_space<hbm>> -> memref<1x1x4x125xi32, #tpu.memory_space<hbm>>
        %dma_start3A_267 = tpu.memref_squeeze %dma_start3A_266 : memref<1x1x4x125xi32, #tpu.memory_space<hbm>> -> memref<4x125xi32, #tpu.memory_space<hbm>>
        tpu.enqueue_dma source(%dma_start3A_267 : memref<4x125xi32, #tpu.memory_space<hbm>>) target(%arg7 : memref<4x125xi32, #tpu.memory_space<vmem>>) target_semaphore(%arg15 : memref<!tpu.dma_semaphore, #tpu.memory_space<semaphore_mem>>)
      } else {
      }
      %dma_wait3A_186 = arith.constant 0 : i32
      %dma_wait3A_187 = arith.constant 0 : i32
      %dma_wait3A_188 = tpu.memref_slice %arg8[%dma_wait3A_186, %dma_wait3A_187] : memref<4x125xi32, #tpu.memory_space<vmem>> -> memref<1x125xi32, #tpu.memory_space<vmem>>
      %dma_wait3A_189 = tpu.memref_squeeze %dma_wait3A_188 : memref<1x125xi32, #tpu.memory_space<vmem>> -> memref<125xi32, #tpu.memory_space<vmem>>
      %dma_wait3A_190 = arith.constant 0 : i32
      %dma_wait3A_191 = arith.constant 0 : i32
      %dma_wait3A_192 = tpu.memref_slice %arg2[%dma_wait3A_190, %dma_wait3A_191] : memref<10240x128xf32, #tpu.memory_space<hbm>> -> memref<10240x128xf32, #tpu.memory_space<hbm>>
      tpu.wait_indirect_dma semaphore(%arg13 : memref<!tpu.dma_semaphore, #tpu.memory_space<semaphore_mem>>) src(%dma_wait3A_192 : memref<10240x128xf32, #tpu.memory_space<hbm>>) dst(%arg10 : memref<125x128xf32, #tpu.memory_space<vmem>>)
      %dma_start3A_193 = arith.constant 1 : i32
      %dma_start3A_194 = arith.constant 0 : i32
      %dma_start3A_195 = tpu.memref_slice %arg8[%dma_start3A_193, %dma_start3A_194] : memref<4x125xi32, #tpu.memory_space<vmem>> -> memref<1x125xi32, #tpu.memory_space<vmem>>
      %dma_start3A_196 = tpu.memref_squeeze %dma_start3A_195 : memref<1x125xi32, #tpu.memory_space<vmem>> -> memref<125xi32, #tpu.memory_space<vmem>>
      %dma_start3A_197 = arith.constant 0 : i32
      %dma_start3A_198 = arith.constant 0 : i32
      %dma_start3A_199 = tpu.memref_slice %arg2[%dma_start3A_197, %dma_start3A_198] : memref<10240x128xf32, #tpu.memory_space<hbm>> -> memref<10240x128xf32, #tpu.memory_space<hbm>>
      tpu.enqueue_indirect_dma source(%dma_start3A_199 : memref<10240x128xf32, #tpu.memory_space<hbm>>) target(%arg11 : memref<125x128xf32, #tpu.memory_space<vmem>>) offsets(%dma_start3A_196 : memref<125xi32, #tpu.memory_space<vmem>>) semaphore(%arg14 : memref<!tpu.dma_semaphore, #tpu.memory_space<semaphore_mem>>)
      %run_scoped3A_200 = arith.constant 0 : i32
      "tpu.region"() ({
        %run_scoped3A_244 = tpu.sem_alloc : memref<!tpu.dma_semaphore, #tpu.memory_space<semaphore_mem>>
        %dma_start3A_245 = arith.constant 0 : i32
        %dma_start3A_246 = tpu.memref_slice %arg9[%run_scoped3A_200, %dma_start3A_245] : memref<4x125xi32, #tpu.memory_space<vmem>> -> memref<1x125xi32, #tpu.memory_space<vmem>>
        %dma_start3A_247 = tpu.memref_squeeze %dma_start3A_246 : memref<1x125xi32, #tpu.memory_space<vmem>> -> memref<125xi32, #tpu.memory_space<vmem>>
        %dma_start3A_248 = arith.constant 0 : i32
        %dma_start3A_249 = arith.constant 0 : i32
        %dma_start3A_250 = tpu.memref_slice %arg12[%dma_start3A_248, %dma_start3A_249] : memref<10240x128xf32, #tpu.memory_space<vmem_shared>> -> memref<10240x128xf32, #tpu.memory_space<vmem_shared>>
        tpu.enqueue_indirect_dma source(%arg10 : memref<125x128xf32, #tpu.memory_space<vmem>>) target(%dma_start3A_250 : memref<10240x128xf32, #tpu.memory_space<vmem_shared>>) offsets(%dma_start3A_247 : memref<125xi32, #tpu.memory_space<vmem>>) semaphore(%run_scoped3A_244 : memref<!tpu.dma_semaphore, #tpu.memory_space<semaphore_mem>>) {add = true}
        %dma_wait3A_251 = arith.constant 0 : i32
        %dma_wait3A_252 = tpu.memref_slice %arg9[%run_scoped3A_200, %dma_wait3A_251] : memref<4x125xi32, #tpu.memory_space<vmem>> -> memref<1x125xi32, #tpu.memory_space<vmem>>
        %dma_wait3A_253 = tpu.memref_squeeze %dma_wait3A_252 : memref<1x125xi32, #tpu.memory_space<vmem>> -> memref<125xi32, #tpu.memory_space<vmem>>
        %dma_wait3A_254 = arith.constant 0 : i32
        %dma_wait3A_255 = arith.constant 0 : i32
        %dma_wait3A_256 = tpu.memref_slice %arg12[%dma_wait3A_254, %dma_wait3A_255] : memref<10240x128xf32, #tpu.memory_space<vmem_shared>> -> memref<10240x128xf32, #tpu.memory_space<vmem_shared>>
        tpu.wait_indirect_dma semaphore(%run_scoped3A_244 : memref<!tpu.dma_semaphore, #tpu.memory_space<semaphore_mem>>) src(%arg10 : memref<125x128xf32, #tpu.memory_space<vmem>>) dst(%dma_wait3A_256 : memref<10240x128xf32, #tpu.memory_space<vmem_shared>>)
        tpu.yield
      }) : () -> ()
      %dma_wait3A_201 = arith.constant 1 : i32
      %dma_wait3A_202 = arith.constant 0 : i32
      %dma_wait3A_203 = tpu.memref_slice %arg8[%dma_wait3A_201, %dma_wait3A_202] : memref<4x125xi32, #tpu.memory_space<vmem>> -> memref<1x125xi32, #tpu.memory_space<vmem>>
      %dma_wait3A_204 = tpu.memref_squeeze %dma_wait3A_203 : memref<1x125xi32, #tpu.memory_space<vmem>> -> memref<125xi32, #tpu.memory_space<vmem>>
      %dma_wait3A_205 = arith.constant 0 : i32
      %dma_wait3A_206 = arith.constant 0 : i32
      %dma_wait3A_207 = tpu.memref_slice %arg2[%dma_wait3A_205, %dma_wait3A_206] : memref<10240x128xf32, #tpu.memory_space<hbm>> -> memref<10240x128xf32, #tpu.memory_space<hbm>>
      tpu.wait_indirect_dma semaphore(%arg14 : memref<!tpu.dma_semaphore, #tpu.memory_space<semaphore_mem>>) src(%dma_wait3A_207 : memref<10240x128xf32, #tpu.memory_space<hbm>>) dst(%arg11 : memref<125x128xf32, #tpu.memory_space<vmem>>)
      %dma_start3A_208 = arith.constant 2 : i32
      %dma_start3A_209 = arith.constant 0 : i32
      %dma_start3A_210 = tpu.memref_slice %arg8[%dma_start3A_208, %dma_start3A_209] : memref<4x125xi32, #tpu.memory_space<vmem>> -> memref<1x125xi32, #tpu.memory_space<vmem>>
      %dma_start3A_211 = tpu.memref_squeeze %dma_start3A_210 : memref<1x125xi32, #tpu.memory_space<vmem>> -> memref<125xi32, #tpu.memory_space<vmem>>
      %dma_start3A_212 = arith.constant 0 : i32
      %dma_start3A_213 = arith.constant 0 : i32
      %dma_start3A_214 = tpu.memref_slice %arg2[%dma_start3A_212, %dma_start3A_213] : memref<10240x128xf32, #tpu.memory_space<hbm>> -> memref<10240x128xf32, #tpu.memory_space<hbm>>
      tpu.enqueue_indirect_dma source(%dma_start3A_214 : memref<10240x128xf32, #tpu.memory_space<hbm>>) target(%arg10 : memref<125x128xf32, #tpu.memory_space<vmem>>) offsets(%dma_start3A_211 : memref<125xi32, #tpu.memory_space<vmem>>) semaphore(%arg13 : memref<!tpu.dma_semaphore, #tpu.memory_space<semaphore_mem>>)
      %run_scoped3A_215 = arith.constant 1 : i32
      "tpu.region"() ({
        %run_scoped3A_244 = tpu.sem_alloc : memref<!tpu.dma_semaphore, #tpu.memory_space<semaphore_mem>>
        %dma_start3A_245 = arith.constant 0 : i32
        %dma_start3A_246 = tpu.memref_slice %arg9[%run_scoped3A_215, %dma_start3A_245] : memref<4x125xi32, #tpu.memory_space<vmem>> -> memref<1x125xi32, #tpu.memory_space<vmem>>
        %dma_start3A_247 = tpu.memref_squeeze %dma_start3A_246 : memref<1x125xi32, #tpu.memory_space<vmem>> -> memref<125xi32, #tpu.memory_space<vmem>>
        %dma_start3A_248 = arith.constant 0 : i32
        %dma_start3A_249 = arith.constant 0 : i32
        %dma_start3A_250 = tpu.memref_slice %arg12[%dma_start3A_248, %dma_start3A_249] : memref<10240x128xf32, #tpu.memory_space<vmem_shared>> -> memref<10240x128xf32, #tpu.memory_space<vmem_shared>>
        tpu.enqueue_indirect_dma source(%arg11 : memref<125x128xf32, #tpu.memory_space<vmem>>) target(%dma_start3A_250 : memref<10240x128xf32, #tpu.memory_space<vmem_shared>>) offsets(%dma_start3A_247 : memref<125xi32, #tpu.memory_space<vmem>>) semaphore(%run_scoped3A_244 : memref<!tpu.dma_semaphore, #tpu.memory_space<semaphore_mem>>) {add = true}
        %dma_wait3A_251 = arith.constant 0 : i32
        %dma_wait3A_252 = tpu.memref_slice %arg9[%run_scoped3A_215, %dma_wait3A_251] : memref<4x125xi32, #tpu.memory_space<vmem>> -> memref<1x125xi32, #tpu.memory_space<vmem>>
        %dma_wait3A_253 = tpu.memref_squeeze %dma_wait3A_252 : memref<1x125xi32, #tpu.memory_space<vmem>> -> memref<125xi32, #tpu.memory_space<vmem>>
        %dma_wait3A_254 = arith.constant 0 : i32
        %dma_wait3A_255 = arith.constant 0 : i32
        %dma_wait3A_256 = tpu.memref_slice %arg12[%dma_wait3A_254, %dma_wait3A_255] : memref<10240x128xf32, #tpu.memory_space<vmem_shared>> -> memref<10240x128xf32, #tpu.memory_space<vmem_shared>>
        tpu.wait_indirect_dma semaphore(%run_scoped3A_244 : memref<!tpu.dma_semaphore, #tpu.memory_space<semaphore_mem>>) src(%arg11 : memref<125x128xf32, #tpu.memory_space<vmem>>) dst(%dma_wait3A_256 : memref<10240x128xf32, #tpu.memory_space<vmem_shared>>)
        tpu.yield
      }) : () -> ()
      %dma_wait3A_216 = arith.constant 2 : i32
      %dma_wait3A_217 = arith.constant 0 : i32
      %dma_wait3A_218 = tpu.memref_slice %arg8[%dma_wait3A_216, %dma_wait3A_217] : memref<4x125xi32, #tpu.memory_space<vmem>> -> memref<1x125xi32, #tpu.memory_space<vmem>>
      %dma_wait3A_219 = tpu.memref_squeeze %dma_wait3A_218 : memref<1x125xi32, #tpu.memory_space<vmem>> -> memref<125xi32, #tpu.memory_space<vmem>>
      %dma_wait3A_220 = arith.constant 0 : i32
      %dma_wait3A_221 = arith.constant 0 : i32
      %dma_wait3A_222 = tpu.memref_slice %arg2[%dma_wait3A_220, %dma_wait3A_221] : memref<10240x128xf32, #tpu.memory_space<hbm>> -> memref<10240x128xf32, #tpu.memory_space<hbm>>
      tpu.wait_indirect_dma semaphore(%arg13 : memref<!tpu.dma_semaphore, #tpu.memory_space<semaphore_mem>>) src(%dma_wait3A_222 : memref<10240x128xf32, #tpu.memory_space<hbm>>) dst(%arg10 : memref<125x128xf32, #tpu.memory_space<vmem>>)
      %dma_start3A_223 = arith.constant 3 : i32
      %dma_start3A_224 = arith.constant 0 : i32
      %dma_start3A_225 = tpu.memref_slice %arg8[%dma_start3A_223, %dma_start3A_224] : memref<4x125xi32, #tpu.memory_space<vmem>> -> memref<1x125xi32, #tpu.memory_space<vmem>>
      %dma_start3A_226 = tpu.memref_squeeze %dma_start3A_225 : memref<1x125xi32, #tpu.memory_space<vmem>> -> memref<125xi32, #tpu.memory_space<vmem>>
      %dma_start3A_227 = arith.constant 0 : i32
      %dma_start3A_228 = arith.constant 0 : i32
      %dma_start3A_229 = tpu.memref_slice %arg2[%dma_start3A_227, %dma_start3A_228] : memref<10240x128xf32, #tpu.memory_space<hbm>> -> memref<10240x128xf32, #tpu.memory_space<hbm>>
      tpu.enqueue_indirect_dma source(%dma_start3A_229 : memref<10240x128xf32, #tpu.memory_space<hbm>>) target(%arg11 : memref<125x128xf32, #tpu.memory_space<vmem>>) offsets(%dma_start3A_226 : memref<125xi32, #tpu.memory_space<vmem>>) semaphore(%arg14 : memref<!tpu.dma_semaphore, #tpu.memory_space<semaphore_mem>>)
      %run_scoped3A_230 = arith.constant 2 : i32
      "tpu.region"() ({
        %run_scoped3A_244 = tpu.sem_alloc : memref<!tpu.dma_semaphore, #tpu.memory_space<semaphore_mem>>
        %dma_start3A_245 = arith.constant 0 : i32
        %dma_start3A_246 = tpu.memref_slice %arg9[%run_scoped3A_230, %dma_start3A_245] : memref<4x125xi32, #tpu.memory_space<vmem>> -> memref<1x125xi32, #tpu.memory_space<vmem>>
        %dma_start3A_247 = tpu.memref_squeeze %dma_start3A_246 : memref<1x125xi32, #tpu.memory_space<vmem>> -> memref<125xi32, #tpu.memory_space<vmem>>
        %dma_start3A_248 = arith.constant 0 : i32
        %dma_start3A_249 = arith.constant 0 : i32
        %dma_start3A_250 = tpu.memref_slice %arg12[%dma_start3A_248, %dma_start3A_249] : memref<10240x128xf32, #tpu.memory_space<vmem_shared>> -> memref<10240x128xf32, #tpu.memory_space<vmem_shared>>
        tpu.enqueue_indirect_dma source(%arg10 : memref<125x128xf32, #tpu.memory_space<vmem>>) target(%dma_start3A_250 : memref<10240x128xf32, #tpu.memory_space<vmem_shared>>) offsets(%dma_start3A_247 : memref<125xi32, #tpu.memory_space<vmem>>) semaphore(%run_scoped3A_244 : memref<!tpu.dma_semaphore, #tpu.memory_space<semaphore_mem>>) {add = true}
        %dma_wait3A_251 = arith.constant 0 : i32
        %dma_wait3A_252 = tpu.memref_slice %arg9[%run_scoped3A_230, %dma_wait3A_251] : memref<4x125xi32, #tpu.memory_space<vmem>> -> memref<1x125xi32, #tpu.memory_space<vmem>>
        %dma_wait3A_253 = tpu.memref_squeeze %dma_wait3A_252 : memref<1x125xi32, #tpu.memory_space<vmem>> -> memref<125xi32, #tpu.memory_space<vmem>>
        %dma_wait3A_254 = arith.constant 0 : i32
        %dma_wait3A_255 = arith.constant 0 : i32
        %dma_wait3A_256 = tpu.memref_slice %arg12[%dma_wait3A_254, %dma_wait3A_255] : memref<10240x128xf32, #tpu.memory_space<vmem_shared>> -> memref<10240x128xf32, #tpu.memory_space<vmem_shared>>
        tpu.wait_indirect_dma semaphore(%run_scoped3A_244 : memref<!tpu.dma_semaphore, #tpu.memory_space<semaphore_mem>>) src(%arg10 : memref<125x128xf32, #tpu.memory_space<vmem>>) dst(%dma_wait3A_256 : memref<10240x128xf32, #tpu.memory_space<vmem_shared>>)
        tpu.yield
      }) : () -> ()
      %dma_wait3A_231 = arith.constant 3 : i32
      %dma_wait3A_232 = arith.constant 0 : i32
      %dma_wait3A_233 = tpu.memref_slice %arg8[%dma_wait3A_231, %dma_wait3A_232] : memref<4x125xi32, #tpu.memory_space<vmem>> -> memref<1x125xi32, #tpu.memory_space<vmem>>
      %dma_wait3A_234 = tpu.memref_squeeze %dma_wait3A_233 : memref<1x125xi32, #tpu.memory_space<vmem>> -> memref<125xi32, #tpu.memory_space<vmem>>
      %dma_wait3A_235 = arith.constant 0 : i32
      %dma_wait3A_236 = arith.constant 0 : i32
      %dma_wait3A_237 = tpu.memref_slice %arg2[%dma_wait3A_235, %dma_wait3A_236] : memref<10240x128xf32, #tpu.memory_space<hbm>> -> memref<10240x128xf32, #tpu.memory_space<hbm>>
      tpu.wait_indirect_dma semaphore(%arg14 : memref<!tpu.dma_semaphore, #tpu.memory_space<semaphore_mem>>) src(%dma_wait3A_237 : memref<10240x128xf32, #tpu.memory_space<hbm>>) dst(%arg11 : memref<125x128xf32, #tpu.memory_space<vmem>>)
      %lt3A_238 = arith.constant 9 : i32
      %lt3A_239 = arith.cmpi slt, %scan3A_84, %lt3A_238 : i32
      %convert_element_type3A_240 = arith.extui %lt3A_239 : i1 to i32
      %cond3A_241 = arith.constant 0 : i32
      %cond3A_242 = arith.cmpi ne, %convert_element_type3A_240, %cond3A_241 : i32
      scf.if %cond3A_242 {
        %dma_wait3A_244 = arith.constant 0 : i32
        %dma_wait3A_245 = arith.constant 0 : i32
        %dma_wait3A_246 = arith.constant 0 : i32
        %dma_wait3A_247 = tpu.memref_slice %arg3[%add3A, %dma_wait3A_244, %dma_wait3A_245, %dma_wait3A_246] : memref<32x20x4x125xi32, #tpu.memory_space<hbm>> -> memref<1x1x4x125xi32, #tpu.memory_space<hbm>>
        %dma_wait3A_248 = tpu.memref_squeeze %dma_wait3A_247 : memref<1x1x4x125xi32, #tpu.memory_space<hbm>> -> memref<4x125xi32, #tpu.memory_space<hbm>>
        %dma_wait3A_249 = arith.constant 0 : i32
        %dma_wait3A_250 = arith.constant 0 : i32
        %dma_wait3A_251 = tpu.memref_slice %arg3[%add3A, %dma_wait3A_244, %dma_wait3A_249, %dma_wait3A_250] : memref<32x20x4x125xi32, #tpu.memory_space<hbm>> -> memref<1x1x4x125xi32, #tpu.memory_space<hbm>>
        %dma_wait3A_252 = tpu.memref_squeeze %dma_wait3A_251 : memref<1x1x4x125xi32, #tpu.memory_space<hbm>> -> memref<4x125xi32, #tpu.memory_space<hbm>>
        tpu.wait_dma2 semaphore(%arg15 : memref<!tpu.dma_semaphore, #tpu.memory_space<semaphore_mem>>) src(%dma_wait3A_252 : memref<4x125xi32, #tpu.memory_space<hbm>>) dst(%arg6 : memref<4x125xi32, #tpu.memory_space<vmem>>)
        %dma_wait3A_253 = arith.constant 0 : i32
        %dma_wait3A_254 = arith.constant 0 : i32
        %dma_wait3A_255 = arith.constant 0 : i32
        %dma_wait3A_256 = tpu.memref_slice %arg4[%add3A, %dma_wait3A_253, %dma_wait3A_254, %dma_wait3A_255] : memref<32x20x4x125xi32, #tpu.memory_space<hbm>> -> memref<1x1x4x125xi32, #tpu.memory_space<hbm>>
        %dma_wait3A_257 = tpu.memref_squeeze %dma_wait3A_256 : memref<1x1x4x125xi32, #tpu.memory_space<hbm>> -> memref<4x125xi32, #tpu.memory_space<hbm>>
        %dma_wait3A_258 = arith.constant 0 : i32
        %dma_wait3A_259 = arith.constant 0 : i32
        %dma_wait3A_260 = tpu.memref_slice %arg4[%add3A, %dma_wait3A_253, %dma_wait3A_258, %dma_wait3A_259] : memref<32x20x4x125xi32, #tpu.memory_space<hbm>> -> memref<1x1x4x125xi32, #tpu.memory_space<hbm>>
        %dma_wait3A_261 = tpu.memref_squeeze %dma_wait3A_260 : memref<1x1x4x125xi32, #tpu.memory_space<hbm>> -> memref<4x125xi32, #tpu.memory_space<hbm>>
        tpu.wait_dma2 semaphore(%arg15 : memref<!tpu.dma_semaphore, #tpu.memory_space<semaphore_mem>>) src(%dma_wait3A_261 : memref<4x125xi32, #tpu.memory_space<hbm>>) dst(%arg7 : memref<4x125xi32, #tpu.memory_space<vmem>>)
        %dma_start3A_262 = arith.constant 0 : i32
        %dma_start3A_263 = arith.constant 0 : i32
        %dma_start3A_264 = tpu.memref_slice %arg6[%dma_start3A_262, %dma_start3A_263] : memref<4x125xi32, #tpu.memory_space<vmem>> -> memref<1x125xi32, #tpu.memory_space<vmem>>
        %dma_start3A_265 = tpu.memref_squeeze %dma_start3A_264 : memref<1x125xi32, #tpu.memory_space<vmem>> -> memref<125xi32, #tpu.memory_space<vmem>>
        %dma_start3A_266 = arith.constant 0 : i32
        %dma_start3A_267 = arith.constant 0 : i32
        %dma_start3A_268 = tpu.memref_slice %arg2[%dma_start3A_266, %dma_start3A_267] : memref<10240x128xf32, #tpu.memory_space<hbm>> -> memref<10240x128xf32, #tpu.memory_space<hbm>>
        tpu.enqueue_indirect_dma source(%dma_start3A_268 : memref<10240x128xf32, #tpu.memory_space<hbm>>) target(%arg10 : memref<125x128xf32, #tpu.memory_space<vmem>>) offsets(%dma_start3A_265 : memref<125xi32, #tpu.memory_space<vmem>>) semaphore(%arg13 : memref<!tpu.dma_semaphore, #tpu.memory_space<semaphore_mem>>)
      } else {
      }
      %run_scoped3A_243 = arith.constant 3 : i32
      "tpu.region"() ({
        %run_scoped3A_244 = tpu.sem_alloc : memref<!tpu.dma_semaphore, #tpu.memory_space<semaphore_mem>>
        %dma_start3A_245 = arith.constant 0 : i32
        %dma_start3A_246 = tpu.memref_slice %arg9[%run_scoped3A_243, %dma_start3A_245] : memref<4x125xi32, #tpu.memory_space<vmem>> -> memref<1x125xi32, #tpu.memory_space<vmem>>
        %dma_start3A_247 = tpu.memref_squeeze %dma_start3A_246 : memref<1x125xi32, #tpu.memory_space<vmem>> -> memref<125xi32, #tpu.memory_space<vmem>>
        %dma_start3A_248 = arith.constant 0 : i32
        %dma_start3A_249 = arith.constant 0 : i32
        %dma_start3A_250 = tpu.memref_slice %arg12[%dma_start3A_248, %dma_start3A_249] : memref<10240x128xf32, #tpu.memory_space<vmem_shared>> -> memref<10240x128xf32, #tpu.memory_space<vmem_shared>>
        tpu.enqueue_indirect_dma source(%arg11 : memref<125x128xf32, #tpu.memory_space<vmem>>) target(%dma_start3A_250 : memref<10240x128xf32, #tpu.memory_space<vmem_shared>>) offsets(%dma_start3A_247 : memref<125xi32, #tpu.memory_space<vmem>>) semaphore(%run_scoped3A_244 : memref<!tpu.dma_semaphore, #tpu.memory_space<semaphore_mem>>) {add = true}
        %dma_wait3A_251 = arith.constant 0 : i32
        %dma_wait3A_252 = tpu.memref_slice %arg9[%run_scoped3A_243, %dma_wait3A_251] : memref<4x125xi32, #tpu.memory_space<vmem>> -> memref<1x125xi32, #tpu.memory_space<vmem>>
        %dma_wait3A_253 = tpu.memref_squeeze %dma_wait3A_252 : memref<1x125xi32, #tpu.memory_space<vmem>> -> memref<125xi32, #tpu.memory_space<vmem>>
        %dma_wait3A_254 = arith.constant 0 : i32
        %dma_wait3A_255 = arith.constant 0 : i32
        %dma_wait3A_256 = tpu.memref_slice %arg12[%dma_wait3A_254, %dma_wait3A_255] : memref<10240x128xf32, #tpu.memory_space<vmem_shared>> -> memref<10240x128xf32, #tpu.memory_space<vmem_shared>>
        tpu.wait_indirect_dma semaphore(%run_scoped3A_244 : memref<!tpu.dma_semaphore, #tpu.memory_space<semaphore_mem>>) src(%arg11 : memref<125x128xf32, #tpu.memory_space<vmem>>) dst(%dma_wait3A_256 : memref<10240x128xf32, #tpu.memory_space<vmem_shared>>)
        tpu.yield
      }) : () -> ()
    }
    %scan3A_50 = arith.constant 10 : i32
    %barrier3A_51 = arith.constant 0 : index
    tpu.barrier barrier_id(%barrier3A_51)
    %mul3A_52 = arith.constant 640 : i32
    %mul3A_53 = arith.muli %arg1, %mul3A_52 : i32
    %add3A_54 = arith.constant 0 : i32
    %add3A_55 = arith.addi %mul3A_53, %add3A_54 : i32
    "tpu.region"() ({
      %run_scoped3A_84 = tpu.sem_alloc : memref<!tpu.dma_semaphore, #tpu.memory_space<semaphore_mem>>
      %dma_start3A_85 = arith.constant 0 : i32
      %dma_start3A_86 = tpu.memref_slice %arg5[%arg0, %add3A_55, %dma_start3A_85] : memref<2x10240x128xf32, #tpu.memory_space<hbm>> -> memref<1x80x128xf32, #tpu.memory_space<hbm>>
      %dma_start3A_87 = tpu.memref_squeeze %dma_start3A_86 : memref<1x80x128xf32, #tpu.memory_space<hbm>> -> memref<80x128xf32, #tpu.memory_space<hbm>>
      %dma_start3A_88 = arith.constant 0 : i32
      %dma_start3A_89 = tpu.memref_slice %arg12[%add3A_55, %dma_start3A_88] : memref<10240x128xf32, #tpu.memory_space<vmem_shared>> -> memref<80x128xf32, #tpu.memory_space<vmem_shared>>
      tpu.enqueue_dma source(%dma_start3A_89 : memref<80x128xf32, #tpu.memory_space<vmem_shared>>) target(%dma_start3A_87 : memref<80x128xf32, #tpu.memory_space<hbm>>) target_semaphore(%run_scoped3A_84 : memref<!tpu.dma_semaphore, #tpu.memory_space<semaphore_mem>>)
      %dma_wait3A = arith.constant 0 : i32
      %dma_wait3A_90 = tpu.memref_slice %arg5[%arg0, %add3A_55, %dma_wait3A] : memref<2x10240x128xf32, #tpu.memory_space<hbm>> -> memref<1x80x128xf32, #tpu.memory_space<hbm>>
      %dma_wait3A_91 = tpu.memref_squeeze %dma_wait3A_90 : memref<1x80x128xf32, #tpu.memory_space<hbm>> -> memref<80x128xf32, #tpu.memory_space<hbm>>
      %dma_wait3A_92 = arith.constant 0 : i32
      %dma_wait3A_93 = tpu.memref_slice %arg12[%add3A_55, %dma_wait3A_92] : memref<10240x128xf32, #tpu.memory_space<vmem_shared>> -> memref<80x128xf32, #tpu.memory_space<vmem_shared>>
      tpu.wait_dma2 semaphore(%run_scoped3A_84 : memref<!tpu.dma_semaphore, #tpu.memory_space<semaphore_mem>>) src(%dma_wait3A_93 : memref<80x128xf32, #tpu.memory_space<vmem_shared>>) dst(%dma_wait3A_91 : memref<80x128xf32, #tpu.memory_space<hbm>>)
      tpu.yield
    }) : () -> ()
    %mul3A_56 = arith.constant 640 : i32
    %mul3A_57 = arith.muli %arg1, %mul3A_56 : i32
    %add3A_58 = arith.constant 80 : i32
    %add3A_59 = arith.addi %mul3A_57, %add3A_58 : i32
    "tpu.region"() ({
      %run_scoped3A_84 = tpu.sem_alloc : memref<!tpu.dma_semaphore, #tpu.memory_space<semaphore_mem>>
      %dma_start3A_85 = arith.constant 0 : i32
      %dma_start3A_86 = tpu.memref_slice %arg5[%arg0, %add3A_59, %dma_start3A_85] : memref<2x10240x128xf32, #tpu.memory_space<hbm>> -> memref<1x80x128xf32, #tpu.memory_space<hbm>>
      %dma_start3A_87 = tpu.memref_squeeze %dma_start3A_86 : memref<1x80x128xf32, #tpu.memory_space<hbm>> -> memref<80x128xf32, #tpu.memory_space<hbm>>
      %dma_start3A_88 = arith.constant 0 : i32
      %dma_start3A_89 = tpu.memref_slice %arg12[%add3A_59, %dma_start3A_88] : memref<10240x128xf32, #tpu.memory_space<vmem_shared>> -> memref<80x128xf32, #tpu.memory_space<vmem_shared>>
      tpu.enqueue_dma source(%dma_start3A_89 : memref<80x128xf32, #tpu.memory_space<vmem_shared>>) target(%dma_start3A_87 : memref<80x128xf32, #tpu.memory_space<hbm>>) target_semaphore(%run_scoped3A_84 : memref<!tpu.dma_semaphore, #tpu.memory_space<semaphore_mem>>)
      %dma_wait3A = arith.constant 0 : i32
      %dma_wait3A_90 = tpu.memref_slice %arg5[%arg0, %add3A_59, %dma_wait3A] : memref<2x10240x128xf32, #tpu.memory_space<hbm>> -> memref<1x80x128xf32, #tpu.memory_space<hbm>>
      %dma_wait3A_91 = tpu.memref_squeeze %dma_wait3A_90 : memref<1x80x128xf32, #tpu.memory_space<hbm>> -> memref<80x128xf32, #tpu.memory_space<hbm>>
      %dma_wait3A_92 = arith.constant 0 : i32
      %dma_wait3A_93 = tpu.memref_slice %arg12[%add3A_59, %dma_wait3A_92] : memref<10240x128xf32, #tpu.memory_space<vmem_shared>> -> memref<80x128xf32, #tpu.memory_space<vmem_shared>>
      tpu.wait_dma2 semaphore(%run_scoped3A_84 : memref<!tpu.dma_semaphore, #tpu.memory_space<semaphore_mem>>) src(%dma_wait3A_93 : memref<80x128xf32, #tpu.memory_space<vmem_shared>>) dst(%dma_wait3A_91 : memref<80x128xf32, #tpu.memory_space<hbm>>)
      tpu.yield
    }) : () -> ()
    %mul3A_60 = arith.constant 640 : i32
    %mul3A_61 = arith.muli %arg1, %mul3A_60 : i32
    %add3A_62 = arith.constant 160 : i32
    %add3A_63 = arith.addi %mul3A_61, %add3A_62 : i32
    "tpu.region"() ({
      %run_scoped3A_84 = tpu.sem_alloc : memref<!tpu.dma_semaphore, #tpu.memory_space<semaphore_mem>>
      %dma_start3A_85 = arith.constant 0 : i32
      %dma_start3A_86 = tpu.memref_slice %arg5[%arg0, %add3A_63, %dma_start3A_85] : memref<2x10240x128xf32, #tpu.memory_space<hbm>> -> memref<1x80x128xf32, #tpu.memory_space<hbm>>
      %dma_start3A_87 = tpu.memref_squeeze %dma_start3A_86 : memref<1x80x128xf32, #tpu.memory_space<hbm>> -> memref<80x128xf32, #tpu.memory_space<hbm>>
      %dma_start3A_88 = arith.constant 0 : i32
      %dma_start3A_89 = tpu.memref_slice %arg12[%add3A_63, %dma_start3A_88] : memref<10240x128xf32, #tpu.memory_space<vmem_shared>> -> memref<80x128xf32, #tpu.memory_space<vmem_shared>>
      tpu.enqueue_dma source(%dma_start3A_89 : memref<80x128xf32, #tpu.memory_space<vmem_shared>>) target(%dma_start3A_87 : memref<80x128xf32, #tpu.memory_space<hbm>>) target_semaphore(%run_scoped3A_84 : memref<!tpu.dma_semaphore, #tpu.memory_space<semaphore_mem>>)
      %dma_wait3A = arith.constant 0 : i32
      %dma_wait3A_90 = tpu.memref_slice %arg5[%arg0, %add3A_63, %dma_wait3A] : memref<2x10240x128xf32, #tpu.memory_space<hbm>> -> memref<1x80x128xf32, #tpu.memory_space<hbm>>
      %dma_wait3A_91 = tpu.memref_squeeze %dma_wait3A_90 : memref<1x80x128xf32, #tpu.memory_space<hbm>> -> memref<80x128xf32, #tpu.memory_space<hbm>>
      %dma_wait3A_92 = arith.constant 0 : i32
      %dma_wait3A_93 = tpu.memref_slice %arg12[%add3A_63, %dma_wait3A_92] : memref<10240x128xf32, #tpu.memory_space<vmem_shared>> -> memref<80x128xf32, #tpu.memory_space<vmem_shared>>
      tpu.wait_dma2 semaphore(%run_scoped3A_84 : memref<!tpu.dma_semaphore, #tpu.memory_space<semaphore_mem>>) src(%dma_wait3A_93 : memref<80x128xf32, #tpu.memory_space<vmem_shared>>) dst(%dma_wait3A_91 : memref<80x128xf32, #tpu.memory_space<hbm>>)
      tpu.yield
    }) : () -> ()
    %mul3A_64 = arith.constant 640 : i32
    %mul3A_65 = arith.muli %arg1, %mul3A_64 : i32
    %add3A_66 = arith.constant 240 : i32
    %add3A_67 = arith.addi %mul3A_65, %add3A_66 : i32
    "tpu.region"() ({
      %run_scoped3A_84 = tpu.sem_alloc : memref<!tpu.dma_semaphore, #tpu.memory_space<semaphore_mem>>
      %dma_start3A_85 = arith.constant 0 : i32
      %dma_start3A_86 = tpu.memref_slice %arg5[%arg0, %add3A_67, %dma_start3A_85] : memref<2x10240x128xf32, #tpu.memory_space<hbm>> -> memref<1x80x128xf32, #tpu.memory_space<hbm>>
      %dma_start3A_87 = tpu.memref_squeeze %dma_start3A_86 : memref<1x80x128xf32, #tpu.memory_space<hbm>> -> memref<80x128xf32, #tpu.memory_space<hbm>>
      %dma_start3A_88 = arith.constant 0 : i32
      %dma_start3A_89 = tpu.memref_slice %arg12[%add3A_67, %dma_start3A_88] : memref<10240x128xf32, #tpu.memory_space<vmem_shared>> -> memref<80x128xf32, #tpu.memory_space<vmem_shared>>
      tpu.enqueue_dma source(%dma_start3A_89 : memref<80x128xf32, #tpu.memory_space<vmem_shared>>) target(%dma_start3A_87 : memref<80x128xf32, #tpu.memory_space<hbm>>) target_semaphore(%run_scoped3A_84 : memref<!tpu.dma_semaphore, #tpu.memory_space<semaphore_mem>>)
      %dma_wait3A = arith.constant 0 : i32
      %dma_wait3A_90 = tpu.memref_slice %arg5[%arg0, %add3A_67, %dma_wait3A] : memref<2x10240x128xf32, #tpu.memory_space<hbm>> -> memref<1x80x128xf32, #tpu.memory_space<hbm>>
      %dma_wait3A_91 = tpu.memref_squeeze %dma_wait3A_90 : memref<1x80x128xf32, #tpu.memory_space<hbm>> -> memref<80x128xf32, #tpu.memory_space<hbm>>
      %dma_wait3A_92 = arith.constant 0 : i32
      %dma_wait3A_93 = tpu.memref_slice %arg12[%add3A_67, %dma_wait3A_92] : memref<10240x128xf32, #tpu.memory_space<vmem_shared>> -> memref<80x128xf32, #tpu.memory_space<vmem_shared>>
      tpu.wait_dma2 semaphore(%run_scoped3A_84 : memref<!tpu.dma_semaphore, #tpu.memory_space<semaphore_mem>>) src(%dma_wait3A_93 : memref<80x128xf32, #tpu.memory_space<vmem_shared>>) dst(%dma_wait3A_91 : memref<80x128xf32, #tpu.memory_space<hbm>>)
      tpu.yield
    }) : () -> ()
    %mul3A_68 = arith.constant 640 : i32
    %mul3A_69 = arith.muli %arg1, %mul3A_68 : i32
    %add3A_70 = arith.constant 320 : i32
    %add3A_71 = arith.addi %mul3A_69, %add3A_70 : i32
    "tpu.region"() ({
      %run_scoped3A_84 = tpu.sem_alloc : memref<!tpu.dma_semaphore, #tpu.memory_space<semaphore_mem>>
      %dma_start3A_85 = arith.constant 0 : i32
      %dma_start3A_86 = tpu.memref_slice %arg5[%arg0, %add3A_71, %dma_start3A_85] : memref<2x10240x128xf32, #tpu.memory_space<hbm>> -> memref<1x80x128xf32, #tpu.memory_space<hbm>>
      %dma_start3A_87 = tpu.memref_squeeze %dma_start3A_86 : memref<1x80x128xf32, #tpu.memory_space<hbm>> -> memref<80x128xf32, #tpu.memory_space<hbm>>
      %dma_start3A_88 = arith.constant 0 : i32
      %dma_start3A_89 = tpu.memref_slice %arg12[%add3A_71, %dma_start3A_88] : memref<10240x128xf32, #tpu.memory_space<vmem_shared>> -> memref<80x128xf32, #tpu.memory_space<vmem_shared>>
      tpu.enqueue_dma source(%dma_start3A_89 : memref<80x128xf32, #tpu.memory_space<vmem_shared>>) target(%dma_start3A_87 : memref<80x128xf32, #tpu.memory_space<hbm>>) target_semaphore(%run_scoped3A_84 : memref<!tpu.dma_semaphore, #tpu.memory_space<semaphore_mem>>)
      %dma_wait3A = arith.constant 0 : i32
      %dma_wait3A_90 = tpu.memref_slice %arg5[%arg0, %add3A_71, %dma_wait3A] : memref<2x10240x128xf32, #tpu.memory_space<hbm>> -> memref<1x80x128xf32, #tpu.memory_space<hbm>>
      %dma_wait3A_91 = tpu.memref_squeeze %dma_wait3A_90 : memref<1x80x128xf32, #tpu.memory_space<hbm>> -> memref<80x128xf32, #tpu.memory_space<hbm>>
      %dma_wait3A_92 = arith.constant 0 : i32
      %dma_wait3A_93 = tpu.memref_slice %arg12[%add3A_71, %dma_wait3A_92] : memref<10240x128xf32, #tpu.memory_space<vmem_shared>> -> memref<80x128xf32, #tpu.memory_space<vmem_shared>>
      tpu.wait_dma2 semaphore(%run_scoped3A_84 : memref<!tpu.dma_semaphore, #tpu.memory_space<semaphore_mem>>) src(%dma_wait3A_93 : memref<80x128xf32, #tpu.memory_space<vmem_shared>>) dst(%dma_wait3A_91 : memref<80x128xf32, #tpu.memory_space<hbm>>)
      tpu.yield
    }) : () -> ()
    %mul3A_72 = arith.constant 640 : i32
    %mul3A_73 = arith.muli %arg1, %mul3A_72 : i32
    %add3A_74 = arith.constant 400 : i32
    %add3A_75 = arith.addi %mul3A_73, %add3A_74 : i32
    "tpu.region"() ({
      %run_scoped3A_84 = tpu.sem_alloc : memref<!tpu.dma_semaphore, #tpu.memory_space<semaphore_mem>>
      %dma_start3A_85 = arith.constant 0 : i32
      %dma_start3A_86 = tpu.memref_slice %arg5[%arg0, %add3A_75, %dma_start3A_85] : memref<2x10240x128xf32, #tpu.memory_space<hbm>> -> memref<1x80x128xf32, #tpu.memory_space<hbm>>
      %dma_start3A_87 = tpu.memref_squeeze %dma_start3A_86 : memref<1x80x128xf32, #tpu.memory_space<hbm>> -> memref<80x128xf32, #tpu.memory_space<hbm>>
      %dma_start3A_88 = arith.constant 0 : i32
      %dma_start3A_89 = tpu.memref_slice %arg12[%add3A_75, %dma_start3A_88] : memref<10240x128xf32, #tpu.memory_space<vmem_shared>> -> memref<80x128xf32, #tpu.memory_space<vmem_shared>>
      tpu.enqueue_dma source(%dma_start3A_89 : memref<80x128xf32, #tpu.memory_space<vmem_shared>>) target(%dma_start3A_87 : memref<80x128xf32, #tpu.memory_space<hbm>>) target_semaphore(%run_scoped3A_84 : memref<!tpu.dma_semaphore, #tpu.memory_space<semaphore_mem>>)
      %dma_wait3A = arith.constant 0 : i32
      %dma_wait3A_90 = tpu.memref_slice %arg5[%arg0, %add3A_75, %dma_wait3A] : memref<2x10240x128xf32, #tpu.memory_space<hbm>> -> memref<1x80x128xf32, #tpu.memory_space<hbm>>
      %dma_wait3A_91 = tpu.memref_squeeze %dma_wait3A_90 : memref<1x80x128xf32, #tpu.memory_space<hbm>> -> memref<80x128xf32, #tpu.memory_space<hbm>>
      %dma_wait3A_92 = arith.constant 0 : i32
      %dma_wait3A_93 = tpu.memref_slice %arg12[%add3A_75, %dma_wait3A_92] : memref<10240x128xf32, #tpu.memory_space<vmem_shared>> -> memref<80x128xf32, #tpu.memory_space<vmem_shared>>
      tpu.wait_dma2 semaphore(%run_scoped3A_84 : memref<!tpu.dma_semaphore, #tpu.memory_space<semaphore_mem>>) src(%dma_wait3A_93 : memref<80x128xf32, #tpu.memory_space<vmem_shared>>) dst(%dma_wait3A_91 : memref<80x128xf32, #tpu.memory_space<hbm>>)
      tpu.yield
    }) : () -> ()
    %mul3A_76 = arith.constant 640 : i32
    %mul3A_77 = arith.muli %arg1, %mul3A_76 : i32
    %add3A_78 = arith.constant 480 : i32
    %add3A_79 = arith.addi %mul3A_77, %add3A_78 : i32
    "tpu.region"() ({
      %run_scoped3A_84 = tpu.sem_alloc : memref<!tpu.dma_semaphore, #tpu.memory_space<semaphore_mem>>
      %dma_start3A_85 = arith.constant 0 : i32
      %dma_start3A_86 = tpu.memref_slice %arg5[%arg0, %add3A_79, %dma_start3A_85] : memref<2x10240x128xf32, #tpu.memory_space<hbm>> -> memref<1x80x128xf32, #tpu.memory_space<hbm>>
      %dma_start3A_87 = tpu.memref_squeeze %dma_start3A_86 : memref<1x80x128xf32, #tpu.memory_space<hbm>> -> memref<80x128xf32, #tpu.memory_space<hbm>>
      %dma_start3A_88 = arith.constant 0 : i32
      %dma_start3A_89 = tpu.memref_slice %arg12[%add3A_79, %dma_start3A_88] : memref<10240x128xf32, #tpu.memory_space<vmem_shared>> -> memref<80x128xf32, #tpu.memory_space<vmem_shared>>
      tpu.enqueue_dma source(%dma_start3A_89 : memref<80x128xf32, #tpu.memory_space<vmem_shared>>) target(%dma_start3A_87 : memref<80x128xf32, #tpu.memory_space<hbm>>) target_semaphore(%run_scoped3A_84 : memref<!tpu.dma_semaphore, #tpu.memory_space<semaphore_mem>>)
      %dma_wait3A = arith.constant 0 : i32
      %dma_wait3A_90 = tpu.memref_slice %arg5[%arg0, %add3A_79, %dma_wait3A] : memref<2x10240x128xf32, #tpu.memory_space<hbm>> -> memref<1x80x128xf32, #tpu.memory_space<hbm>>
      %dma_wait3A_91 = tpu.memref_squeeze %dma_wait3A_90 : memref<1x80x128xf32, #tpu.memory_space<hbm>> -> memref<80x128xf32, #tpu.memory_space<hbm>>
      %dma_wait3A_92 = arith.constant 0 : i32
      %dma_wait3A_93 = tpu.memref_slice %arg12[%add3A_79, %dma_wait3A_92] : memref<10240x128xf32, #tpu.memory_space<vmem_shared>> -> memref<80x128xf32, #tpu.memory_space<vmem_shared>>
      tpu.wait_dma2 semaphore(%run_scoped3A_84 : memref<!tpu.dma_semaphore, #tpu.memory_space<semaphore_mem>>) src(%dma_wait3A_93 : memref<80x128xf32, #tpu.memory_space<vmem_shared>>) dst(%dma_wait3A_91 : memref<80x128xf32, #tpu.memory_space<hbm>>)
      tpu.yield
    }) : () -> ()
    %mul3A_80 = arith.constant 640 : i32
    %mul3A_81 = arith.muli %arg1, %mul3A_80 : i32
    %add3A_82 = arith.constant 560 : i32
    %add3A_83 = arith.addi %mul3A_81, %add3A_82 : i32
    "tpu.region"() ({
      %run_scoped3A_84 = tpu.sem_alloc : memref<!tpu.dma_semaphore, #tpu.memory_space<semaphore_mem>>
      %dma_start3A_85 = arith.constant 0 : i32
      %dma_start3A_86 = tpu.memref_slice %arg5[%arg0, %add3A_83, %dma_start3A_85] : memref<2x10240x128xf32, #tpu.memory_space<hbm>> -> memref<1x80x128xf32, #tpu.memory_space<hbm>>
      %dma_start3A_87 = tpu.memref_squeeze %dma_start3A_86 : memref<1x80x128xf32, #tpu.memory_space<hbm>> -> memref<80x128xf32, #tpu.memory_space<hbm>>
      %dma_start3A_88 = arith.constant 0 : i32
      %dma_start3A_89 = tpu.memref_slice %arg12[%add3A_83, %dma_start3A_88] : memref<10240x128xf32, #tpu.memory_space<vmem_shared>> -> memref<80x128xf32, #tpu.memory_space<vmem_shared>>
      tpu.enqueue_dma source(%dma_start3A_89 : memref<80x128xf32, #tpu.memory_space<vmem_shared>>) target(%dma_start3A_87 : memref<80x128xf32, #tpu.memory_space<hbm>>) target_semaphore(%run_scoped3A_84 : memref<!tpu.dma_semaphore, #tpu.memory_space<semaphore_mem>>)
      %dma_wait3A = arith.constant 0 : i32
      %dma_wait3A_90 = tpu.memref_slice %arg5[%arg0, %add3A_83, %dma_wait3A] : memref<2x10240x128xf32, #tpu.memory_space<hbm>> -> memref<1x80x128xf32, #tpu.memory_space<hbm>>
      %dma_wait3A_91 = tpu.memref_squeeze %dma_wait3A_90 : memref<1x80x128xf32, #tpu.memory_space<hbm>> -> memref<80x128xf32, #tpu.memory_space<hbm>>
      %dma_wait3A_92 = arith.constant 0 : i32
      %dma_wait3A_93 = tpu.memref_slice %arg12[%add3A_83, %dma_wait3A_92] : memref<10240x128xf32, #tpu.memory_space<vmem_shared>> -> memref<80x128xf32, #tpu.memory_space<vmem_shared>>
      tpu.wait_dma2 semaphore(%run_scoped3A_84 : memref<!tpu.dma_semaphore, #tpu.memory_space<semaphore_mem>>) src(%dma_wait3A_93 : memref<80x128xf32, #tpu.memory_space<vmem_shared>>) dst(%dma_wait3A_91 : memref<80x128xf32, #tpu.memory_space<hbm>>)
      tpu.yield
    }) : () -> ()
    return
  }
}

#map = affine_map<(d0, d1) -> (0, 0, 0, 0)>
#map1 = affine_map<(d0, d1) -> (0, 0, 0)>
module attributes {stable_mosaic.version = 14 : i64} {
  func.func @_deg_body(%arg0: i32, %arg1: i32, %arg2: memref<32x25x5x80xi32, #tpu.memory_space<hbm>>, %arg3: memref<32x80x128xf32, #tpu.memory_space<hbm>>, %arg4: memref<5x80xi32, #tpu.memory_space<vmem>>, %arg5: memref<80x128xf32, #tpu.memory_space<vmem>>, %arg6: memref<!tpu.dma_semaphore, #tpu.memory_space<semaphore_mem>>) attributes {dimension_semantics = [#tpu.dimension_semantics<core_parallel>, #tpu.dimension_semantics<subcore_parallel>], iteration_bounds = array<i64: 2, 16>, scalar_prefetch = 0 : i64, scratch_operands = 3 : i64, tpu.core_type = #tpu.core_type<sc_vector_subcore>, window_params = [{transform_indices = #map}, {transform_indices = #map1}]} {
    %mul3A = arith.constant 2 : i32
    %mul3A_0 = arith.muli %arg1, %mul3A : i32
    %add3A = arith.addi %mul3A_0, %arg0 : i32
    %scan3A = arith.constant 0 : i32
    %scan3A_1 = arith.constant 0 : i32
    %scan3A_2 = arith.constant 80 : i32
    %scan3A_3 = arith.addi %scan3A_1, %scan3A_2 : i32
    %scan3A_4 = arith.constant 1 : i32
    scf.for %scan3A_13 = %scan3A_1 to %scan3A_3 step %scan3A_4  : i32 {
      %broadcast_in_dim3A_14 = arith.constant 0.000000e+00 : f32
      %broadcast_in_dim3A_15 = vector.broadcast %broadcast_in_dim3A_14 : f32 to vector<16xf32>
      %swap3A = arith.index_cast %scan3A_13 : i32 to index
      %swap3A_16 = arith.constant 0 : index
      %swap3A_17 = tpu.vector_load %arg5[%swap3A, %swap3A_16] {strides = array<i32>} : memref<80x128xf32, #tpu.memory_space<vmem>>, vector<16xf32>,
      tpu.vector_store %arg5[%swap3A, %swap3A_16], %broadcast_in_dim3A_15 {strides = array<i32>} : memref<80x128xf32, #tpu.memory_space<vmem>>, vector<16xf32>,
      %broadcast_in_dim3A_18 = arith.constant 0.000000e+00 : f32
      %broadcast_in_dim3A_19 = vector.broadcast %broadcast_in_dim3A_18 : f32 to vector<16xf32>
      %swap3A_20 = arith.index_cast %scan3A_13 : i32 to index
      %swap3A_21 = arith.constant 16 : index
      %swap3A_22 = tpu.vector_load %arg5[%swap3A_20, %swap3A_21] {strides = array<i32>} : memref<80x128xf32, #tpu.memory_space<vmem>>, vector<16xf32>,
      tpu.vector_store %arg5[%swap3A_20, %swap3A_21], %broadcast_in_dim3A_19 {strides = array<i32>} : memref<80x128xf32, #tpu.memory_space<vmem>>, vector<16xf32>,
      %broadcast_in_dim3A_23 = arith.constant 0.000000e+00 : f32
      %broadcast_in_dim3A_24 = vector.broadcast %broadcast_in_dim3A_23 : f32 to vector<16xf32>
      %swap3A_25 = arith.index_cast %scan3A_13 : i32 to index
      %swap3A_26 = arith.constant 32 : index
      %swap3A_27 = tpu.vector_load %arg5[%swap3A_25, %swap3A_26] {strides = array<i32>} : memref<80x128xf32, #tpu.memory_space<vmem>>, vector<16xf32>,
      tpu.vector_store %arg5[%swap3A_25, %swap3A_26], %broadcast_in_dim3A_24 {strides = array<i32>} : memref<80x128xf32, #tpu.memory_space<vmem>>, vector<16xf32>,
      %broadcast_in_dim3A_28 = arith.constant 0.000000e+00 : f32
      %broadcast_in_dim3A_29 = vector.broadcast %broadcast_in_dim3A_28 : f32 to vector<16xf32>
      %swap3A_30 = arith.index_cast %scan3A_13 : i32 to index
      %swap3A_31 = arith.constant 48 : index
      %swap3A_32 = tpu.vector_load %arg5[%swap3A_30, %swap3A_31] {strides = array<i32>} : memref<80x128xf32, #tpu.memory_space<vmem>>, vector<16xf32>,
      tpu.vector_store %arg5[%swap3A_30, %swap3A_31], %broadcast_in_dim3A_29 {strides = array<i32>} : memref<80x128xf32, #tpu.memory_space<vmem>>, vector<16xf32>,
      %broadcast_in_dim3A_33 = arith.constant 0.000000e+00 : f32
      %broadcast_in_dim3A_34 = vector.broadcast %broadcast_in_dim3A_33 : f32 to vector<16xf32>
      %swap3A_35 = arith.index_cast %scan3A_13 : i32 to index
      %swap3A_36 = arith.constant 64 : index
      %swap3A_37 = tpu.vector_load %arg5[%swap3A_35, %swap3A_36] {strides = array<i32>} : memref<80x128xf32, #tpu.memory_space<vmem>>, vector<16xf32>,
      tpu.vector_store %arg5[%swap3A_35, %swap3A_36], %broadcast_in_dim3A_34 {strides = array<i32>} : memref<80x128xf32, #tpu.memory_space<vmem>>, vector<16xf32>,
      %broadcast_in_dim3A_38 = arith.constant 0.000000e+00 : f32
      %broadcast_in_dim3A_39 = vector.broadcast %broadcast_in_dim3A_38 : f32 to vector<16xf32>
      %swap3A_40 = arith.index_cast %scan3A_13 : i32 to index
      %swap3A_41 = arith.constant 80 : index
      %swap3A_42 = tpu.vector_load %arg5[%swap3A_40, %swap3A_41] {strides = array<i32>} : memref<80x128xf32, #tpu.memory_space<vmem>>, vector<16xf32>,
      tpu.vector_store %arg5[%swap3A_40, %swap3A_41], %broadcast_in_dim3A_39 {strides = array<i32>} : memref<80x128xf32, #tpu.memory_space<vmem>>, vector<16xf32>,
      %broadcast_in_dim3A_43 = arith.constant 0.000000e+00 : f32
      %broadcast_in_dim3A_44 = vector.broadcast %broadcast_in_dim3A_43 : f32 to vector<16xf32>
      %swap3A_45 = arith.index_cast %scan3A_13 : i32 to index
      %swap3A_46 = arith.constant 96 : index
      %swap3A_47 = tpu.vector_load %arg5[%swap3A_45, %swap3A_46] {strides = array<i32>} : memref<80x128xf32, #tpu.memory_space<vmem>>, vector<16xf32>,
      tpu.vector_store %arg5[%swap3A_45, %swap3A_46], %broadcast_in_dim3A_44 {strides = array<i32>} : memref<80x128xf32, #tpu.memory_space<vmem>>, vector<16xf32>,
      %broadcast_in_dim3A_48 = arith.constant 0.000000e+00 : f32
      %broadcast_in_dim3A_49 = vector.broadcast %broadcast_in_dim3A_48 : f32 to vector<16xf32>
      %swap3A_50 = arith.index_cast %scan3A_13 : i32 to index
      %swap3A_51 = arith.constant 112 : index
      %swap3A_52 = tpu.vector_load %arg5[%swap3A_50, %swap3A_51] {strides = array<i32>} : memref<80x128xf32, #tpu.memory_space<vmem>>, vector<16xf32>,
      tpu.vector_store %arg5[%swap3A_50, %swap3A_51], %broadcast_in_dim3A_49 {strides = array<i32>} : memref<80x128xf32, #tpu.memory_space<vmem>>, vector<16xf32>,
    }
    %scan3A_5 = arith.constant 80 : i32
    %broadcast_in_dim3A = arith.constant 1.000000e+00 : f32
    %broadcast_in_dim3A_6 = vector.broadcast %broadcast_in_dim3A : f32 to vector<16xf32>
    %scan3A_7 = arith.constant 0 : i32
    %scan3A_8 = arith.constant 0 : i32
    %scan3A_9 = arith.constant 25 : i32
    %scan3A_10 = arith.addi %scan3A_8, %scan3A_9 : i32
    %scan3A_11 = arith.constant 1 : i32
    scf.for %scan3A_13 = %scan3A_8 to %scan3A_10 step %scan3A_11  : i32 {
      "tpu.region"() ({
        %run_scoped3A = tpu.sem_alloc : memref<!tpu.dma_semaphore, #tpu.memory_space<semaphore_mem>>
        %dma_start3A = arith.constant 0 : i32
        %dma_start3A_261 = arith.constant 0 : i32
        %dma_start3A_262 = tpu.memref_slice %arg2[%add3A, %scan3A_13, %dma_start3A, %dma_start3A_261] : memref<32x25x5x80xi32, #tpu.memory_space<hbm>> -> memref<1x1x5x80xi32, #tpu.memory_space<hbm>>
        %dma_start3A_263 = tpu.memref_squeeze %dma_start3A_262 : memref<1x1x5x80xi32, #tpu.memory_space<hbm>> -> memref<5x80xi32, #tpu.memory_space<hbm>>
        %dma_start3A_264 = arith.constant 0 : i32
        %dma_start3A_265 = arith.constant 0 : i32
        %dma_start3A_266 = tpu.memref_slice %arg2[%add3A, %scan3A_13, %dma_start3A_264, %dma_start3A_265] : memref<32x25x5x80xi32, #tpu.memory_space<hbm>> -> memref<1x1x5x80xi32, #tpu.memory_space<hbm>>
        %dma_start3A_267 = tpu.memref_squeeze %dma_start3A_266 : memref<1x1x5x80xi32, #tpu.memory_space<hbm>> -> memref<5x80xi32, #tpu.memory_space<hbm>>
        tpu.enqueue_dma source(%dma_start3A_267 : memref<5x80xi32, #tpu.memory_space<hbm>>) target(%arg4 : memref<5x80xi32, #tpu.memory_space<vmem>>) target_semaphore(%run_scoped3A : memref<!tpu.dma_semaphore, #tpu.memory_space<semaphore_mem>>)
        %dma_wait3A = arith.constant 0 : i32
        %dma_wait3A_268 = arith.constant 0 : i32
        %dma_wait3A_269 = tpu.memref_slice %arg2[%add3A, %scan3A_13, %dma_wait3A, %dma_wait3A_268] : memref<32x25x5x80xi32, #tpu.memory_space<hbm>> -> memref<1x1x5x80xi32, #tpu.memory_space<hbm>>
        %dma_wait3A_270 = tpu.memref_squeeze %dma_wait3A_269 : memref<1x1x5x80xi32, #tpu.memory_space<hbm>> -> memref<5x80xi32, #tpu.memory_space<hbm>>
        %dma_wait3A_271 = arith.constant 0 : i32
        %dma_wait3A_272 = arith.constant 0 : i32
        %dma_wait3A_273 = tpu.memref_slice %arg2[%add3A, %scan3A_13, %dma_wait3A_271, %dma_wait3A_272] : memref<32x25x5x80xi32, #tpu.memory_space<hbm>> -> memref<1x1x5x80xi32, #tpu.memory_space<hbm>>
        %dma_wait3A_274 = tpu.memref_squeeze %dma_wait3A_273 : memref<1x1x5x80xi32, #tpu.memory_space<hbm>> -> memref<5x80xi32, #tpu.memory_space<hbm>>
        tpu.wait_dma2 semaphore(%run_scoped3A : memref<!tpu.dma_semaphore, #tpu.memory_space<semaphore_mem>>) src(%dma_wait3A_274 : memref<5x80xi32, #tpu.memory_space<hbm>>) dst(%arg4 : memref<5x80xi32, #tpu.memory_space<vmem>>)
        tpu.yield
      }) : () -> ()
      %get3A = arith.constant 0 : i32
      %get3A_14 = arith.index_cast %get3A : i32 to index
      %get3A_15 = arith.constant 0 : index
      %get3A_16 = tpu.vector_load %arg4[%get3A_14, %get3A_15] {strides = array<i32>} : memref<5x80xi32, #tpu.memory_space<vmem>>, vector<16xi32>,
      %shift_right_arithmetic3A = arith.constant 7 : i32
      %shift_right_arithmetic3A_17 = vector.broadcast %shift_right_arithmetic3A : i32 to vector<16xi32>
      %shift_right_arithmetic3A_18 = arith.shrsi %get3A_16, %shift_right_arithmetic3A_17 : vector<16xi32>
      %and3A = arith.constant 127 : i32
      %and3A_19 = vector.broadcast %and3A : i32 to vector<16xi32>
      %and3A_20 = arith.andi %get3A_16, %and3A_19 : vector<16xi32>
      tpu.vector_store_idx %arg5[%shift_right_arithmetic3A_18, %and3A_20], %broadcast_in_dim3A_6 {add = true} : memref<80x128xf32, #tpu.memory_space<vmem>>[vector<16xi32>, vector<16xi32>], vector<16xf32>,
      %get3A_21 = arith.constant 0 : i32
      %get3A_22 = arith.index_cast %get3A_21 : i32 to index
      %get3A_23 = arith.constant 16 : index
      %get3A_24 = tpu.vector_load %arg4[%get3A_22, %get3A_23] {strides = array<i32>} : memref<5x80xi32, #tpu.memory_space<vmem>>, vector<16xi32>,
      %shift_right_arithmetic3A_25 = arith.constant 7 : i32
      %shift_right_arithmetic3A_26 = vector.broadcast %shift_right_arithmetic3A_25 : i32 to vector<16xi32>
      %shift_right_arithmetic3A_27 = arith.shrsi %get3A_24, %shift_right_arithmetic3A_26 : vector<16xi32>
      %and3A_28 = arith.constant 127 : i32
      %and3A_29 = vector.broadcast %and3A_28 : i32 to vector<16xi32>
      %and3A_30 = arith.andi %get3A_24, %and3A_29 : vector<16xi32>
      tpu.vector_store_idx %arg5[%shift_right_arithmetic3A_27, %and3A_30], %broadcast_in_dim3A_6 {add = true} : memref<80x128xf32, #tpu.memory_space<vmem>>[vector<16xi32>, vector<16xi32>], vector<16xf32>,
      %get3A_31 = arith.constant 0 : i32
      %get3A_32 = arith.index_cast %get3A_31 : i32 to index
      %get3A_33 = arith.constant 32 : index
      %get3A_34 = tpu.vector_load %arg4[%get3A_32, %get3A_33] {strides = array<i32>} : memref<5x80xi32, #tpu.memory_space<vmem>>, vector<16xi32>,
      %shift_right_arithmetic3A_35 = arith.constant 7 : i32
      %shift_right_arithmetic3A_36 = vector.broadcast %shift_right_arithmetic3A_35 : i32 to vector<16xi32>
      %shift_right_arithmetic3A_37 = arith.shrsi %get3A_34, %shift_right_arithmetic3A_36 : vector<16xi32>
      %and3A_38 = arith.constant 127 : i32
      %and3A_39 = vector.broadcast %and3A_38 : i32 to vector<16xi32>
      %and3A_40 = arith.andi %get3A_34, %and3A_39 : vector<16xi32>
      tpu.vector_store_idx %arg5[%shift_right_arithmetic3A_37, %and3A_40], %broadcast_in_dim3A_6 {add = true} : memref<80x128xf32, #tpu.memory_space<vmem>>[vector<16xi32>, vector<16xi32>], vector<16xf32>,
      %get3A_41 = arith.constant 0 : i32
      %get3A_42 = arith.index_cast %get3A_41 : i32 to index
      %get3A_43 = arith.constant 48 : index
      %get3A_44 = tpu.vector_load %arg4[%get3A_42, %get3A_43] {strides = array<i32>} : memref<5x80xi32, #tpu.memory_space<vmem>>, vector<16xi32>,
      %shift_right_arithmetic3A_45 = arith.constant 7 : i32
      %shift_right_arithmetic3A_46 = vector.broadcast %shift_right_arithmetic3A_45 : i32 to vector<16xi32>
      %shift_right_arithmetic3A_47 = arith.shrsi %get3A_44, %shift_right_arithmetic3A_46 : vector<16xi32>
      %and3A_48 = arith.constant 127 : i32
      %and3A_49 = vector.broadcast %and3A_48 : i32 to vector<16xi32>
      %and3A_50 = arith.andi %get3A_44, %and3A_49 : vector<16xi32>
      tpu.vector_store_idx %arg5[%shift_right_arithmetic3A_47, %and3A_50], %broadcast_in_dim3A_6 {add = true} : memref<80x128xf32, #tpu.memory_space<vmem>>[vector<16xi32>, vector<16xi32>], vector<16xf32>,
      %get3A_51 = arith.constant 0 : i32
      %get3A_52 = arith.index_cast %get3A_51 : i32 to index
      %get3A_53 = arith.constant 64 : index
      %get3A_54 = tpu.vector_load %arg4[%get3A_52, %get3A_53] {strides = array<i32>} : memref<5x80xi32, #tpu.memory_space<vmem>>, vector<16xi32>,
      %shift_right_arithmetic3A_55 = arith.constant 7 : i32
      %shift_right_arithmetic3A_56 = vector.broadcast %shift_right_arithmetic3A_55 : i32 to vector<16xi32>
      %shift_right_arithmetic3A_57 = arith.shrsi %get3A_54, %shift_right_arithmetic3A_56 : vector<16xi32>
      %and3A_58 = arith.constant 127 : i32
      %and3A_59 = vector.broadcast %and3A_58 : i32 to vector<16xi32>
      %and3A_60 = arith.andi %get3A_54, %and3A_59 : vector<16xi32>
      tpu.vector_store_idx %arg5[%shift_right_arithmetic3A_57, %and3A_60], %broadcast_in_dim3A_6 {add = true} : memref<80x128xf32, #tpu.memory_space<vmem>>[vector<16xi32>, vector<16xi32>], vector<16xf32>,
      %get3A_61 = arith.constant 1 : i32
      %get3A_62 = arith.index_cast %get3A_61 : i32 to index
      %get3A_63 = arith.constant 0 : index
      %get3A_64 = tpu.vector_load %arg4[%get3A_62, %get3A_63] {strides = array<i32>} : memref<5x80xi32, #tpu.memory_space<vmem>>, vector<16xi32>,
      %shift_right_arithmetic3A_65 = arith.constant 7 : i32
      %shift_right_arithmetic3A_66 = vector.broadcast %shift_right_arithmetic3A_65 : i32 to vector<16xi32>
      %shift_right_arithmetic3A_67 = arith.shrsi %get3A_64, %shift_right_arithmetic3A_66 : vector<16xi32>
      %and3A_68 = arith.constant 127 : i32
      %and3A_69 = vector.broadcast %and3A_68 : i32 to vector<16xi32>
      %and3A_70 = arith.andi %get3A_64, %and3A_69 : vector<16xi32>
      tpu.vector_store_idx %arg5[%shift_right_arithmetic3A_67, %and3A_70], %broadcast_in_dim3A_6 {add = true} : memref<80x128xf32, #tpu.memory_space<vmem>>[vector<16xi32>, vector<16xi32>], vector<16xf32>,
      %get3A_71 = arith.constant 1 : i32
      %get3A_72 = arith.index_cast %get3A_71 : i32 to index
      %get3A_73 = arith.constant 16 : index
      %get3A_74 = tpu.vector_load %arg4[%get3A_72, %get3A_73] {strides = array<i32>} : memref<5x80xi32, #tpu.memory_space<vmem>>, vector<16xi32>,
      %shift_right_arithmetic3A_75 = arith.constant 7 : i32
      %shift_right_arithmetic3A_76 = vector.broadcast %shift_right_arithmetic3A_75 : i32 to vector<16xi32>
      %shift_right_arithmetic3A_77 = arith.shrsi %get3A_74, %shift_right_arithmetic3A_76 : vector<16xi32>
      %and3A_78 = arith.constant 127 : i32
      %and3A_79 = vector.broadcast %and3A_78 : i32 to vector<16xi32>
      %and3A_80 = arith.andi %get3A_74, %and3A_79 : vector<16xi32>
      tpu.vector_store_idx %arg5[%shift_right_arithmetic3A_77, %and3A_80], %broadcast_in_dim3A_6 {add = true} : memref<80x128xf32, #tpu.memory_space<vmem>>[vector<16xi32>, vector<16xi32>], vector<16xf32>,
      %get3A_81 = arith.constant 1 : i32
      %get3A_82 = arith.index_cast %get3A_81 : i32 to index
      %get3A_83 = arith.constant 32 : index
      %get3A_84 = tpu.vector_load %arg4[%get3A_82, %get3A_83] {strides = array<i32>} : memref<5x80xi32, #tpu.memory_space<vmem>>, vector<16xi32>,
      %shift_right_arithmetic3A_85 = arith.constant 7 : i32
      %shift_right_arithmetic3A_86 = vector.broadcast %shift_right_arithmetic3A_85 : i32 to vector<16xi32>
      %shift_right_arithmetic3A_87 = arith.shrsi %get3A_84, %shift_right_arithmetic3A_86 : vector<16xi32>
      %and3A_88 = arith.constant 127 : i32
      %and3A_89 = vector.broadcast %and3A_88 : i32 to vector<16xi32>
      %and3A_90 = arith.andi %get3A_84, %and3A_89 : vector<16xi32>
      tpu.vector_store_idx %arg5[%shift_right_arithmetic3A_87, %and3A_90], %broadcast_in_dim3A_6 {add = true} : memref<80x128xf32, #tpu.memory_space<vmem>>[vector<16xi32>, vector<16xi32>], vector<16xf32>,
      %get3A_91 = arith.constant 1 : i32
      %get3A_92 = arith.index_cast %get3A_91 : i32 to index
      %get3A_93 = arith.constant 48 : index
      %get3A_94 = tpu.vector_load %arg4[%get3A_92, %get3A_93] {strides = array<i32>} : memref<5x80xi32, #tpu.memory_space<vmem>>, vector<16xi32>,
      %shift_right_arithmetic3A_95 = arith.constant 7 : i32
      %shift_right_arithmetic3A_96 = vector.broadcast %shift_right_arithmetic3A_95 : i32 to vector<16xi32>
      %shift_right_arithmetic3A_97 = arith.shrsi %get3A_94, %shift_right_arithmetic3A_96 : vector<16xi32>
      %and3A_98 = arith.constant 127 : i32
      %and3A_99 = vector.broadcast %and3A_98 : i32 to vector<16xi32>
      %and3A_100 = arith.andi %get3A_94, %and3A_99 : vector<16xi32>
      tpu.vector_store_idx %arg5[%shift_right_arithmetic3A_97, %and3A_100], %broadcast_in_dim3A_6 {add = true} : memref<80x128xf32, #tpu.memory_space<vmem>>[vector<16xi32>, vector<16xi32>], vector<16xf32>,
      %get3A_101 = arith.constant 1 : i32
      %get3A_102 = arith.index_cast %get3A_101 : i32 to index
      %get3A_103 = arith.constant 64 : index
      %get3A_104 = tpu.vector_load %arg4[%get3A_102, %get3A_103] {strides = array<i32>} : memref<5x80xi32, #tpu.memory_space<vmem>>, vector<16xi32>,
      %shift_right_arithmetic3A_105 = arith.constant 7 : i32
      %shift_right_arithmetic3A_106 = vector.broadcast %shift_right_arithmetic3A_105 : i32 to vector<16xi32>
      %shift_right_arithmetic3A_107 = arith.shrsi %get3A_104, %shift_right_arithmetic3A_106 : vector<16xi32>
      %and3A_108 = arith.constant 127 : i32
      %and3A_109 = vector.broadcast %and3A_108 : i32 to vector<16xi32>
      %and3A_110 = arith.andi %get3A_104, %and3A_109 : vector<16xi32>
      tpu.vector_store_idx %arg5[%shift_right_arithmetic3A_107, %and3A_110], %broadcast_in_dim3A_6 {add = true} : memref<80x128xf32, #tpu.memory_space<vmem>>[vector<16xi32>, vector<16xi32>], vector<16xf32>,
      %get3A_111 = arith.constant 2 : i32
      %get3A_112 = arith.index_cast %get3A_111 : i32 to index
      %get3A_113 = arith.constant 0 : index
      %get3A_114 = tpu.vector_load %arg4[%get3A_112, %get3A_113] {strides = array<i32>} : memref<5x80xi32, #tpu.memory_space<vmem>>, vector<16xi32>,
      %shift_right_arithmetic3A_115 = arith.constant 7 : i32
      %shift_right_arithmetic3A_116 = vector.broadcast %shift_right_arithmetic3A_115 : i32 to vector<16xi32>
      %shift_right_arithmetic3A_117 = arith.shrsi %get3A_114, %shift_right_arithmetic3A_116 : vector<16xi32>
      %and3A_118 = arith.constant 127 : i32
      %and3A_119 = vector.broadcast %and3A_118 : i32 to vector<16xi32>
      %and3A_120 = arith.andi %get3A_114, %and3A_119 : vector<16xi32>
      tpu.vector_store_idx %arg5[%shift_right_arithmetic3A_117, %and3A_120], %broadcast_in_dim3A_6 {add = true} : memref<80x128xf32, #tpu.memory_space<vmem>>[vector<16xi32>, vector<16xi32>], vector<16xf32>,
      %get3A_121 = arith.constant 2 : i32
      %get3A_122 = arith.index_cast %get3A_121 : i32 to index
      %get3A_123 = arith.constant 16 : index
      %get3A_124 = tpu.vector_load %arg4[%get3A_122, %get3A_123] {strides = array<i32>} : memref<5x80xi32, #tpu.memory_space<vmem>>, vector<16xi32>,
      %shift_right_arithmetic3A_125 = arith.constant 7 : i32
      %shift_right_arithmetic3A_126 = vector.broadcast %shift_right_arithmetic3A_125 : i32 to vector<16xi32>
      %shift_right_arithmetic3A_127 = arith.shrsi %get3A_124, %shift_right_arithmetic3A_126 : vector<16xi32>
      %and3A_128 = arith.constant 127 : i32
      %and3A_129 = vector.broadcast %and3A_128 : i32 to vector<16xi32>
      %and3A_130 = arith.andi %get3A_124, %and3A_129 : vector<16xi32>
      tpu.vector_store_idx %arg5[%shift_right_arithmetic3A_127, %and3A_130], %broadcast_in_dim3A_6 {add = true} : memref<80x128xf32, #tpu.memory_space<vmem>>[vector<16xi32>, vector<16xi32>], vector<16xf32>,
      %get3A_131 = arith.constant 2 : i32
      %get3A_132 = arith.index_cast %get3A_131 : i32 to index
      %get3A_133 = arith.constant 32 : index
      %get3A_134 = tpu.vector_load %arg4[%get3A_132, %get3A_133] {strides = array<i32>} : memref<5x80xi32, #tpu.memory_space<vmem>>, vector<16xi32>,
      %shift_right_arithmetic3A_135 = arith.constant 7 : i32
      %shift_right_arithmetic3A_136 = vector.broadcast %shift_right_arithmetic3A_135 : i32 to vector<16xi32>
      %shift_right_arithmetic3A_137 = arith.shrsi %get3A_134, %shift_right_arithmetic3A_136 : vector<16xi32>
      %and3A_138 = arith.constant 127 : i32
      %and3A_139 = vector.broadcast %and3A_138 : i32 to vector<16xi32>
      %and3A_140 = arith.andi %get3A_134, %and3A_139 : vector<16xi32>
      tpu.vector_store_idx %arg5[%shift_right_arithmetic3A_137, %and3A_140], %broadcast_in_dim3A_6 {add = true} : memref<80x128xf32, #tpu.memory_space<vmem>>[vector<16xi32>, vector<16xi32>], vector<16xf32>,
      %get3A_141 = arith.constant 2 : i32
      %get3A_142 = arith.index_cast %get3A_141 : i32 to index
      %get3A_143 = arith.constant 48 : index
      %get3A_144 = tpu.vector_load %arg4[%get3A_142, %get3A_143] {strides = array<i32>} : memref<5x80xi32, #tpu.memory_space<vmem>>, vector<16xi32>,
      %shift_right_arithmetic3A_145 = arith.constant 7 : i32
      %shift_right_arithmetic3A_146 = vector.broadcast %shift_right_arithmetic3A_145 : i32 to vector<16xi32>
      %shift_right_arithmetic3A_147 = arith.shrsi %get3A_144, %shift_right_arithmetic3A_146 : vector<16xi32>
      %and3A_148 = arith.constant 127 : i32
      %and3A_149 = vector.broadcast %and3A_148 : i32 to vector<16xi32>
      %and3A_150 = arith.andi %get3A_144, %and3A_149 : vector<16xi32>
      tpu.vector_store_idx %arg5[%shift_right_arithmetic3A_147, %and3A_150], %broadcast_in_dim3A_6 {add = true} : memref<80x128xf32, #tpu.memory_space<vmem>>[vector<16xi32>, vector<16xi32>], vector<16xf32>,
      %get3A_151 = arith.constant 2 : i32
      %get3A_152 = arith.index_cast %get3A_151 : i32 to index
      %get3A_153 = arith.constant 64 : index
      %get3A_154 = tpu.vector_load %arg4[%get3A_152, %get3A_153] {strides = array<i32>} : memref<5x80xi32, #tpu.memory_space<vmem>>, vector<16xi32>,
      %shift_right_arithmetic3A_155 = arith.constant 7 : i32
      %shift_right_arithmetic3A_156 = vector.broadcast %shift_right_arithmetic3A_155 : i32 to vector<16xi32>
      %shift_right_arithmetic3A_157 = arith.shrsi %get3A_154, %shift_right_arithmetic3A_156 : vector<16xi32>
      %and3A_158 = arith.constant 127 : i32
      %and3A_159 = vector.broadcast %and3A_158 : i32 to vector<16xi32>
      %and3A_160 = arith.andi %get3A_154, %and3A_159 : vector<16xi32>
      tpu.vector_store_idx %arg5[%shift_right_arithmetic3A_157, %and3A_160], %broadcast_in_dim3A_6 {add = true} : memref<80x128xf32, #tpu.memory_space<vmem>>[vector<16xi32>, vector<16xi32>], vector<16xf32>,
      %get3A_161 = arith.constant 3 : i32
      %get3A_162 = arith.index_cast %get3A_161 : i32 to index
      %get3A_163 = arith.constant 0 : index
      %get3A_164 = tpu.vector_load %arg4[%get3A_162, %get3A_163] {strides = array<i32>} : memref<5x80xi32, #tpu.memory_space<vmem>>, vector<16xi32>,
      %shift_right_arithmetic3A_165 = arith.constant 7 : i32
      %shift_right_arithmetic3A_166 = vector.broadcast %shift_right_arithmetic3A_165 : i32 to vector<16xi32>
      %shift_right_arithmetic3A_167 = arith.shrsi %get3A_164, %shift_right_arithmetic3A_166 : vector<16xi32>
      %and3A_168 = arith.constant 127 : i32
      %and3A_169 = vector.broadcast %and3A_168 : i32 to vector<16xi32>
      %and3A_170 = arith.andi %get3A_164, %and3A_169 : vector<16xi32>
      tpu.vector_store_idx %arg5[%shift_right_arithmetic3A_167, %and3A_170], %broadcast_in_dim3A_6 {add = true} : memref<80x128xf32, #tpu.memory_space<vmem>>[vector<16xi32>, vector<16xi32>], vector<16xf32>,
      %get3A_171 = arith.constant 3 : i32
      %get3A_172 = arith.index_cast %get3A_171 : i32 to index
      %get3A_173 = arith.constant 16 : index
      %get3A_174 = tpu.vector_load %arg4[%get3A_172, %get3A_173] {strides = array<i32>} : memref<5x80xi32, #tpu.memory_space<vmem>>, vector<16xi32>,
      %shift_right_arithmetic3A_175 = arith.constant 7 : i32
      %shift_right_arithmetic3A_176 = vector.broadcast %shift_right_arithmetic3A_175 : i32 to vector<16xi32>
      %shift_right_arithmetic3A_177 = arith.shrsi %get3A_174, %shift_right_arithmetic3A_176 : vector<16xi32>
      %and3A_178 = arith.constant 127 : i32
      %and3A_179 = vector.broadcast %and3A_178 : i32 to vector<16xi32>
      %and3A_180 = arith.andi %get3A_174, %and3A_179 : vector<16xi32>
      tpu.vector_store_idx %arg5[%shift_right_arithmetic3A_177, %and3A_180], %broadcast_in_dim3A_6 {add = true} : memref<80x128xf32, #tpu.memory_space<vmem>>[vector<16xi32>, vector<16xi32>], vector<16xf32>,
      %get3A_181 = arith.constant 3 : i32
      %get3A_182 = arith.index_cast %get3A_181 : i32 to index
      %get3A_183 = arith.constant 32 : index
      %get3A_184 = tpu.vector_load %arg4[%get3A_182, %get3A_183] {strides = array<i32>} : memref<5x80xi32, #tpu.memory_space<vmem>>, vector<16xi32>,
      %shift_right_arithmetic3A_185 = arith.constant 7 : i32
      %shift_right_arithmetic3A_186 = vector.broadcast %shift_right_arithmetic3A_185 : i32 to vector<16xi32>
      %shift_right_arithmetic3A_187 = arith.shrsi %get3A_184, %shift_right_arithmetic3A_186 : vector<16xi32>
      %and3A_188 = arith.constant 127 : i32
      %and3A_189 = vector.broadcast %and3A_188 : i32 to vector<16xi32>
      %and3A_190 = arith.andi %get3A_184, %and3A_189 : vector<16xi32>
      tpu.vector_store_idx %arg5[%shift_right_arithmetic3A_187, %and3A_190], %broadcast_in_dim3A_6 {add = true} : memref<80x128xf32, #tpu.memory_space<vmem>>[vector<16xi32>, vector<16xi32>], vector<16xf32>,
      %get3A_191 = arith.constant 3 : i32
      %get3A_192 = arith.index_cast %get3A_191 : i32 to index
      %get3A_193 = arith.constant 48 : index
      %get3A_194 = tpu.vector_load %arg4[%get3A_192, %get3A_193] {strides = array<i32>} : memref<5x80xi32, #tpu.memory_space<vmem>>, vector<16xi32>,
      %shift_right_arithmetic3A_195 = arith.constant 7 : i32
      %shift_right_arithmetic3A_196 = vector.broadcast %shift_right_arithmetic3A_195 : i32 to vector<16xi32>
      %shift_right_arithmetic3A_197 = arith.shrsi %get3A_194, %shift_right_arithmetic3A_196 : vector<16xi32>
      %and3A_198 = arith.constant 127 : i32
      %and3A_199 = vector.broadcast %and3A_198 : i32 to vector<16xi32>
      %and3A_200 = arith.andi %get3A_194, %and3A_199 : vector<16xi32>
      tpu.vector_store_idx %arg5[%shift_right_arithmetic3A_197, %and3A_200], %broadcast_in_dim3A_6 {add = true} : memref<80x128xf32, #tpu.memory_space<vmem>>[vector<16xi32>, vector<16xi32>], vector<16xf32>,
      %get3A_201 = arith.constant 3 : i32
      %get3A_202 = arith.index_cast %get3A_201 : i32 to index
      %get3A_203 = arith.constant 64 : index
      %get3A_204 = tpu.vector_load %arg4[%get3A_202, %get3A_203] {strides = array<i32>} : memref<5x80xi32, #tpu.memory_space<vmem>>, vector<16xi32>,
      %shift_right_arithmetic3A_205 = arith.constant 7 : i32
      %shift_right_arithmetic3A_206 = vector.broadcast %shift_right_arithmetic3A_205 : i32 to vector<16xi32>
      %shift_right_arithmetic3A_207 = arith.shrsi %get3A_204, %shift_right_arithmetic3A_206 : vector<16xi32>
      %and3A_208 = arith.constant 127 : i32
      %and3A_209 = vector.broadcast %and3A_208 : i32 to vector<16xi32>
      %and3A_210 = arith.andi %get3A_204, %and3A_209 : vector<16xi32>
      tpu.vector_store_idx %arg5[%shift_right_arithmetic3A_207, %and3A_210], %broadcast_in_dim3A_6 {add = true} : memref<80x128xf32, #tpu.memory_space<vmem>>[vector<16xi32>, vector<16xi32>], vector<16xf32>,
      %get3A_211 = arith.constant 4 : i32
      %get3A_212 = arith.index_cast %get3A_211 : i32 to index
      %get3A_213 = arith.constant 0 : index
      %get3A_214 = tpu.vector_load %arg4[%get3A_212, %get3A_213] {strides = array<i32>} : memref<5x80xi32, #tpu.memory_space<vmem>>, vector<16xi32>,
      %shift_right_arithmetic3A_215 = arith.constant 7 : i32
      %shift_right_arithmetic3A_216 = vector.broadcast %shift_right_arithmetic3A_215 : i32 to vector<16xi32>
      %shift_right_arithmetic3A_217 = arith.shrsi %get3A_214, %shift_right_arithmetic3A_216 : vector<16xi32>
      %and3A_218 = arith.constant 127 : i32
      %and3A_219 = vector.broadcast %and3A_218 : i32 to vector<16xi32>
      %and3A_220 = arith.andi %get3A_214, %and3A_219 : vector<16xi32>
      tpu.vector_store_idx %arg5[%shift_right_arithmetic3A_217, %and3A_220], %broadcast_in_dim3A_6 {add = true} : memref<80x128xf32, #tpu.memory_space<vmem>>[vector<16xi32>, vector<16xi32>], vector<16xf32>,
      %get3A_221 = arith.constant 4 : i32
      %get3A_222 = arith.index_cast %get3A_221 : i32 to index
      %get3A_223 = arith.constant 16 : index
      %get3A_224 = tpu.vector_load %arg4[%get3A_222, %get3A_223] {strides = array<i32>} : memref<5x80xi32, #tpu.memory_space<vmem>>, vector<16xi32>,
      %shift_right_arithmetic3A_225 = arith.constant 7 : i32
      %shift_right_arithmetic3A_226 = vector.broadcast %shift_right_arithmetic3A_225 : i32 to vector<16xi32>
      %shift_right_arithmetic3A_227 = arith.shrsi %get3A_224, %shift_right_arithmetic3A_226 : vector<16xi32>
      %and3A_228 = arith.constant 127 : i32
      %and3A_229 = vector.broadcast %and3A_228 : i32 to vector<16xi32>
      %and3A_230 = arith.andi %get3A_224, %and3A_229 : vector<16xi32>
      tpu.vector_store_idx %arg5[%shift_right_arithmetic3A_227, %and3A_230], %broadcast_in_dim3A_6 {add = true} : memref<80x128xf32, #tpu.memory_space<vmem>>[vector<16xi32>, vector<16xi32>], vector<16xf32>,
      %get3A_231 = arith.constant 4 : i32
      %get3A_232 = arith.index_cast %get3A_231 : i32 to index
      %get3A_233 = arith.constant 32 : index
      %get3A_234 = tpu.vector_load %arg4[%get3A_232, %get3A_233] {strides = array<i32>} : memref<5x80xi32, #tpu.memory_space<vmem>>, vector<16xi32>,
      %shift_right_arithmetic3A_235 = arith.constant 7 : i32
      %shift_right_arithmetic3A_236 = vector.broadcast %shift_right_arithmetic3A_235 : i32 to vector<16xi32>
      %shift_right_arithmetic3A_237 = arith.shrsi %get3A_234, %shift_right_arithmetic3A_236 : vector<16xi32>
      %and3A_238 = arith.constant 127 : i32
      %and3A_239 = vector.broadcast %and3A_238 : i32 to vector<16xi32>
      %and3A_240 = arith.andi %get3A_234, %and3A_239 : vector<16xi32>
      tpu.vector_store_idx %arg5[%shift_right_arithmetic3A_237, %and3A_240], %broadcast_in_dim3A_6 {add = true} : memref<80x128xf32, #tpu.memory_space<vmem>>[vector<16xi32>, vector<16xi32>], vector<16xf32>,
      %get3A_241 = arith.constant 4 : i32
      %get3A_242 = arith.index_cast %get3A_241 : i32 to index
      %get3A_243 = arith.constant 48 : index
      %get3A_244 = tpu.vector_load %arg4[%get3A_242, %get3A_243] {strides = array<i32>} : memref<5x80xi32, #tpu.memory_space<vmem>>, vector<16xi32>,
      %shift_right_arithmetic3A_245 = arith.constant 7 : i32
      %shift_right_arithmetic3A_246 = vector.broadcast %shift_right_arithmetic3A_245 : i32 to vector<16xi32>
      %shift_right_arithmetic3A_247 = arith.shrsi %get3A_244, %shift_right_arithmetic3A_246 : vector<16xi32>
      %and3A_248 = arith.constant 127 : i32
      %and3A_249 = vector.broadcast %and3A_248 : i32 to vector<16xi32>
      %and3A_250 = arith.andi %get3A_244, %and3A_249 : vector<16xi32>
      tpu.vector_store_idx %arg5[%shift_right_arithmetic3A_247, %and3A_250], %broadcast_in_dim3A_6 {add = true} : memref<80x128xf32, #tpu.memory_space<vmem>>[vector<16xi32>, vector<16xi32>], vector<16xf32>,
      %get3A_251 = arith.constant 4 : i32
      %get3A_252 = arith.index_cast %get3A_251 : i32 to index
      %get3A_253 = arith.constant 64 : index
      %get3A_254 = tpu.vector_load %arg4[%get3A_252, %get3A_253] {strides = array<i32>} : memref<5x80xi32, #tpu.memory_space<vmem>>, vector<16xi32>,
      %shift_right_arithmetic3A_255 = arith.constant 7 : i32
      %shift_right_arithmetic3A_256 = vector.broadcast %shift_right_arithmetic3A_255 : i32 to vector<16xi32>
      %shift_right_arithmetic3A_257 = arith.shrsi %get3A_254, %shift_right_arithmetic3A_256 : vector<16xi32>
      %and3A_258 = arith.constant 127 : i32
      %and3A_259 = vector.broadcast %and3A_258 : i32 to vector<16xi32>
      %and3A_260 = arith.andi %get3A_254, %and3A_259 : vector<16xi32>
      tpu.vector_store_idx %arg5[%shift_right_arithmetic3A_257, %and3A_260], %broadcast_in_dim3A_6 {add = true} : memref<80x128xf32, #tpu.memory_space<vmem>>[vector<16xi32>, vector<16xi32>], vector<16xf32>,
    }
    %scan3A_12 = arith.constant 25 : i32
    "tpu.region"() ({
      %run_scoped3A = tpu.sem_alloc : memref<!tpu.dma_semaphore, #tpu.memory_space<semaphore_mem>>
      %dma_start3A = arith.constant 0 : i32
      %dma_start3A_13 = arith.constant 0 : i32
      %dma_start3A_14 = tpu.memref_slice %arg3[%add3A, %dma_start3A, %dma_start3A_13] : memref<32x80x128xf32, #tpu.memory_space<hbm>> -> memref<1x80x128xf32, #tpu.memory_space<hbm>>
      %dma_start3A_15 = tpu.memref_squeeze %dma_start3A_14 : memref<1x80x128xf32, #tpu.memory_space<hbm>> -> memref<80x128xf32, #tpu.memory_space<hbm>>
      %dma_start3A_16 = arith.constant 0 : i32
      %dma_start3A_17 = arith.constant 0 : i32
      %dma_start3A_18 = tpu.memref_slice %arg3[%add3A, %dma_start3A_16, %dma_start3A_17] : memref<32x80x128xf32, #tpu.memory_space<hbm>> -> memref<1x80x128xf32, #tpu.memory_space<hbm>>
      %dma_start3A_19 = tpu.memref_squeeze %dma_start3A_18 : memref<1x80x128xf32, #tpu.memory_space<hbm>> -> memref<80x128xf32, #tpu.memory_space<hbm>>
      tpu.enqueue_dma source(%arg5 : memref<80x128xf32, #tpu.memory_space<vmem>>) target(%dma_start3A_19 : memref<80x128xf32, #tpu.memory_space<hbm>>) target_semaphore(%run_scoped3A : memref<!tpu.dma_semaphore, #tpu.memory_space<semaphore_mem>>)
      %dma_wait3A = arith.constant 0 : i32
      %dma_wait3A_20 = arith.constant 0 : i32
      %dma_wait3A_21 = tpu.memref_slice %arg3[%add3A, %dma_wait3A, %dma_wait3A_20] : memref<32x80x128xf32, #tpu.memory_space<hbm>> -> memref<1x80x128xf32, #tpu.memory_space<hbm>>
      %dma_wait3A_22 = tpu.memref_squeeze %dma_wait3A_21 : memref<1x80x128xf32, #tpu.memory_space<hbm>> -> memref<80x128xf32, #tpu.memory_space<hbm>>
      %dma_wait3A_23 = arith.constant 0 : i32
      %dma_wait3A_24 = arith.constant 0 : i32
      %dma_wait3A_25 = tpu.memref_slice %arg3[%add3A, %dma_wait3A_23, %dma_wait3A_24] : memref<32x80x128xf32, #tpu.memory_space<hbm>> -> memref<1x80x128xf32, #tpu.memory_space<hbm>>
      %dma_wait3A_26 = tpu.memref_squeeze %dma_wait3A_25 : memref<1x80x128xf32, #tpu.memory_space<hbm>> -> memref<80x128xf32, #tpu.memory_space<hbm>>
      tpu.wait_dma2 semaphore(%run_scoped3A : memref<!tpu.dma_semaphore, #tpu.memory_space<semaphore_mem>>) src(%arg5 : memref<80x128xf32, #tpu.memory_space<vmem>>) dst(%dma_wait3A_26 : memref<80x128xf32, #tpu.memory_space<hbm>>)
      tpu.yield
    }) : () -> ()
    return
  }
}

#map = affine_map<(d0, d1) -> (0, 0)>
#map1 = affine_map<(d0, d1) -> (0, 0, 0, 0)>
#map2 = affine_map<(d0, d1) -> (0, 0, 0)>
module attributes {stable_mosaic.version = 14 : i64} {
  func.func @_edge_body(%arg0: i32, %arg1: i32, %arg2: memref<10240x128xf32, #tpu.memory_space<hbm>>, %arg3: memref<32x20x4x125xi32, #tpu.memory_space<hbm>>, %arg4: memref<32x20x4x125xi32, #tpu.memory_space<hbm>>, %arg5: memref<2x10240x128xf32, #tpu.memory_space<hbm>>, %arg6: memref<4x125xi32, #tpu.memory_space<vmem>>, %arg7: memref<4x125xi32, #tpu.memory_space<vmem>>, %arg8: memref<4x125xi32, #tpu.memory_space<vmem>>, %arg9: memref<4x125xi32, #tpu.memory_space<vmem>>, %arg10: memref<125x128xf32, #tpu.memory_space<vmem>>, %arg11: memref<125x128xf32, #tpu.memory_space<vmem>>, %arg12: memref<10240x128xf32, #tpu.memory_space<vmem_shared>>, %arg13: memref<!tpu.dma_semaphore, #tpu.memory_space<semaphore_mem>>, %arg14: memref<!tpu.dma_semaphore, #tpu.memory_space<semaphore_mem>>, %arg15: memref<!tpu.dma_semaphore, #tpu.memory_space<semaphore_mem>>, %arg16: memref<!tpu.dma_semaphore, #tpu.memory_space<semaphore_mem>>) attributes {dimension_semantics = [#tpu.dimension_semantics<core_parallel>, #tpu.dimension_semantics<subcore_parallel>], iteration_bounds = array<i64: 2, 16>, scalar_prefetch = 0 : i64, scratch_operands = 11 : i64, tpu.core_type = #tpu.core_type<sc_vector_subcore>, window_params = [{transform_indices = #map}, {transform_indices = #map1}, {transform_indices = #map1}, {transform_indices = #map2}]} {
    %mul3A = arith.constant 2 : i32
    %mul3A_0 = arith.muli %arg1, %mul3A : i32
    %add3A = arith.addi %mul3A_0, %arg0 : i32
    %scan3A = arith.constant 0 : i32
    %scan3A_1 = arith.constant 0 : i32
    %scan3A_2 = arith.constant 80 : i32
    %scan3A_3 = arith.addi %scan3A_1, %scan3A_2 : i32
    %scan3A_4 = arith.constant 1 : i32
    scf.for %scan3A_84 = %scan3A_1 to %scan3A_3 step %scan3A_4  : i32 {
      %broadcast_in_dim3A = arith.constant 0.000000e+00 : f32
      %broadcast_in_dim3A_85 = vector.broadcast %broadcast_in_dim3A : f32 to vector<16xf32>
      %swap3A = arith.index_cast %scan3A_84 : i32 to index
      %swap3A_86 = arith.constant 0 : index
      %swap3A_87 = tpu.vector_load %arg10[%swap3A, %swap3A_86] {strides = array<i32>} : memref<125x128xf32, #tpu.memory_space<vmem>>, vector<16xf32>,
      tpu.vector_store %arg10[%swap3A, %swap3A_86], %broadcast_in_dim3A_85 {strides = array<i32>} : memref<125x128xf32, #tpu.memory_space<vmem>>, vector<16xf32>,
      %broadcast_in_dim3A_88 = arith.constant 0.000000e+00 : f32
      %broadcast_in_dim3A_89 = vector.broadcast %broadcast_in_dim3A_88 : f32 to vector<16xf32>
      %swap3A_90 = arith.index_cast %scan3A_84 : i32 to index
      %swap3A_91 = arith.constant 16 : index
      %swap3A_92 = tpu.vector_load %arg10[%swap3A_90, %swap3A_91] {strides = array<i32>} : memref<125x128xf32, #tpu.memory_space<vmem>>, vector<16xf32>,
      tpu.vector_store %arg10[%swap3A_90, %swap3A_91], %broadcast_in_dim3A_89 {strides = array<i32>} : memref<125x128xf32, #tpu.memory_space<vmem>>, vector<16xf32>,
      %broadcast_in_dim3A_93 = arith.constant 0.000000e+00 : f32
      %broadcast_in_dim3A_94 = vector.broadcast %broadcast_in_dim3A_93 : f32 to vector<16xf32>
      %swap3A_95 = arith.index_cast %scan3A_84 : i32 to index
      %swap3A_96 = arith.constant 32 : index
      %swap3A_97 = tpu.vector_load %arg10[%swap3A_95, %swap3A_96] {strides = array<i32>} : memref<125x128xf32, #tpu.memory_space<vmem>>, vector<16xf32>,
      tpu.vector_store %arg10[%swap3A_95, %swap3A_96], %broadcast_in_dim3A_94 {strides = array<i32>} : memref<125x128xf32, #tpu.memory_space<vmem>>, vector<16xf32>,
      %broadcast_in_dim3A_98 = arith.constant 0.000000e+00 : f32
      %broadcast_in_dim3A_99 = vector.broadcast %broadcast_in_dim3A_98 : f32 to vector<16xf32>
      %swap3A_100 = arith.index_cast %scan3A_84 : i32 to index
      %swap3A_101 = arith.constant 48 : index
      %swap3A_102 = tpu.vector_load %arg10[%swap3A_100, %swap3A_101] {strides = array<i32>} : memref<125x128xf32, #tpu.memory_space<vmem>>, vector<16xf32>,
      tpu.vector_store %arg10[%swap3A_100, %swap3A_101], %broadcast_in_dim3A_99 {strides = array<i32>} : memref<125x128xf32, #tpu.memory_space<vmem>>, vector<16xf32>,
      %broadcast_in_dim3A_103 = arith.constant 0.000000e+00 : f32
      %broadcast_in_dim3A_104 = vector.broadcast %broadcast_in_dim3A_103 : f32 to vector<16xf32>
      %swap3A_105 = arith.index_cast %scan3A_84 : i32 to index
      %swap3A_106 = arith.constant 64 : index
      %swap3A_107 = tpu.vector_load %arg10[%swap3A_105, %swap3A_106] {strides = array<i32>} : memref<125x128xf32, #tpu.memory_space<vmem>>, vector<16xf32>,
      tpu.vector_store %arg10[%swap3A_105, %swap3A_106], %broadcast_in_dim3A_104 {strides = array<i32>} : memref<125x128xf32, #tpu.memory_space<vmem>>, vector<16xf32>,
      %broadcast_in_dim3A_108 = arith.constant 0.000000e+00 : f32
      %broadcast_in_dim3A_109 = vector.broadcast %broadcast_in_dim3A_108 : f32 to vector<16xf32>
      %swap3A_110 = arith.index_cast %scan3A_84 : i32 to index
      %swap3A_111 = arith.constant 80 : index
      %swap3A_112 = tpu.vector_load %arg10[%swap3A_110, %swap3A_111] {strides = array<i32>} : memref<125x128xf32, #tpu.memory_space<vmem>>, vector<16xf32>,
      tpu.vector_store %arg10[%swap3A_110, %swap3A_111], %broadcast_in_dim3A_109 {strides = array<i32>} : memref<125x128xf32, #tpu.memory_space<vmem>>, vector<16xf32>,
      %broadcast_in_dim3A_113 = arith.constant 0.000000e+00 : f32
      %broadcast_in_dim3A_114 = vector.broadcast %broadcast_in_dim3A_113 : f32 to vector<16xf32>
      %swap3A_115 = arith.index_cast %scan3A_84 : i32 to index
      %swap3A_116 = arith.constant 96 : index
      %swap3A_117 = tpu.vector_load %arg10[%swap3A_115, %swap3A_116] {strides = array<i32>} : memref<125x128xf32, #tpu.memory_space<vmem>>, vector<16xf32>,
      tpu.vector_store %arg10[%swap3A_115, %swap3A_116], %broadcast_in_dim3A_114 {strides = array<i32>} : memref<125x128xf32, #tpu.memory_space<vmem>>, vector<16xf32>,
      %broadcast_in_dim3A_118 = arith.constant 0.000000e+00 : f32
      %broadcast_in_dim3A_119 = vector.broadcast %broadcast_in_dim3A_118 : f32 to vector<16xf32>
      %swap3A_120 = arith.index_cast %scan3A_84 : i32 to index
      %swap3A_121 = arith.constant 112 : index
      %swap3A_122 = tpu.vector_load %arg10[%swap3A_120, %swap3A_121] {strides = array<i32>} : memref<125x128xf32, #tpu.memory_space<vmem>>, vector<16xf32>,
      tpu.vector_store %arg10[%swap3A_120, %swap3A_121], %broadcast_in_dim3A_119 {strides = array<i32>} : memref<125x128xf32, #tpu.memory_space<vmem>>, vector<16xf32>,
    }
    %scan3A_5 = arith.constant 80 : i32
    %mul3A_6 = arith.constant 640 : i32
    %mul3A_7 = arith.muli %arg1, %mul3A_6 : i32
    %add3A_8 = arith.constant 0 : i32
    %add3A_9 = arith.addi %mul3A_7, %add3A_8 : i32
    "tpu.region"() ({
      %run_scoped3A_84 = tpu.sem_alloc : memref<!tpu.dma_semaphore, #tpu.memory_space<semaphore_mem>>
      %dma_start3A_85 = arith.constant 0 : i32
      %dma_start3A_86 = arith.constant 0 : i32
      %dma_start3A_87 = tpu.memref_slice %arg10[%dma_start3A_85, %dma_start3A_86] : memref<125x128xf32, #tpu.memory_space<vmem>> -> memref<80x128xf32, #tpu.memory_space<vmem>>
      %dma_start3A_88 = arith.constant 0 : i32
      %dma_start3A_89 = tpu.memref_slice %arg12[%add3A_9, %dma_start3A_88] : memref<10240x128xf32, #tpu.memory_space<vmem_shared>> -> memref<80x128xf32, #tpu.memory_space<vmem_shared>>
      %dma_start3A_90 = arith.constant 0 : i32
      %dma_start3A_91 = tpu.memref_slice %arg12[%add3A_9, %dma_start3A_90] : memref<10240x128xf32, #tpu.memory_space<vmem_shared>> -> memref<80x128xf32, #tpu.memory_space<vmem_shared>>
      %dma_start3A_92 = arith.constant 0 : i32
      %dma_start3A_93 = arith.constant 0 : i32
      %dma_start3A_94 = tpu.memref_slice %arg10[%dma_start3A_92, %dma_start3A_93] : memref<125x128xf32, #tpu.memory_space<vmem>> -> memref<80x128xf32, #tpu.memory_space<vmem>>
      tpu.enqueue_dma source(%dma_start3A_94 : memref<80x128xf32, #tpu.memory_space<vmem>>) target(%dma_start3A_91 : memref<80x128xf32, #tpu.memory_space<vmem_shared>>) target_semaphore(%run_scoped3A_84 : memref<!tpu.dma_semaphore, #tpu.memory_space<semaphore_mem>>)
      %dma_wait3A = arith.constant 0 : i32
      %dma_wait3A_95 = arith.constant 0 : i32
      %dma_wait3A_96 = tpu.memref_slice %arg10[%dma_wait3A, %dma_wait3A_95] : memref<125x128xf32, #tpu.memory_space<vmem>> -> memref<80x128xf32, #tpu.memory_space<vmem>>
      %dma_wait3A_97 = arith.constant 0 : i32
      %dma_wait3A_98 = tpu.memref_slice %arg12[%add3A_9, %dma_wait3A_97] : memref<10240x128xf32, #tpu.memory_space<vmem_shared>> -> memref<80x128xf32, #tpu.memory_space<vmem_shared>>
      %dma_wait3A_99 = arith.constant 0 : i32
      %dma_wait3A_100 = tpu.memref_slice %arg12[%add3A_9, %dma_wait3A_99] : memref<10240x128xf32, #tpu.memory_space<vmem_shared>> -> memref<80x128xf32, #tpu.memory_space<vmem_shared>>
      %dma_wait3A_101 = arith.constant 0 : i32
      %dma_wait3A_102 = arith.constant 0 : i32
      %dma_wait3A_103 = tpu.memref_slice %arg10[%dma_wait3A_101, %dma_wait3A_102] : memref<125x128xf32, #tpu.memory_space<vmem>> -> memref<80x128xf32, #tpu.memory_space<vmem>>
      tpu.wait_dma2 semaphore(%run_scoped3A_84 : memref<!tpu.dma_semaphore, #tpu.memory_space<semaphore_mem>>) src(%dma_wait3A_103 : memref<80x128xf32, #tpu.memory_space<vmem>>) dst(%dma_wait3A_100 : memref<80x128xf32, #tpu.memory_space<vmem_shared>>)
      tpu.yield
    }) : () -> ()
    %mul3A_10 = arith.constant 640 : i32
    %mul3A_11 = arith.muli %arg1, %mul3A_10 : i32
    %add3A_12 = arith.constant 80 : i32
    %add3A_13 = arith.addi %mul3A_11, %add3A_12 : i32
    "tpu.region"() ({
      %run_scoped3A_84 = tpu.sem_alloc : memref<!tpu.dma_semaphore, #tpu.memory_space<semaphore_mem>>
      %dma_start3A_85 = arith.constant 0 : i32
      %dma_start3A_86 = arith.constant 0 : i32
      %dma_start3A_87 = tpu.memref_slice %arg10[%dma_start3A_85, %dma_start3A_86] : memref<125x128xf32, #tpu.memory_space<vmem>> -> memref<80x128xf32, #tpu.memory_space<vmem>>
      %dma_start3A_88 = arith.constant 0 : i32
      %dma_start3A_89 = tpu.memref_slice %arg12[%add3A_13, %dma_start3A_88] : memref<10240x128xf32, #tpu.memory_space<vmem_shared>> -> memref<80x128xf32, #tpu.memory_space<vmem_shared>>
      %dma_start3A_90 = arith.constant 0 : i32
      %dma_start3A_91 = tpu.memref_slice %arg12[%add3A_13, %dma_start3A_90] : memref<10240x128xf32, #tpu.memory_space<vmem_shared>> -> memref<80x128xf32, #tpu.memory_space<vmem_shared>>
      %dma_start3A_92 = arith.constant 0 : i32
      %dma_start3A_93 = arith.constant 0 : i32
      %dma_start3A_94 = tpu.memref_slice %arg10[%dma_start3A_92, %dma_start3A_93] : memref<125x128xf32, #tpu.memory_space<vmem>> -> memref<80x128xf32, #tpu.memory_space<vmem>>
      tpu.enqueue_dma source(%dma_start3A_94 : memref<80x128xf32, #tpu.memory_space<vmem>>) target(%dma_start3A_91 : memref<80x128xf32, #tpu.memory_space<vmem_shared>>) target_semaphore(%run_scoped3A_84 : memref<!tpu.dma_semaphore, #tpu.memory_space<semaphore_mem>>)
      %dma_wait3A = arith.constant 0 : i32
      %dma_wait3A_95 = arith.constant 0 : i32
      %dma_wait3A_96 = tpu.memref_slice %arg10[%dma_wait3A, %dma_wait3A_95] : memref<125x128xf32, #tpu.memory_space<vmem>> -> memref<80x128xf32, #tpu.memory_space<vmem>>
      %dma_wait3A_97 = arith.constant 0 : i32
      %dma_wait3A_98 = tpu.memref_slice %arg12[%add3A_13, %dma_wait3A_97] : memref<10240x128xf32, #tpu.memory_space<vmem_shared>> -> memref<80x128xf32, #tpu.memory_space<vmem_shared>>
      %dma_wait3A_99 = arith.constant 0 : i32
      %dma_wait3A_100 = tpu.memref_slice %arg12[%add3A_13, %dma_wait3A_99] : memref<10240x128xf32, #tpu.memory_space<vmem_shared>> -> memref<80x128xf32, #tpu.memory_space<vmem_shared>>
      %dma_wait3A_101 = arith.constant 0 : i32
      %dma_wait3A_102 = arith.constant 0 : i32
      %dma_wait3A_103 = tpu.memref_slice %arg10[%dma_wait3A_101, %dma_wait3A_102] : memref<125x128xf32, #tpu.memory_space<vmem>> -> memref<80x128xf32, #tpu.memory_space<vmem>>
      tpu.wait_dma2 semaphore(%run_scoped3A_84 : memref<!tpu.dma_semaphore, #tpu.memory_space<semaphore_mem>>) src(%dma_wait3A_103 : memref<80x128xf32, #tpu.memory_space<vmem>>) dst(%dma_wait3A_100 : memref<80x128xf32, #tpu.memory_space<vmem_shared>>)
      tpu.yield
    }) : () -> ()
    %mul3A_14 = arith.constant 640 : i32
    %mul3A_15 = arith.muli %arg1, %mul3A_14 : i32
    %add3A_16 = arith.constant 160 : i32
    %add3A_17 = arith.addi %mul3A_15, %add3A_16 : i32
    "tpu.region"() ({
      %run_scoped3A_84 = tpu.sem_alloc : memref<!tpu.dma_semaphore, #tpu.memory_space<semaphore_mem>>
      %dma_start3A_85 = arith.constant 0 : i32
      %dma_start3A_86 = arith.constant 0 : i32
      %dma_start3A_87 = tpu.memref_slice %arg10[%dma_start3A_85, %dma_start3A_86] : memref<125x128xf32, #tpu.memory_space<vmem>> -> memref<80x128xf32, #tpu.memory_space<vmem>>
      %dma_start3A_88 = arith.constant 0 : i32
      %dma_start3A_89 = tpu.memref_slice %arg12[%add3A_17, %dma_start3A_88] : memref<10240x128xf32, #tpu.memory_space<vmem_shared>> -> memref<80x128xf32, #tpu.memory_space<vmem_shared>>
      %dma_start3A_90 = arith.constant 0 : i32
      %dma_start3A_91 = tpu.memref_slice %arg12[%add3A_17, %dma_start3A_90] : memref<10240x128xf32, #tpu.memory_space<vmem_shared>> -> memref<80x128xf32, #tpu.memory_space<vmem_shared>>
      %dma_start3A_92 = arith.constant 0 : i32
      %dma_start3A_93 = arith.constant 0 : i32
      %dma_start3A_94 = tpu.memref_slice %arg10[%dma_start3A_92, %dma_start3A_93] : memref<125x128xf32, #tpu.memory_space<vmem>> -> memref<80x128xf32, #tpu.memory_space<vmem>>
      tpu.enqueue_dma source(%dma_start3A_94 : memref<80x128xf32, #tpu.memory_space<vmem>>) target(%dma_start3A_91 : memref<80x128xf32, #tpu.memory_space<vmem_shared>>) target_semaphore(%run_scoped3A_84 : memref<!tpu.dma_semaphore, #tpu.memory_space<semaphore_mem>>)
      %dma_wait3A = arith.constant 0 : i32
      %dma_wait3A_95 = arith.constant 0 : i32
      %dma_wait3A_96 = tpu.memref_slice %arg10[%dma_wait3A, %dma_wait3A_95] : memref<125x128xf32, #tpu.memory_space<vmem>> -> memref<80x128xf32, #tpu.memory_space<vmem>>
      %dma_wait3A_97 = arith.constant 0 : i32
      %dma_wait3A_98 = tpu.memref_slice %arg12[%add3A_17, %dma_wait3A_97] : memref<10240x128xf32, #tpu.memory_space<vmem_shared>> -> memref<80x128xf32, #tpu.memory_space<vmem_shared>>
      %dma_wait3A_99 = arith.constant 0 : i32
      %dma_wait3A_100 = tpu.memref_slice %arg12[%add3A_17, %dma_wait3A_99] : memref<10240x128xf32, #tpu.memory_space<vmem_shared>> -> memref<80x128xf32, #tpu.memory_space<vmem_shared>>
      %dma_wait3A_101 = arith.constant 0 : i32
      %dma_wait3A_102 = arith.constant 0 : i32
      %dma_wait3A_103 = tpu.memref_slice %arg10[%dma_wait3A_101, %dma_wait3A_102] : memref<125x128xf32, #tpu.memory_space<vmem>> -> memref<80x128xf32, #tpu.memory_space<vmem>>
      tpu.wait_dma2 semaphore(%run_scoped3A_84 : memref<!tpu.dma_semaphore, #tpu.memory_space<semaphore_mem>>) src(%dma_wait3A_103 : memref<80x128xf32, #tpu.memory_space<vmem>>) dst(%dma_wait3A_100 : memref<80x128xf32, #tpu.memory_space<vmem_shared>>)
      tpu.yield
    }) : () -> ()
    %mul3A_18 = arith.constant 640 : i32
    %mul3A_19 = arith.muli %arg1, %mul3A_18 : i32
    %add3A_20 = arith.constant 240 : i32
    %add3A_21 = arith.addi %mul3A_19, %add3A_20 : i32
    "tpu.region"() ({
      %run_scoped3A_84 = tpu.sem_alloc : memref<!tpu.dma_semaphore, #tpu.memory_space<semaphore_mem>>
      %dma_start3A_85 = arith.constant 0 : i32
      %dma_start3A_86 = arith.constant 0 : i32
      %dma_start3A_87 = tpu.memref_slice %arg10[%dma_start3A_85, %dma_start3A_86] : memref<125x128xf32, #tpu.memory_space<vmem>> -> memref<80x128xf32, #tpu.memory_space<vmem>>
      %dma_start3A_88 = arith.constant 0 : i32
      %dma_start3A_89 = tpu.memref_slice %arg12[%add3A_21, %dma_start3A_88] : memref<10240x128xf32, #tpu.memory_space<vmem_shared>> -> memref<80x128xf32, #tpu.memory_space<vmem_shared>>
      %dma_start3A_90 = arith.constant 0 : i32
      %dma_start3A_91 = tpu.memref_slice %arg12[%add3A_21, %dma_start3A_90] : memref<10240x128xf32, #tpu.memory_space<vmem_shared>> -> memref<80x128xf32, #tpu.memory_space<vmem_shared>>
      %dma_start3A_92 = arith.constant 0 : i32
      %dma_start3A_93 = arith.constant 0 : i32
      %dma_start3A_94 = tpu.memref_slice %arg10[%dma_start3A_92, %dma_start3A_93] : memref<125x128xf32, #tpu.memory_space<vmem>> -> memref<80x128xf32, #tpu.memory_space<vmem>>
      tpu.enqueue_dma source(%dma_start3A_94 : memref<80x128xf32, #tpu.memory_space<vmem>>) target(%dma_start3A_91 : memref<80x128xf32, #tpu.memory_space<vmem_shared>>) target_semaphore(%run_scoped3A_84 : memref<!tpu.dma_semaphore, #tpu.memory_space<semaphore_mem>>)
      %dma_wait3A = arith.constant 0 : i32
      %dma_wait3A_95 = arith.constant 0 : i32
      %dma_wait3A_96 = tpu.memref_slice %arg10[%dma_wait3A, %dma_wait3A_95] : memref<125x128xf32, #tpu.memory_space<vmem>> -> memref<80x128xf32, #tpu.memory_space<vmem>>
      %dma_wait3A_97 = arith.constant 0 : i32
      %dma_wait3A_98 = tpu.memref_slice %arg12[%add3A_21, %dma_wait3A_97] : memref<10240x128xf32, #tpu.memory_space<vmem_shared>> -> memref<80x128xf32, #tpu.memory_space<vmem_shared>>
      %dma_wait3A_99 = arith.constant 0 : i32
      %dma_wait3A_100 = tpu.memref_slice %arg12[%add3A_21, %dma_wait3A_99] : memref<10240x128xf32, #tpu.memory_space<vmem_shared>> -> memref<80x128xf32, #tpu.memory_space<vmem_shared>>
      %dma_wait3A_101 = arith.constant 0 : i32
      %dma_wait3A_102 = arith.constant 0 : i32
      %dma_wait3A_103 = tpu.memref_slice %arg10[%dma_wait3A_101, %dma_wait3A_102] : memref<125x128xf32, #tpu.memory_space<vmem>> -> memref<80x128xf32, #tpu.memory_space<vmem>>
      tpu.wait_dma2 semaphore(%run_scoped3A_84 : memref<!tpu.dma_semaphore, #tpu.memory_space<semaphore_mem>>) src(%dma_wait3A_103 : memref<80x128xf32, #tpu.memory_space<vmem>>) dst(%dma_wait3A_100 : memref<80x128xf32, #tpu.memory_space<vmem_shared>>)
      tpu.yield
    }) : () -> ()
    %mul3A_22 = arith.constant 640 : i32
    %mul3A_23 = arith.muli %arg1, %mul3A_22 : i32
    %add3A_24 = arith.constant 320 : i32
    %add3A_25 = arith.addi %mul3A_23, %add3A_24 : i32
    "tpu.region"() ({
      %run_scoped3A_84 = tpu.sem_alloc : memref<!tpu.dma_semaphore, #tpu.memory_space<semaphore_mem>>
      %dma_start3A_85 = arith.constant 0 : i32
      %dma_start3A_86 = arith.constant 0 : i32
      %dma_start3A_87 = tpu.memref_slice %arg10[%dma_start3A_85, %dma_start3A_86] : memref<125x128xf32, #tpu.memory_space<vmem>> -> memref<80x128xf32, #tpu.memory_space<vmem>>
      %dma_start3A_88 = arith.constant 0 : i32
      %dma_start3A_89 = tpu.memref_slice %arg12[%add3A_25, %dma_start3A_88] : memref<10240x128xf32, #tpu.memory_space<vmem_shared>> -> memref<80x128xf32, #tpu.memory_space<vmem_shared>>
      %dma_start3A_90 = arith.constant 0 : i32
      %dma_start3A_91 = tpu.memref_slice %arg12[%add3A_25, %dma_start3A_90] : memref<10240x128xf32, #tpu.memory_space<vmem_shared>> -> memref<80x128xf32, #tpu.memory_space<vmem_shared>>
      %dma_start3A_92 = arith.constant 0 : i32
      %dma_start3A_93 = arith.constant 0 : i32
      %dma_start3A_94 = tpu.memref_slice %arg10[%dma_start3A_92, %dma_start3A_93] : memref<125x128xf32, #tpu.memory_space<vmem>> -> memref<80x128xf32, #tpu.memory_space<vmem>>
      tpu.enqueue_dma source(%dma_start3A_94 : memref<80x128xf32, #tpu.memory_space<vmem>>) target(%dma_start3A_91 : memref<80x128xf32, #tpu.memory_space<vmem_shared>>) target_semaphore(%run_scoped3A_84 : memref<!tpu.dma_semaphore, #tpu.memory_space<semaphore_mem>>)
      %dma_wait3A = arith.constant 0 : i32
      %dma_wait3A_95 = arith.constant 0 : i32
      %dma_wait3A_96 = tpu.memref_slice %arg10[%dma_wait3A, %dma_wait3A_95] : memref<125x128xf32, #tpu.memory_space<vmem>> -> memref<80x128xf32, #tpu.memory_space<vmem>>
      %dma_wait3A_97 = arith.constant 0 : i32
      %dma_wait3A_98 = tpu.memref_slice %arg12[%add3A_25, %dma_wait3A_97] : memref<10240x128xf32, #tpu.memory_space<vmem_shared>> -> memref<80x128xf32, #tpu.memory_space<vmem_shared>>
      %dma_wait3A_99 = arith.constant 0 : i32
      %dma_wait3A_100 = tpu.memref_slice %arg12[%add3A_25, %dma_wait3A_99] : memref<10240x128xf32, #tpu.memory_space<vmem_shared>> -> memref<80x128xf32, #tpu.memory_space<vmem_shared>>
      %dma_wait3A_101 = arith.constant 0 : i32
      %dma_wait3A_102 = arith.constant 0 : i32
      %dma_wait3A_103 = tpu.memref_slice %arg10[%dma_wait3A_101, %dma_wait3A_102] : memref<125x128xf32, #tpu.memory_space<vmem>> -> memref<80x128xf32, #tpu.memory_space<vmem>>
      tpu.wait_dma2 semaphore(%run_scoped3A_84 : memref<!tpu.dma_semaphore, #tpu.memory_space<semaphore_mem>>) src(%dma_wait3A_103 : memref<80x128xf32, #tpu.memory_space<vmem>>) dst(%dma_wait3A_100 : memref<80x128xf32, #tpu.memory_space<vmem_shared>>)
      tpu.yield
    }) : () -> ()
    %mul3A_26 = arith.constant 640 : i32
    %mul3A_27 = arith.muli %arg1, %mul3A_26 : i32
    %add3A_28 = arith.constant 400 : i32
    %add3A_29 = arith.addi %mul3A_27, %add3A_28 : i32
    "tpu.region"() ({
      %run_scoped3A_84 = tpu.sem_alloc : memref<!tpu.dma_semaphore, #tpu.memory_space<semaphore_mem>>
      %dma_start3A_85 = arith.constant 0 : i32
      %dma_start3A_86 = arith.constant 0 : i32
      %dma_start3A_87 = tpu.memref_slice %arg10[%dma_start3A_85, %dma_start3A_86] : memref<125x128xf32, #tpu.memory_space<vmem>> -> memref<80x128xf32, #tpu.memory_space<vmem>>
      %dma_start3A_88 = arith.constant 0 : i32
      %dma_start3A_89 = tpu.memref_slice %arg12[%add3A_29, %dma_start3A_88] : memref<10240x128xf32, #tpu.memory_space<vmem_shared>> -> memref<80x128xf32, #tpu.memory_space<vmem_shared>>
      %dma_start3A_90 = arith.constant 0 : i32
      %dma_start3A_91 = tpu.memref_slice %arg12[%add3A_29, %dma_start3A_90] : memref<10240x128xf32, #tpu.memory_space<vmem_shared>> -> memref<80x128xf32, #tpu.memory_space<vmem_shared>>
      %dma_start3A_92 = arith.constant 0 : i32
      %dma_start3A_93 = arith.constant 0 : i32
      %dma_start3A_94 = tpu.memref_slice %arg10[%dma_start3A_92, %dma_start3A_93] : memref<125x128xf32, #tpu.memory_space<vmem>> -> memref<80x128xf32, #tpu.memory_space<vmem>>
      tpu.enqueue_dma source(%dma_start3A_94 : memref<80x128xf32, #tpu.memory_space<vmem>>) target(%dma_start3A_91 : memref<80x128xf32, #tpu.memory_space<vmem_shared>>) target_semaphore(%run_scoped3A_84 : memref<!tpu.dma_semaphore, #tpu.memory_space<semaphore_mem>>)
      %dma_wait3A = arith.constant 0 : i32
      %dma_wait3A_95 = arith.constant 0 : i32
      %dma_wait3A_96 = tpu.memref_slice %arg10[%dma_wait3A, %dma_wait3A_95] : memref<125x128xf32, #tpu.memory_space<vmem>> -> memref<80x128xf32, #tpu.memory_space<vmem>>
      %dma_wait3A_97 = arith.constant 0 : i32
      %dma_wait3A_98 = tpu.memref_slice %arg12[%add3A_29, %dma_wait3A_97] : memref<10240x128xf32, #tpu.memory_space<vmem_shared>> -> memref<80x128xf32, #tpu.memory_space<vmem_shared>>
      %dma_wait3A_99 = arith.constant 0 : i32
      %dma_wait3A_100 = tpu.memref_slice %arg12[%add3A_29, %dma_wait3A_99] : memref<10240x128xf32, #tpu.memory_space<vmem_shared>> -> memref<80x128xf32, #tpu.memory_space<vmem_shared>>
      %dma_wait3A_101 = arith.constant 0 : i32
      %dma_wait3A_102 = arith.constant 0 : i32
      %dma_wait3A_103 = tpu.memref_slice %arg10[%dma_wait3A_101, %dma_wait3A_102] : memref<125x128xf32, #tpu.memory_space<vmem>> -> memref<80x128xf32, #tpu.memory_space<vmem>>
      tpu.wait_dma2 semaphore(%run_scoped3A_84 : memref<!tpu.dma_semaphore, #tpu.memory_space<semaphore_mem>>) src(%dma_wait3A_103 : memref<80x128xf32, #tpu.memory_space<vmem>>) dst(%dma_wait3A_100 : memref<80x128xf32, #tpu.memory_space<vmem_shared>>)
      tpu.yield
    }) : () -> ()
    %mul3A_30 = arith.constant 640 : i32
    %mul3A_31 = arith.muli %arg1, %mul3A_30 : i32
    %add3A_32 = arith.constant 480 : i32
    %add3A_33 = arith.addi %mul3A_31, %add3A_32 : i32
    "tpu.region"() ({
      %run_scoped3A_84 = tpu.sem_alloc : memref<!tpu.dma_semaphore, #tpu.memory_space<semaphore_mem>>
      %dma_start3A_85 = arith.constant 0 : i32
      %dma_start3A_86 = arith.constant 0 : i32
      %dma_start3A_87 = tpu.memref_slice %arg10[%dma_start3A_85, %dma_start3A_86] : memref<125x128xf32, #tpu.memory_space<vmem>> -> memref<80x128xf32, #tpu.memory_space<vmem>>
      %dma_start3A_88 = arith.constant 0 : i32
      %dma_start3A_89 = tpu.memref_slice %arg12[%add3A_33, %dma_start3A_88] : memref<10240x128xf32, #tpu.memory_space<vmem_shared>> -> memref<80x128xf32, #tpu.memory_space<vmem_shared>>
      %dma_start3A_90 = arith.constant 0 : i32
      %dma_start3A_91 = tpu.memref_slice %arg12[%add3A_33, %dma_start3A_90] : memref<10240x128xf32, #tpu.memory_space<vmem_shared>> -> memref<80x128xf32, #tpu.memory_space<vmem_shared>>
      %dma_start3A_92 = arith.constant 0 : i32
      %dma_start3A_93 = arith.constant 0 : i32
      %dma_start3A_94 = tpu.memref_slice %arg10[%dma_start3A_92, %dma_start3A_93] : memref<125x128xf32, #tpu.memory_space<vmem>> -> memref<80x128xf32, #tpu.memory_space<vmem>>
      tpu.enqueue_dma source(%dma_start3A_94 : memref<80x128xf32, #tpu.memory_space<vmem>>) target(%dma_start3A_91 : memref<80x128xf32, #tpu.memory_space<vmem_shared>>) target_semaphore(%run_scoped3A_84 : memref<!tpu.dma_semaphore, #tpu.memory_space<semaphore_mem>>)
      %dma_wait3A = arith.constant 0 : i32
      %dma_wait3A_95 = arith.constant 0 : i32
      %dma_wait3A_96 = tpu.memref_slice %arg10[%dma_wait3A, %dma_wait3A_95] : memref<125x128xf32, #tpu.memory_space<vmem>> -> memref<80x128xf32, #tpu.memory_space<vmem>>
      %dma_wait3A_97 = arith.constant 0 : i32
      %dma_wait3A_98 = tpu.memref_slice %arg12[%add3A_33, %dma_wait3A_97] : memref<10240x128xf32, #tpu.memory_space<vmem_shared>> -> memref<80x128xf32, #tpu.memory_space<vmem_shared>>
      %dma_wait3A_99 = arith.constant 0 : i32
      %dma_wait3A_100 = tpu.memref_slice %arg12[%add3A_33, %dma_wait3A_99] : memref<10240x128xf32, #tpu.memory_space<vmem_shared>> -> memref<80x128xf32, #tpu.memory_space<vmem_shared>>
      %dma_wait3A_101 = arith.constant 0 : i32
      %dma_wait3A_102 = arith.constant 0 : i32
      %dma_wait3A_103 = tpu.memref_slice %arg10[%dma_wait3A_101, %dma_wait3A_102] : memref<125x128xf32, #tpu.memory_space<vmem>> -> memref<80x128xf32, #tpu.memory_space<vmem>>
      tpu.wait_dma2 semaphore(%run_scoped3A_84 : memref<!tpu.dma_semaphore, #tpu.memory_space<semaphore_mem>>) src(%dma_wait3A_103 : memref<80x128xf32, #tpu.memory_space<vmem>>) dst(%dma_wait3A_100 : memref<80x128xf32, #tpu.memory_space<vmem_shared>>)
      tpu.yield
    }) : () -> ()
    %mul3A_34 = arith.constant 640 : i32
    %mul3A_35 = arith.muli %arg1, %mul3A_34 : i32
    %add3A_36 = arith.constant 560 : i32
    %add3A_37 = arith.addi %mul3A_35, %add3A_36 : i32
    "tpu.region"() ({
      %run_scoped3A_84 = tpu.sem_alloc : memref<!tpu.dma_semaphore, #tpu.memory_space<semaphore_mem>>
      %dma_start3A_85 = arith.constant 0 : i32
      %dma_start3A_86 = arith.constant 0 : i32
      %dma_start3A_87 = tpu.memref_slice %arg10[%dma_start3A_85, %dma_start3A_86] : memref<125x128xf32, #tpu.memory_space<vmem>> -> memref<80x128xf32, #tpu.memory_space<vmem>>
      %dma_start3A_88 = arith.constant 0 : i32
      %dma_start3A_89 = tpu.memref_slice %arg12[%add3A_37, %dma_start3A_88] : memref<10240x128xf32, #tpu.memory_space<vmem_shared>> -> memref<80x128xf32, #tpu.memory_space<vmem_shared>>
      %dma_start3A_90 = arith.constant 0 : i32
      %dma_start3A_91 = tpu.memref_slice %arg12[%add3A_37, %dma_start3A_90] : memref<10240x128xf32, #tpu.memory_space<vmem_shared>> -> memref<80x128xf32, #tpu.memory_space<vmem_shared>>
      %dma_start3A_92 = arith.constant 0 : i32
      %dma_start3A_93 = arith.constant 0 : i32
      %dma_start3A_94 = tpu.memref_slice %arg10[%dma_start3A_92, %dma_start3A_93] : memref<125x128xf32, #tpu.memory_space<vmem>> -> memref<80x128xf32, #tpu.memory_space<vmem>>
      tpu.enqueue_dma source(%dma_start3A_94 : memref<80x128xf32, #tpu.memory_space<vmem>>) target(%dma_start3A_91 : memref<80x128xf32, #tpu.memory_space<vmem_shared>>) target_semaphore(%run_scoped3A_84 : memref<!tpu.dma_semaphore, #tpu.memory_space<semaphore_mem>>)
      %dma_wait3A = arith.constant 0 : i32
      %dma_wait3A_95 = arith.constant 0 : i32
      %dma_wait3A_96 = tpu.memref_slice %arg10[%dma_wait3A, %dma_wait3A_95] : memref<125x128xf32, #tpu.memory_space<vmem>> -> memref<80x128xf32, #tpu.memory_space<vmem>>
      %dma_wait3A_97 = arith.constant 0 : i32
      %dma_wait3A_98 = tpu.memref_slice %arg12[%add3A_37, %dma_wait3A_97] : memref<10240x128xf32, #tpu.memory_space<vmem_shared>> -> memref<80x128xf32, #tpu.memory_space<vmem_shared>>
      %dma_wait3A_99 = arith.constant 0 : i32
      %dma_wait3A_100 = tpu.memref_slice %arg12[%add3A_37, %dma_wait3A_99] : memref<10240x128xf32, #tpu.memory_space<vmem_shared>> -> memref<80x128xf32, #tpu.memory_space<vmem_shared>>
      %dma_wait3A_101 = arith.constant 0 : i32
      %dma_wait3A_102 = arith.constant 0 : i32
      %dma_wait3A_103 = tpu.memref_slice %arg10[%dma_wait3A_101, %dma_wait3A_102] : memref<125x128xf32, #tpu.memory_space<vmem>> -> memref<80x128xf32, #tpu.memory_space<vmem>>
      tpu.wait_dma2 semaphore(%run_scoped3A_84 : memref<!tpu.dma_semaphore, #tpu.memory_space<semaphore_mem>>) src(%dma_wait3A_103 : memref<80x128xf32, #tpu.memory_space<vmem>>) dst(%dma_wait3A_100 : memref<80x128xf32, #tpu.memory_space<vmem_shared>>)
      tpu.yield
    }) : () -> ()
    %barrier3A = arith.constant 0 : index
    tpu.barrier barrier_id(%barrier3A)
    %run_scoped3A = arith.constant 0 : i32
    "tpu.region"() ({
      %run_scoped3A_84 = tpu.sem_alloc : memref<!tpu.dma_semaphore, #tpu.memory_space<semaphore_mem>>
      %dma_start3A_85 = arith.constant 0 : i32
      %dma_start3A_86 = arith.constant 0 : i32
      %dma_start3A_87 = tpu.memref_slice %arg3[%add3A, %run_scoped3A, %dma_start3A_85, %dma_start3A_86] : memref<32x20x4x125xi32, #tpu.memory_space<hbm>> -> memref<1x1x4x125xi32, #tpu.memory_space<hbm>>
      %dma_start3A_88 = tpu.memref_squeeze %dma_start3A_87 : memref<1x1x4x125xi32, #tpu.memory_space<hbm>> -> memref<4x125xi32, #tpu.memory_space<hbm>>
      %dma_start3A_89 = arith.constant 0 : i32
      %dma_start3A_90 = arith.constant 0 : i32
      %dma_start3A_91 = tpu.memref_slice %arg3[%add3A, %run_scoped3A, %dma_start3A_89, %dma_start3A_90] : memref<32x20x4x125xi32, #tpu.memory_space<hbm>> -> memref<1x1x4x125xi32, #tpu.memory_space<hbm>>
      %dma_start3A_92 = tpu.memref_squeeze %dma_start3A_91 : memref<1x1x4x125xi32, #tpu.memory_space<hbm>> -> memref<4x125xi32, #tpu.memory_space<hbm>>
      tpu.enqueue_dma source(%dma_start3A_92 : memref<4x125xi32, #tpu.memory_space<hbm>>) target(%arg6 : memref<4x125xi32, #tpu.memory_space<vmem>>) target_semaphore(%run_scoped3A_84 : memref<!tpu.dma_semaphore, #tpu.memory_space<semaphore_mem>>)
      %dma_wait3A = arith.constant 0 : i32
      %dma_wait3A_93 = arith.constant 0 : i32
      %dma_wait3A_94 = tpu.memref_slice %arg3[%add3A, %run_scoped3A, %dma_wait3A, %dma_wait3A_93] : memref<32x20x4x125xi32, #tpu.memory_space<hbm>> -> memref<1x1x4x125xi32, #tpu.memory_space<hbm>>
      %dma_wait3A_95 = tpu.memref_squeeze %dma_wait3A_94 : memref<1x1x4x125xi32, #tpu.memory_space<hbm>> -> memref<4x125xi32, #tpu.memory_space<hbm>>
      %dma_wait3A_96 = arith.constant 0 : i32
      %dma_wait3A_97 = arith.constant 0 : i32
      %dma_wait3A_98 = tpu.memref_slice %arg3[%add3A, %run_scoped3A, %dma_wait3A_96, %dma_wait3A_97] : memref<32x20x4x125xi32, #tpu.memory_space<hbm>> -> memref<1x1x4x125xi32, #tpu.memory_space<hbm>>
      %dma_wait3A_99 = tpu.memref_squeeze %dma_wait3A_98 : memref<1x1x4x125xi32, #tpu.memory_space<hbm>> -> memref<4x125xi32, #tpu.memory_space<hbm>>
      tpu.wait_dma2 semaphore(%run_scoped3A_84 : memref<!tpu.dma_semaphore, #tpu.memory_space<semaphore_mem>>) src(%dma_wait3A_99 : memref<4x125xi32, #tpu.memory_space<hbm>>) dst(%arg6 : memref<4x125xi32, #tpu.memory_space<vmem>>)
      tpu.yield
    }) : () -> ()
    %run_scoped3A_38 = arith.constant 0 : i32
    "tpu.region"() ({
      %run_scoped3A_84 = tpu.sem_alloc : memref<!tpu.dma_semaphore, #tpu.memory_space<semaphore_mem>>
      %dma_start3A_85 = arith.constant 0 : i32
      %dma_start3A_86 = arith.constant 0 : i32
      %dma_start3A_87 = tpu.memref_slice %arg4[%add3A, %run_scoped3A_38, %dma_start3A_85, %dma_start3A_86] : memref<32x20x4x125xi32, #tpu.memory_space<hbm>> -> memref<1x1x4x125xi32, #tpu.memory_space<hbm>>
      %dma_start3A_88 = tpu.memref_squeeze %dma_start3A_87 : memref<1x1x4x125xi32, #tpu.memory_space<hbm>> -> memref<4x125xi32, #tpu.memory_space<hbm>>
      %dma_start3A_89 = arith.constant 0 : i32
      %dma_start3A_90 = arith.constant 0 : i32
      %dma_start3A_91 = tpu.memref_slice %arg4[%add3A, %run_scoped3A_38, %dma_start3A_89, %dma_start3A_90] : memref<32x20x4x125xi32, #tpu.memory_space<hbm>> -> memref<1x1x4x125xi32, #tpu.memory_space<hbm>>
      %dma_start3A_92 = tpu.memref_squeeze %dma_start3A_91 : memref<1x1x4x125xi32, #tpu.memory_space<hbm>> -> memref<4x125xi32, #tpu.memory_space<hbm>>
      tpu.enqueue_dma source(%dma_start3A_92 : memref<4x125xi32, #tpu.memory_space<hbm>>) target(%arg7 : memref<4x125xi32, #tpu.memory_space<vmem>>) target_semaphore(%run_scoped3A_84 : memref<!tpu.dma_semaphore, #tpu.memory_space<semaphore_mem>>)
      %dma_wait3A = arith.constant 0 : i32
      %dma_wait3A_93 = arith.constant 0 : i32
      %dma_wait3A_94 = tpu.memref_slice %arg4[%add3A, %run_scoped3A_38, %dma_wait3A, %dma_wait3A_93] : memref<32x20x4x125xi32, #tpu.memory_space<hbm>> -> memref<1x1x4x125xi32, #tpu.memory_space<hbm>>
      %dma_wait3A_95 = tpu.memref_squeeze %dma_wait3A_94 : memref<1x1x4x125xi32, #tpu.memory_space<hbm>> -> memref<4x125xi32, #tpu.memory_space<hbm>>
      %dma_wait3A_96 = arith.constant 0 : i32
      %dma_wait3A_97 = arith.constant 0 : i32
      %dma_wait3A_98 = tpu.memref_slice %arg4[%add3A, %run_scoped3A_38, %dma_wait3A_96, %dma_wait3A_97] : memref<32x20x4x125xi32, #tpu.memory_space<hbm>> -> memref<1x1x4x125xi32, #tpu.memory_space<hbm>>
      %dma_wait3A_99 = tpu.memref_squeeze %dma_wait3A_98 : memref<1x1x4x125xi32, #tpu.memory_space<hbm>> -> memref<4x125xi32, #tpu.memory_space<hbm>>
      tpu.wait_dma2 semaphore(%run_scoped3A_84 : memref<!tpu.dma_semaphore, #tpu.memory_space<semaphore_mem>>) src(%dma_wait3A_99 : memref<4x125xi32, #tpu.memory_space<hbm>>) dst(%arg7 : memref<4x125xi32, #tpu.memory_space<vmem>>)
      tpu.yield
    }) : () -> ()
    %dma_start3A = arith.constant 0 : i32
    %dma_start3A_39 = arith.constant 0 : i32
    %dma_start3A_40 = tpu.memref_slice %arg6[%dma_start3A, %dma_start3A_39] : memref<4x125xi32, #tpu.memory_space<vmem>> -> memref<1x125xi32, #tpu.memory_space<vmem>>
    %dma_start3A_41 = tpu.memref_squeeze %dma_start3A_40 : memref<1x125xi32, #tpu.memory_space<vmem>> -> memref<125xi32, #tpu.memory_space<vmem>>
    %dma_start3A_42 = arith.constant 0 : i32
    %dma_start3A_43 = arith.constant 0 : i32
    %dma_start3A_44 = tpu.memref_slice %arg2[%dma_start3A_42, %dma_start3A_43] : memref<10240x128xf32, #tpu.memory_space<hbm>> -> memref<10240x128xf32, #tpu.memory_space<hbm>>
    tpu.enqueue_indirect_dma source(%dma_start3A_44 : memref<10240x128xf32, #tpu.memory_space<hbm>>) target(%arg10 : memref<125x128xf32, #tpu.memory_space<vmem>>) offsets(%dma_start3A_41 : memref<125xi32, #tpu.memory_space<vmem>>) semaphore(%arg13 : memref<!tpu.dma_semaphore, #tpu.memory_space<semaphore_mem>>)
    %scan3A_45 = arith.constant 0 : i32
    %scan3A_46 = arith.constant 0 : i32
    %scan3A_47 = arith.constant 10 : i32
    %scan3A_48 = arith.addi %scan3A_46, %scan3A_47 : i32
    %scan3A_49 = arith.constant 1 : i32
    scf.for %scan3A_84 = %scan3A_46 to %scan3A_48 step %scan3A_49  : i32 {
      %mul3A_85 = arith.constant 2 : i32
      %mul3A_86 = arith.muli %mul3A_85, %scan3A_84 : i32
      %add3A_87 = arith.constant 1 : i32
      %add3A_88 = arith.addi %mul3A_86, %add3A_87 : i32
      %dma_start3A_89 = arith.constant 0 : i32
      %dma_start3A_90 = arith.constant 0 : i32
      %dma_start3A_91 = tpu.memref_slice %arg3[%add3A, %add3A_88, %dma_start3A_89, %dma_start3A_90] : memref<32x20x4x125xi32, #tpu.memory_space<hbm>> -> memref<1x1x4x125xi32, #tpu.memory_space<hbm>>
      %dma_start3A_92 = tpu.memref_squeeze %dma_start3A_91 : memref<1x1x4x125xi32, #tpu.memory_space<hbm>> -> memref<4x125xi32, #tpu.memory_space<hbm>>
      %dma_start3A_93 = arith.constant 0 : i32
      %dma_start3A_94 = arith.constant 0 : i32
      %dma_start3A_95 = tpu.memref_slice %arg3[%add3A, %add3A_88, %dma_start3A_93, %dma_start3A_94] : memref<32x20x4x125xi32, #tpu.memory_space<hbm>> -> memref<1x1x4x125xi32, #tpu.memory_space<hbm>>
      %dma_start3A_96 = tpu.memref_squeeze %dma_start3A_95 : memref<1x1x4x125xi32, #tpu.memory_space<hbm>> -> memref<4x125xi32, #tpu.memory_space<hbm>>
      tpu.enqueue_dma source(%dma_start3A_96 : memref<4x125xi32, #tpu.memory_space<hbm>>) target(%arg8 : memref<4x125xi32, #tpu.memory_space<vmem>>) target_semaphore(%arg16 : memref<!tpu.dma_semaphore, #tpu.memory_space<semaphore_mem>>)
      %mul3A_97 = arith.constant 2 : i32
      %mul3A_98 = arith.muli %mul3A_97, %scan3A_84 : i32
      %add3A_99 = arith.constant 1 : i32
      %add3A_100 = arith.addi %mul3A_98, %add3A_99 : i32
      %dma_start3A_101 = arith.constant 0 : i32
      %dma_start3A_102 = arith.constant 0 : i32
      %dma_start3A_103 = tpu.memref_slice %arg4[%add3A, %add3A_100, %dma_start3A_101, %dma_start3A_102] : memref<32x20x4x125xi32, #tpu.memory_space<hbm>> -> memref<1x1x4x125xi32, #tpu.memory_space<hbm>>
      %dma_start3A_104 = tpu.memref_squeeze %dma_start3A_103 : memref<1x1x4x125xi32, #tpu.memory_space<hbm>> -> memref<4x125xi32, #tpu.memory_space<hbm>>
      %dma_start3A_105 = arith.constant 0 : i32
      %dma_start3A_106 = arith.constant 0 : i32
      %dma_start3A_107 = tpu.memref_slice %arg4[%add3A, %add3A_100, %dma_start3A_105, %dma_start3A_106] : memref<32x20x4x125xi32, #tpu.memory_space<hbm>> -> memref<1x1x4x125xi32, #tpu.memory_space<hbm>>
      %dma_start3A_108 = tpu.memref_squeeze %dma_start3A_107 : memref<1x1x4x125xi32, #tpu.memory_space<hbm>> -> memref<4x125xi32, #tpu.memory_space<hbm>>
      tpu.enqueue_dma source(%dma_start3A_108 : memref<4x125xi32, #tpu.memory_space<hbm>>) target(%arg9 : memref<4x125xi32, #tpu.memory_space<vmem>>) target_semaphore(%arg16 : memref<!tpu.dma_semaphore, #tpu.memory_space<semaphore_mem>>)
      %dma_wait3A = arith.constant 0 : i32
      %dma_wait3A_109 = arith.constant 0 : i32
      %dma_wait3A_110 = tpu.memref_slice %arg6[%dma_wait3A, %dma_wait3A_109] : memref<4x125xi32, #tpu.memory_space<vmem>> -> memref<1x125xi32, #tpu.memory_space<vmem>>
      %dma_wait3A_111 = tpu.memref_squeeze %dma_wait3A_110 : memref<1x125xi32, #tpu.memory_space<vmem>> -> memref<125xi32, #tpu.memory_space<vmem>>
      %dma_wait3A_112 = arith.constant 0 : i32
      %dma_wait3A_113 = arith.constant 0 : i32
      %dma_wait3A_114 = tpu.memref_slice %arg2[%dma_wait3A_112, %dma_wait3A_113] : memref<10240x128xf32, #tpu.memory_space<hbm>> -> memref<10240x128xf32, #tpu.memory_space<hbm>>
      tpu.wait_indirect_dma semaphore(%arg13 : memref<!tpu.dma_semaphore, #tpu.memory_space<semaphore_mem>>) src(%dma_wait3A_114 : memref<10240x128xf32, #tpu.memory_space<hbm>>) dst(%arg10 : memref<125x128xf32, #tpu.memory_space<vmem>>)
      %dma_start3A_115 = arith.constant 1 : i32
      %dma_start3A_116 = arith.constant 0 : i32
      %dma_start3A_117 = tpu.memref_slice %arg6[%dma_start3A_115, %dma_start3A_116] : memref<4x125xi32, #tpu.memory_space<vmem>> -> memref<1x125xi32, #tpu.memory_space<vmem>>
      %dma_start3A_118 = tpu.memref_squeeze %dma_start3A_117 : memref<1x125xi32, #tpu.memory_space<vmem>> -> memref<125xi32, #tpu.memory_space<vmem>>
      %dma_start3A_119 = arith.constant 0 : i32
      %dma_start3A_120 = arith.constant 0 : i32
      %dma_start3A_121 = tpu.memref_slice %arg2[%dma_start3A_119, %dma_start3A_120] : memref<10240x128xf32, #tpu.memory_space<hbm>> -> memref<10240x128xf32, #tpu.memory_space<hbm>>
      tpu.enqueue_indirect_dma source(%dma_start3A_121 : memref<10240x128xf32, #tpu.memory_space<hbm>>) target(%arg11 : memref<125x128xf32, #tpu.memory_space<vmem>>) offsets(%dma_start3A_118 : memref<125xi32, #tpu.memory_space<vmem>>) semaphore(%arg14 : memref<!tpu.dma_semaphore, #tpu.memory_space<semaphore_mem>>)
      %run_scoped3A_122 = arith.constant 0 : i32
      "tpu.region"() ({
        %run_scoped3A_244 = tpu.sem_alloc : memref<!tpu.dma_semaphore, #tpu.memory_space<semaphore_mem>>
        %dma_start3A_245 = arith.constant 0 : i32
        %dma_start3A_246 = tpu.memref_slice %arg7[%run_scoped3A_122, %dma_start3A_245] : memref<4x125xi32, #tpu.memory_space<vmem>> -> memref<1x125xi32, #tpu.memory_space<vmem>>
        %dma_start3A_247 = tpu.memref_squeeze %dma_start3A_246 : memref<1x125xi32, #tpu.memory_space<vmem>> -> memref<125xi32, #tpu.memory_space<vmem>>
        %dma_start3A_248 = arith.constant 0 : i32
        %dma_start3A_249 = arith.constant 0 : i32
        %dma_start3A_250 = tpu.memref_slice %arg12[%dma_start3A_248, %dma_start3A_249] : memref<10240x128xf32, #tpu.memory_space<vmem_shared>> -> memref<10240x128xf32, #tpu.memory_space<vmem_shared>>
        tpu.enqueue_indirect_dma source(%arg10 : memref<125x128xf32, #tpu.memory_space<vmem>>) target(%dma_start3A_250 : memref<10240x128xf32, #tpu.memory_space<vmem_shared>>) offsets(%dma_start3A_247 : memref<125xi32, #tpu.memory_space<vmem>>) semaphore(%run_scoped3A_244 : memref<!tpu.dma_semaphore, #tpu.memory_space<semaphore_mem>>) {add = true}
        %dma_wait3A_251 = arith.constant 0 : i32
        %dma_wait3A_252 = tpu.memref_slice %arg7[%run_scoped3A_122, %dma_wait3A_251] : memref<4x125xi32, #tpu.memory_space<vmem>> -> memref<1x125xi32, #tpu.memory_space<vmem>>
        %dma_wait3A_253 = tpu.memref_squeeze %dma_wait3A_252 : memref<1x125xi32, #tpu.memory_space<vmem>> -> memref<125xi32, #tpu.memory_space<vmem>>
        %dma_wait3A_254 = arith.constant 0 : i32
        %dma_wait3A_255 = arith.constant 0 : i32
        %dma_wait3A_256 = tpu.memref_slice %arg12[%dma_wait3A_254, %dma_wait3A_255] : memref<10240x128xf32, #tpu.memory_space<vmem_shared>> -> memref<10240x128xf32, #tpu.memory_space<vmem_shared>>
        tpu.wait_indirect_dma semaphore(%run_scoped3A_244 : memref<!tpu.dma_semaphore, #tpu.memory_space<semaphore_mem>>) src(%arg10 : memref<125x128xf32, #tpu.memory_space<vmem>>) dst(%dma_wait3A_256 : memref<10240x128xf32, #tpu.memory_space<vmem_shared>>)
        tpu.yield
      }) : () -> ()
      %dma_wait3A_123 = arith.constant 1 : i32
      %dma_wait3A_124 = arith.constant 0 : i32
      %dma_wait3A_125 = tpu.memref_slice %arg6[%dma_wait3A_123, %dma_wait3A_124] : memref<4x125xi32, #tpu.memory_space<vmem>> -> memref<1x125xi32, #tpu.memory_space<vmem>>
      %dma_wait3A_126 = tpu.memref_squeeze %dma_wait3A_125 : memref<1x125xi32, #tpu.memory_space<vmem>> -> memref<125xi32, #tpu.memory_space<vmem>>
      %dma_wait3A_127 = arith.constant 0 : i32
      %dma_wait3A_128 = arith.constant 0 : i32
      %dma_wait3A_129 = tpu.memref_slice %arg2[%dma_wait3A_127, %dma_wait3A_128] : memref<10240x128xf32, #tpu.memory_space<hbm>> -> memref<10240x128xf32, #tpu.memory_space<hbm>>
      tpu.wait_indirect_dma semaphore(%arg14 : memref<!tpu.dma_semaphore, #tpu.memory_space<semaphore_mem>>) src(%dma_wait3A_129 : memref<10240x128xf32, #tpu.memory_space<hbm>>) dst(%arg11 : memref<125x128xf32, #tpu.memory_space<vmem>>)
      %dma_start3A_130 = arith.constant 2 : i32
      %dma_start3A_131 = arith.constant 0 : i32
      %dma_start3A_132 = tpu.memref_slice %arg6[%dma_start3A_130, %dma_start3A_131] : memref<4x125xi32, #tpu.memory_space<vmem>> -> memref<1x125xi32, #tpu.memory_space<vmem>>
      %dma_start3A_133 = tpu.memref_squeeze %dma_start3A_132 : memref<1x125xi32, #tpu.memory_space<vmem>> -> memref<125xi32, #tpu.memory_space<vmem>>
      %dma_start3A_134 = arith.constant 0 : i32
      %dma_start3A_135 = arith.constant 0 : i32
      %dma_start3A_136 = tpu.memref_slice %arg2[%dma_start3A_134, %dma_start3A_135] : memref<10240x128xf32, #tpu.memory_space<hbm>> -> memref<10240x128xf32, #tpu.memory_space<hbm>>
      tpu.enqueue_indirect_dma source(%dma_start3A_136 : memref<10240x128xf32, #tpu.memory_space<hbm>>) target(%arg10 : memref<125x128xf32, #tpu.memory_space<vmem>>) offsets(%dma_start3A_133 : memref<125xi32, #tpu.memory_space<vmem>>) semaphore(%arg13 : memref<!tpu.dma_semaphore, #tpu.memory_space<semaphore_mem>>)
      %run_scoped3A_137 = arith.constant 1 : i32
      "tpu.region"() ({
        %run_scoped3A_244 = tpu.sem_alloc : memref<!tpu.dma_semaphore, #tpu.memory_space<semaphore_mem>>
        %dma_start3A_245 = arith.constant 0 : i32
        %dma_start3A_246 = tpu.memref_slice %arg7[%run_scoped3A_137, %dma_start3A_245] : memref<4x125xi32, #tpu.memory_space<vmem>> -> memref<1x125xi32, #tpu.memory_space<vmem>>
        %dma_start3A_247 = tpu.memref_squeeze %dma_start3A_246 : memref<1x125xi32, #tpu.memory_space<vmem>> -> memref<125xi32, #tpu.memory_space<vmem>>
        %dma_start3A_248 = arith.constant 0 : i32
        %dma_start3A_249 = arith.constant 0 : i32
        %dma_start3A_250 = tpu.memref_slice %arg12[%dma_start3A_248, %dma_start3A_249] : memref<10240x128xf32, #tpu.memory_space<vmem_shared>> -> memref<10240x128xf32, #tpu.memory_space<vmem_shared>>
        tpu.enqueue_indirect_dma source(%arg11 : memref<125x128xf32, #tpu.memory_space<vmem>>) target(%dma_start3A_250 : memref<10240x128xf32, #tpu.memory_space<vmem_shared>>) offsets(%dma_start3A_247 : memref<125xi32, #tpu.memory_space<vmem>>) semaphore(%run_scoped3A_244 : memref<!tpu.dma_semaphore, #tpu.memory_space<semaphore_mem>>) {add = true}
        %dma_wait3A_251 = arith.constant 0 : i32
        %dma_wait3A_252 = tpu.memref_slice %arg7[%run_scoped3A_137, %dma_wait3A_251] : memref<4x125xi32, #tpu.memory_space<vmem>> -> memref<1x125xi32, #tpu.memory_space<vmem>>
        %dma_wait3A_253 = tpu.memref_squeeze %dma_wait3A_252 : memref<1x125xi32, #tpu.memory_space<vmem>> -> memref<125xi32, #tpu.memory_space<vmem>>
        %dma_wait3A_254 = arith.constant 0 : i32
        %dma_wait3A_255 = arith.constant 0 : i32
        %dma_wait3A_256 = tpu.memref_slice %arg12[%dma_wait3A_254, %dma_wait3A_255] : memref<10240x128xf32, #tpu.memory_space<vmem_shared>> -> memref<10240x128xf32, #tpu.memory_space<vmem_shared>>
        tpu.wait_indirect_dma semaphore(%run_scoped3A_244 : memref<!tpu.dma_semaphore, #tpu.memory_space<semaphore_mem>>) src(%arg11 : memref<125x128xf32, #tpu.memory_space<vmem>>) dst(%dma_wait3A_256 : memref<10240x128xf32, #tpu.memory_space<vmem_shared>>)
        tpu.yield
      }) : () -> ()
      %dma_wait3A_138 = arith.constant 2 : i32
      %dma_wait3A_139 = arith.constant 0 : i32
      %dma_wait3A_140 = tpu.memref_slice %arg6[%dma_wait3A_138, %dma_wait3A_139] : memref<4x125xi32, #tpu.memory_space<vmem>> -> memref<1x125xi32, #tpu.memory_space<vmem>>
      %dma_wait3A_141 = tpu.memref_squeeze %dma_wait3A_140 : memref<1x125xi32, #tpu.memory_space<vmem>> -> memref<125xi32, #tpu.memory_space<vmem>>
      %dma_wait3A_142 = arith.constant 0 : i32
      %dma_wait3A_143 = arith.constant 0 : i32
      %dma_wait3A_144 = tpu.memref_slice %arg2[%dma_wait3A_142, %dma_wait3A_143] : memref<10240x128xf32, #tpu.memory_space<hbm>> -> memref<10240x128xf32, #tpu.memory_space<hbm>>
      tpu.wait_indirect_dma semaphore(%arg13 : memref<!tpu.dma_semaphore, #tpu.memory_space<semaphore_mem>>) src(%dma_wait3A_144 : memref<10240x128xf32, #tpu.memory_space<hbm>>) dst(%arg10 : memref<125x128xf32, #tpu.memory_space<vmem>>)
      %dma_start3A_145 = arith.constant 3 : i32
      %dma_start3A_146 = arith.constant 0 : i32
      %dma_start3A_147 = tpu.memref_slice %arg6[%dma_start3A_145, %dma_start3A_146] : memref<4x125xi32, #tpu.memory_space<vmem>> -> memref<1x125xi32, #tpu.memory_space<vmem>>
      %dma_start3A_148 = tpu.memref_squeeze %dma_start3A_147 : memref<1x125xi32, #tpu.memory_space<vmem>> -> memref<125xi32, #tpu.memory_space<vmem>>
      %dma_start3A_149 = arith.constant 0 : i32
      %dma_start3A_150 = arith.constant 0 : i32
      %dma_start3A_151 = tpu.memref_slice %arg2[%dma_start3A_149, %dma_start3A_150] : memref<10240x128xf32, #tpu.memory_space<hbm>> -> memref<10240x128xf32, #tpu.memory_space<hbm>>
      tpu.enqueue_indirect_dma source(%dma_start3A_151 : memref<10240x128xf32, #tpu.memory_space<hbm>>) target(%arg11 : memref<125x128xf32, #tpu.memory_space<vmem>>) offsets(%dma_start3A_148 : memref<125xi32, #tpu.memory_space<vmem>>) semaphore(%arg14 : memref<!tpu.dma_semaphore, #tpu.memory_space<semaphore_mem>>)
      %run_scoped3A_152 = arith.constant 2 : i32
      "tpu.region"() ({
        %run_scoped3A_244 = tpu.sem_alloc : memref<!tpu.dma_semaphore, #tpu.memory_space<semaphore_mem>>
        %dma_start3A_245 = arith.constant 0 : i32
        %dma_start3A_246 = tpu.memref_slice %arg7[%run_scoped3A_152, %dma_start3A_245] : memref<4x125xi32, #tpu.memory_space<vmem>> -> memref<1x125xi32, #tpu.memory_space<vmem>>
        %dma_start3A_247 = tpu.memref_squeeze %dma_start3A_246 : memref<1x125xi32, #tpu.memory_space<vmem>> -> memref<125xi32, #tpu.memory_space<vmem>>
        %dma_start3A_248 = arith.constant 0 : i32
        %dma_start3A_249 = arith.constant 0 : i32
        %dma_start3A_250 = tpu.memref_slice %arg12[%dma_start3A_248, %dma_start3A_249] : memref<10240x128xf32, #tpu.memory_space<vmem_shared>> -> memref<10240x128xf32, #tpu.memory_space<vmem_shared>>
        tpu.enqueue_indirect_dma source(%arg10 : memref<125x128xf32, #tpu.memory_space<vmem>>) target(%dma_start3A_250 : memref<10240x128xf32, #tpu.memory_space<vmem_shared>>) offsets(%dma_start3A_247 : memref<125xi32, #tpu.memory_space<vmem>>) semaphore(%run_scoped3A_244 : memref<!tpu.dma_semaphore, #tpu.memory_space<semaphore_mem>>) {add = true}
        %dma_wait3A_251 = arith.constant 0 : i32
        %dma_wait3A_252 = tpu.memref_slice %arg7[%run_scoped3A_152, %dma_wait3A_251] : memref<4x125xi32, #tpu.memory_space<vmem>> -> memref<1x125xi32, #tpu.memory_space<vmem>>
        %dma_wait3A_253 = tpu.memref_squeeze %dma_wait3A_252 : memref<1x125xi32, #tpu.memory_space<vmem>> -> memref<125xi32, #tpu.memory_space<vmem>>
        %dma_wait3A_254 = arith.constant 0 : i32
        %dma_wait3A_255 = arith.constant 0 : i32
        %dma_wait3A_256 = tpu.memref_slice %arg12[%dma_wait3A_254, %dma_wait3A_255] : memref<10240x128xf32, #tpu.memory_space<vmem_shared>> -> memref<10240x128xf32, #tpu.memory_space<vmem_shared>>
        tpu.wait_indirect_dma semaphore(%run_scoped3A_244 : memref<!tpu.dma_semaphore, #tpu.memory_space<semaphore_mem>>) src(%arg10 : memref<125x128xf32, #tpu.memory_space<vmem>>) dst(%dma_wait3A_256 : memref<10240x128xf32, #tpu.memory_space<vmem_shared>>)
        tpu.yield
      }) : () -> ()
      %dma_wait3A_153 = arith.constant 3 : i32
      %dma_wait3A_154 = arith.constant 0 : i32
      %dma_wait3A_155 = tpu.memref_slice %arg6[%dma_wait3A_153, %dma_wait3A_154] : memref<4x125xi32, #tpu.memory_space<vmem>> -> memref<1x125xi32, #tpu.memory_space<vmem>>
      %dma_wait3A_156 = tpu.memref_squeeze %dma_wait3A_155 : memref<1x125xi32, #tpu.memory_space<vmem>> -> memref<125xi32, #tpu.memory_space<vmem>>
      %dma_wait3A_157 = arith.constant 0 : i32
      %dma_wait3A_158 = arith.constant 0 : i32
      %dma_wait3A_159 = tpu.memref_slice %arg2[%dma_wait3A_157, %dma_wait3A_158] : memref<10240x128xf32, #tpu.memory_space<hbm>> -> memref<10240x128xf32, #tpu.memory_space<hbm>>
      tpu.wait_indirect_dma semaphore(%arg14 : memref<!tpu.dma_semaphore, #tpu.memory_space<semaphore_mem>>) src(%dma_wait3A_159 : memref<10240x128xf32, #tpu.memory_space<hbm>>) dst(%arg11 : memref<125x128xf32, #tpu.memory_space<vmem>>)
      %dma_wait3A_160 = arith.constant 0 : i32
      %dma_wait3A_161 = arith.constant 0 : i32
      %dma_wait3A_162 = tpu.memref_slice %arg3[%add3A, %add3A_88, %dma_wait3A_160, %dma_wait3A_161] : memref<32x20x4x125xi32, #tpu.memory_space<hbm>> -> memref<1x1x4x125xi32, #tpu.memory_space<hbm>>
      %dma_wait3A_163 = tpu.memref_squeeze %dma_wait3A_162 : memref<1x1x4x125xi32, #tpu.memory_space<hbm>> -> memref<4x125xi32, #tpu.memory_space<hbm>>
      %dma_wait3A_164 = arith.constant 0 : i32
      %dma_wait3A_165 = arith.constant 0 : i32
      %dma_wait3A_166 = tpu.memref_slice %arg3[%add3A, %add3A_88, %dma_wait3A_164, %dma_wait3A_165] : memref<32x20x4x125xi32, #tpu.memory_space<hbm>> -> memref<1x1x4x125xi32, #tpu.memory_space<hbm>>
      %dma_wait3A_167 = tpu.memref_squeeze %dma_wait3A_166 : memref<1x1x4x125xi32, #tpu.memory_space<hbm>> -> memref<4x125xi32, #tpu.memory_space<hbm>>
      tpu.wait_dma2 semaphore(%arg16 : memref<!tpu.dma_semaphore, #tpu.memory_space<semaphore_mem>>) src(%dma_wait3A_167 : memref<4x125xi32, #tpu.memory_space<hbm>>) dst(%arg8 : memref<4x125xi32, #tpu.memory_space<vmem>>)
      %dma_wait3A_168 = arith.constant 0 : i32
      %dma_wait3A_169 = arith.constant 0 : i32
      %dma_wait3A_170 = tpu.memref_slice %arg4[%add3A, %add3A_100, %dma_wait3A_168, %dma_wait3A_169] : memref<32x20x4x125xi32, #tpu.memory_space<hbm>> -> memref<1x1x4x125xi32, #tpu.memory_space<hbm>>
      %dma_wait3A_171 = tpu.memref_squeeze %dma_wait3A_170 : memref<1x1x4x125xi32, #tpu.memory_space<hbm>> -> memref<4x125xi32, #tpu.memory_space<hbm>>
      %dma_wait3A_172 = arith.constant 0 : i32
      %dma_wait3A_173 = arith.constant 0 : i32
      %dma_wait3A_174 = tpu.memref_slice %arg4[%add3A, %add3A_100, %dma_wait3A_172, %dma_wait3A_173] : memref<32x20x4x125xi32, #tpu.memory_space<hbm>> -> memref<1x1x4x125xi32, #tpu.memory_space<hbm>>
      %dma_wait3A_175 = tpu.memref_squeeze %dma_wait3A_174 : memref<1x1x4x125xi32, #tpu.memory_space<hbm>> -> memref<4x125xi32, #tpu.memory_space<hbm>>
      tpu.wait_dma2 semaphore(%arg16 : memref<!tpu.dma_semaphore, #tpu.memory_space<semaphore_mem>>) src(%dma_wait3A_175 : memref<4x125xi32, #tpu.memory_space<hbm>>) dst(%arg9 : memref<4x125xi32, #tpu.memory_space<vmem>>)
      %dma_start3A_176 = arith.constant 0 : i32
      %dma_start3A_177 = arith.constant 0 : i32
      %dma_start3A_178 = tpu.memref_slice %arg8[%dma_start3A_176, %dma_start3A_177] : memref<4x125xi32, #tpu.memory_space<vmem>> -> memref<1x125xi32, #tpu.memory_space<vmem>>
      %dma_start3A_179 = tpu.memref_squeeze %dma_start3A_178 : memref<1x125xi32, #tpu.memory_space<vmem>> -> memref<125xi32, #tpu.memory_space<vmem>>
      %dma_start3A_180 = arith.constant 0 : i32
      %dma_start3A_181 = arith.constant 0 : i32
      %dma_start3A_182 = tpu.memref_slice %arg2[%dma_start3A_180, %dma_start3A_181] : memref<10240x128xf32, #tpu.memory_space<hbm>> -> memref<10240x128xf32, #tpu.memory_space<hbm>>
      tpu.enqueue_indirect_dma source(%dma_start3A_182 : memref<10240x128xf32, #tpu.memory_space<hbm>>) target(%arg10 : memref<125x128xf32, #tpu.memory_space<vmem>>) offsets(%dma_start3A_179 : memref<125xi32, #tpu.memory_space<vmem>>) semaphore(%arg13 : memref<!tpu.dma_semaphore, #tpu.memory_space<semaphore_mem>>)
      %run_scoped3A_183 = arith.constant 3 : i32
      "tpu.region"() ({
        %run_scoped3A_244 = tpu.sem_alloc : memref<!tpu.dma_semaphore, #tpu.memory_space<semaphore_mem>>
        %dma_start3A_245 = arith.constant 0 : i32
        %dma_start3A_246 = tpu.memref_slice %arg7[%run_scoped3A_183, %dma_start3A_245] : memref<4x125xi32, #tpu.memory_space<vmem>> -> memref<1x125xi32, #tpu.memory_space<vmem>>
        %dma_start3A_247 = tpu.memref_squeeze %dma_start3A_246 : memref<1x125xi32, #tpu.memory_space<vmem>> -> memref<125xi32, #tpu.memory_space<vmem>>
        %dma_start3A_248 = arith.constant 0 : i32
        %dma_start3A_249 = arith.constant 0 : i32
        %dma_start3A_250 = tpu.memref_slice %arg12[%dma_start3A_248, %dma_start3A_249] : memref<10240x128xf32, #tpu.memory_space<vmem_shared>> -> memref<10240x128xf32, #tpu.memory_space<vmem_shared>>
        tpu.enqueue_indirect_dma source(%arg11 : memref<125x128xf32, #tpu.memory_space<vmem>>) target(%dma_start3A_250 : memref<10240x128xf32, #tpu.memory_space<vmem_shared>>) offsets(%dma_start3A_247 : memref<125xi32, #tpu.memory_space<vmem>>) semaphore(%run_scoped3A_244 : memref<!tpu.dma_semaphore, #tpu.memory_space<semaphore_mem>>) {add = true}
        %dma_wait3A_251 = arith.constant 0 : i32
        %dma_wait3A_252 = tpu.memref_slice %arg7[%run_scoped3A_183, %dma_wait3A_251] : memref<4x125xi32, #tpu.memory_space<vmem>> -> memref<1x125xi32, #tpu.memory_space<vmem>>
        %dma_wait3A_253 = tpu.memref_squeeze %dma_wait3A_252 : memref<1x125xi32, #tpu.memory_space<vmem>> -> memref<125xi32, #tpu.memory_space<vmem>>
        %dma_wait3A_254 = arith.constant 0 : i32
        %dma_wait3A_255 = arith.constant 0 : i32
        %dma_wait3A_256 = tpu.memref_slice %arg12[%dma_wait3A_254, %dma_wait3A_255] : memref<10240x128xf32, #tpu.memory_space<vmem_shared>> -> memref<10240x128xf32, #tpu.memory_space<vmem_shared>>
        tpu.wait_indirect_dma semaphore(%run_scoped3A_244 : memref<!tpu.dma_semaphore, #tpu.memory_space<semaphore_mem>>) src(%arg11 : memref<125x128xf32, #tpu.memory_space<vmem>>) dst(%dma_wait3A_256 : memref<10240x128xf32, #tpu.memory_space<vmem_shared>>)
        tpu.yield
      }) : () -> ()
      %lt3A = arith.constant 9 : i32
      %lt3A_184 = arith.cmpi slt, %scan3A_84, %lt3A : i32
      %convert_element_type3A = arith.extui %lt3A_184 : i1 to i32
      %cond3A = arith.constant 0 : i32
      %cond3A_185 = arith.cmpi ne, %convert_element_type3A, %cond3A : i32
      scf.if %cond3A_185 {
        %mul3A_244 = arith.constant 2 : i32
        %mul3A_245 = arith.muli %mul3A_244, %scan3A_84 : i32
        %add3A_246 = arith.constant 2 : i32
        %add3A_247 = arith.addi %mul3A_245, %add3A_246 : i32
        %dma_start3A_248 = arith.constant 0 : i32
        %dma_start3A_249 = arith.constant 0 : i32
        %dma_start3A_250 = tpu.memref_slice %arg3[%add3A, %add3A_247, %dma_start3A_248, %dma_start3A_249] : memref<32x20x4x125xi32, #tpu.memory_space<hbm>> -> memref<1x1x4x125xi32, #tpu.memory_space<hbm>>
        %dma_start3A_251 = tpu.memref_squeeze %dma_start3A_250 : memref<1x1x4x125xi32, #tpu.memory_space<hbm>> -> memref<4x125xi32, #tpu.memory_space<hbm>>
        %dma_start3A_252 = arith.constant 0 : i32
        %dma_start3A_253 = arith.constant 0 : i32
        %dma_start3A_254 = tpu.memref_slice %arg3[%add3A, %add3A_247, %dma_start3A_252, %dma_start3A_253] : memref<32x20x4x125xi32, #tpu.memory_space<hbm>> -> memref<1x1x4x125xi32, #tpu.memory_space<hbm>>
        %dma_start3A_255 = tpu.memref_squeeze %dma_start3A_254 : memref<1x1x4x125xi32, #tpu.memory_space<hbm>> -> memref<4x125xi32, #tpu.memory_space<hbm>>
        tpu.enqueue_dma source(%dma_start3A_255 : memref<4x125xi32, #tpu.memory_space<hbm>>) target(%arg6 : memref<4x125xi32, #tpu.memory_space<vmem>>) target_semaphore(%arg15 : memref<!tpu.dma_semaphore, #tpu.memory_space<semaphore_mem>>)
        %mul3A_256 = arith.constant 2 : i32
        %mul3A_257 = arith.muli %mul3A_256, %scan3A_84 : i32
        %add3A_258 = arith.constant 2 : i32
        %add3A_259 = arith.addi %mul3A_257, %add3A_258 : i32
        %dma_start3A_260 = arith.constant 0 : i32
        %dma_start3A_261 = arith.constant 0 : i32
        %dma_start3A_262 = tpu.memref_slice %arg4[%add3A, %add3A_259, %dma_start3A_260, %dma_start3A_261] : memref<32x20x4x125xi32, #tpu.memory_space<hbm>> -> memref<1x1x4x125xi32, #tpu.memory_space<hbm>>
        %dma_start3A_263 = tpu.memref_squeeze %dma_start3A_262 : memref<1x1x4x125xi32, #tpu.memory_space<hbm>> -> memref<4x125xi32, #tpu.memory_space<hbm>>
        %dma_start3A_264 = arith.constant 0 : i32
        %dma_start3A_265 = arith.constant 0 : i32
        %dma_start3A_266 = tpu.memref_slice %arg4[%add3A, %add3A_259, %dma_start3A_264, %dma_start3A_265] : memref<32x20x4x125xi32, #tpu.memory_space<hbm>> -> memref<1x1x4x125xi32, #tpu.memory_space<hbm>>
        %dma_start3A_267 = tpu.memref_squeeze %dma_start3A_266 : memref<1x1x4x125xi32, #tpu.memory_space<hbm>> -> memref<4x125xi32, #tpu.memory_space<hbm>>
        tpu.enqueue_dma source(%dma_start3A_267 : memref<4x125xi32, #tpu.memory_space<hbm>>) target(%arg7 : memref<4x125xi32, #tpu.memory_space<vmem>>) target_semaphore(%arg15 : memref<!tpu.dma_semaphore, #tpu.memory_space<semaphore_mem>>)
      } else {
      }
      %dma_wait3A_186 = arith.constant 0 : i32
      %dma_wait3A_187 = arith.constant 0 : i32
      %dma_wait3A_188 = tpu.memref_slice %arg8[%dma_wait3A_186, %dma_wait3A_187] : memref<4x125xi32, #tpu.memory_space<vmem>> -> memref<1x125xi32, #tpu.memory_space<vmem>>
      %dma_wait3A_189 = tpu.memref_squeeze %dma_wait3A_188 : memref<1x125xi32, #tpu.memory_space<vmem>> -> memref<125xi32, #tpu.memory_space<vmem>>
      %dma_wait3A_190 = arith.constant 0 : i32
      %dma_wait3A_191 = arith.constant 0 : i32
      %dma_wait3A_192 = tpu.memref_slice %arg2[%dma_wait3A_190, %dma_wait3A_191] : memref<10240x128xf32, #tpu.memory_space<hbm>> -> memref<10240x128xf32, #tpu.memory_space<hbm>>
      tpu.wait_indirect_dma semaphore(%arg13 : memref<!tpu.dma_semaphore, #tpu.memory_space<semaphore_mem>>) src(%dma_wait3A_192 : memref<10240x128xf32, #tpu.memory_space<hbm>>) dst(%arg10 : memref<125x128xf32, #tpu.memory_space<vmem>>)
      %dma_start3A_193 = arith.constant 1 : i32
      %dma_start3A_194 = arith.constant 0 : i32
      %dma_start3A_195 = tpu.memref_slice %arg8[%dma_start3A_193, %dma_start3A_194] : memref<4x125xi32, #tpu.memory_space<vmem>> -> memref<1x125xi32, #tpu.memory_space<vmem>>
      %dma_start3A_196 = tpu.memref_squeeze %dma_start3A_195 : memref<1x125xi32, #tpu.memory_space<vmem>> -> memref<125xi32, #tpu.memory_space<vmem>>
      %dma_start3A_197 = arith.constant 0 : i32
      %dma_start3A_198 = arith.constant 0 : i32
      %dma_start3A_199 = tpu.memref_slice %arg2[%dma_start3A_197, %dma_start3A_198] : memref<10240x128xf32, #tpu.memory_space<hbm>> -> memref<10240x128xf32, #tpu.memory_space<hbm>>
      tpu.enqueue_indirect_dma source(%dma_start3A_199 : memref<10240x128xf32, #tpu.memory_space<hbm>>) target(%arg11 : memref<125x128xf32, #tpu.memory_space<vmem>>) offsets(%dma_start3A_196 : memref<125xi32, #tpu.memory_space<vmem>>) semaphore(%arg14 : memref<!tpu.dma_semaphore, #tpu.memory_space<semaphore_mem>>)
      %run_scoped3A_200 = arith.constant 0 : i32
      "tpu.region"() ({
        %run_scoped3A_244 = tpu.sem_alloc : memref<!tpu.dma_semaphore, #tpu.memory_space<semaphore_mem>>
        %dma_start3A_245 = arith.constant 0 : i32
        %dma_start3A_246 = tpu.memref_slice %arg9[%run_scoped3A_200, %dma_start3A_245] : memref<4x125xi32, #tpu.memory_space<vmem>> -> memref<1x125xi32, #tpu.memory_space<vmem>>
        %dma_start3A_247 = tpu.memref_squeeze %dma_start3A_246 : memref<1x125xi32, #tpu.memory_space<vmem>> -> memref<125xi32, #tpu.memory_space<vmem>>
        %dma_start3A_248 = arith.constant 0 : i32
        %dma_start3A_249 = arith.constant 0 : i32
        %dma_start3A_250 = tpu.memref_slice %arg12[%dma_start3A_248, %dma_start3A_249] : memref<10240x128xf32, #tpu.memory_space<vmem_shared>> -> memref<10240x128xf32, #tpu.memory_space<vmem_shared>>
        tpu.enqueue_indirect_dma source(%arg10 : memref<125x128xf32, #tpu.memory_space<vmem>>) target(%dma_start3A_250 : memref<10240x128xf32, #tpu.memory_space<vmem_shared>>) offsets(%dma_start3A_247 : memref<125xi32, #tpu.memory_space<vmem>>) semaphore(%run_scoped3A_244 : memref<!tpu.dma_semaphore, #tpu.memory_space<semaphore_mem>>) {add = true}
        %dma_wait3A_251 = arith.constant 0 : i32
        %dma_wait3A_252 = tpu.memref_slice %arg9[%run_scoped3A_200, %dma_wait3A_251] : memref<4x125xi32, #tpu.memory_space<vmem>> -> memref<1x125xi32, #tpu.memory_space<vmem>>
        %dma_wait3A_253 = tpu.memref_squeeze %dma_wait3A_252 : memref<1x125xi32, #tpu.memory_space<vmem>> -> memref<125xi32, #tpu.memory_space<vmem>>
        %dma_wait3A_254 = arith.constant 0 : i32
        %dma_wait3A_255 = arith.constant 0 : i32
        %dma_wait3A_256 = tpu.memref_slice %arg12[%dma_wait3A_254, %dma_wait3A_255] : memref<10240x128xf32, #tpu.memory_space<vmem_shared>> -> memref<10240x128xf32, #tpu.memory_space<vmem_shared>>
        tpu.wait_indirect_dma semaphore(%run_scoped3A_244 : memref<!tpu.dma_semaphore, #tpu.memory_space<semaphore_mem>>) src(%arg10 : memref<125x128xf32, #tpu.memory_space<vmem>>) dst(%dma_wait3A_256 : memref<10240x128xf32, #tpu.memory_space<vmem_shared>>)
        tpu.yield
      }) : () -> ()
      %dma_wait3A_201 = arith.constant 1 : i32
      %dma_wait3A_202 = arith.constant 0 : i32
      %dma_wait3A_203 = tpu.memref_slice %arg8[%dma_wait3A_201, %dma_wait3A_202] : memref<4x125xi32, #tpu.memory_space<vmem>> -> memref<1x125xi32, #tpu.memory_space<vmem>>
      %dma_wait3A_204 = tpu.memref_squeeze %dma_wait3A_203 : memref<1x125xi32, #tpu.memory_space<vmem>> -> memref<125xi32, #tpu.memory_space<vmem>>
      %dma_wait3A_205 = arith.constant 0 : i32
      %dma_wait3A_206 = arith.constant 0 : i32
      %dma_wait3A_207 = tpu.memref_slice %arg2[%dma_wait3A_205, %dma_wait3A_206] : memref<10240x128xf32, #tpu.memory_space<hbm>> -> memref<10240x128xf32, #tpu.memory_space<hbm>>
      tpu.wait_indirect_dma semaphore(%arg14 : memref<!tpu.dma_semaphore, #tpu.memory_space<semaphore_mem>>) src(%dma_wait3A_207 : memref<10240x128xf32, #tpu.memory_space<hbm>>) dst(%arg11 : memref<125x128xf32, #tpu.memory_space<vmem>>)
      %dma_start3A_208 = arith.constant 2 : i32
      %dma_start3A_209 = arith.constant 0 : i32
      %dma_start3A_210 = tpu.memref_slice %arg8[%dma_start3A_208, %dma_start3A_209] : memref<4x125xi32, #tpu.memory_space<vmem>> -> memref<1x125xi32, #tpu.memory_space<vmem>>
      %dma_start3A_211 = tpu.memref_squeeze %dma_start3A_210 : memref<1x125xi32, #tpu.memory_space<vmem>> -> memref<125xi32, #tpu.memory_space<vmem>>
      %dma_start3A_212 = arith.constant 0 : i32
      %dma_start3A_213 = arith.constant 0 : i32
      %dma_start3A_214 = tpu.memref_slice %arg2[%dma_start3A_212, %dma_start3A_213] : memref<10240x128xf32, #tpu.memory_space<hbm>> -> memref<10240x128xf32, #tpu.memory_space<hbm>>
      tpu.enqueue_indirect_dma source(%dma_start3A_214 : memref<10240x128xf32, #tpu.memory_space<hbm>>) target(%arg10 : memref<125x128xf32, #tpu.memory_space<vmem>>) offsets(%dma_start3A_211 : memref<125xi32, #tpu.memory_space<vmem>>) semaphore(%arg13 : memref<!tpu.dma_semaphore, #tpu.memory_space<semaphore_mem>>)
      %run_scoped3A_215 = arith.constant 1 : i32
      "tpu.region"() ({
        %run_scoped3A_244 = tpu.sem_alloc : memref<!tpu.dma_semaphore, #tpu.memory_space<semaphore_mem>>
        %dma_start3A_245 = arith.constant 0 : i32
        %dma_start3A_246 = tpu.memref_slice %arg9[%run_scoped3A_215, %dma_start3A_245] : memref<4x125xi32, #tpu.memory_space<vmem>> -> memref<1x125xi32, #tpu.memory_space<vmem>>
        %dma_start3A_247 = tpu.memref_squeeze %dma_start3A_246 : memref<1x125xi32, #tpu.memory_space<vmem>> -> memref<125xi32, #tpu.memory_space<vmem>>
        %dma_start3A_248 = arith.constant 0 : i32
        %dma_start3A_249 = arith.constant 0 : i32
        %dma_start3A_250 = tpu.memref_slice %arg12[%dma_start3A_248, %dma_start3A_249] : memref<10240x128xf32, #tpu.memory_space<vmem_shared>> -> memref<10240x128xf32, #tpu.memory_space<vmem_shared>>
        tpu.enqueue_indirect_dma source(%arg11 : memref<125x128xf32, #tpu.memory_space<vmem>>) target(%dma_start3A_250 : memref<10240x128xf32, #tpu.memory_space<vmem_shared>>) offsets(%dma_start3A_247 : memref<125xi32, #tpu.memory_space<vmem>>) semaphore(%run_scoped3A_244 : memref<!tpu.dma_semaphore, #tpu.memory_space<semaphore_mem>>) {add = true}
        %dma_wait3A_251 = arith.constant 0 : i32
        %dma_wait3A_252 = tpu.memref_slice %arg9[%run_scoped3A_215, %dma_wait3A_251] : memref<4x125xi32, #tpu.memory_space<vmem>> -> memref<1x125xi32, #tpu.memory_space<vmem>>
        %dma_wait3A_253 = tpu.memref_squeeze %dma_wait3A_252 : memref<1x125xi32, #tpu.memory_space<vmem>> -> memref<125xi32, #tpu.memory_space<vmem>>
        %dma_wait3A_254 = arith.constant 0 : i32
        %dma_wait3A_255 = arith.constant 0 : i32
        %dma_wait3A_256 = tpu.memref_slice %arg12[%dma_wait3A_254, %dma_wait3A_255] : memref<10240x128xf32, #tpu.memory_space<vmem_shared>> -> memref<10240x128xf32, #tpu.memory_space<vmem_shared>>
        tpu.wait_indirect_dma semaphore(%run_scoped3A_244 : memref<!tpu.dma_semaphore, #tpu.memory_space<semaphore_mem>>) src(%arg11 : memref<125x128xf32, #tpu.memory_space<vmem>>) dst(%dma_wait3A_256 : memref<10240x128xf32, #tpu.memory_space<vmem_shared>>)
        tpu.yield
      }) : () -> ()
      %dma_wait3A_216 = arith.constant 2 : i32
      %dma_wait3A_217 = arith.constant 0 : i32
      %dma_wait3A_218 = tpu.memref_slice %arg8[%dma_wait3A_216, %dma_wait3A_217] : memref<4x125xi32, #tpu.memory_space<vmem>> -> memref<1x125xi32, #tpu.memory_space<vmem>>
      %dma_wait3A_219 = tpu.memref_squeeze %dma_wait3A_218 : memref<1x125xi32, #tpu.memory_space<vmem>> -> memref<125xi32, #tpu.memory_space<vmem>>
      %dma_wait3A_220 = arith.constant 0 : i32
      %dma_wait3A_221 = arith.constant 0 : i32
      %dma_wait3A_222 = tpu.memref_slice %arg2[%dma_wait3A_220, %dma_wait3A_221] : memref<10240x128xf32, #tpu.memory_space<hbm>> -> memref<10240x128xf32, #tpu.memory_space<hbm>>
      tpu.wait_indirect_dma semaphore(%arg13 : memref<!tpu.dma_semaphore, #tpu.memory_space<semaphore_mem>>) src(%dma_wait3A_222 : memref<10240x128xf32, #tpu.memory_space<hbm>>) dst(%arg10 : memref<125x128xf32, #tpu.memory_space<vmem>>)
      %dma_start3A_223 = arith.constant 3 : i32
      %dma_start3A_224 = arith.constant 0 : i32
      %dma_start3A_225 = tpu.memref_slice %arg8[%dma_start3A_223, %dma_start3A_224] : memref<4x125xi32, #tpu.memory_space<vmem>> -> memref<1x125xi32, #tpu.memory_space<vmem>>
      %dma_start3A_226 = tpu.memref_squeeze %dma_start3A_225 : memref<1x125xi32, #tpu.memory_space<vmem>> -> memref<125xi32, #tpu.memory_space<vmem>>
      %dma_start3A_227 = arith.constant 0 : i32
      %dma_start3A_228 = arith.constant 0 : i32
      %dma_start3A_229 = tpu.memref_slice %arg2[%dma_start3A_227, %dma_start3A_228] : memref<10240x128xf32, #tpu.memory_space<hbm>> -> memref<10240x128xf32, #tpu.memory_space<hbm>>
      tpu.enqueue_indirect_dma source(%dma_start3A_229 : memref<10240x128xf32, #tpu.memory_space<hbm>>) target(%arg11 : memref<125x128xf32, #tpu.memory_space<vmem>>) offsets(%dma_start3A_226 : memref<125xi32, #tpu.memory_space<vmem>>) semaphore(%arg14 : memref<!tpu.dma_semaphore, #tpu.memory_space<semaphore_mem>>)
      %run_scoped3A_230 = arith.constant 2 : i32
      "tpu.region"() ({
        %run_scoped3A_244 = tpu.sem_alloc : memref<!tpu.dma_semaphore, #tpu.memory_space<semaphore_mem>>
        %dma_start3A_245 = arith.constant 0 : i32
        %dma_start3A_246 = tpu.memref_slice %arg9[%run_scoped3A_230, %dma_start3A_245] : memref<4x125xi32, #tpu.memory_space<vmem>> -> memref<1x125xi32, #tpu.memory_space<vmem>>
        %dma_start3A_247 = tpu.memref_squeeze %dma_start3A_246 : memref<1x125xi32, #tpu.memory_space<vmem>> -> memref<125xi32, #tpu.memory_space<vmem>>
        %dma_start3A_248 = arith.constant 0 : i32
        %dma_start3A_249 = arith.constant 0 : i32
        %dma_start3A_250 = tpu.memref_slice %arg12[%dma_start3A_248, %dma_start3A_249] : memref<10240x128xf32, #tpu.memory_space<vmem_shared>> -> memref<10240x128xf32, #tpu.memory_space<vmem_shared>>
        tpu.enqueue_indirect_dma source(%arg10 : memref<125x128xf32, #tpu.memory_space<vmem>>) target(%dma_start3A_250 : memref<10240x128xf32, #tpu.memory_space<vmem_shared>>) offsets(%dma_start3A_247 : memref<125xi32, #tpu.memory_space<vmem>>) semaphore(%run_scoped3A_244 : memref<!tpu.dma_semaphore, #tpu.memory_space<semaphore_mem>>) {add = true}
        %dma_wait3A_251 = arith.constant 0 : i32
        %dma_wait3A_252 = tpu.memref_slice %arg9[%run_scoped3A_230, %dma_wait3A_251] : memref<4x125xi32, #tpu.memory_space<vmem>> -> memref<1x125xi32, #tpu.memory_space<vmem>>
        %dma_wait3A_253 = tpu.memref_squeeze %dma_wait3A_252 : memref<1x125xi32, #tpu.memory_space<vmem>> -> memref<125xi32, #tpu.memory_space<vmem>>
        %dma_wait3A_254 = arith.constant 0 : i32
        %dma_wait3A_255 = arith.constant 0 : i32
        %dma_wait3A_256 = tpu.memref_slice %arg12[%dma_wait3A_254, %dma_wait3A_255] : memref<10240x128xf32, #tpu.memory_space<vmem_shared>> -> memref<10240x128xf32, #tpu.memory_space<vmem_shared>>
        tpu.wait_indirect_dma semaphore(%run_scoped3A_244 : memref<!tpu.dma_semaphore, #tpu.memory_space<semaphore_mem>>) src(%arg10 : memref<125x128xf32, #tpu.memory_space<vmem>>) dst(%dma_wait3A_256 : memref<10240x128xf32, #tpu.memory_space<vmem_shared>>)
        tpu.yield
      }) : () -> ()
      %dma_wait3A_231 = arith.constant 3 : i32
      %dma_wait3A_232 = arith.constant 0 : i32
      %dma_wait3A_233 = tpu.memref_slice %arg8[%dma_wait3A_231, %dma_wait3A_232] : memref<4x125xi32, #tpu.memory_space<vmem>> -> memref<1x125xi32, #tpu.memory_space<vmem>>
      %dma_wait3A_234 = tpu.memref_squeeze %dma_wait3A_233 : memref<1x125xi32, #tpu.memory_space<vmem>> -> memref<125xi32, #tpu.memory_space<vmem>>
      %dma_wait3A_235 = arith.constant 0 : i32
      %dma_wait3A_236 = arith.constant 0 : i32
      %dma_wait3A_237 = tpu.memref_slice %arg2[%dma_wait3A_235, %dma_wait3A_236] : memref<10240x128xf32, #tpu.memory_space<hbm>> -> memref<10240x128xf32, #tpu.memory_space<hbm>>
      tpu.wait_indirect_dma semaphore(%arg14 : memref<!tpu.dma_semaphore, #tpu.memory_space<semaphore_mem>>) src(%dma_wait3A_237 : memref<10240x128xf32, #tpu.memory_space<hbm>>) dst(%arg11 : memref<125x128xf32, #tpu.memory_space<vmem>>)
      %lt3A_238 = arith.constant 9 : i32
      %lt3A_239 = arith.cmpi slt, %scan3A_84, %lt3A_238 : i32
      %convert_element_type3A_240 = arith.extui %lt3A_239 : i1 to i32
      %cond3A_241 = arith.constant 0 : i32
      %cond3A_242 = arith.cmpi ne, %convert_element_type3A_240, %cond3A_241 : i32
      scf.if %cond3A_242 {
        %dma_wait3A_244 = arith.constant 0 : i32
        %dma_wait3A_245 = arith.constant 0 : i32
        %dma_wait3A_246 = arith.constant 0 : i32
        %dma_wait3A_247 = tpu.memref_slice %arg3[%add3A, %dma_wait3A_244, %dma_wait3A_245, %dma_wait3A_246] : memref<32x20x4x125xi32, #tpu.memory_space<hbm>> -> memref<1x1x4x125xi32, #tpu.memory_space<hbm>>
        %dma_wait3A_248 = tpu.memref_squeeze %dma_wait3A_247 : memref<1x1x4x125xi32, #tpu.memory_space<hbm>> -> memref<4x125xi32, #tpu.memory_space<hbm>>
        %dma_wait3A_249 = arith.constant 0 : i32
        %dma_wait3A_250 = arith.constant 0 : i32
        %dma_wait3A_251 = tpu.memref_slice %arg3[%add3A, %dma_wait3A_244, %dma_wait3A_249, %dma_wait3A_250] : memref<32x20x4x125xi32, #tpu.memory_space<hbm>> -> memref<1x1x4x125xi32, #tpu.memory_space<hbm>>
        %dma_wait3A_252 = tpu.memref_squeeze %dma_wait3A_251 : memref<1x1x4x125xi32, #tpu.memory_space<hbm>> -> memref<4x125xi32, #tpu.memory_space<hbm>>
        tpu.wait_dma2 semaphore(%arg15 : memref<!tpu.dma_semaphore, #tpu.memory_space<semaphore_mem>>) src(%dma_wait3A_252 : memref<4x125xi32, #tpu.memory_space<hbm>>) dst(%arg6 : memref<4x125xi32, #tpu.memory_space<vmem>>)
        %dma_wait3A_253 = arith.constant 0 : i32
        %dma_wait3A_254 = arith.constant 0 : i32
        %dma_wait3A_255 = arith.constant 0 : i32
        %dma_wait3A_256 = tpu.memref_slice %arg4[%add3A, %dma_wait3A_253, %dma_wait3A_254, %dma_wait3A_255] : memref<32x20x4x125xi32, #tpu.memory_space<hbm>> -> memref<1x1x4x125xi32, #tpu.memory_space<hbm>>
        %dma_wait3A_257 = tpu.memref_squeeze %dma_wait3A_256 : memref<1x1x4x125xi32, #tpu.memory_space<hbm>> -> memref<4x125xi32, #tpu.memory_space<hbm>>
        %dma_wait3A_258 = arith.constant 0 : i32
        %dma_wait3A_259 = arith.constant 0 : i32
        %dma_wait3A_260 = tpu.memref_slice %arg4[%add3A, %dma_wait3A_253, %dma_wait3A_258, %dma_wait3A_259] : memref<32x20x4x125xi32, #tpu.memory_space<hbm>> -> memref<1x1x4x125xi32, #tpu.memory_space<hbm>>
        %dma_wait3A_261 = tpu.memref_squeeze %dma_wait3A_260 : memref<1x1x4x125xi32, #tpu.memory_space<hbm>> -> memref<4x125xi32, #tpu.memory_space<hbm>>
        tpu.wait_dma2 semaphore(%arg15 : memref<!tpu.dma_semaphore, #tpu.memory_space<semaphore_mem>>) src(%dma_wait3A_261 : memref<4x125xi32, #tpu.memory_space<hbm>>) dst(%arg7 : memref<4x125xi32, #tpu.memory_space<vmem>>)
        %dma_start3A_262 = arith.constant 0 : i32
        %dma_start3A_263 = arith.constant 0 : i32
        %dma_start3A_264 = tpu.memref_slice %arg6[%dma_start3A_262, %dma_start3A_263] : memref<4x125xi32, #tpu.memory_space<vmem>> -> memref<1x125xi32, #tpu.memory_space<vmem>>
        %dma_start3A_265 = tpu.memref_squeeze %dma_start3A_264 : memref<1x125xi32, #tpu.memory_space<vmem>> -> memref<125xi32, #tpu.memory_space<vmem>>
        %dma_start3A_266 = arith.constant 0 : i32
        %dma_start3A_267 = arith.constant 0 : i32
        %dma_start3A_268 = tpu.memref_slice %arg2[%dma_start3A_266, %dma_start3A_267] : memref<10240x128xf32, #tpu.memory_space<hbm>> -> memref<10240x128xf32, #tpu.memory_space<hbm>>
        tpu.enqueue_indirect_dma source(%dma_start3A_268 : memref<10240x128xf32, #tpu.memory_space<hbm>>) target(%arg10 : memref<125x128xf32, #tpu.memory_space<vmem>>) offsets(%dma_start3A_265 : memref<125xi32, #tpu.memory_space<vmem>>) semaphore(%arg13 : memref<!tpu.dma_semaphore, #tpu.memory_space<semaphore_mem>>)
      } else {
      }
      %run_scoped3A_243 = arith.constant 3 : i32
      "tpu.region"() ({
        %run_scoped3A_244 = tpu.sem_alloc : memref<!tpu.dma_semaphore, #tpu.memory_space<semaphore_mem>>
        %dma_start3A_245 = arith.constant 0 : i32
        %dma_start3A_246 = tpu.memref_slice %arg9[%run_scoped3A_243, %dma_start3A_245] : memref<4x125xi32, #tpu.memory_space<vmem>> -> memref<1x125xi32, #tpu.memory_space<vmem>>
        %dma_start3A_247 = tpu.memref_squeeze %dma_start3A_246 : memref<1x125xi32, #tpu.memory_space<vmem>> -> memref<125xi32, #tpu.memory_space<vmem>>
        %dma_start3A_248 = arith.constant 0 : i32
        %dma_start3A_249 = arith.constant 0 : i32
        %dma_start3A_250 = tpu.memref_slice %arg12[%dma_start3A_248, %dma_start3A_249] : memref<10240x128xf32, #tpu.memory_space<vmem_shared>> -> memref<10240x128xf32, #tpu.memory_space<vmem_shared>>
        tpu.enqueue_indirect_dma source(%arg11 : memref<125x128xf32, #tpu.memory_space<vmem>>) target(%dma_start3A_250 : memref<10240x128xf32, #tpu.memory_space<vmem_shared>>) offsets(%dma_start3A_247 : memref<125xi32, #tpu.memory_space<vmem>>) semaphore(%run_scoped3A_244 : memref<!tpu.dma_semaphore, #tpu.memory_space<semaphore_mem>>) {add = true}
        %dma_wait3A_251 = arith.constant 0 : i32
        %dma_wait3A_252 = tpu.memref_slice %arg9[%run_scoped3A_243, %dma_wait3A_251] : memref<4x125xi32, #tpu.memory_space<vmem>> -> memref<1x125xi32, #tpu.memory_space<vmem>>
        %dma_wait3A_253 = tpu.memref_squeeze %dma_wait3A_252 : memref<1x125xi32, #tpu.memory_space<vmem>> -> memref<125xi32, #tpu.memory_space<vmem>>
        %dma_wait3A_254 = arith.constant 0 : i32
        %dma_wait3A_255 = arith.constant 0 : i32
        %dma_wait3A_256 = tpu.memref_slice %arg12[%dma_wait3A_254, %dma_wait3A_255] : memref<10240x128xf32, #tpu.memory_space<vmem_shared>> -> memref<10240x128xf32, #tpu.memory_space<vmem_shared>>
        tpu.wait_indirect_dma semaphore(%run_scoped3A_244 : memref<!tpu.dma_semaphore, #tpu.memory_space<semaphore_mem>>) src(%arg11 : memref<125x128xf32, #tpu.memory_space<vmem>>) dst(%dma_wait3A_256 : memref<10240x128xf32, #tpu.memory_space<vmem_shared>>)
        tpu.yield
      }) : () -> ()
    }
    %scan3A_50 = arith.constant 10 : i32
    %barrier3A_51 = arith.constant 0 : index
    tpu.barrier barrier_id(%barrier3A_51)
    %mul3A_52 = arith.constant 640 : i32
    %mul3A_53 = arith.muli %arg1, %mul3A_52 : i32
    %add3A_54 = arith.constant 0 : i32
    %add3A_55 = arith.addi %mul3A_53, %add3A_54 : i32
    "tpu.region"() ({
      %run_scoped3A_84 = tpu.sem_alloc : memref<!tpu.dma_semaphore, #tpu.memory_space<semaphore_mem>>
      %dma_start3A_85 = arith.constant 0 : i32
      %dma_start3A_86 = tpu.memref_slice %arg5[%arg0, %add3A_55, %dma_start3A_85] : memref<2x10240x128xf32, #tpu.memory_space<hbm>> -> memref<1x80x128xf32, #tpu.memory_space<hbm>>
      %dma_start3A_87 = tpu.memref_squeeze %dma_start3A_86 : memref<1x80x128xf32, #tpu.memory_space<hbm>> -> memref<80x128xf32, #tpu.memory_space<hbm>>
      %dma_start3A_88 = arith.constant 0 : i32
      %dma_start3A_89 = tpu.memref_slice %arg12[%add3A_55, %dma_start3A_88] : memref<10240x128xf32, #tpu.memory_space<vmem_shared>> -> memref<80x128xf32, #tpu.memory_space<vmem_shared>>
      tpu.enqueue_dma source(%dma_start3A_89 : memref<80x128xf32, #tpu.memory_space<vmem_shared>>) target(%dma_start3A_87 : memref<80x128xf32, #tpu.memory_space<hbm>>) target_semaphore(%run_scoped3A_84 : memref<!tpu.dma_semaphore, #tpu.memory_space<semaphore_mem>>)
      %dma_wait3A = arith.constant 0 : i32
      %dma_wait3A_90 = tpu.memref_slice %arg5[%arg0, %add3A_55, %dma_wait3A] : memref<2x10240x128xf32, #tpu.memory_space<hbm>> -> memref<1x80x128xf32, #tpu.memory_space<hbm>>
      %dma_wait3A_91 = tpu.memref_squeeze %dma_wait3A_90 : memref<1x80x128xf32, #tpu.memory_space<hbm>> -> memref<80x128xf32, #tpu.memory_space<hbm>>
      %dma_wait3A_92 = arith.constant 0 : i32
      %dma_wait3A_93 = tpu.memref_slice %arg12[%add3A_55, %dma_wait3A_92] : memref<10240x128xf32, #tpu.memory_space<vmem_shared>> -> memref<80x128xf32, #tpu.memory_space<vmem_shared>>
      tpu.wait_dma2 semaphore(%run_scoped3A_84 : memref<!tpu.dma_semaphore, #tpu.memory_space<semaphore_mem>>) src(%dma_wait3A_93 : memref<80x128xf32, #tpu.memory_space<vmem_shared>>) dst(%dma_wait3A_91 : memref<80x128xf32, #tpu.memory_space<hbm>>)
      tpu.yield
    }) : () -> ()
    %mul3A_56 = arith.constant 640 : i32
    %mul3A_57 = arith.muli %arg1, %mul3A_56 : i32
    %add3A_58 = arith.constant 80 : i32
    %add3A_59 = arith.addi %mul3A_57, %add3A_58 : i32
    "tpu.region"() ({
      %run_scoped3A_84 = tpu.sem_alloc : memref<!tpu.dma_semaphore, #tpu.memory_space<semaphore_mem>>
      %dma_start3A_85 = arith.constant 0 : i32
      %dma_start3A_86 = tpu.memref_slice %arg5[%arg0, %add3A_59, %dma_start3A_85] : memref<2x10240x128xf32, #tpu.memory_space<hbm>> -> memref<1x80x128xf32, #tpu.memory_space<hbm>>
      %dma_start3A_87 = tpu.memref_squeeze %dma_start3A_86 : memref<1x80x128xf32, #tpu.memory_space<hbm>> -> memref<80x128xf32, #tpu.memory_space<hbm>>
      %dma_start3A_88 = arith.constant 0 : i32
      %dma_start3A_89 = tpu.memref_slice %arg12[%add3A_59, %dma_start3A_88] : memref<10240x128xf32, #tpu.memory_space<vmem_shared>> -> memref<80x128xf32, #tpu.memory_space<vmem_shared>>
      tpu.enqueue_dma source(%dma_start3A_89 : memref<80x128xf32, #tpu.memory_space<vmem_shared>>) target(%dma_start3A_87 : memref<80x128xf32, #tpu.memory_space<hbm>>) target_semaphore(%run_scoped3A_84 : memref<!tpu.dma_semaphore, #tpu.memory_space<semaphore_mem>>)
      %dma_wait3A = arith.constant 0 : i32
      %dma_wait3A_90 = tpu.memref_slice %arg5[%arg0, %add3A_59, %dma_wait3A] : memref<2x10240x128xf32, #tpu.memory_space<hbm>> -> memref<1x80x128xf32, #tpu.memory_space<hbm>>
      %dma_wait3A_91 = tpu.memref_squeeze %dma_wait3A_90 : memref<1x80x128xf32, #tpu.memory_space<hbm>> -> memref<80x128xf32, #tpu.memory_space<hbm>>
      %dma_wait3A_92 = arith.constant 0 : i32
      %dma_wait3A_93 = tpu.memref_slice %arg12[%add3A_59, %dma_wait3A_92] : memref<10240x128xf32, #tpu.memory_space<vmem_shared>> -> memref<80x128xf32, #tpu.memory_space<vmem_shared>>
      tpu.wait_dma2 semaphore(%run_scoped3A_84 : memref<!tpu.dma_semaphore, #tpu.memory_space<semaphore_mem>>) src(%dma_wait3A_93 : memref<80x128xf32, #tpu.memory_space<vmem_shared>>) dst(%dma_wait3A_91 : memref<80x128xf32, #tpu.memory_space<hbm>>)
      tpu.yield
    }) : () -> ()
    %mul3A_60 = arith.constant 640 : i32
    %mul3A_61 = arith.muli %arg1, %mul3A_60 : i32
    %add3A_62 = arith.constant 160 : i32
    %add3A_63 = arith.addi %mul3A_61, %add3A_62 : i32
    "tpu.region"() ({
      %run_scoped3A_84 = tpu.sem_alloc : memref<!tpu.dma_semaphore, #tpu.memory_space<semaphore_mem>>
      %dma_start3A_85 = arith.constant 0 : i32
      %dma_start3A_86 = tpu.memref_slice %arg5[%arg0, %add3A_63, %dma_start3A_85] : memref<2x10240x128xf32, #tpu.memory_space<hbm>> -> memref<1x80x128xf32, #tpu.memory_space<hbm>>
      %dma_start3A_87 = tpu.memref_squeeze %dma_start3A_86 : memref<1x80x128xf32, #tpu.memory_space<hbm>> -> memref<80x128xf32, #tpu.memory_space<hbm>>
      %dma_start3A_88 = arith.constant 0 : i32
      %dma_start3A_89 = tpu.memref_slice %arg12[%add3A_63, %dma_start3A_88] : memref<10240x128xf32, #tpu.memory_space<vmem_shared>> -> memref<80x128xf32, #tpu.memory_space<vmem_shared>>
      tpu.enqueue_dma source(%dma_start3A_89 : memref<80x128xf32, #tpu.memory_space<vmem_shared>>) target(%dma_start3A_87 : memref<80x128xf32, #tpu.memory_space<hbm>>) target_semaphore(%run_scoped3A_84 : memref<!tpu.dma_semaphore, #tpu.memory_space<semaphore_mem>>)
      %dma_wait3A = arith.constant 0 : i32
      %dma_wait3A_90 = tpu.memref_slice %arg5[%arg0, %add3A_63, %dma_wait3A] : memref<2x10240x128xf32, #tpu.memory_space<hbm>> -> memref<1x80x128xf32, #tpu.memory_space<hbm>>
      %dma_wait3A_91 = tpu.memref_squeeze %dma_wait3A_90 : memref<1x80x128xf32, #tpu.memory_space<hbm>> -> memref<80x128xf32, #tpu.memory_space<hbm>>
      %dma_wait3A_92 = arith.constant 0 : i32
      %dma_wait3A_93 = tpu.memref_slice %arg12[%add3A_63, %dma_wait3A_92] : memref<10240x128xf32, #tpu.memory_space<vmem_shared>> -> memref<80x128xf32, #tpu.memory_space<vmem_shared>>
      tpu.wait_dma2 semaphore(%run_scoped3A_84 : memref<!tpu.dma_semaphore, #tpu.memory_space<semaphore_mem>>) src(%dma_wait3A_93 : memref<80x128xf32, #tpu.memory_space<vmem_shared>>) dst(%dma_wait3A_91 : memref<80x128xf32, #tpu.memory_space<hbm>>)
      tpu.yield
    }) : () -> ()
    %mul3A_64 = arith.constant 640 : i32
    %mul3A_65 = arith.muli %arg1, %mul3A_64 : i32
    %add3A_66 = arith.constant 240 : i32
    %add3A_67 = arith.addi %mul3A_65, %add3A_66 : i32
    "tpu.region"() ({
      %run_scoped3A_84 = tpu.sem_alloc : memref<!tpu.dma_semaphore, #tpu.memory_space<semaphore_mem>>
      %dma_start3A_85 = arith.constant 0 : i32
      %dma_start3A_86 = tpu.memref_slice %arg5[%arg0, %add3A_67, %dma_start3A_85] : memref<2x10240x128xf32, #tpu.memory_space<hbm>> -> memref<1x80x128xf32, #tpu.memory_space<hbm>>
      %dma_start3A_87 = tpu.memref_squeeze %dma_start3A_86 : memref<1x80x128xf32, #tpu.memory_space<hbm>> -> memref<80x128xf32, #tpu.memory_space<hbm>>
      %dma_start3A_88 = arith.constant 0 : i32
      %dma_start3A_89 = tpu.memref_slice %arg12[%add3A_67, %dma_start3A_88] : memref<10240x128xf32, #tpu.memory_space<vmem_shared>> -> memref<80x128xf32, #tpu.memory_space<vmem_shared>>
      tpu.enqueue_dma source(%dma_start3A_89 : memref<80x128xf32, #tpu.memory_space<vmem_shared>>) target(%dma_start3A_87 : memref<80x128xf32, #tpu.memory_space<hbm>>) target_semaphore(%run_scoped3A_84 : memref<!tpu.dma_semaphore, #tpu.memory_space<semaphore_mem>>)
      %dma_wait3A = arith.constant 0 : i32
      %dma_wait3A_90 = tpu.memref_slice %arg5[%arg0, %add3A_67, %dma_wait3A] : memref<2x10240x128xf32, #tpu.memory_space<hbm>> -> memref<1x80x128xf32, #tpu.memory_space<hbm>>
      %dma_wait3A_91 = tpu.memref_squeeze %dma_wait3A_90 : memref<1x80x128xf32, #tpu.memory_space<hbm>> -> memref<80x128xf32, #tpu.memory_space<hbm>>
      %dma_wait3A_92 = arith.constant 0 : i32
      %dma_wait3A_93 = tpu.memref_slice %arg12[%add3A_67, %dma_wait3A_92] : memref<10240x128xf32, #tpu.memory_space<vmem_shared>> -> memref<80x128xf32, #tpu.memory_space<vmem_shared>>
      tpu.wait_dma2 semaphore(%run_scoped3A_84 : memref<!tpu.dma_semaphore, #tpu.memory_space<semaphore_mem>>) src(%dma_wait3A_93 : memref<80x128xf32, #tpu.memory_space<vmem_shared>>) dst(%dma_wait3A_91 : memref<80x128xf32, #tpu.memory_space<hbm>>)
      tpu.yield
    }) : () -> ()
    %mul3A_68 = arith.constant 640 : i32
    %mul3A_69 = arith.muli %arg1, %mul3A_68 : i32
    %add3A_70 = arith.constant 320 : i32
    %add3A_71 = arith.addi %mul3A_69, %add3A_70 : i32
    "tpu.region"() ({
      %run_scoped3A_84 = tpu.sem_alloc : memref<!tpu.dma_semaphore, #tpu.memory_space<semaphore_mem>>
      %dma_start3A_85 = arith.constant 0 : i32
      %dma_start3A_86 = tpu.memref_slice %arg5[%arg0, %add3A_71, %dma_start3A_85] : memref<2x10240x128xf32, #tpu.memory_space<hbm>> -> memref<1x80x128xf32, #tpu.memory_space<hbm>>
      %dma_start3A_87 = tpu.memref_squeeze %dma_start3A_86 : memref<1x80x128xf32, #tpu.memory_space<hbm>> -> memref<80x128xf32, #tpu.memory_space<hbm>>
      %dma_start3A_88 = arith.constant 0 : i32
      %dma_start3A_89 = tpu.memref_slice %arg12[%add3A_71, %dma_start3A_88] : memref<10240x128xf32, #tpu.memory_space<vmem_shared>> -> memref<80x128xf32, #tpu.memory_space<vmem_shared>>
      tpu.enqueue_dma source(%dma_start3A_89 : memref<80x128xf32, #tpu.memory_space<vmem_shared>>) target(%dma_start3A_87 : memref<80x128xf32, #tpu.memory_space<hbm>>) target_semaphore(%run_scoped3A_84 : memref<!tpu.dma_semaphore, #tpu.memory_space<semaphore_mem>>)
      %dma_wait3A = arith.constant 0 : i32
      %dma_wait3A_90 = tpu.memref_slice %arg5[%arg0, %add3A_71, %dma_wait3A] : memref<2x10240x128xf32, #tpu.memory_space<hbm>> -> memref<1x80x128xf32, #tpu.memory_space<hbm>>
      %dma_wait3A_91 = tpu.memref_squeeze %dma_wait3A_90 : memref<1x80x128xf32, #tpu.memory_space<hbm>> -> memref<80x128xf32, #tpu.memory_space<hbm>>
      %dma_wait3A_92 = arith.constant 0 : i32
      %dma_wait3A_93 = tpu.memref_slice %arg12[%add3A_71, %dma_wait3A_92] : memref<10240x128xf32, #tpu.memory_space<vmem_shared>> -> memref<80x128xf32, #tpu.memory_space<vmem_shared>>
      tpu.wait_dma2 semaphore(%run_scoped3A_84 : memref<!tpu.dma_semaphore, #tpu.memory_space<semaphore_mem>>) src(%dma_wait3A_93 : memref<80x128xf32, #tpu.memory_space<vmem_shared>>) dst(%dma_wait3A_91 : memref<80x128xf32, #tpu.memory_space<hbm>>)
      tpu.yield
    }) : () -> ()
    %mul3A_72 = arith.constant 640 : i32
    %mul3A_73 = arith.muli %arg1, %mul3A_72 : i32
    %add3A_74 = arith.constant 400 : i32
    %add3A_75 = arith.addi %mul3A_73, %add3A_74 : i32
    "tpu.region"() ({
      %run_scoped3A_84 = tpu.sem_alloc : memref<!tpu.dma_semaphore, #tpu.memory_space<semaphore_mem>>
      %dma_start3A_85 = arith.constant 0 : i32
      %dma_start3A_86 = tpu.memref_slice %arg5[%arg0, %add3A_75, %dma_start3A_85] : memref<2x10240x128xf32, #tpu.memory_space<hbm>> -> memref<1x80x128xf32, #tpu.memory_space<hbm>>
      %dma_start3A_87 = tpu.memref_squeeze %dma_start3A_86 : memref<1x80x128xf32, #tpu.memory_space<hbm>> -> memref<80x128xf32, #tpu.memory_space<hbm>>
      %dma_start3A_88 = arith.constant 0 : i32
      %dma_start3A_89 = tpu.memref_slice %arg12[%add3A_75, %dma_start3A_88] : memref<10240x128xf32, #tpu.memory_space<vmem_shared>> -> memref<80x128xf32, #tpu.memory_space<vmem_shared>>
      tpu.enqueue_dma source(%dma_start3A_89 : memref<80x128xf32, #tpu.memory_space<vmem_shared>>) target(%dma_start3A_87 : memref<80x128xf32, #tpu.memory_space<hbm>>) target_semaphore(%run_scoped3A_84 : memref<!tpu.dma_semaphore, #tpu.memory_space<semaphore_mem>>)
      %dma_wait3A = arith.constant 0 : i32
      %dma_wait3A_90 = tpu.memref_slice %arg5[%arg0, %add3A_75, %dma_wait3A] : memref<2x10240x128xf32, #tpu.memory_space<hbm>> -> memref<1x80x128xf32, #tpu.memory_space<hbm>>
      %dma_wait3A_91 = tpu.memref_squeeze %dma_wait3A_90 : memref<1x80x128xf32, #tpu.memory_space<hbm>> -> memref<80x128xf32, #tpu.memory_space<hbm>>
      %dma_wait3A_92 = arith.constant 0 : i32
      %dma_wait3A_93 = tpu.memref_slice %arg12[%add3A_75, %dma_wait3A_92] : memref<10240x128xf32, #tpu.memory_space<vmem_shared>> -> memref<80x128xf32, #tpu.memory_space<vmem_shared>>
      tpu.wait_dma2 semaphore(%run_scoped3A_84 : memref<!tpu.dma_semaphore, #tpu.memory_space<semaphore_mem>>) src(%dma_wait3A_93 : memref<80x128xf32, #tpu.memory_space<vmem_shared>>) dst(%dma_wait3A_91 : memref<80x128xf32, #tpu.memory_space<hbm>>)
      tpu.yield
    }) : () -> ()
    %mul3A_76 = arith.constant 640 : i32
    %mul3A_77 = arith.muli %arg1, %mul3A_76 : i32
    %add3A_78 = arith.constant 480 : i32
    %add3A_79 = arith.addi %mul3A_77, %add3A_78 : i32
    "tpu.region"() ({
      %run_scoped3A_84 = tpu.sem_alloc : memref<!tpu.dma_semaphore, #tpu.memory_space<semaphore_mem>>
      %dma_start3A_85 = arith.constant 0 : i32
      %dma_start3A_86 = tpu.memref_slice %arg5[%arg0, %add3A_79, %dma_start3A_85] : memref<2x10240x128xf32, #tpu.memory_space<hbm>> -> memref<1x80x128xf32, #tpu.memory_space<hbm>>
      %dma_start3A_87 = tpu.memref_squeeze %dma_start3A_86 : memref<1x80x128xf32, #tpu.memory_space<hbm>> -> memref<80x128xf32, #tpu.memory_space<hbm>>
      %dma_start3A_88 = arith.constant 0 : i32
      %dma_start3A_89 = tpu.memref_slice %arg12[%add3A_79, %dma_start3A_88] : memref<10240x128xf32, #tpu.memory_space<vmem_shared>> -> memref<80x128xf32, #tpu.memory_space<vmem_shared>>
      tpu.enqueue_dma source(%dma_start3A_89 : memref<80x128xf32, #tpu.memory_space<vmem_shared>>) target(%dma_start3A_87 : memref<80x128xf32, #tpu.memory_space<hbm>>) target_semaphore(%run_scoped3A_84 : memref<!tpu.dma_semaphore, #tpu.memory_space<semaphore_mem>>)
      %dma_wait3A = arith.constant 0 : i32
      %dma_wait3A_90 = tpu.memref_slice %arg5[%arg0, %add3A_79, %dma_wait3A] : memref<2x10240x128xf32, #tpu.memory_space<hbm>> -> memref<1x80x128xf32, #tpu.memory_space<hbm>>
      %dma_wait3A_91 = tpu.memref_squeeze %dma_wait3A_90 : memref<1x80x128xf32, #tpu.memory_space<hbm>> -> memref<80x128xf32, #tpu.memory_space<hbm>>
      %dma_wait3A_92 = arith.constant 0 : i32
      %dma_wait3A_93 = tpu.memref_slice %arg12[%add3A_79, %dma_wait3A_92] : memref<10240x128xf32, #tpu.memory_space<vmem_shared>> -> memref<80x128xf32, #tpu.memory_space<vmem_shared>>
      tpu.wait_dma2 semaphore(%run_scoped3A_84 : memref<!tpu.dma_semaphore, #tpu.memory_space<semaphore_mem>>) src(%dma_wait3A_93 : memref<80x128xf32, #tpu.memory_space<vmem_shared>>) dst(%dma_wait3A_91 : memref<80x128xf32, #tpu.memory_space<hbm>>)
      tpu.yield
    }) : () -> ()
    %mul3A_80 = arith.constant 640 : i32
    %mul3A_81 = arith.muli %arg1, %mul3A_80 : i32
    %add3A_82 = arith.constant 560 : i32
    %add3A_83 = arith.addi %mul3A_81, %add3A_82 : i32
    "tpu.region"() ({
      %run_scoped3A_84 = tpu.sem_alloc : memref<!tpu.dma_semaphore, #tpu.memory_space<semaphore_mem>>
      %dma_start3A_85 = arith.constant 0 : i32
      %dma_start3A_86 = tpu.memref_slice %arg5[%arg0, %add3A_83, %dma_start3A_85] : memref<2x10240x128xf32, #tpu.memory_space<hbm>> -> memref<1x80x128xf32, #tpu.memory_space<hbm>>
      %dma_start3A_87 = tpu.memref_squeeze %dma_start3A_86 : memref<1x80x128xf32, #tpu.memory_space<hbm>> -> memref<80x128xf32, #tpu.memory_space<hbm>>
      %dma_start3A_88 = arith.constant 0 : i32
      %dma_start3A_89 = tpu.memref_slice %arg12[%add3A_83, %dma_start3A_88] : memref<10240x128xf32, #tpu.memory_space<vmem_shared>> -> memref<80x128xf32, #tpu.memory_space<vmem_shared>>
      tpu.enqueue_dma source(%dma_start3A_89 : memref<80x128xf32, #tpu.memory_space<vmem_shared>>) target(%dma_start3A_87 : memref<80x128xf32, #tpu.memory_space<hbm>>) target_semaphore(%run_scoped3A_84 : memref<!tpu.dma_semaphore, #tpu.memory_space<semaphore_mem>>)
      %dma_wait3A = arith.constant 0 : i32
      %dma_wait3A_90 = tpu.memref_slice %arg5[%arg0, %add3A_83, %dma_wait3A] : memref<2x10240x128xf32, #tpu.memory_space<hbm>> -> memref<1x80x128xf32, #tpu.memory_space<hbm>>
      %dma_wait3A_91 = tpu.memref_squeeze %dma_wait3A_90 : memref<1x80x128xf32, #tpu.memory_space<hbm>> -> memref<80x128xf32, #tpu.memory_space<hbm>>
      %dma_wait3A_92 = arith.constant 0 : i32
      %dma_wait3A_93 = tpu.memref_slice %arg12[%add3A_83, %dma_wait3A_92] : memref<10240x128xf32, #tpu.memory_space<vmem_shared>> -> memref<80x128xf32, #tpu.memory_space<vmem_shared>>
      tpu.wait_dma2 semaphore(%run_scoped3A_84 : memref<!tpu.dma_semaphore, #tpu.memory_space<semaphore_mem>>) src(%dma_wait3A_93 : memref<80x128xf32, #tpu.memory_space<vmem_shared>>) dst(%dma_wait3A_91 : memref<80x128xf32, #tpu.memory_space<hbm>>)
      tpu.yield
    }) : () -> ()
    return
  }
}

#map = affine_map<(d0, d1) -> (0, 0)>
#map1 = affine_map<(d0, d1) -> (0)>
module attributes {stable_mosaic.version = 14 : i64} {
  func.func @_pool_body(%arg0: i32, %arg1: i32, %arg2: memref<10240x128xf32, #tpu.memory_space<hbm>>, %arg3: memref<10016xi32, #tpu.memory_space<hbm>>, %arg4: memref<1024xi32, #tpu.memory_space<hbm>>, %arg5: memref<8000x128xf32, #tpu.memory_space<hbm>>, %arg6: memref<1024x128xf32, #tpu.memory_space<hbm>>, %arg7: memref<1024x128xf32, #tpu.memory_space<hbm>>, %arg8: memref<32x128xf32, #tpu.memory_space<vmem>>, %arg9: memref<64x128xf32, #tpu.memory_space<vmem>>, %arg10: memref<80xi32, #tpu.memory_space<vmem>>, %arg11: memref<32xi32, #tpu.memory_space<vmem>>, %arg12: memref<1024xi32, #tpu.memory_space<vmem>>, %arg13: memref<32x128xf32, #tpu.memory_space<vmem>>, %arg14: memref<!tpu.dma_semaphore, #tpu.memory_space<semaphore_mem>>) attributes {dimension_semantics = [#tpu.dimension_semantics<core_parallel>, #tpu.dimension_semantics<subcore_parallel>], iteration_bounds = array<i64: 2, 16>, scalar_prefetch = 0 : i64, scratch_operands = 7 : i64, tpu.core_type = #tpu.core_type<sc_vector_subcore>, window_params = [{transform_indices = #map}, {transform_indices = #map1}, {transform_indices = #map1}, {transform_indices = #map}, {transform_indices = #map}, {transform_indices = #map}]} {
    %mul3A = arith.constant 2 : i32
    %mul3A_0 = arith.muli %arg1, %mul3A : i32
    %add3A = arith.addi %mul3A_0, %arg0 : i32
    %mul3A_1 = arith.constant 32 : i32
    %mul3A_2 = arith.muli %add3A, %mul3A_1 : i32
    "tpu.region"() ({
      %run_scoped3A = tpu.sem_alloc : memref<!tpu.dma_semaphore, #tpu.memory_space<semaphore_mem>>
      tpu.enqueue_dma source(%arg4 : memref<1024xi32, #tpu.memory_space<hbm>>) target(%arg12 : memref<1024xi32, #tpu.memory_space<vmem>>) target_semaphore(%run_scoped3A : memref<!tpu.dma_semaphore, #tpu.memory_space<semaphore_mem>>)
      tpu.wait_dma2 semaphore(%run_scoped3A : memref<!tpu.dma_semaphore, #tpu.memory_space<semaphore_mem>>) src(%arg4 : memref<1024xi32, #tpu.memory_space<hbm>>) dst(%arg12 : memref<1024xi32, #tpu.memory_space<vmem>>)
      tpu.yield
    }) : () -> ()
    %dma_start3A = tpu.memref_slice %arg12[%mul3A_2] : memref<1024xi32, #tpu.memory_space<vmem>> -> memref<32xi32, #tpu.memory_space<vmem>>
    %dma_start3A_3 = arith.constant 0 : i32
    %dma_start3A_4 = arith.constant 0 : i32
    %dma_start3A_5 = tpu.memref_slice %arg5[%dma_start3A_3, %dma_start3A_4] : memref<8000x128xf32, #tpu.memory_space<hbm>> -> memref<8000x128xf32, #tpu.memory_space<hbm>>
    tpu.enqueue_indirect_dma source(%dma_start3A_5 : memref<8000x128xf32, #tpu.memory_space<hbm>>) target(%arg13 : memref<32x128xf32, #tpu.memory_space<vmem>>) offsets(%dma_start3A : memref<32xi32, #tpu.memory_space<vmem>>) semaphore(%arg14 : memref<!tpu.dma_semaphore, #tpu.memory_space<semaphore_mem>>)
    %dma_wait3A = tpu.memref_slice %arg12[%mul3A_2] : memref<1024xi32, #tpu.memory_space<vmem>> -> memref<32xi32, #tpu.memory_space<vmem>>
    %dma_wait3A_6 = arith.constant 0 : i32
    %dma_wait3A_7 = arith.constant 0 : i32
    %dma_wait3A_8 = tpu.memref_slice %arg5[%dma_wait3A_6, %dma_wait3A_7] : memref<8000x128xf32, #tpu.memory_space<hbm>> -> memref<8000x128xf32, #tpu.memory_space<hbm>>
    tpu.wait_indirect_dma semaphore(%arg14 : memref<!tpu.dma_semaphore, #tpu.memory_space<semaphore_mem>>) src(%dma_wait3A_8 : memref<8000x128xf32, #tpu.memory_space<hbm>>) dst(%arg13 : memref<32x128xf32, #tpu.memory_space<vmem>>)
    "tpu.region"() ({
      %run_scoped3A = tpu.sem_alloc : memref<!tpu.dma_semaphore, #tpu.memory_space<semaphore_mem>>
      %dma_start3A_250 = arith.constant 0 : i32
      %dma_start3A_251 = tpu.memref_slice %arg7[%mul3A_2, %dma_start3A_250] : memref<1024x128xf32, #tpu.memory_space<hbm>> -> memref<32x128xf32, #tpu.memory_space<hbm>>
      %dma_start3A_252 = arith.constant 0 : i32
      %dma_start3A_253 = tpu.memref_slice %arg7[%mul3A_2, %dma_start3A_252] : memref<1024x128xf32, #tpu.memory_space<hbm>> -> memref<32x128xf32, #tpu.memory_space<hbm>>
      tpu.enqueue_dma source(%arg13 : memref<32x128xf32, #tpu.memory_space<vmem>>) target(%dma_start3A_253 : memref<32x128xf32, #tpu.memory_space<hbm>>) target_semaphore(%run_scoped3A : memref<!tpu.dma_semaphore, #tpu.memory_space<semaphore_mem>>)
      %dma_wait3A_254 = arith.constant 0 : i32
      %dma_wait3A_255 = tpu.memref_slice %arg7[%mul3A_2, %dma_wait3A_254] : memref<1024x128xf32, #tpu.memory_space<hbm>> -> memref<32x128xf32, #tpu.memory_space<hbm>>
      %dma_wait3A_256 = arith.constant 0 : i32
      %dma_wait3A_257 = tpu.memref_slice %arg7[%mul3A_2, %dma_wait3A_256] : memref<1024x128xf32, #tpu.memory_space<hbm>> -> memref<32x128xf32, #tpu.memory_space<hbm>>
      tpu.wait_dma2 semaphore(%run_scoped3A : memref<!tpu.dma_semaphore, #tpu.memory_space<semaphore_mem>>) src(%arg13 : memref<32x128xf32, #tpu.memory_space<vmem>>) dst(%dma_wait3A_257 : memref<32x128xf32, #tpu.memory_space<hbm>>)
      tpu.yield
    }) : () -> ()
    %scan3A = arith.constant 0 : i32
    %scan3A_9 = arith.constant 0 : i32
    %scan3A_10 = arith.constant 32 : i32
    %scan3A_11 = arith.addi %scan3A_9, %scan3A_10 : i32
    %scan3A_12 = arith.constant 1 : i32
    scf.for %scan3A_250 = %scan3A_9 to %scan3A_11 step %scan3A_12  : i32 {
      %broadcast_in_dim3A = arith.constant 0.000000e+00 : f32
      %broadcast_in_dim3A_251 = vector.broadcast %broadcast_in_dim3A : f32 to vector<16xf32>
      %swap3A = arith.index_cast %scan3A_250 : i32 to index
      %swap3A_252 = arith.constant 0 : index
      %swap3A_253 = tpu.vector_load %arg8[%swap3A, %swap3A_252] {strides = array<i32>} : memref<32x128xf32, #tpu.memory_space<vmem>>, vector<16xf32>,
      tpu.vector_store %arg8[%swap3A, %swap3A_252], %broadcast_in_dim3A_251 {strides = array<i32>} : memref<32x128xf32, #tpu.memory_space<vmem>>, vector<16xf32>,
      %broadcast_in_dim3A_254 = arith.constant 0.000000e+00 : f32
      %broadcast_in_dim3A_255 = vector.broadcast %broadcast_in_dim3A_254 : f32 to vector<16xf32>
      %swap3A_256 = arith.index_cast %scan3A_250 : i32 to index
      %swap3A_257 = arith.constant 16 : index
      %swap3A_258 = tpu.vector_load %arg8[%swap3A_256, %swap3A_257] {strides = array<i32>} : memref<32x128xf32, #tpu.memory_space<vmem>>, vector<16xf32>,
      tpu.vector_store %arg8[%swap3A_256, %swap3A_257], %broadcast_in_dim3A_255 {strides = array<i32>} : memref<32x128xf32, #tpu.memory_space<vmem>>, vector<16xf32>,
      %broadcast_in_dim3A_259 = arith.constant 0.000000e+00 : f32
      %broadcast_in_dim3A_260 = vector.broadcast %broadcast_in_dim3A_259 : f32 to vector<16xf32>
      %swap3A_261 = arith.index_cast %scan3A_250 : i32 to index
      %swap3A_262 = arith.constant 32 : index
      %swap3A_263 = tpu.vector_load %arg8[%swap3A_261, %swap3A_262] {strides = array<i32>} : memref<32x128xf32, #tpu.memory_space<vmem>>, vector<16xf32>,
      tpu.vector_store %arg8[%swap3A_261, %swap3A_262], %broadcast_in_dim3A_260 {strides = array<i32>} : memref<32x128xf32, #tpu.memory_space<vmem>>, vector<16xf32>,
      %broadcast_in_dim3A_264 = arith.constant 0.000000e+00 : f32
      %broadcast_in_dim3A_265 = vector.broadcast %broadcast_in_dim3A_264 : f32 to vector<16xf32>
      %swap3A_266 = arith.index_cast %scan3A_250 : i32 to index
      %swap3A_267 = arith.constant 48 : index
      %swap3A_268 = tpu.vector_load %arg8[%swap3A_266, %swap3A_267] {strides = array<i32>} : memref<32x128xf32, #tpu.memory_space<vmem>>, vector<16xf32>,
      tpu.vector_store %arg8[%swap3A_266, %swap3A_267], %broadcast_in_dim3A_265 {strides = array<i32>} : memref<32x128xf32, #tpu.memory_space<vmem>>, vector<16xf32>,
      %broadcast_in_dim3A_269 = arith.constant 0.000000e+00 : f32
      %broadcast_in_dim3A_270 = vector.broadcast %broadcast_in_dim3A_269 : f32 to vector<16xf32>
      %swap3A_271 = arith.index_cast %scan3A_250 : i32 to index
      %swap3A_272 = arith.constant 64 : index
      %swap3A_273 = tpu.vector_load %arg8[%swap3A_271, %swap3A_272] {strides = array<i32>} : memref<32x128xf32, #tpu.memory_space<vmem>>, vector<16xf32>,
      tpu.vector_store %arg8[%swap3A_271, %swap3A_272], %broadcast_in_dim3A_270 {strides = array<i32>} : memref<32x128xf32, #tpu.memory_space<vmem>>, vector<16xf32>,
      %broadcast_in_dim3A_274 = arith.constant 0.000000e+00 : f32
      %broadcast_in_dim3A_275 = vector.broadcast %broadcast_in_dim3A_274 : f32 to vector<16xf32>
      %swap3A_276 = arith.index_cast %scan3A_250 : i32 to index
      %swap3A_277 = arith.constant 80 : index
      %swap3A_278 = tpu.vector_load %arg8[%swap3A_276, %swap3A_277] {strides = array<i32>} : memref<32x128xf32, #tpu.memory_space<vmem>>, vector<16xf32>,
      tpu.vector_store %arg8[%swap3A_276, %swap3A_277], %broadcast_in_dim3A_275 {strides = array<i32>} : memref<32x128xf32, #tpu.memory_space<vmem>>, vector<16xf32>,
      %broadcast_in_dim3A_279 = arith.constant 0.000000e+00 : f32
      %broadcast_in_dim3A_280 = vector.broadcast %broadcast_in_dim3A_279 : f32 to vector<16xf32>
      %swap3A_281 = arith.index_cast %scan3A_250 : i32 to index
      %swap3A_282 = arith.constant 96 : index
      %swap3A_283 = tpu.vector_load %arg8[%swap3A_281, %swap3A_282] {strides = array<i32>} : memref<32x128xf32, #tpu.memory_space<vmem>>, vector<16xf32>,
      tpu.vector_store %arg8[%swap3A_281, %swap3A_282], %broadcast_in_dim3A_280 {strides = array<i32>} : memref<32x128xf32, #tpu.memory_space<vmem>>, vector<16xf32>,
      %broadcast_in_dim3A_284 = arith.constant 0.000000e+00 : f32
      %broadcast_in_dim3A_285 = vector.broadcast %broadcast_in_dim3A_284 : f32 to vector<16xf32>
      %swap3A_286 = arith.index_cast %scan3A_250 : i32 to index
      %swap3A_287 = arith.constant 112 : index
      %swap3A_288 = tpu.vector_load %arg8[%swap3A_286, %swap3A_287] {strides = array<i32>} : memref<32x128xf32, #tpu.memory_space<vmem>>, vector<16xf32>,
      tpu.vector_store %arg8[%swap3A_286, %swap3A_287], %broadcast_in_dim3A_285 {strides = array<i32>} : memref<32x128xf32, #tpu.memory_space<vmem>>, vector<16xf32>,
    }
    %scan3A_13 = arith.constant 32 : i32
    %scan3A_14 = arith.constant 0 : i32
    %scan3A_15 = arith.constant 1250 : i32
    %scan3A_16 = arith.constant 0 : i32
    %scan3A_17 = arith.constant 11 : i32
    %scan3A_18 = arith.addi %scan3A_16, %scan3A_17 : i32
    %scan3A_19 = arith.constant 1 : i32
    %scan3A_20:2 = scf.for %scan3A_250 = %scan3A_16 to %scan3A_18 step %scan3A_19 iter_args(%scan3A_251 = %scan3A_14, %scan3A_252 = %scan3A_15) -> (i32, i32)  : i32 {
      %add3A_253 = arith.addi %scan3A_251, %scan3A_252 : i32
      %jit3A_254 = arith.constant 2 : i32
      %div3A_255 = arith.divsi %add3A_253, %jit3A_254 : i32
      %sign3A_256 = arith.constant 0 : i32
      %sign3A_257 = arith.cmpi sgt, %add3A_253, %sign3A_256 : i32
      %sign3A_258 = arith.extui %sign3A_257 : i1 to i32
      %sign3A_259 = arith.constant 0 : i32
      %sign3A_260 = arith.cmpi slt, %add3A_253, %sign3A_259 : i32
      %sign3A_261 = arith.extui %sign3A_260 : i1 to i32
      %sign3A_262 = arith.subi %sign3A_258, %sign3A_261 : i32
      %sign3A_263 = arith.constant 0 : i32
      %sign3A_264 = arith.cmpi sgt, %jit3A_254, %sign3A_263 : i32
      %sign3A_265 = arith.extui %sign3A_264 : i1 to i32
      %sign3A_266 = arith.constant 0 : i32
      %sign3A_267 = arith.cmpi slt, %jit3A_254, %sign3A_266 : i32
      %sign3A_268 = arith.extui %sign3A_267 : i1 to i32
      %sign3A_269 = arith.subi %sign3A_265, %sign3A_268 : i32
      %ne3A_270 = arith.cmpi ne, %sign3A_262, %sign3A_269 : i32
      %rem3A_271 = arith.remsi %add3A_253, %jit3A_254 : i32
      %ne3A_272 = arith.constant 0 : i32
      %ne3A_273 = arith.cmpi ne, %rem3A_271, %ne3A_272 : i32
      %and3A_274 = arith.andi %ne3A_270, %ne3A_273 : i1
      %sub3A_275 = arith.constant 1 : i32
      %sub3A_276 = arith.subi %div3A_255, %sub3A_275 : i32
      %select_n3A_277 = arith.select %and3A_274, %sub3A_276, %div3A_255 : i32
      %mul3A_278 = arith.constant 8 : i32
      %mul3A_279 = arith.muli %select_n3A_277, %mul3A_278 : i32
      "tpu.region"() ({
        %run_scoped3A = tpu.sem_alloc : memref<!tpu.dma_semaphore, #tpu.memory_space<semaphore_mem>>
        %dma_start3A_290 = arith.constant 0 : i32
        %dma_start3A_291 = tpu.memref_slice %arg11[%dma_start3A_290] : memref<32xi32, #tpu.memory_space<vmem>> -> memref<16xi32, #tpu.memory_space<vmem>>
        %dma_start3A_292 = tpu.memref_slice %arg3[%mul3A_279] : memref<10016xi32, #tpu.memory_space<hbm>> -> memref<16xi32, #tpu.memory_space<hbm>>
        %dma_start3A_293 = arith.constant 0 : i32
        %dma_start3A_294 = tpu.memref_slice %arg11[%dma_start3A_293] : memref<32xi32, #tpu.memory_space<vmem>> -> memref<16xi32, #tpu.memory_space<vmem>>
        %dma_start3A_295 = tpu.memref_slice %arg3[%mul3A_279] : memref<10016xi32, #tpu.memory_space<hbm>> -> memref<16xi32, #tpu.memory_space<hbm>>
        tpu.enqueue_dma source(%dma_start3A_295 : memref<16xi32, #tpu.memory_space<hbm>>) target(%dma_start3A_294 : memref<16xi32, #tpu.memory_space<vmem>>) target_semaphore(%run_scoped3A : memref<!tpu.dma_semaphore, #tpu.memory_space<semaphore_mem>>)
        %dma_wait3A_296 = arith.constant 0 : i32
        %dma_wait3A_297 = tpu.memref_slice %arg11[%dma_wait3A_296] : memref<32xi32, #tpu.memory_space<vmem>> -> memref<16xi32, #tpu.memory_space<vmem>>
        %dma_wait3A_298 = tpu.memref_slice %arg3[%mul3A_279] : memref<10016xi32, #tpu.memory_space<hbm>> -> memref<16xi32, #tpu.memory_space<hbm>>
        %dma_wait3A_299 = arith.constant 0 : i32
        %dma_wait3A_300 = tpu.memref_slice %arg11[%dma_wait3A_299] : memref<32xi32, #tpu.memory_space<vmem>> -> memref<16xi32, #tpu.memory_space<vmem>>
        %dma_wait3A_301 = tpu.memref_slice %arg3[%mul3A_279] : memref<10016xi32, #tpu.memory_space<hbm>> -> memref<16xi32, #tpu.memory_space<hbm>>
        tpu.wait_dma2 semaphore(%run_scoped3A : memref<!tpu.dma_semaphore, #tpu.memory_space<semaphore_mem>>) src(%dma_wait3A_301 : memref<16xi32, #tpu.memory_space<hbm>>) dst(%dma_wait3A_300 : memref<16xi32, #tpu.memory_space<vmem>>)
        tpu.yield
      }) : () -> ()
      %get3A_280 = arith.constant 0 : index
      %get3A_281 = tpu.vector_load %arg11[%get3A_280] {strides = array<i32>} : memref<32xi32, #tpu.memory_space<vmem>>, vector<16xi32>,
      %slice3A_282 = vector.extract_strided_slice %get3A_281 {offsets = [0], sizes = [1], strides = [1]} : vector<16xi32> to vector<1xi32>
      %squeeze3A_283 = vector.extract %slice3A_282[0] : i32 from vector<1xi32>
      %lt3A_284 = arith.cmpi slt, %squeeze3A_283, %mul3A_2 : i32
      %add3A_285 = arith.constant 1 : i32
      %add3A_286 = arith.addi %select_n3A_277, %add3A_285 : i32
      %select_n3A_287 = arith.select %lt3A_284, %add3A_286, %scan3A_251 : i32
      %lt3A_288 = arith.cmpi slt, %squeeze3A_283, %mul3A_2 : i32
      %select_n3A_289 = arith.select %lt3A_288, %scan3A_252, %select_n3A_277 : i32
      scf.yield %select_n3A_287, %select_n3A_289 : i32, i32
    }
    %scan3A_21 = arith.constant 11 : i32
    %sub3A = arith.constant 1 : i32
    %sub3A_22 = arith.subi %scan3A_20#0, %sub3A : i32
    %max3A = arith.constant 0 : i32
    %max3A_23 = arith.maxsi %sub3A_22, %max3A : i32
    %mul3A_24 = arith.constant 8 : i32
    %mul3A_25 = arith.muli %max3A_23, %mul3A_24 : i32
    "tpu.region"() ({
      %run_scoped3A = tpu.sem_alloc : memref<!tpu.dma_semaphore, #tpu.memory_space<semaphore_mem>>
      %dma_start3A_250 = arith.constant 0 : i32
      %dma_start3A_251 = tpu.memref_slice %arg11[%dma_start3A_250] : memref<32xi32, #tpu.memory_space<vmem>> -> memref<16xi32, #tpu.memory_space<vmem>>
      %dma_start3A_252 = tpu.memref_slice %arg3[%mul3A_25] : memref<10016xi32, #tpu.memory_space<hbm>> -> memref<16xi32, #tpu.memory_space<hbm>>
      %dma_start3A_253 = arith.constant 0 : i32
      %dma_start3A_254 = tpu.memref_slice %arg11[%dma_start3A_253] : memref<32xi32, #tpu.memory_space<vmem>> -> memref<16xi32, #tpu.memory_space<vmem>>
      %dma_start3A_255 = tpu.memref_slice %arg3[%mul3A_25] : memref<10016xi32, #tpu.memory_space<hbm>> -> memref<16xi32, #tpu.memory_space<hbm>>
      tpu.enqueue_dma source(%dma_start3A_255 : memref<16xi32, #tpu.memory_space<hbm>>) target(%dma_start3A_254 : memref<16xi32, #tpu.memory_space<vmem>>) target_semaphore(%run_scoped3A : memref<!tpu.dma_semaphore, #tpu.memory_space<semaphore_mem>>)
      %dma_wait3A_256 = arith.constant 0 : i32
      %dma_wait3A_257 = tpu.memref_slice %arg11[%dma_wait3A_256] : memref<32xi32, #tpu.memory_space<vmem>> -> memref<16xi32, #tpu.memory_space<vmem>>
      %dma_wait3A_258 = tpu.memref_slice %arg3[%mul3A_25] : memref<10016xi32, #tpu.memory_space<hbm>> -> memref<16xi32, #tpu.memory_space<hbm>>
      %dma_wait3A_259 = arith.constant 0 : i32
      %dma_wait3A_260 = tpu.memref_slice %arg11[%dma_wait3A_259] : memref<32xi32, #tpu.memory_space<vmem>> -> memref<16xi32, #tpu.memory_space<vmem>>
      %dma_wait3A_261 = tpu.memref_slice %arg3[%mul3A_25] : memref<10016xi32, #tpu.memory_space<hbm>> -> memref<16xi32, #tpu.memory_space<hbm>>
      tpu.wait_dma2 semaphore(%run_scoped3A : memref<!tpu.dma_semaphore, #tpu.memory_space<semaphore_mem>>) src(%dma_wait3A_261 : memref<16xi32, #tpu.memory_space<hbm>>) dst(%dma_wait3A_260 : memref<16xi32, #tpu.memory_space<vmem>>)
      tpu.yield
    }) : () -> ()
    %get3A = arith.constant 0 : index
    %get3A_26 = tpu.vector_load %arg11[%get3A] {strides = array<i32>} : memref<32xi32, #tpu.memory_space<vmem>>, vector<16xi32>,
    %slice3A = vector.extract_strided_slice %get3A_26 {offsets = [0], sizes = [1], strides = [1]} : vector<16xi32> to vector<1xi32>
    %squeeze3A = vector.extract %slice3A[0] : i32 from vector<1xi32>
    %lt3A = arith.cmpi slt, %squeeze3A, %mul3A_2 : i32
    %jit3A = arith.constant 1 : i32
    %jit3A_27 = arith.constant 0 : i32
    %select_n3A = arith.select %lt3A, %jit3A, %jit3A_27 : i32
    %add3A_28 = arith.constant 0 : i32
    %add3A_29 = arith.addi %add3A_28, %select_n3A : i32
    %get3A_30 = arith.constant 1 : index
    %get3A_31 = tpu.vector_load %arg11[%get3A_30] {strides = array<i32>} : memref<32xi32, #tpu.memory_space<vmem>>, vector<16xi32>,
    %slice3A_32 = vector.extract_strided_slice %get3A_31 {offsets = [0], sizes = [1], strides = [1]} : vector<16xi32> to vector<1xi32>
    %squeeze3A_33 = vector.extract %slice3A_32[0] : i32 from vector<1xi32>
    %lt3A_34 = arith.cmpi slt, %squeeze3A_33, %mul3A_2 : i32
    %jit3A_35 = arith.constant 1 : i32
    %jit3A_36 = arith.constant 0 : i32
    %select_n3A_37 = arith.select %lt3A_34, %jit3A_35, %jit3A_36 : i32
    %add3A_38 = arith.addi %add3A_29, %select_n3A_37 : i32
    %get3A_39 = arith.constant 2 : index
    %get3A_40 = tpu.vector_load %arg11[%get3A_39] {strides = array<i32>} : memref<32xi32, #tpu.memory_space<vmem>>, vector<16xi32>,
    %slice3A_41 = vector.extract_strided_slice %get3A_40 {offsets = [0], sizes = [1], strides = [1]} : vector<16xi32> to vector<1xi32>
    %squeeze3A_42 = vector.extract %slice3A_41[0] : i32 from vector<1xi32>
    %lt3A_43 = arith.cmpi slt, %squeeze3A_42, %mul3A_2 : i32
    %jit3A_44 = arith.constant 1 : i32
    %jit3A_45 = arith.constant 0 : i32
    %select_n3A_46 = arith.select %lt3A_43, %jit3A_44, %jit3A_45 : i32
    %add3A_47 = arith.addi %add3A_38, %select_n3A_46 : i32
    %get3A_48 = arith.constant 3 : index
    %get3A_49 = tpu.vector_load %arg11[%get3A_48] {strides = array<i32>} : memref<32xi32, #tpu.memory_space<vmem>>, vector<16xi32>,
    %slice3A_50 = vector.extract_strided_slice %get3A_49 {offsets = [0], sizes = [1], strides = [1]} : vector<16xi32> to vector<1xi32>
    %squeeze3A_51 = vector.extract %slice3A_50[0] : i32 from vector<1xi32>
    %lt3A_52 = arith.cmpi slt, %squeeze3A_51, %mul3A_2 : i32
    %jit3A_53 = arith.constant 1 : i32
    %jit3A_54 = arith.constant 0 : i32
    %select_n3A_55 = arith.select %lt3A_52, %jit3A_53, %jit3A_54 : i32
    %add3A_56 = arith.addi %add3A_47, %select_n3A_55 : i32
    %get3A_57 = arith.constant 4 : index
    %get3A_58 = tpu.vector_load %arg11[%get3A_57] {strides = array<i32>} : memref<32xi32, #tpu.memory_space<vmem>>, vector<16xi32>,
    %slice3A_59 = vector.extract_strided_slice %get3A_58 {offsets = [0], sizes = [1], strides = [1]} : vector<16xi32> to vector<1xi32>
    %squeeze3A_60 = vector.extract %slice3A_59[0] : i32 from vector<1xi32>
    %lt3A_61 = arith.cmpi slt, %squeeze3A_60, %mul3A_2 : i32
    %jit3A_62 = arith.constant 1 : i32
    %jit3A_63 = arith.constant 0 : i32
    %select_n3A_64 = arith.select %lt3A_61, %jit3A_62, %jit3A_63 : i32
    %add3A_65 = arith.addi %add3A_56, %select_n3A_64 : i32
    %get3A_66 = arith.constant 5 : index
    %get3A_67 = tpu.vector_load %arg11[%get3A_66] {strides = array<i32>} : memref<32xi32, #tpu.memory_space<vmem>>, vector<16xi32>,
    %slice3A_68 = vector.extract_strided_slice %get3A_67 {offsets = [0], sizes = [1], strides = [1]} : vector<16xi32> to vector<1xi32>
    %squeeze3A_69 = vector.extract %slice3A_68[0] : i32 from vector<1xi32>
    %lt3A_70 = arith.cmpi slt, %squeeze3A_69, %mul3A_2 : i32
    %jit3A_71 = arith.constant 1 : i32
    %jit3A_72 = arith.constant 0 : i32
    %select_n3A_73 = arith.select %lt3A_70, %jit3A_71, %jit3A_72 : i32
    %add3A_74 = arith.addi %add3A_65, %select_n3A_73 : i32
    %get3A_75 = arith.constant 6 : index
    %get3A_76 = tpu.vector_load %arg11[%get3A_75] {strides = array<i32>} : memref<32xi32, #tpu.memory_space<vmem>>, vector<16xi32>,
    %slice3A_77 = vector.extract_strided_slice %get3A_76 {offsets = [0], sizes = [1], strides = [1]} : vector<16xi32> to vector<1xi32>
    %squeeze3A_78 = vector.extract %slice3A_77[0] : i32 from vector<1xi32>
    %lt3A_79 = arith.cmpi slt, %squeeze3A_78, %mul3A_2 : i32
    %jit3A_80 = arith.constant 1 : i32
    %jit3A_81 = arith.constant 0 : i32
    %select_n3A_82 = arith.select %lt3A_79, %jit3A_80, %jit3A_81 : i32
    %add3A_83 = arith.addi %add3A_74, %select_n3A_82 : i32
    %get3A_84 = arith.constant 7 : index
    %get3A_85 = tpu.vector_load %arg11[%get3A_84] {strides = array<i32>} : memref<32xi32, #tpu.memory_space<vmem>>, vector<16xi32>,
    %slice3A_86 = vector.extract_strided_slice %get3A_85 {offsets = [0], sizes = [1], strides = [1]} : vector<16xi32> to vector<1xi32>
    %squeeze3A_87 = vector.extract %slice3A_86[0] : i32 from vector<1xi32>
    %lt3A_88 = arith.cmpi slt, %squeeze3A_87, %mul3A_2 : i32
    %jit3A_89 = arith.constant 1 : i32
    %jit3A_90 = arith.constant 0 : i32
    %select_n3A_91 = arith.select %lt3A_88, %jit3A_89, %jit3A_90 : i32
    %add3A_92 = arith.addi %add3A_83, %select_n3A_91 : i32
    %gt3A = arith.constant 0 : i32
    %gt3A_93 = arith.cmpi sgt, %scan3A_20#0, %gt3A : i32
    %jit3A_94 = arith.constant 0 : i32
    %select_n3A_95 = arith.select %gt3A_93, %add3A_92, %jit3A_94 : i32
    %add3A_96 = arith.addi %mul3A_25, %select_n3A_95 : i32
    %add3A_97 = arith.constant 32 : i32
    %add3A_98 = arith.addi %mul3A_2, %add3A_97 : i32
    %scan3A_99 = arith.constant 0 : i32
    %scan3A_100 = arith.constant 1250 : i32
    %scan3A_101 = arith.constant 0 : i32
    %scan3A_102 = arith.constant 11 : i32
    %scan3A_103 = arith.addi %scan3A_101, %scan3A_102 : i32
    %scan3A_104 = arith.constant 1 : i32
    %scan3A_105:2 = scf.for %scan3A_250 = %scan3A_101 to %scan3A_103 step %scan3A_104 iter_args(%scan3A_251 = %scan3A_99, %scan3A_252 = %scan3A_100) -> (i32, i32)  : i32 {
      %add3A_253 = arith.addi %scan3A_251, %scan3A_252 : i32
      %jit3A_254 = arith.constant 2 : i32
      %div3A_255 = arith.divsi %add3A_253, %jit3A_254 : i32
      %sign3A_256 = arith.constant 0 : i32
      %sign3A_257 = arith.cmpi sgt, %add3A_253, %sign3A_256 : i32
      %sign3A_258 = arith.extui %sign3A_257 : i1 to i32
      %sign3A_259 = arith.constant 0 : i32
      %sign3A_260 = arith.cmpi slt, %add3A_253, %sign3A_259 : i32
      %sign3A_261 = arith.extui %sign3A_260 : i1 to i32
      %sign3A_262 = arith.subi %sign3A_258, %sign3A_261 : i32
      %sign3A_263 = arith.constant 0 : i32
      %sign3A_264 = arith.cmpi sgt, %jit3A_254, %sign3A_263 : i32
      %sign3A_265 = arith.extui %sign3A_264 : i1 to i32
      %sign3A_266 = arith.constant 0 : i32
      %sign3A_267 = arith.cmpi slt, %jit3A_254, %sign3A_266 : i32
      %sign3A_268 = arith.extui %sign3A_267 : i1 to i32
      %sign3A_269 = arith.subi %sign3A_265, %sign3A_268 : i32
      %ne3A_270 = arith.cmpi ne, %sign3A_262, %sign3A_269 : i32
      %rem3A_271 = arith.remsi %add3A_253, %jit3A_254 : i32
      %ne3A_272 = arith.constant 0 : i32
      %ne3A_273 = arith.cmpi ne, %rem3A_271, %ne3A_272 : i32
      %and3A_274 = arith.andi %ne3A_270, %ne3A_273 : i1
      %sub3A_275 = arith.constant 1 : i32
      %sub3A_276 = arith.subi %div3A_255, %sub3A_275 : i32
      %select_n3A_277 = arith.select %and3A_274, %sub3A_276, %div3A_255 : i32
      %mul3A_278 = arith.constant 8 : i32
      %mul3A_279 = arith.muli %select_n3A_277, %mul3A_278 : i32
      "tpu.region"() ({
        %run_scoped3A = tpu.sem_alloc : memref<!tpu.dma_semaphore, #tpu.memory_space<semaphore_mem>>
        %dma_start3A_290 = arith.constant 0 : i32
        %dma_start3A_291 = tpu.memref_slice %arg11[%dma_start3A_290] : memref<32xi32, #tpu.memory_space<vmem>> -> memref<16xi32, #tpu.memory_space<vmem>>
        %dma_start3A_292 = tpu.memref_slice %arg3[%mul3A_279] : memref<10016xi32, #tpu.memory_space<hbm>> -> memref<16xi32, #tpu.memory_space<hbm>>
        %dma_start3A_293 = arith.constant 0 : i32
        %dma_start3A_294 = tpu.memref_slice %arg11[%dma_start3A_293] : memref<32xi32, #tpu.memory_space<vmem>> -> memref<16xi32, #tpu.memory_space<vmem>>
        %dma_start3A_295 = tpu.memref_slice %arg3[%mul3A_279] : memref<10016xi32, #tpu.memory_space<hbm>> -> memref<16xi32, #tpu.memory_space<hbm>>
        tpu.enqueue_dma source(%dma_start3A_295 : memref<16xi32, #tpu.memory_space<hbm>>) target(%dma_start3A_294 : memref<16xi32, #tpu.memory_space<vmem>>) target_semaphore(%run_scoped3A : memref<!tpu.dma_semaphore, #tpu.memory_space<semaphore_mem>>)
        %dma_wait3A_296 = arith.constant 0 : i32
        %dma_wait3A_297 = tpu.memref_slice %arg11[%dma_wait3A_296] : memref<32xi32, #tpu.memory_space<vmem>> -> memref<16xi32, #tpu.memory_space<vmem>>
        %dma_wait3A_298 = tpu.memref_slice %arg3[%mul3A_279] : memref<10016xi32, #tpu.memory_space<hbm>> -> memref<16xi32, #tpu.memory_space<hbm>>
        %dma_wait3A_299 = arith.constant 0 : i32
        %dma_wait3A_300 = tpu.memref_slice %arg11[%dma_wait3A_299] : memref<32xi32, #tpu.memory_space<vmem>> -> memref<16xi32, #tpu.memory_space<vmem>>
        %dma_wait3A_301 = tpu.memref_slice %arg3[%mul3A_279] : memref<10016xi32, #tpu.memory_space<hbm>> -> memref<16xi32, #tpu.memory_space<hbm>>
        tpu.wait_dma2 semaphore(%run_scoped3A : memref<!tpu.dma_semaphore, #tpu.memory_space<semaphore_mem>>) src(%dma_wait3A_301 : memref<16xi32, #tpu.memory_space<hbm>>) dst(%dma_wait3A_300 : memref<16xi32, #tpu.memory_space<vmem>>)
        tpu.yield
      }) : () -> ()
      %get3A_280 = arith.constant 0 : index
      %get3A_281 = tpu.vector_load %arg11[%get3A_280] {strides = array<i32>} : memref<32xi32, #tpu.memory_space<vmem>>, vector<16xi32>,
      %slice3A_282 = vector.extract_strided_slice %get3A_281 {offsets = [0], sizes = [1], strides = [1]} : vector<16xi32> to vector<1xi32>
      %squeeze3A_283 = vector.extract %slice3A_282[0] : i32 from vector<1xi32>
      %lt3A_284 = arith.cmpi slt, %squeeze3A_283, %add3A_98 : i32
      %add3A_285 = arith.constant 1 : i32
      %add3A_286 = arith.addi %select_n3A_277, %add3A_285 : i32
      %select_n3A_287 = arith.select %lt3A_284, %add3A_286, %scan3A_251 : i32
      %lt3A_288 = arith.cmpi slt, %squeeze3A_283, %add3A_98 : i32
      %select_n3A_289 = arith.select %lt3A_288, %scan3A_252, %select_n3A_277 : i32
      scf.yield %select_n3A_287, %select_n3A_289 : i32, i32
    }
    %scan3A_106 = arith.constant 11 : i32
    %sub3A_107 = arith.constant 1 : i32
    %sub3A_108 = arith.subi %scan3A_105#0, %sub3A_107 : i32
    %max3A_109 = arith.constant 0 : i32
    %max3A_110 = arith.maxsi %sub3A_108, %max3A_109 : i32
    %mul3A_111 = arith.constant 8 : i32
    %mul3A_112 = arith.muli %max3A_110, %mul3A_111 : i32
    "tpu.region"() ({
      %run_scoped3A = tpu.sem_alloc : memref<!tpu.dma_semaphore, #tpu.memory_space<semaphore_mem>>
      %dma_start3A_250 = arith.constant 0 : i32
      %dma_start3A_251 = tpu.memref_slice %arg11[%dma_start3A_250] : memref<32xi32, #tpu.memory_space<vmem>> -> memref<16xi32, #tpu.memory_space<vmem>>
      %dma_start3A_252 = tpu.memref_slice %arg3[%mul3A_112] : memref<10016xi32, #tpu.memory_space<hbm>> -> memref<16xi32, #tpu.memory_space<hbm>>
      %dma_start3A_253 = arith.constant 0 : i32
      %dma_start3A_254 = tpu.memref_slice %arg11[%dma_start3A_253] : memref<32xi32, #tpu.memory_space<vmem>> -> memref<16xi32, #tpu.memory_space<vmem>>
      %dma_start3A_255 = tpu.memref_slice %arg3[%mul3A_112] : memref<10016xi32, #tpu.memory_space<hbm>> -> memref<16xi32, #tpu.memory_space<hbm>>
      tpu.enqueue_dma source(%dma_start3A_255 : memref<16xi32, #tpu.memory_space<hbm>>) target(%dma_start3A_254 : memref<16xi32, #tpu.memory_space<vmem>>) target_semaphore(%run_scoped3A : memref<!tpu.dma_semaphore, #tpu.memory_space<semaphore_mem>>)
      %dma_wait3A_256 = arith.constant 0 : i32
      %dma_wait3A_257 = tpu.memref_slice %arg11[%dma_wait3A_256] : memref<32xi32, #tpu.memory_space<vmem>> -> memref<16xi32, #tpu.memory_space<vmem>>
      %dma_wait3A_258 = tpu.memref_slice %arg3[%mul3A_112] : memref<10016xi32, #tpu.memory_space<hbm>> -> memref<16xi32, #tpu.memory_space<hbm>>
      %dma_wait3A_259 = arith.constant 0 : i32
      %dma_wait3A_260 = tpu.memref_slice %arg11[%dma_wait3A_259] : memref<32xi32, #tpu.memory_space<vmem>> -> memref<16xi32, #tpu.memory_space<vmem>>
      %dma_wait3A_261 = tpu.memref_slice %arg3[%mul3A_112] : memref<10016xi32, #tpu.memory_space<hbm>> -> memref<16xi32, #tpu.memory_space<hbm>>
      tpu.wait_dma2 semaphore(%run_scoped3A : memref<!tpu.dma_semaphore, #tpu.memory_space<semaphore_mem>>) src(%dma_wait3A_261 : memref<16xi32, #tpu.memory_space<hbm>>) dst(%dma_wait3A_260 : memref<16xi32, #tpu.memory_space<vmem>>)
      tpu.yield
    }) : () -> ()
    %get3A_113 = arith.constant 0 : index
    %get3A_114 = tpu.vector_load %arg11[%get3A_113] {strides = array<i32>} : memref<32xi32, #tpu.memory_space<vmem>>, vector<16xi32>,
    %slice3A_115 = vector.extract_strided_slice %get3A_114 {offsets = [0], sizes = [1], strides = [1]} : vector<16xi32> to vector<1xi32>
    %squeeze3A_116 = vector.extract %slice3A_115[0] : i32 from vector<1xi32>
    %lt3A_117 = arith.cmpi slt, %squeeze3A_116, %add3A_98 : i32
    %jit3A_118 = arith.constant 1 : i32
    %jit3A_119 = arith.constant 0 : i32
    %select_n3A_120 = arith.select %lt3A_117, %jit3A_118, %jit3A_119 : i32
    %add3A_121 = arith.constant 0 : i32
    %add3A_122 = arith.addi %add3A_121, %select_n3A_120 : i32
    %get3A_123 = arith.constant 1 : index
    %get3A_124 = tpu.vector_load %arg11[%get3A_123] {strides = array<i32>} : memref<32xi32, #tpu.memory_space<vmem>>, vector<16xi32>,
    %slice3A_125 = vector.extract_strided_slice %get3A_124 {offsets = [0], sizes = [1], strides = [1]} : vector<16xi32> to vector<1xi32>
    %squeeze3A_126 = vector.extract %slice3A_125[0] : i32 from vector<1xi32>
    %lt3A_127 = arith.cmpi slt, %squeeze3A_126, %add3A_98 : i32
    %jit3A_128 = arith.constant 1 : i32
    %jit3A_129 = arith.constant 0 : i32
    %select_n3A_130 = arith.select %lt3A_127, %jit3A_128, %jit3A_129 : i32
    %add3A_131 = arith.addi %add3A_122, %select_n3A_130 : i32
    %get3A_132 = arith.constant 2 : index
    %get3A_133 = tpu.vector_load %arg11[%get3A_132] {strides = array<i32>} : memref<32xi32, #tpu.memory_space<vmem>>, vector<16xi32>,
    %slice3A_134 = vector.extract_strided_slice %get3A_133 {offsets = [0], sizes = [1], strides = [1]} : vector<16xi32> to vector<1xi32>
    %squeeze3A_135 = vector.extract %slice3A_134[0] : i32 from vector<1xi32>
    %lt3A_136 = arith.cmpi slt, %squeeze3A_135, %add3A_98 : i32
    %jit3A_137 = arith.constant 1 : i32
    %jit3A_138 = arith.constant 0 : i32
    %select_n3A_139 = arith.select %lt3A_136, %jit3A_137, %jit3A_138 : i32
    %add3A_140 = arith.addi %add3A_131, %select_n3A_139 : i32
    %get3A_141 = arith.constant 3 : index
    %get3A_142 = tpu.vector_load %arg11[%get3A_141] {strides = array<i32>} : memref<32xi32, #tpu.memory_space<vmem>>, vector<16xi32>,
    %slice3A_143 = vector.extract_strided_slice %get3A_142 {offsets = [0], sizes = [1], strides = [1]} : vector<16xi32> to vector<1xi32>
    %squeeze3A_144 = vector.extract %slice3A_143[0] : i32 from vector<1xi32>
    %lt3A_145 = arith.cmpi slt, %squeeze3A_144, %add3A_98 : i32
    %jit3A_146 = arith.constant 1 : i32
    %jit3A_147 = arith.constant 0 : i32
    %select_n3A_148 = arith.select %lt3A_145, %jit3A_146, %jit3A_147 : i32
    %add3A_149 = arith.addi %add3A_140, %select_n3A_148 : i32
    %get3A_150 = arith.constant 4 : index
    %get3A_151 = tpu.vector_load %arg11[%get3A_150] {strides = array<i32>} : memref<32xi32, #tpu.memory_space<vmem>>, vector<16xi32>,
    %slice3A_152 = vector.extract_strided_slice %get3A_151 {offsets = [0], sizes = [1], strides = [1]} : vector<16xi32> to vector<1xi32>
    %squeeze3A_153 = vector.extract %slice3A_152[0] : i32 from vector<1xi32>
    %lt3A_154 = arith.cmpi slt, %squeeze3A_153, %add3A_98 : i32
    %jit3A_155 = arith.constant 1 : i32
    %jit3A_156 = arith.constant 0 : i32
    %select_n3A_157 = arith.select %lt3A_154, %jit3A_155, %jit3A_156 : i32
    %add3A_158 = arith.addi %add3A_149, %select_n3A_157 : i32
    %get3A_159 = arith.constant 5 : index
    %get3A_160 = tpu.vector_load %arg11[%get3A_159] {strides = array<i32>} : memref<32xi32, #tpu.memory_space<vmem>>, vector<16xi32>,
    %slice3A_161 = vector.extract_strided_slice %get3A_160 {offsets = [0], sizes = [1], strides = [1]} : vector<16xi32> to vector<1xi32>
    %squeeze3A_162 = vector.extract %slice3A_161[0] : i32 from vector<1xi32>
    %lt3A_163 = arith.cmpi slt, %squeeze3A_162, %add3A_98 : i32
    %jit3A_164 = arith.constant 1 : i32
    %jit3A_165 = arith.constant 0 : i32
    %select_n3A_166 = arith.select %lt3A_163, %jit3A_164, %jit3A_165 : i32
    %add3A_167 = arith.addi %add3A_158, %select_n3A_166 : i32
    %get3A_168 = arith.constant 6 : index
    %get3A_169 = tpu.vector_load %arg11[%get3A_168] {strides = array<i32>} : memref<32xi32, #tpu.memory_space<vmem>>, vector<16xi32>,
    %slice3A_170 = vector.extract_strided_slice %get3A_169 {offsets = [0], sizes = [1], strides = [1]} : vector<16xi32> to vector<1xi32>
    %squeeze3A_171 = vector.extract %slice3A_170[0] : i32 from vector<1xi32>
    %lt3A_172 = arith.cmpi slt, %squeeze3A_171, %add3A_98 : i32
    %jit3A_173 = arith.constant 1 : i32
    %jit3A_174 = arith.constant 0 : i32
    %select_n3A_175 = arith.select %lt3A_172, %jit3A_173, %jit3A_174 : i32
    %add3A_176 = arith.addi %add3A_167, %select_n3A_175 : i32
    %get3A_177 = arith.constant 7 : index
    %get3A_178 = tpu.vector_load %arg11[%get3A_177] {strides = array<i32>} : memref<32xi32, #tpu.memory_space<vmem>>, vector<16xi32>,
    %slice3A_179 = vector.extract_strided_slice %get3A_178 {offsets = [0], sizes = [1], strides = [1]} : vector<16xi32> to vector<1xi32>
    %squeeze3A_180 = vector.extract %slice3A_179[0] : i32 from vector<1xi32>
    %lt3A_181 = arith.cmpi slt, %squeeze3A_180, %add3A_98 : i32
    %jit3A_182 = arith.constant 1 : i32
    %jit3A_183 = arith.constant 0 : i32
    %select_n3A_184 = arith.select %lt3A_181, %jit3A_182, %jit3A_183 : i32
    %add3A_185 = arith.addi %add3A_176, %select_n3A_184 : i32
    %gt3A_186 = arith.constant 0 : i32
    %gt3A_187 = arith.cmpi sgt, %scan3A_105#0, %gt3A_186 : i32
    %jit3A_188 = arith.constant 0 : i32
    %select_n3A_189 = arith.select %gt3A_187, %add3A_185, %jit3A_188 : i32
    %add3A_190 = arith.addi %mul3A_112, %select_n3A_189 : i32
    %jit3A_191 = arith.constant 8 : i32
    %div3A = arith.divsi %add3A_96, %jit3A_191 : i32
    %sign3A = arith.constant 0 : i32
    %sign3A_192 = arith.cmpi sgt, %add3A_96, %sign3A : i32
    %sign3A_193 = arith.extui %sign3A_192 : i1 to i32
    %sign3A_194 = arith.constant 0 : i32
    %sign3A_195 = arith.cmpi slt, %add3A_96, %sign3A_194 : i32
    %sign3A_196 = arith.extui %sign3A_195 : i1 to i32
    %sign3A_197 = arith.subi %sign3A_193, %sign3A_196 : i32
    %sign3A_198 = arith.constant 0 : i32
    %sign3A_199 = arith.cmpi sgt, %jit3A_191, %sign3A_198 : i32
    %sign3A_200 = arith.extui %sign3A_199 : i1 to i32
    %sign3A_201 = arith.constant 0 : i32
    %sign3A_202 = arith.cmpi slt, %jit3A_191, %sign3A_201 : i32
    %sign3A_203 = arith.extui %sign3A_202 : i1 to i32
    %sign3A_204 = arith.subi %sign3A_200, %sign3A_203 : i32
    %ne3A = arith.cmpi ne, %sign3A_197, %sign3A_204 : i32
    %rem3A = arith.remsi %add3A_96, %jit3A_191 : i32
    %ne3A_205 = arith.constant 0 : i32
    %ne3A_206 = arith.cmpi ne, %rem3A, %ne3A_205 : i32
    %and3A = arith.andi %ne3A, %ne3A_206 : i1
    %sub3A_207 = arith.constant 1 : i32
    %sub3A_208 = arith.subi %div3A, %sub3A_207 : i32
    %select_n3A_209 = arith.select %and3A, %sub3A_208, %div3A : i32
    %mul3A_210 = arith.constant 8 : i32
    %mul3A_211 = arith.muli %select_n3A_209, %mul3A_210 : i32
    %sub3A_212 = arith.subi %add3A_190, %mul3A_211 : i32
    %add3A_213 = arith.constant 64 : i32
    %add3A_214 = arith.addi %sub3A_212, %add3A_213 : i32
    %sub3A_215 = arith.constant 1 : i32
    %sub3A_216 = arith.subi %add3A_214, %sub3A_215 : i32
    %jit3A_217 = arith.constant 64 : i32
    %div3A_218 = arith.divsi %sub3A_216, %jit3A_217 : i32
    %sign3A_219 = arith.constant 0 : i32
    %sign3A_220 = arith.cmpi sgt, %sub3A_216, %sign3A_219 : i32
    %sign3A_221 = arith.extui %sign3A_220 : i1 to i32
    %sign3A_222 = arith.constant 0 : i32
    %sign3A_223 = arith.cmpi slt, %sub3A_216, %sign3A_222 : i32
    %sign3A_224 = arith.extui %sign3A_223 : i1 to i32
    %sign3A_225 = arith.subi %sign3A_221, %sign3A_224 : i32
    %sign3A_226 = arith.constant 0 : i32
    %sign3A_227 = arith.cmpi sgt, %jit3A_217, %sign3A_226 : i32
    %sign3A_228 = arith.extui %sign3A_227 : i1 to i32
    %sign3A_229 = arith.constant 0 : i32
    %sign3A_230 = arith.cmpi slt, %jit3A_217, %sign3A_229 : i32
    %sign3A_231 = arith.extui %sign3A_230 : i1 to i32
    %sign3A_232 = arith.subi %sign3A_228, %sign3A_231 : i32
    %ne3A_233 = arith.cmpi ne, %sign3A_225, %sign3A_232 : i32
    %rem3A_234 = arith.remsi %sub3A_216, %jit3A_217 : i32
    %ne3A_235 = arith.constant 0 : i32
    %ne3A_236 = arith.cmpi ne, %rem3A_234, %ne3A_235 : i32
    %and3A_237 = arith.andi %ne3A_233, %ne3A_236 : i1
    %sub3A_238 = arith.constant 1 : i32
    %sub3A_239 = arith.subi %div3A_218, %sub3A_238 : i32
    %select_n3A_240 = arith.select %and3A_237, %sub3A_239, %div3A_218 : i32
    %while3A = arith.constant 0 : i32
    %while3A_241 = arith.constant 0 : i32
    %while3A_242 = arith.subi %select_n3A_240, %while3A_241 : i32
    %while3A_243 = arith.addi %while3A_241, %while3A_242 : i32
    %while3A_244 = arith.constant 1 : i32
    %while3A_245 = arith.divsi %while3A_242, %while3A_244 : i32
    %while3A_246 = arith.muli %while3A_245, %while3A_244 : i32
    %while3A_247 = arith.addi %while3A_241, %while3A_246 : i32
    %while3A_248 = arith.constant 1 : i32
    scf.for %while3A_250 = %while3A_241 to %while3A_247 step %while3A_248  : i32 {
      %mul3A_251 = arith.constant 64 : i32
      %mul3A_252 = arith.muli %while3A_250, %mul3A_251 : i32
      %add3A_253 = arith.addi %mul3A_211, %mul3A_252 : i32
      %min3A = arith.constant 9936 : i32
      %min3A_254 = arith.minsi %add3A_253, %min3A : i32
      "tpu.region"() ({
        %run_scoped3A = tpu.sem_alloc : memref<!tpu.dma_semaphore, #tpu.memory_space<semaphore_mem>>
        %dma_start3A_261 = arith.constant 0 : i32
        %dma_start3A_262 = tpu.memref_slice %arg2[%min3A_254, %dma_start3A_261] : memref<10240x128xf32, #tpu.memory_space<hbm>> -> memref<64x128xf32, #tpu.memory_space<hbm>>
        %dma_start3A_263 = arith.constant 0 : i32
        %dma_start3A_264 = tpu.memref_slice %arg2[%min3A_254, %dma_start3A_263] : memref<10240x128xf32, #tpu.memory_space<hbm>> -> memref<64x128xf32, #tpu.memory_space<hbm>>
        tpu.enqueue_dma source(%dma_start3A_264 : memref<64x128xf32, #tpu.memory_space<hbm>>) target(%arg9 : memref<64x128xf32, #tpu.memory_space<vmem>>) target_semaphore(%run_scoped3A : memref<!tpu.dma_semaphore, #tpu.memory_space<semaphore_mem>>)
        %dma_wait3A_265 = arith.constant 0 : i32
        %dma_wait3A_266 = tpu.memref_slice %arg2[%min3A_254, %dma_wait3A_265] : memref<10240x128xf32, #tpu.memory_space<hbm>> -> memref<64x128xf32, #tpu.memory_space<hbm>>
        %dma_wait3A_267 = arith.constant 0 : i32
        %dma_wait3A_268 = tpu.memref_slice %arg2[%min3A_254, %dma_wait3A_267] : memref<10240x128xf32, #tpu.memory_space<hbm>> -> memref<64x128xf32, #tpu.memory_space<hbm>>
        tpu.wait_dma2 semaphore(%run_scoped3A : memref<!tpu.dma_semaphore, #tpu.memory_space<semaphore_mem>>) src(%dma_wait3A_268 : memref<64x128xf32, #tpu.memory_space<hbm>>) dst(%arg9 : memref<64x128xf32, #tpu.memory_space<vmem>>)
        tpu.yield
      }) : () -> ()
      "tpu.region"() ({
        %run_scoped3A = tpu.sem_alloc : memref<!tpu.dma_semaphore, #tpu.memory_space<semaphore_mem>>
        %dma_start3A_261 = arith.constant 0 : i32
        %dma_start3A_262 = tpu.memref_slice %arg10[%dma_start3A_261] : memref<80xi32, #tpu.memory_space<vmem>> -> memref<64xi32, #tpu.memory_space<vmem>>
        %dma_start3A_263 = tpu.memref_slice %arg3[%min3A_254] : memref<10016xi32, #tpu.memory_space<hbm>> -> memref<64xi32, #tpu.memory_space<hbm>>
        %dma_start3A_264 = arith.constant 0 : i32
        %dma_start3A_265 = tpu.memref_slice %arg10[%dma_start3A_264] : memref<80xi32, #tpu.memory_space<vmem>> -> memref<64xi32, #tpu.memory_space<vmem>>
        %dma_start3A_266 = tpu.memref_slice %arg3[%min3A_254] : memref<10016xi32, #tpu.memory_space<hbm>> -> memref<64xi32, #tpu.memory_space<hbm>>
        tpu.enqueue_dma source(%dma_start3A_266 : memref<64xi32, #tpu.memory_space<hbm>>) target(%dma_start3A_265 : memref<64xi32, #tpu.memory_space<vmem>>) target_semaphore(%run_scoped3A : memref<!tpu.dma_semaphore, #tpu.memory_space<semaphore_mem>>)
        %dma_wait3A_267 = arith.constant 0 : i32
        %dma_wait3A_268 = tpu.memref_slice %arg10[%dma_wait3A_267] : memref<80xi32, #tpu.memory_space<vmem>> -> memref<64xi32, #tpu.memory_space<vmem>>
        %dma_wait3A_269 = tpu.memref_slice %arg3[%min3A_254] : memref<10016xi32, #tpu.memory_space<hbm>> -> memref<64xi32, #tpu.memory_space<hbm>>
        %dma_wait3A_270 = arith.constant 0 : i32
        %dma_wait3A_271 = tpu.memref_slice %arg10[%dma_wait3A_270] : memref<80xi32, #tpu.memory_space<vmem>> -> memref<64xi32, #tpu.memory_space<vmem>>
        %dma_wait3A_272 = tpu.memref_slice %arg3[%min3A_254] : memref<10016xi32, #tpu.memory_space<hbm>> -> memref<64xi32, #tpu.memory_space<hbm>>
        tpu.wait_dma2 semaphore(%run_scoped3A : memref<!tpu.dma_semaphore, #tpu.memory_space<semaphore_mem>>) src(%dma_wait3A_272 : memref<64xi32, #tpu.memory_space<hbm>>) dst(%dma_wait3A_271 : memref<64xi32, #tpu.memory_space<vmem>>)
        tpu.yield
      }) : () -> ()
      %scan3A_255 = arith.constant 0 : i32
      %scan3A_256 = arith.constant 0 : i32
      %scan3A_257 = arith.constant 64 : i32
      %scan3A_258 = arith.addi %scan3A_256, %scan3A_257 : i32
      %scan3A_259 = arith.constant 1 : i32
      scf.for %scan3A_261 = %scan3A_256 to %scan3A_258 step %scan3A_259  : i32 {
        %add3A_262 = arith.addi %min3A_254, %scan3A_261 : i32
        %ge3A = arith.cmpi sge, %add3A_262, %add3A_96 : i32
        %lt3A_263 = arith.cmpi slt, %add3A_262, %add3A_190 : i32
        %and3A_264 = arith.andi %ge3A, %lt3A_263 : i1
        %convert_element_type3A = arith.extui %and3A_264 : i1 to i32
        %cond3A = arith.constant 0 : i32
        %cond3A_265 = arith.cmpi ne, %convert_element_type3A, %cond3A : i32
        scf.if %cond3A_265 {
          %get3A_266 = arith.index_cast %scan3A_261 : i32 to index
          %get3A_267 = tpu.vector_load %arg10[%get3A_266] {strides = array<i32>} : memref<80xi32, #tpu.memory_space<vmem>>, vector<16xi32>,
          %slice3A_268 = vector.extract_strided_slice %get3A_267 {offsets = [0], sizes = [1], strides = [1]} : vector<16xi32> to vector<1xi32>
          %squeeze3A_269 = vector.extract %slice3A_268[0] : i32 from vector<1xi32>
          %sub3A_270 = arith.subi %squeeze3A_269, %mul3A_2 : i32
          %get3A_271 = arith.index_cast %sub3A_270 : i32 to index
          %get3A_272 = arith.constant 0 : index
          %get3A_273 = tpu.vector_load %arg8[%get3A_271, %get3A_272] {strides = array<i32>} : memref<32x128xf32, #tpu.memory_space<vmem>>, vector<16xf32>,
          %get3A_274 = arith.index_cast %scan3A_261 : i32 to index
          %get3A_275 = arith.constant 0 : index
          %get3A_276 = tpu.vector_load %arg9[%get3A_274, %get3A_275] {strides = array<i32>} : memref<64x128xf32, #tpu.memory_space<vmem>>, vector<16xf32>,
          %max3A_277 = arith.maximumf %get3A_273, %get3A_276 : vector<16xf32>
          %swap3A = arith.index_cast %sub3A_270 : i32 to index
          %swap3A_278 = arith.constant 0 : index
          %swap3A_279 = tpu.vector_load %arg8[%swap3A, %swap3A_278] {strides = array<i32>} : memref<32x128xf32, #tpu.memory_space<vmem>>, vector<16xf32>,
          tpu.vector_store %arg8[%swap3A, %swap3A_278], %max3A_277 {strides = array<i32>} : memref<32x128xf32, #tpu.memory_space<vmem>>, vector<16xf32>,
          %get3A_280 = arith.index_cast %sub3A_270 : i32 to index
          %get3A_281 = arith.constant 16 : index
          %get3A_282 = tpu.vector_load %arg8[%get3A_280, %get3A_281] {strides = array<i32>} : memref<32x128xf32, #tpu.memory_space<vmem>>, vector<16xf32>,
          %get3A_283 = arith.index_cast %scan3A_261 : i32 to index
          %get3A_284 = arith.constant 16 : index
          %get3A_285 = tpu.vector_load %arg9[%get3A_283, %get3A_284] {strides = array<i32>} : memref<64x128xf32, #tpu.memory_space<vmem>>, vector<16xf32>,
          %max3A_286 = arith.maximumf %get3A_282, %get3A_285 : vector<16xf32>
          %swap3A_287 = arith.index_cast %sub3A_270 : i32 to index
          %swap3A_288 = arith.constant 16 : index
          %swap3A_289 = tpu.vector_load %arg8[%swap3A_287, %swap3A_288] {strides = array<i32>} : memref<32x128xf32, #tpu.memory_space<vmem>>, vector<16xf32>,
          tpu.vector_store %arg8[%swap3A_287, %swap3A_288], %max3A_286 {strides = array<i32>} : memref<32x128xf32, #tpu.memory_space<vmem>>, vector<16xf32>,
          %get3A_290 = arith.index_cast %sub3A_270 : i32 to index
          %get3A_291 = arith.constant 32 : index
          %get3A_292 = tpu.vector_load %arg8[%get3A_290, %get3A_291] {strides = array<i32>} : memref<32x128xf32, #tpu.memory_space<vmem>>, vector<16xf32>,
          %get3A_293 = arith.index_cast %scan3A_261 : i32 to index
          %get3A_294 = arith.constant 32 : index
          %get3A_295 = tpu.vector_load %arg9[%get3A_293, %get3A_294] {strides = array<i32>} : memref<64x128xf32, #tpu.memory_space<vmem>>, vector<16xf32>,
          %max3A_296 = arith.maximumf %get3A_292, %get3A_295 : vector<16xf32>
          %swap3A_297 = arith.index_cast %sub3A_270 : i32 to index
          %swap3A_298 = arith.constant 32 : index
          %swap3A_299 = tpu.vector_load %arg8[%swap3A_297, %swap3A_298] {strides = array<i32>} : memref<32x128xf32, #tpu.memory_space<vmem>>, vector<16xf32>,
          tpu.vector_store %arg8[%swap3A_297, %swap3A_298], %max3A_296 {strides = array<i32>} : memref<32x128xf32, #tpu.memory_space<vmem>>, vector<16xf32>,
          %get3A_300 = arith.index_cast %sub3A_270 : i32 to index
          %get3A_301 = arith.constant 48 : index
          %get3A_302 = tpu.vector_load %arg8[%get3A_300, %get3A_301] {strides = array<i32>} : memref<32x128xf32, #tpu.memory_space<vmem>>, vector<16xf32>,
          %get3A_303 = arith.index_cast %scan3A_261 : i32 to index
          %get3A_304 = arith.constant 48 : index
          %get3A_305 = tpu.vector_load %arg9[%get3A_303, %get3A_304] {strides = array<i32>} : memref<64x128xf32, #tpu.memory_space<vmem>>, vector<16xf32>,
          %max3A_306 = arith.maximumf %get3A_302, %get3A_305 : vector<16xf32>
          %swap3A_307 = arith.index_cast %sub3A_270 : i32 to index
          %swap3A_308 = arith.constant 48 : index
          %swap3A_309 = tpu.vector_load %arg8[%swap3A_307, %swap3A_308] {strides = array<i32>} : memref<32x128xf32, #tpu.memory_space<vmem>>, vector<16xf32>,
          tpu.vector_store %arg8[%swap3A_307, %swap3A_308], %max3A_306 {strides = array<i32>} : memref<32x128xf32, #tpu.memory_space<vmem>>, vector<16xf32>,
          %get3A_310 = arith.index_cast %sub3A_270 : i32 to index
          %get3A_311 = arith.constant 64 : index
          %get3A_312 = tpu.vector_load %arg8[%get3A_310, %get3A_311] {strides = array<i32>} : memref<32x128xf32, #tpu.memory_space<vmem>>, vector<16xf32>,
          %get3A_313 = arith.index_cast %scan3A_261 : i32 to index
          %get3A_314 = arith.constant 64 : index
          %get3A_315 = tpu.vector_load %arg9[%get3A_313, %get3A_314] {strides = array<i32>} : memref<64x128xf32, #tpu.memory_space<vmem>>, vector<16xf32>,
          %max3A_316 = arith.maximumf %get3A_312, %get3A_315 : vector<16xf32>
          %swap3A_317 = arith.index_cast %sub3A_270 : i32 to index
          %swap3A_318 = arith.constant 64 : index
          %swap3A_319 = tpu.vector_load %arg8[%swap3A_317, %swap3A_318] {strides = array<i32>} : memref<32x128xf32, #tpu.memory_space<vmem>>, vector<16xf32>,
          tpu.vector_store %arg8[%swap3A_317, %swap3A_318], %max3A_316 {strides = array<i32>} : memref<32x128xf32, #tpu.memory_space<vmem>>, vector<16xf32>,
          %get3A_320 = arith.index_cast %sub3A_270 : i32 to index
          %get3A_321 = arith.constant 80 : index
          %get3A_322 = tpu.vector_load %arg8[%get3A_320, %get3A_321] {strides = array<i32>} : memref<32x128xf32, #tpu.memory_space<vmem>>, vector<16xf32>,
          %get3A_323 = arith.index_cast %scan3A_261 : i32 to index
          %get3A_324 = arith.constant 80 : index
          %get3A_325 = tpu.vector_load %arg9[%get3A_323, %get3A_324] {strides = array<i32>} : memref<64x128xf32, #tpu.memory_space<vmem>>, vector<16xf32>,
          %max3A_326 = arith.maximumf %get3A_322, %get3A_325 : vector<16xf32>
          %swap3A_327 = arith.index_cast %sub3A_270 : i32 to index
          %swap3A_328 = arith.constant 80 : index
          %swap3A_329 = tpu.vector_load %arg8[%swap3A_327, %swap3A_328] {strides = array<i32>} : memref<32x128xf32, #tpu.memory_space<vmem>>, vector<16xf32>,
          tpu.vector_store %arg8[%swap3A_327, %swap3A_328], %max3A_326 {strides = array<i32>} : memref<32x128xf32, #tpu.memory_space<vmem>>, vector<16xf32>,
          %get3A_330 = arith.index_cast %sub3A_270 : i32 to index
          %get3A_331 = arith.constant 96 : index
          %get3A_332 = tpu.vector_load %arg8[%get3A_330, %get3A_331] {strides = array<i32>} : memref<32x128xf32, #tpu.memory_space<vmem>>, vector<16xf32>,
          %get3A_333 = arith.index_cast %scan3A_261 : i32 to index
          %get3A_334 = arith.constant 96 : index
          %get3A_335 = tpu.vector_load %arg9[%get3A_333, %get3A_334] {strides = array<i32>} : memref<64x128xf32, #tpu.memory_space<vmem>>, vector<16xf32>,
          %max3A_336 = arith.maximumf %get3A_332, %get3A_335 : vector<16xf32>
          %swap3A_337 = arith.index_cast %sub3A_270 : i32 to index
          %swap3A_338 = arith.constant 96 : index
          %swap3A_339 = tpu.vector_load %arg8[%swap3A_337, %swap3A_338] {strides = array<i32>} : memref<32x128xf32, #tpu.memory_space<vmem>>, vector<16xf32>,
          tpu.vector_store %arg8[%swap3A_337, %swap3A_338], %max3A_336 {strides = array<i32>} : memref<32x128xf32, #tpu.memory_space<vmem>>, vector<16xf32>,
          %get3A_340 = arith.index_cast %sub3A_270 : i32 to index
          %get3A_341 = arith.constant 112 : index
          %get3A_342 = tpu.vector_load %arg8[%get3A_340, %get3A_341] {strides = array<i32>} : memref<32x128xf32, #tpu.memory_space<vmem>>, vector<16xf32>,
          %get3A_343 = arith.index_cast %scan3A_261 : i32 to index
          %get3A_344 = arith.constant 112 : index
          %get3A_345 = tpu.vector_load %arg9[%get3A_343, %get3A_344] {strides = array<i32>} : memref<64x128xf32, #tpu.memory_space<vmem>>, vector<16xf32>,
          %max3A_346 = arith.maximumf %get3A_342, %get3A_345 : vector<16xf32>
          %swap3A_347 = arith.index_cast %sub3A_270 : i32 to index
          %swap3A_348 = arith.constant 112 : index
          %swap3A_349 = tpu.vector_load %arg8[%swap3A_347, %swap3A_348] {strides = array<i32>} : memref<32x128xf32, #tpu.memory_space<vmem>>, vector<16xf32>,
          tpu.vector_store %arg8[%swap3A_347, %swap3A_348], %max3A_346 {strides = array<i32>} : memref<32x128xf32, #tpu.memory_space<vmem>>, vector<16xf32>,
        } else {
        }
      }
      %scan3A_260 = arith.constant 64 : i32
    }
    %while3A_249 = arith.constant 1 : i32
    scf.for %while3A_250 = %while3A_247 to %while3A_243 step %while3A_249  : i32 {
      %mul3A_251 = arith.constant 64 : i32
      %mul3A_252 = arith.muli %while3A_250, %mul3A_251 : i32
      %add3A_253 = arith.addi %mul3A_211, %mul3A_252 : i32
      %min3A = arith.constant 9936 : i32
      %min3A_254 = arith.minsi %add3A_253, %min3A : i32
      "tpu.region"() ({
        %run_scoped3A = tpu.sem_alloc : memref<!tpu.dma_semaphore, #tpu.memory_space<semaphore_mem>>
        %dma_start3A_261 = arith.constant 0 : i32
        %dma_start3A_262 = tpu.memref_slice %arg2[%min3A_254, %dma_start3A_261] : memref<10240x128xf32, #tpu.memory_space<hbm>> -> memref<64x128xf32, #tpu.memory_space<hbm>>
        %dma_start3A_263 = arith.constant 0 : i32
        %dma_start3A_264 = tpu.memref_slice %arg2[%min3A_254, %dma_start3A_263] : memref<10240x128xf32, #tpu.memory_space<hbm>> -> memref<64x128xf32, #tpu.memory_space<hbm>>
        tpu.enqueue_dma source(%dma_start3A_264 : memref<64x128xf32, #tpu.memory_space<hbm>>) target(%arg9 : memref<64x128xf32, #tpu.memory_space<vmem>>) target_semaphore(%run_scoped3A : memref<!tpu.dma_semaphore, #tpu.memory_space<semaphore_mem>>)
        %dma_wait3A_265 = arith.constant 0 : i32
        %dma_wait3A_266 = tpu.memref_slice %arg2[%min3A_254, %dma_wait3A_265] : memref<10240x128xf32, #tpu.memory_space<hbm>> -> memref<64x128xf32, #tpu.memory_space<hbm>>
        %dma_wait3A_267 = arith.constant 0 : i32
        %dma_wait3A_268 = tpu.memref_slice %arg2[%min3A_254, %dma_wait3A_267] : memref<10240x128xf32, #tpu.memory_space<hbm>> -> memref<64x128xf32, #tpu.memory_space<hbm>>
        tpu.wait_dma2 semaphore(%run_scoped3A : memref<!tpu.dma_semaphore, #tpu.memory_space<semaphore_mem>>) src(%dma_wait3A_268 : memref<64x128xf32, #tpu.memory_space<hbm>>) dst(%arg9 : memref<64x128xf32, #tpu.memory_space<vmem>>)
        tpu.yield
      }) : () -> ()
      "tpu.region"() ({
        %run_scoped3A = tpu.sem_alloc : memref<!tpu.dma_semaphore, #tpu.memory_space<semaphore_mem>>
        %dma_start3A_261 = arith.constant 0 : i32
        %dma_start3A_262 = tpu.memref_slice %arg10[%dma_start3A_261] : memref<80xi32, #tpu.memory_space<vmem>> -> memref<64xi32, #tpu.memory_space<vmem>>
        %dma_start3A_263 = tpu.memref_slice %arg3[%min3A_254] : memref<10016xi32, #tpu.memory_space<hbm>> -> memref<64xi32, #tpu.memory_space<hbm>>
        %dma_start3A_264 = arith.constant 0 : i32
        %dma_start3A_265 = tpu.memref_slice %arg10[%dma_start3A_264] : memref<80xi32, #tpu.memory_space<vmem>> -> memref<64xi32, #tpu.memory_space<vmem>>
        %dma_start3A_266 = tpu.memref_slice %arg3[%min3A_254] : memref<10016xi32, #tpu.memory_space<hbm>> -> memref<64xi32, #tpu.memory_space<hbm>>
        tpu.enqueue_dma source(%dma_start3A_266 : memref<64xi32, #tpu.memory_space<hbm>>) target(%dma_start3A_265 : memref<64xi32, #tpu.memory_space<vmem>>) target_semaphore(%run_scoped3A : memref<!tpu.dma_semaphore, #tpu.memory_space<semaphore_mem>>)
        %dma_wait3A_267 = arith.constant 0 : i32
        %dma_wait3A_268 = tpu.memref_slice %arg10[%dma_wait3A_267] : memref<80xi32, #tpu.memory_space<vmem>> -> memref<64xi32, #tpu.memory_space<vmem>>
        %dma_wait3A_269 = tpu.memref_slice %arg3[%min3A_254] : memref<10016xi32, #tpu.memory_space<hbm>> -> memref<64xi32, #tpu.memory_space<hbm>>
        %dma_wait3A_270 = arith.constant 0 : i32
        %dma_wait3A_271 = tpu.memref_slice %arg10[%dma_wait3A_270] : memref<80xi32, #tpu.memory_space<vmem>> -> memref<64xi32, #tpu.memory_space<vmem>>
        %dma_wait3A_272 = tpu.memref_slice %arg3[%min3A_254] : memref<10016xi32, #tpu.memory_space<hbm>> -> memref<64xi32, #tpu.memory_space<hbm>>
        tpu.wait_dma2 semaphore(%run_scoped3A : memref<!tpu.dma_semaphore, #tpu.memory_space<semaphore_mem>>) src(%dma_wait3A_272 : memref<64xi32, #tpu.memory_space<hbm>>) dst(%dma_wait3A_271 : memref<64xi32, #tpu.memory_space<vmem>>)
        tpu.yield
      }) : () -> ()
      %scan3A_255 = arith.constant 0 : i32
      %scan3A_256 = arith.constant 0 : i32
      %scan3A_257 = arith.constant 64 : i32
      %scan3A_258 = arith.addi %scan3A_256, %scan3A_257 : i32
      %scan3A_259 = arith.constant 1 : i32
      scf.for %scan3A_261 = %scan3A_256 to %scan3A_258 step %scan3A_259  : i32 {
        %add3A_262 = arith.addi %min3A_254, %scan3A_261 : i32
        %ge3A = arith.cmpi sge, %add3A_262, %add3A_96 : i32
        %lt3A_263 = arith.cmpi slt, %add3A_262, %add3A_190 : i32
        %and3A_264 = arith.andi %ge3A, %lt3A_263 : i1
        %convert_element_type3A = arith.extui %and3A_264 : i1 to i32
        %cond3A = arith.constant 0 : i32
        %cond3A_265 = arith.cmpi ne, %convert_element_type3A, %cond3A : i32
        scf.if %cond3A_265 {
          %get3A_266 = arith.index_cast %scan3A_261 : i32 to index
          %get3A_267 = tpu.vector_load %arg10[%get3A_266] {strides = array<i32>} : memref<80xi32, #tpu.memory_space<vmem>>, vector<16xi32>,
          %slice3A_268 = vector.extract_strided_slice %get3A_267 {offsets = [0], sizes = [1], strides = [1]} : vector<16xi32> to vector<1xi32>
          %squeeze3A_269 = vector.extract %slice3A_268[0] : i32 from vector<1xi32>
          %sub3A_270 = arith.subi %squeeze3A_269, %mul3A_2 : i32
          %get3A_271 = arith.index_cast %sub3A_270 : i32 to index
          %get3A_272 = arith.constant 0 : index
          %get3A_273 = tpu.vector_load %arg8[%get3A_271, %get3A_272] {strides = array<i32>} : memref<32x128xf32, #tpu.memory_space<vmem>>, vector<16xf32>,
          %get3A_274 = arith.index_cast %scan3A_261 : i32 to index
          %get3A_275 = arith.constant 0 : index
          %get3A_276 = tpu.vector_load %arg9[%get3A_274, %get3A_275] {strides = array<i32>} : memref<64x128xf32, #tpu.memory_space<vmem>>, vector<16xf32>,
          %max3A_277 = arith.maximumf %get3A_273, %get3A_276 : vector<16xf32>
          %swap3A = arith.index_cast %sub3A_270 : i32 to index
          %swap3A_278 = arith.constant 0 : index
          %swap3A_279 = tpu.vector_load %arg8[%swap3A, %swap3A_278] {strides = array<i32>} : memref<32x128xf32, #tpu.memory_space<vmem>>, vector<16xf32>,
          tpu.vector_store %arg8[%swap3A, %swap3A_278], %max3A_277 {strides = array<i32>} : memref<32x128xf32, #tpu.memory_space<vmem>>, vector<16xf32>,
          %get3A_280 = arith.index_cast %sub3A_270 : i32 to index
          %get3A_281 = arith.constant 16 : index
          %get3A_282 = tpu.vector_load %arg8[%get3A_280, %get3A_281] {strides = array<i32>} : memref<32x128xf32, #tpu.memory_space<vmem>>, vector<16xf32>,
          %get3A_283 = arith.index_cast %scan3A_261 : i32 to index
          %get3A_284 = arith.constant 16 : index
          %get3A_285 = tpu.vector_load %arg9[%get3A_283, %get3A_284] {strides = array<i32>} : memref<64x128xf32, #tpu.memory_space<vmem>>, vector<16xf32>,
          %max3A_286 = arith.maximumf %get3A_282, %get3A_285 : vector<16xf32>
          %swap3A_287 = arith.index_cast %sub3A_270 : i32 to index
          %swap3A_288 = arith.constant 16 : index
          %swap3A_289 = tpu.vector_load %arg8[%swap3A_287, %swap3A_288] {strides = array<i32>} : memref<32x128xf32, #tpu.memory_space<vmem>>, vector<16xf32>,
          tpu.vector_store %arg8[%swap3A_287, %swap3A_288], %max3A_286 {strides = array<i32>} : memref<32x128xf32, #tpu.memory_space<vmem>>, vector<16xf32>,
          %get3A_290 = arith.index_cast %sub3A_270 : i32 to index
          %get3A_291 = arith.constant 32 : index
          %get3A_292 = tpu.vector_load %arg8[%get3A_290, %get3A_291] {strides = array<i32>} : memref<32x128xf32, #tpu.memory_space<vmem>>, vector<16xf32>,
          %get3A_293 = arith.index_cast %scan3A_261 : i32 to index
          %get3A_294 = arith.constant 32 : index
          %get3A_295 = tpu.vector_load %arg9[%get3A_293, %get3A_294] {strides = array<i32>} : memref<64x128xf32, #tpu.memory_space<vmem>>, vector<16xf32>,
          %max3A_296 = arith.maximumf %get3A_292, %get3A_295 : vector<16xf32>
          %swap3A_297 = arith.index_cast %sub3A_270 : i32 to index
          %swap3A_298 = arith.constant 32 : index
          %swap3A_299 = tpu.vector_load %arg8[%swap3A_297, %swap3A_298] {strides = array<i32>} : memref<32x128xf32, #tpu.memory_space<vmem>>, vector<16xf32>,
          tpu.vector_store %arg8[%swap3A_297, %swap3A_298], %max3A_296 {strides = array<i32>} : memref<32x128xf32, #tpu.memory_space<vmem>>, vector<16xf32>,
          %get3A_300 = arith.index_cast %sub3A_270 : i32 to index
          %get3A_301 = arith.constant 48 : index
          %get3A_302 = tpu.vector_load %arg8[%get3A_300, %get3A_301] {strides = array<i32>} : memref<32x128xf32, #tpu.memory_space<vmem>>, vector<16xf32>,
          %get3A_303 = arith.index_cast %scan3A_261 : i32 to index
          %get3A_304 = arith.constant 48 : index
          %get3A_305 = tpu.vector_load %arg9[%get3A_303, %get3A_304] {strides = array<i32>} : memref<64x128xf32, #tpu.memory_space<vmem>>, vector<16xf32>,
          %max3A_306 = arith.maximumf %get3A_302, %get3A_305 : vector<16xf32>
          %swap3A_307 = arith.index_cast %sub3A_270 : i32 to index
          %swap3A_308 = arith.constant 48 : index
          %swap3A_309 = tpu.vector_load %arg8[%swap3A_307, %swap3A_308] {strides = array<i32>} : memref<32x128xf32, #tpu.memory_space<vmem>>, vector<16xf32>,
          tpu.vector_store %arg8[%swap3A_307, %swap3A_308], %max3A_306 {strides = array<i32>} : memref<32x128xf32, #tpu.memory_space<vmem>>, vector<16xf32>,
          %get3A_310 = arith.index_cast %sub3A_270 : i32 to index
          %get3A_311 = arith.constant 64 : index
          %get3A_312 = tpu.vector_load %arg8[%get3A_310, %get3A_311] {strides = array<i32>} : memref<32x128xf32, #tpu.memory_space<vmem>>, vector<16xf32>,
          %get3A_313 = arith.index_cast %scan3A_261 : i32 to index
          %get3A_314 = arith.constant 64 : index
          %get3A_315 = tpu.vector_load %arg9[%get3A_313, %get3A_314] {strides = array<i32>} : memref<64x128xf32, #tpu.memory_space<vmem>>, vector<16xf32>,
          %max3A_316 = arith.maximumf %get3A_312, %get3A_315 : vector<16xf32>
          %swap3A_317 = arith.index_cast %sub3A_270 : i32 to index
          %swap3A_318 = arith.constant 64 : index
          %swap3A_319 = tpu.vector_load %arg8[%swap3A_317, %swap3A_318] {strides = array<i32>} : memref<32x128xf32, #tpu.memory_space<vmem>>, vector<16xf32>,
          tpu.vector_store %arg8[%swap3A_317, %swap3A_318], %max3A_316 {strides = array<i32>} : memref<32x128xf32, #tpu.memory_space<vmem>>, vector<16xf32>,
          %get3A_320 = arith.index_cast %sub3A_270 : i32 to index
          %get3A_321 = arith.constant 80 : index
          %get3A_322 = tpu.vector_load %arg8[%get3A_320, %get3A_321] {strides = array<i32>} : memref<32x128xf32, #tpu.memory_space<vmem>>, vector<16xf32>,
          %get3A_323 = arith.index_cast %scan3A_261 : i32 to index
          %get3A_324 = arith.constant 80 : index
          %get3A_325 = tpu.vector_load %arg9[%get3A_323, %get3A_324] {strides = array<i32>} : memref<64x128xf32, #tpu.memory_space<vmem>>, vector<16xf32>,
          %max3A_326 = arith.maximumf %get3A_322, %get3A_325 : vector<16xf32>
          %swap3A_327 = arith.index_cast %sub3A_270 : i32 to index
          %swap3A_328 = arith.constant 80 : index
          %swap3A_329 = tpu.vector_load %arg8[%swap3A_327, %swap3A_328] {strides = array<i32>} : memref<32x128xf32, #tpu.memory_space<vmem>>, vector<16xf32>,
          tpu.vector_store %arg8[%swap3A_327, %swap3A_328], %max3A_326 {strides = array<i32>} : memref<32x128xf32, #tpu.memory_space<vmem>>, vector<16xf32>,
          %get3A_330 = arith.index_cast %sub3A_270 : i32 to index
          %get3A_331 = arith.constant 96 : index
          %get3A_332 = tpu.vector_load %arg8[%get3A_330, %get3A_331] {strides = array<i32>} : memref<32x128xf32, #tpu.memory_space<vmem>>, vector<16xf32>,
          %get3A_333 = arith.index_cast %scan3A_261 : i32 to index
          %get3A_334 = arith.constant 96 : index
          %get3A_335 = tpu.vector_load %arg9[%get3A_333, %get3A_334] {strides = array<i32>} : memref<64x128xf32, #tpu.memory_space<vmem>>, vector<16xf32>,
          %max3A_336 = arith.maximumf %get3A_332, %get3A_335 : vector<16xf32>
          %swap3A_337 = arith.index_cast %sub3A_270 : i32 to index
          %swap3A_338 = arith.constant 96 : index
          %swap3A_339 = tpu.vector_load %arg8[%swap3A_337, %swap3A_338] {strides = array<i32>} : memref<32x128xf32, #tpu.memory_space<vmem>>, vector<16xf32>,
          tpu.vector_store %arg8[%swap3A_337, %swap3A_338], %max3A_336 {strides = array<i32>} : memref<32x128xf32, #tpu.memory_space<vmem>>, vector<16xf32>,
          %get3A_340 = arith.index_cast %sub3A_270 : i32 to index
          %get3A_341 = arith.constant 112 : index
          %get3A_342 = tpu.vector_load %arg8[%get3A_340, %get3A_341] {strides = array<i32>} : memref<32x128xf32, #tpu.memory_space<vmem>>, vector<16xf32>,
          %get3A_343 = arith.index_cast %scan3A_261 : i32 to index
          %get3A_344 = arith.constant 112 : index
          %get3A_345 = tpu.vector_load %arg9[%get3A_343, %get3A_344] {strides = array<i32>} : memref<64x128xf32, #tpu.memory_space<vmem>>, vector<16xf32>,
          %max3A_346 = arith.maximumf %get3A_342, %get3A_345 : vector<16xf32>
          %swap3A_347 = arith.index_cast %sub3A_270 : i32 to index
          %swap3A_348 = arith.constant 112 : index
          %swap3A_349 = tpu.vector_load %arg8[%swap3A_347, %swap3A_348] {strides = array<i32>} : memref<32x128xf32, #tpu.memory_space<vmem>>, vector<16xf32>,
          tpu.vector_store %arg8[%swap3A_347, %swap3A_348], %max3A_346 {strides = array<i32>} : memref<32x128xf32, #tpu.memory_space<vmem>>, vector<16xf32>,
        } else {
        }
      }
      %scan3A_260 = arith.constant 64 : i32
    }
    "tpu.region"() ({
      %run_scoped3A = tpu.sem_alloc : memref<!tpu.dma_semaphore, #tpu.memory_space<semaphore_mem>>
      %dma_start3A_250 = arith.constant 0 : i32
      %dma_start3A_251 = tpu.memref_slice %arg6[%mul3A_2, %dma_start3A_250] : memref<1024x128xf32, #tpu.memory_space<hbm>> -> memref<32x128xf32, #tpu.memory_space<hbm>>
      %dma_start3A_252 = arith.constant 0 : i32
      %dma_start3A_253 = tpu.memref_slice %arg6[%mul3A_2, %dma_start3A_252] : memref<1024x128xf32, #tpu.memory_space<hbm>> -> memref<32x128xf32, #tpu.memory_space<hbm>>
      tpu.enqueue_dma source(%arg8 : memref<32x128xf32, #tpu.memory_space<vmem>>) target(%dma_start3A_253 : memref<32x128xf32, #tpu.memory_space<hbm>>) target_semaphore(%run_scoped3A : memref<!tpu.dma_semaphore, #tpu.memory_space<semaphore_mem>>)
      %dma_wait3A_254 = arith.constant 0 : i32
      %dma_wait3A_255 = tpu.memref_slice %arg6[%mul3A_2, %dma_wait3A_254] : memref<1024x128xf32, #tpu.memory_space<hbm>> -> memref<32x128xf32, #tpu.memory_space<hbm>>
      %dma_wait3A_256 = arith.constant 0 : i32
      %dma_wait3A_257 = tpu.memref_slice %arg6[%mul3A_2, %dma_wait3A_256] : memref<1024x128xf32, #tpu.memory_space<hbm>> -> memref<32x128xf32, #tpu.memory_space<hbm>>
      tpu.wait_dma2 semaphore(%run_scoped3A : memref<!tpu.dma_semaphore, #tpu.memory_space<semaphore_mem>>) src(%arg8 : memref<32x128xf32, #tpu.memory_space<vmem>>) dst(%dma_wait3A_257 : memref<32x128xf32, #tpu.memory_space<hbm>>)
      tpu.yield
    }) : () -> ()
    return
  }
}

module attributes {stable_mosaic.version = 14 : i64} {
  func.func @_dense_body(%arg0: i32, %arg1: memref<2x1024x128xf32, #tpu.memory_space<vmem>>, %arg2: memref<32x8x128xf32, #tpu.memory_space<vmem>>, %arg3: memref<1024x128xf32, #tpu.memory_space<vmem>>, %arg4: memref<128x128xf32, #tpu.memory_space<vmem>>, %arg5: memref<128xf32, #tpu.memory_space<vmem>>, %arg6: memref<128x128xf32, #tpu.memory_space<vmem>>, %arg7: memref<1024x128xf32, #tpu.memory_space<vmem>>) attributes {dimension_semantics = [#tpu.dimension_semantics<arbitrary>], iteration_bounds = array<i64: 10>, scalar_prefetch = 0 : i64, scratch_operands = 0 : i64, tpu.core_type = #tpu.core_type<tc>, window_params = [{transform_indices = @transform_0, window_bounds = array<i64: 2, 1024, 128>}, {transform_indices = @transform_1, window_bounds = array<i64: 32, 8, 128>}, {transform_indices = @transform_2, window_bounds = array<i64: 1024, 128>}, {pipeline_mode = #tpu.pipeline_mode<synchronous>, transform_indices = @transform_3, window_bounds = array<i64: 128, 128>}, {pipeline_mode = #tpu.pipeline_mode<synchronous>, transform_indices = @transform_4, window_bounds = array<i64: 128>}, {pipeline_mode = #tpu.pipeline_mode<synchronous>, transform_indices = @transform_5, window_bounds = array<i64: 128, 128>}, {transform_indices = @transform_6, window_bounds = array<i64: 1024, 128>}]} {
    %get3A = arith.constant 0 : index
    %get3A_0 = arith.constant 0 : index
    %get3A_1 = arith.constant 0 : index
    %get3A_2 = vector.load %arg1[%get3A, %get3A_0, %get3A_1] : memref<2x1024x128xf32, #tpu.memory_space<vmem>>, vector<1x1024x128xf32>
    %get3A_3 = vector.shape_cast %get3A_2 : vector<1x1024x128xf32> to vector<1024x128xf32>
    %get3A_4 = arith.constant 1 : index
    %get3A_5 = arith.constant 0 : index
    %get3A_6 = arith.constant 0 : index
    %get3A_7 = vector.load %arg1[%get3A_4, %get3A_5, %get3A_6] : memref<2x1024x128xf32, #tpu.memory_space<vmem>>, vector<1x1024x128xf32>
    %get3A_8 = vector.shape_cast %get3A_7 : vector<1x1024x128xf32> to vector<1024x128xf32>
    %add3A = arith.addf %get3A_3, %get3A_8 : vector<1024x128xf32>
    %get3A_9 = arith.constant 0 : index
    %get3A_10 = arith.constant 0 : index
    %get3A_11 = arith.constant 0 : index
    %get3A_12 = vector.load %arg2[%get3A_9, %get3A_10, %get3A_11] : memref<32x8x128xf32, #tpu.memory_space<vmem>>, vector<32x8x128xf32>
    %reduce_sum3A = arith.constant dense<0.000000e+00> : vector<8x128xf32>
    %reduce_sum3A_13 = vector.multi_reduction <add>, %get3A_12, %reduce_sum3A [0] : vector<32x8x128xf32> to vector<8x128xf32>
    %broadcast_in_dim3A = vector.shape_cast %reduce_sum3A_13 : vector<8x128xf32> to vector<8x1x128xf32>
    %broadcast_in_dim3A_14 = vector.shape_cast %broadcast_in_dim3A : vector<8x1x128xf32> to vector<8x1x128xf32>
    %broadcast_in_dim3A_15 = vector.broadcast %broadcast_in_dim3A_14 : vector<8x1x128xf32> to vector<8x128x128xf32>
    %reshape3A = vector.shape_cast %broadcast_in_dim3A_15 : vector<8x128x128xf32> to vector<1024x128xf32>
    %iota3A = tpu.iota {dimensions = array<i32: 0>} : vector<1024x128xi32>
    %iota3A_16 = tpu.iota {dimensions = array<i32: 1>} : vector<1024x128xi32>
    %jit3A = arith.constant 128 : i32
    %eq3A = arith.constant 0 : i32
    %eq3A_17 = arith.cmpi eq, %jit3A, %eq3A : i32
    %jit3A_18 = arith.constant 1 : i32
    %select_n3A = arith.select %eq3A_17, %jit3A_18, %jit3A : i32
    %rem3A = vector.broadcast %select_n3A : i32 to vector<1024x128xi32>
    %rem3A_19 = arith.remsi %iota3A, %rem3A : vector<1024x128xi32>
    %ne3A = arith.constant 0 : i32
    %ne3A_20 = vector.broadcast %ne3A : i32 to vector<1024x128xi32>
    %ne3A_21 = arith.cmpi ne, %rem3A_19, %ne3A_20 : vector<1024x128xi32>
    %lt3A = arith.constant 0 : i32
    %lt3A_22 = vector.broadcast %lt3A : i32 to vector<1024x128xi32>
    %lt3A_23 = arith.cmpi slt, %rem3A_19, %lt3A_22 : vector<1024x128xi32>
    %lt3A_24 = arith.constant 0 : i32
    %lt3A_25 = arith.cmpi slt, %select_n3A, %lt3A_24 : i32
    %ne3A_26 = vector.broadcast %lt3A_25 : i1 to vector<1024x128xi1>
    %ne3A_27 = vector.broadcast %ne3A_26 : vector<1024x128xi1> to vector<1024x128xi1>
    %ne3A_28 = arith.xori %lt3A_23, %ne3A_27 : vector<1024x128xi1>
    %and3A = arith.andi %ne3A_28, %ne3A_21 : vector<1024x128xi1>
    %add3A_29 = vector.broadcast %select_n3A : i32 to vector<1024x128xi32>
    %add3A_30 = arith.addi %rem3A_19, %add3A_29 : vector<1024x128xi32>
    %select_n3A_31 = arith.select %and3A, %add3A_30, %rem3A_19 : vector<1024x128xi1>, vector<1024x128xi32>
    %eq3A_32 = arith.cmpi eq, %select_n3A_31, %iota3A_16 : vector<1024x128xi32>
    %jit3A_33 = arith.constant 0.000000e+00 : f32
    %broadcast_in_dim3A_34 = vector.broadcast %jit3A_33 : f32 to vector<1024x128xf32>
    %select_n3A_35 = arith.select %eq3A_32, %reshape3A, %broadcast_in_dim3A_34 : vector<1024x128xi1>, vector<1024x128xf32>
    %reduce_sum3A_36 = arith.constant dense<0.000000e+00> : vector<1024xf32>
    %reduce_sum3A_37 = vector.multi_reduction <add>, %select_n3A_35, %reduce_sum3A_36 [1] : vector<1024x128xf32> to vector<1024xf32>
    %broadcast_in_dim3A_38 = vector.shape_cast %reduce_sum3A_37 : vector<1024xf32> to vector<1024x1xf32>
    %max3A = arith.constant 1.000000e+00 : f32
    %max3A_39 = vector.broadcast %max3A : f32 to vector<1024x1xf32>
    %max3A_40 = arith.maximumf %broadcast_in_dim3A_38, %max3A_39 : vector<1024x1xf32>
    %div3A = vector.broadcast %max3A_40 : vector<1024x1xf32> to vector<1024x128xf32>
    %div3A_41 = arith.divf %add3A, %div3A : vector<1024x128xf32>
    %get3A_42 = arith.constant 0 : index
    %get3A_43 = arith.constant 0 : index
    %get3A_44 = vector.load %arg4[%get3A_42, %get3A_43] : memref<128x128xf32, #tpu.memory_space<vmem>>, vector<128x128xf32>
    %dot_general3A = arith.constant dense<0.000000e+00> : vector<1024x128xf32>
    %dot_general3A_45 = tpu.matmul %div3A_41, %get3A_44, %dot_general3A {dimension_numbers = #tpu.dot_dimension_numbers<[1], [1], [0], [0], [0, 0, 1, 0], [], []>, transpose_lhs_hint = false} : vector<1024x128xf32>, vector<128x128xf32>, vector<1024x128xf32> -> vector<1024x128xf32>
    %get3A_46 = arith.constant 0 : index
    %get3A_47 = vector.load %arg5[%get3A_46] : memref<128xf32, #tpu.memory_space<vmem>>, vector<128xf32>
    %broadcast_in_dim3A_48 = vector.shape_cast %get3A_47 : vector<128xf32> to vector<1x128xf32>
    %add3A_49 = vector.broadcast %broadcast_in_dim3A_48 : vector<1x128xf32> to vector<1024x128xf32>
    %add3A_50 = arith.addf %dot_general3A_45, %add3A_49 : vector<1024x128xf32>
    %get3A_51 = arith.constant 0 : index
    %get3A_52 = arith.constant 0 : index
    %get3A_53 = vector.load %arg3[%get3A_51, %get3A_52] : memref<1024x128xf32, #tpu.memory_space<vmem>>, vector<1024x128xf32>
    %get3A_54 = arith.constant 0 : index
    %get3A_55 = arith.constant 0 : index
    %get3A_56 = vector.load %arg6[%get3A_54, %get3A_55] : memref<128x128xf32, #tpu.memory_space<vmem>>, vector<128x128xf32>
    %dot_general3A_57 = arith.constant dense<0.000000e+00> : vector<1024x128xf32>
    %dot_general3A_58 = tpu.matmul %get3A_53, %get3A_56, %dot_general3A_57 {dimension_numbers = #tpu.dot_dimension_numbers<[1], [1], [0], [0], [0, 0, 1, 0], [], []>, transpose_lhs_hint = false} : vector<1024x128xf32>, vector<128x128xf32>, vector<1024x128xf32> -> vector<1024x128xf32>
    %add3A_59 = arith.addf %add3A_50, %dot_general3A_58 : vector<1024x128xf32>
    %max3A_60 = arith.constant 0.000000e+00 : f32
    %max3A_61 = vector.broadcast %max3A_60 : f32 to vector<1024x128xf32>
    %max3A_62 = arith.maximumf %add3A_59, %max3A_61 : vector<1024x128xf32>
    %swap3A = arith.constant 0 : index
    %swap3A_63 = arith.constant 0 : index
    %swap3A_64 = vector.load %arg7[%swap3A, %swap3A_63] : memref<1024x128xf32, #tpu.memory_space<vmem>>, vector<1024x128xf32>
    tpu.vector_store %arg7[%swap3A, %swap3A_63], %max3A_62 {strides = array<i32>} : memref<1024x128xf32, #tpu.memory_space<vmem>>, vector<1024x128xf32>,
    return
  }
  func.func @transform_0(%arg0: i32) -> (i32, i32, i32) {
    %c0_i32 = arith.constant 0 : i32
    %c0_i32_0 = arith.constant 0 : i32
    %c0_i32_1 = arith.constant 0 : i32
    return %c0_i32, %arg0, %c0_i32_0 : i32, i32, i32
  }
  func.func @transform_1(%arg0: i32) -> (i32, i32, i32) {
    %c0_i32 = arith.constant 0 : i32
    %c0_i32_0 = arith.constant 0 : i32
    %c0_i32_1 = arith.constant 0 : i32
    return %c0_i32, %arg0, %c0_i32_0 : i32, i32, i32
  }
  func.func @transform_2(%arg0: i32) -> (i32, i32) {
    %c0_i32 = arith.constant 0 : i32
    %c0_i32_0 = arith.constant 0 : i32
    return %arg0, %c0_i32 : i32, i32
  }
  func.func @transform_3(%arg0: i32) -> (i32, i32) {
    %c0_i32 = arith.constant 0 : i32
    %c0_i32_0 = arith.constant 0 : i32
    %c0_i32_1 = arith.constant 0 : i32
    return %c0_i32, %c0_i32_0 : i32, i32
  }
  func.func @transform_4(%arg0: i32) -> i32 {
    %c0_i32 = arith.constant 0 : i32
    %c0_i32_0 = arith.constant 0 : i32
    return %c0_i32 : i32
  }
  func.func @transform_5(%arg0: i32) -> (i32, i32) {
    %c0_i32 = arith.constant 0 : i32
    %c0_i32_0 = arith.constant 0 : i32
    %c0_i32_1 = arith.constant 0 : i32
    return %c0_i32, %c0_i32_0 : i32, i32
  }
  func.func @transform_6(%arg0: i32) -> (i32, i32) {
    %c0_i32 = arith.constant 0 : i32
    %c0_i32_0 = arith.constant 0 : i32
    return %arg0, %c0_i32 : i32, i32
  }
}

module attributes {stable_mosaic.version = 14 : i64} {
  func.func @_final_body(%arg0: memref<1024x128xf32, #tpu.memory_space<vmem>>, %arg1: memref<1024x128xf32, #tpu.memory_space<vmem>>, %arg2: memref<128x128xf32, #tpu.memory_space<vmem>>, %arg3: memref<128xf32, #tpu.memory_space<vmem>>, %arg4: memref<1024x256xf32, #tpu.memory_space<vmem>>) attributes {dimension_semantics = [], scalar_prefetch = 0 : i64, scratch_operands = 0 : i64, tpu.core_type = #tpu.core_type<tc>} {
    %get3A = arith.constant 0 : index
    %get3A_0 = arith.constant 0 : index
    %get3A_1 = vector.load %arg0[%get3A, %get3A_0] : memref<1024x128xf32, #tpu.memory_space<vmem>>, vector<1024x128xf32>
    %swap3A = arith.constant 0 : index
    %swap3A_2 = arith.constant 0 : index
    %swap3A_3 = vector.load %arg4[%swap3A, %swap3A_2] : memref<1024x256xf32, #tpu.memory_space<vmem>>, vector<1024x128xf32>
    tpu.vector_store %arg4[%swap3A, %swap3A_2], %get3A_1 {strides = array<i32>} : memref<1024x256xf32, #tpu.memory_space<vmem>>, vector<1024x128xf32>,
    %get3A_4 = arith.constant 0 : index
    %get3A_5 = arith.constant 0 : index
    %get3A_6 = vector.load %arg1[%get3A_4, %get3A_5] : memref<1024x128xf32, #tpu.memory_space<vmem>>, vector<1024x128xf32>
    %get3A_7 = arith.constant 0 : index
    %get3A_8 = arith.constant 0 : index
    %get3A_9 = vector.load %arg2[%get3A_7, %get3A_8] : memref<128x128xf32, #tpu.memory_space<vmem>>, vector<128x128xf32>
    %dot_general3A = arith.constant dense<0.000000e+00> : vector<1024x128xf32>
    %dot_general3A_10 = tpu.matmul %get3A_6, %get3A_9, %dot_general3A {dimension_numbers = #tpu.dot_dimension_numbers<[1], [1], [0], [0], [0, 0, 1, 0], [], []>, transpose_lhs_hint = false} : vector<1024x128xf32>, vector<128x128xf32>, vector<1024x128xf32> -> vector<1024x128xf32>
    %get3A_11 = arith.constant 0 : index
    %get3A_12 = vector.load %arg3[%get3A_11] : memref<128xf32, #tpu.memory_space<vmem>>, vector<128xf32>
    %broadcast_in_dim3A = vector.shape_cast %get3A_12 : vector<128xf32> to vector<1x128xf32>
    %add3A = vector.broadcast %broadcast_in_dim3A : vector<1x128xf32> to vector<1024x128xf32>
    %add3A_13 = arith.addf %dot_general3A_10, %add3A : vector<1024x128xf32>
    %swap3A_14 = arith.constant 0 : index
    %swap3A_15 = arith.constant 128 : index
    %swap3A_16 = vector.load %arg4[%swap3A_14, %swap3A_15] : memref<1024x256xf32, #tpu.memory_space<vmem>>, vector<1024x128xf32>
    tpu.vector_store %arg4[%swap3A_14, %swap3A_15], %add3A_13 {strides = array<i32>} : memref<1024x256xf32, #tpu.memory_space<vmem>>, vector<1024x128xf32>,
    return
  }
}

</mosaic_0001>

<sc_bundles>
// kernel: kernel.12.cloned.1.call-start
scs
__scs_entry_jumppad:
0x0: {  	(pc) =	sbr.rel $0x88, $3  }
0x1: {  	(tag) =	ssettag $0x0;
	lr =	simm.s32 $0x1  }
0x2: {  	[smem:$0x3F94] =	sst lr;
	_ =	strace $0xD0000000  }
0x3: {  	_ = 	snop  }
0x4: {  	_ = 	snop  }
0x5: {  	_ = 	snop  }
0x6: {  	_ = 	snop  }
0x7: {  	_ = 	snop  }
__scs_overlays_trampoline_lowered:
0x8: {  	[smem:$0x3FA3] =	sst s0  }
0x9: {  	[smem:$0x3FA4] =	sst s1  }
0xa: {  	[smem:$0x3FA5] =	sst s2  }
0xb: {  	[smem:$0x3FA6] =	sst s3  }
0xc: {  	[smem:$0x3FA7] =	sst s4  }
0xd: {  	[smem:$0x3FA8] =	sst s5  }
0xe: {  	[smem:$0x3FA9] =	sst s6  }
0xf: {  	[smem:$0x3FAA] =	sst s7  }
0x10: {  	[smem:$0x3FAB] =	sst s8  }
0x11: {  	[smem:$0x3FAC] =	sst s9;
	s0 =	simm.s32 @!p0 $0x0  }
0x12: {  	s1 =	sld [smem:$0x3F92];
	s0 =	simm.s32 @p0 $0x1  }
0x13: {  	[smem:$0x3FAD] =	sst s0;
	s0 =	simm.s32 @!p1 $0x0  }
0x14: {  	s2 =	sld [smem:$0x3F91];
	s0 =	simm.s32 @p1 $0x1  }
0x15: {  	[smem:$0x3FAE] =	sst s0;
	s0 =	simm.s32 @!p2 $0x0  }
0x16: {  	s3 =	sld [smem:$0x3FDB];
	s0 =	simm.s32 @p2 $0x1  }
0x17: {  	s4 =	simm.s32 $0x1BF5;
	[smem:$0x3FB0] =	sst s0  }
0x18: {  	s0 =	sld [smem:$0x3F93];
	_ =	swait.ge [sflag:s4], $0x0  }
0x19: {  	s7 =	sld [smem:$0x3F94]  }
0x1a: {  	s8 =	sadd.s32 $0xFFFFE003, lr  }
0x1b: {  	s9 =	sadd.s32 $0xFFFFFEF7, lr;
	s5 =	simm.s32 $0xFFFFFFFF;
	p2 =	slt.u32 s8, $0xFFFFF086  }
0x1c: {  	p1 =	slt.u32 s9, $0xF7A;
	s5 =	simm.s32 @!p2 $0x0  }
0x1d: {  	s5 =	simm.s32 @p1 $0x1;
	p0 =	seq.s32 s7, s2  }
0x1e: {  	s7 =	smul.u32 @!p0 $0xF7A, s2;
	p2 =	seq.s32 @!p0 s5, $0x0  }
0x1f: {  	s9 =	smul.u32 $0xF7A, s1;
	s8 =	simm.s32 @!p0 $0x1BF5;
	p2 =	por !p2, p0  }
0x20: {  	[sflag:s8] =	ssyncset.s32 @!p0 $0xFFFFF086;
	s6 =	sadd.s32 @!p0 s3, s7;
	s7 =	simm.s32 @!p0 $0x108  }
0x21: {  	s3 =	sadd.s32 s3, s9;
	s6 =	sadd.s32 @!p0 $0x88, s6;
	s7 =	simm.s32 @p2 $0x1082  }
0x22: {  	[simem:s7], [sflag:s8] =	dma.local @!p0 [hbm:s6], $0xF7A  }
0x23: {  	s9 =	sor.u32 $0xD0000000, s2;
	s6 =	simm.s32 $0x108;
	_ =	swait.ge @!p0 [sflag:s8], $0x0  }
0x24: {  	s3 =	sadd.s32 $0x88, s3;
	s6 =	simm.s32 @!p1 $0x1082;
	[sflag:s4] =	ssyncset.s32 $0xFFFFF086  }
0x25: {  	[simem:s6], [sflag:s4] =	dma.local [hbm:s3], $0xF7A  }
0x26: {  	[smem:$0x3F94] =	sst s1;
	(tag) =	ssettag s2;
	_ =	strace s9  }
0x27: {  	s1 =	sld [smem:$0x3FA4]  }
0x28: {  	s2 =	sld [smem:$0x3FA5]  }
0x29: {  	s4 =	sld [smem:$0x3FA7]  }
0x2a: {  	p0 =	seq.s32 s5, $0x0;
	s5 =	sld [smem:$0x3FA8]  }
0x2b: {  	s6 =	sld [smem:$0x3FA9]  }
0x2c: {  	s7 =	sld [smem:$0x3FAA]  }
0x2d: {  	s3 =	simm.s32 $0x108;
	s8 =	sld [smem:$0x3FAB]  }
0x2e: {  	s3 =	simm.s32 @!p0 $0x1082;
	s9 =	sld [smem:$0x3FAC]  }
0x2f: {  	lr =	sadd.s32 s0, s3;
	s0 =	sld [smem:$0x3FA3]  }
0x30: {  	s3 =	sld [smem:$0x3FA6]  }
0x31: {  	[smem:$0x3FAF] =	sst s10  }
0x32: {  	s10 =	sld [smem:$0x3FAD];
	_ =	sdelay $0x3  }
0x33: {  	p0 =	seq.s32 s10, $0x1;
	s10 =	sld [smem:$0x3FAF];
	_ =	sdelay $0x3  }
0x34: {  	[smem:$0x3FAF] =	sst s10  }
0x35: {  	s10 =	sld [smem:$0x3FAE];
	_ =	sdelay $0x3  }
0x36: {  	p1 =	seq.s32 s10, $0x1;
	s10 =	sld [smem:$0x3FAF];
	_ =	sdelay $0x3  }
0x37: {  	[smem:$0x3FAF] =	sst s10  }
0x38: {  	s10 =	sld [smem:$0x3FB0]  }
0x39: {  	_ = 	snop;
	(pc) =	sbr.ind lr, $3  }
0x3a: {  	_ = 	snop  }
0x3b: {  	_ = 	snop  }
0x3c: {  	p2 =	seq.s32 s10, $0x1;
	s10 =	sld [smem:$0x3FAF]  }
0x3d: {  	_ =	shalt  }
0x3e: {  	_ =	shalt  }
0x3f: {  	_ =	shalt  }
0x40: {  	_ =	shalt  }
0x41: {  	_ =	shalt  }
0x42: {  	_ =	shalt  }
0x43: {  	_ =	shalt  }
0x44: {  	_ =	shalt  }
0x45: {  	_ =	shalt  }
0x46: {  	_ =	shalt  }
0x47: {  	_ =	shalt  }
0x48: {  	_ =	shalt  }
0x49: {  	_ =	shalt  }
0x4a: {  	_ =	shalt  }
0x4b: {  	_ =	shalt  }
0x4c: {  	_ =	shalt  }
0x4d: {  	_ =	shalt  }
0x4e: {  	_ =	shalt  }
0x4f: {  	_ =	shalt  }
0x50: {  	_ =	shalt  }
0x51: {  	_ =	shalt  }
0x52: {  	_ =	shalt  }
0x53: {  	_ =	shalt  }
0x54: {  	_ =	shalt  }
0x55: {  	_ =	shalt  }
0x56: {  	_ =	shalt  }
0x57: {  	_ =	shalt  }
0x58: {  	_ =	shalt  }
0x59: {  	_ =	shalt  }
0x5a: {  	_ =	shalt  }
0x5b: {  	_ =	shalt  }
0x5c: {  	_ =	shalt  }
0x5d: {  	_ =	shalt  }
0x5e: {  	_ =	shalt  }
0x5f: {  	_ =	shalt  }
0x60: {  	_ =	shalt  }
0x61: {  	_ =	shalt  }
0x62: {  	_ =	shalt  }
0x63: {  	_ =	shalt  }
0x64: {  	_ =	shalt  }
0x65: {  	_ =	shalt  }
0x66: {  	_ =	shalt  }
0x67: {  	_ =	shalt  }
0x68: {  	_ =	shalt  }
0x69: {  	_ =	shalt  }
0x6a: {  	_ =	shalt  }
0x6b: {  	_ =	shalt  }
0x6c: {  	_ =	shalt  }
0x6d: {  	_ =	shalt  }
0x6e: {  	_ =	shalt  }
0x6f: {  	_ =	shalt  }
0x70: {  	_ =	shalt  }
0x71: {  	_ =	shalt  }
0x72: {  	_ =	shalt  }
0x73: {  	_ =	shalt  }
0x74: {  	_ =	shalt  }
0x75: {  	_ =	shalt  }
0x76: {  	_ =	shalt  }
0x77: {  	_ =	shalt  }
0x78: {  	_ =	shalt  }
0x79: {  	_ =	shalt  }
0x7a: {  	_ =	shalt  }
0x7b: {  	_ =	shalt  }
0x7c: {  	_ =	shalt  }
0x7d: {  	_ =	shalt  }
0x7e: {  	_ =	shalt  }
0x7f: {  	_ =	shalt  }
0x80: {  	_ =	shalt  }
0x81: {  	_ =	shalt  }
0x82: {  	_ =	shalt  }
0x83: {  	_ =	shalt  }
0x84: {  	_ =	shalt  }
0x85: {  	_ =	shalt  }
0x86: {  	_ =	shalt  }
0x87: {  	_ =	shalt  }
.Lfunc_end0:
.L_simem_size_0:
called_computation.1_lowered:
.L_overlay_start_0:
0x88: {  	s2 =	sld [smem:$0x3FD9]  }
0x89: {  	s3 =	sld [smem:$0x3FFE];
	_ =	sdelay $0x1  }
0x8a: {  	s1 =	srdreg.scid  }
0x8b: {  	s0 =	sand.u32 $0x1, s1  }
0x8c: {  	s17 =	sshll.u32 s0, $0xA;
	s2 =	sadd.s32 s3, s2  }
0x8d: {  	s2 =	sadd.s32 s2, s17  }
0x8e: {  	[smem:$0x3FBB] =	sst s2  }
0x8f: {  	_ = 	snop  }
0x90: {  	(tm) =	ssettm $0x1  }
0x91: {  	s18 =	sld [smem:$0x3FFB];
	_ =	sdelay $0x3  }
0x92: {  	_ =	strace s18  }
0x93: {  	s2 =	sld [smem:$0x3FFC];
	_ =	sdelay $0x3  }
0x94: {  	_ =	strace s2  }
0x95: {  	s2 =	sld [smem:$0x3FFD];
	_ =	sdelay $0x3  }
0x96: {  	_ =	strace s2  }
0x97: {  	_ =	strace $0x8FFFFFFF  }
0x98: {  	s19 =	sld [smem:$0x3FDB];
	_ =	sdelay $0x1  }
0x99: {  	s20 =	simm.s32 $_scs_section_size  }
0x9a: {  	s4 =	simm.s32 $_size__tile_overlayer_lowered;
	s5 =	simm.s32 $_tile_overlayer_lowered  }
0x9b: {  	s6 =	simm.s32 $0x1BFF;
	s21 =	sshll.u32 s5, $0x1;
	s3 =	sadd.s32 s20, s19  }
0x9c: {  	s22 =	simm.s32 $0x0;
	s4 =	sshll.u32 s4, $0x1;
	s5 =	sadd.s32 s21, s3  }
0x9d: {  	[timem:s22], [sflag:s6] =	dma.local [hbm:s5], s4  }
0x9e: {  	_ =	swait.ge [sflag:s6], s4  }
0x9f: {  	s4 =	ssub.s32 $0x0, s4;
	[sflag:s6] =	ssyncset.done $0x0  }
0xa0: {  	[sflag:s6] =	ssyncadd.s32 s4;
	_ =	sdelay $0x1  }
0xa1: {  	s23 =	simm.s32 $0x1B8B  }
0xa2: {  	_ =	swait.ge [sflag:s23], $0x1  }
0xa3: {  	[sflag:s23] =	ssyncset.done $0x0  }
0xa4: {  	[sflag:s23] =	ssyncadd.s32 $0xFFFFFFFF  }
0xa5: {  	s4 =	sld [smem:$0x0]  }
0xa6: {  	s5 =	sand.u32 $0xFFFFFFFE, s1  }
0xa7: {  	p0 =	sne.s32 s1, s5  }
0xa8: {  	s5 =	sshll.u32 @p0 s5, $0xE  }
0xa9: {  	s5 =	sadd.s32 @p0 $0x11B8D, s5;
	s6 =	sshll.u32 @p0 s4, $0x11  }
0xaa: {  	s5 =	sor.u32 @p0 s6, s5  }
0xab: {  	[sflag:s5] =	ssyncadd.remote.s32 @p0 $0x1;
	_ =	sdelay $0x1  }
0xac: {  	s5 =	simm.s32 @p0 $0x1B8D  }
0xad: {  	_ =	swait.eq @p0 [sflag:s5], $0x1  }
0xae: {  	[sflag:s5] =	ssyncadd.s32 @p0 $0xFFFFFFFF  }
0xaf: {  	s6 =	sshll.u32 @!p0 s1, $0xE  }
0xb0: {  	s6 =	sor.u32 @!p0 $0x4000, s6;
	s5 =	simm.s32 @!p0 $0x1B8D  }
0xb1: {  	s4 =	sshll.u32 @!p0 s4, $0x11;
	s6 =	sadd.s32 @!p0 $0x11B8D, s6;
	_ =	swait.eq @!p0 [sflag:s5], $0x1  }
0xb2: {  	s4 =	sor.u32 @!p0 s4, s6;
	[sflag:s5] =	ssyncadd.s32 @!p0 $0xFFFFFFFF  }
0xb3: {  	s25 =	simm.s32 $0x1B8E;
	s24 =	sld [smem:$0x3FFE];
	[sflag:s4] =	ssyncadd.remote.s32 @!p0 $0x1  }
0xb4: {  	s26 =	simm.s32 $execute0_lowered;
	[smem:$0x3FD2] =	sst s25  }
0xb5: {  	s5 =	sshll.u32 s26, $0x1;
	_ =	strace $0x80000049;
	[dreg:$0x1] =	wrdreg $0xFFFFFFFF  }
0xb6: {  	s28 =	simm.s32 $_size_execute0_lowered;
	s3 =	sadd.s32 s3, s5;
	[dreg:$0x0] =	wrdreg $0x0  }
0xb7: {  	s5 =	sshll.u32 s28, $0x1;
	[dreg:$0x2] =	wrdreg s3  }
0xb8: {  	[dreg:$0x3] =	wrdreg s5  }
0xb9: {  	[dreg:$0x4] =	wrdreg $0xC0  }
0xba: {  	_ =	task [dreg:s22], $0x5FFFF  }
0xbb: {  	[dreg:$0x1] =	wrdreg $0xFFFFFFFF  }
0xbc: {  	[dreg:$0x0] =	wrdreg $0x60  }
0xbd: {  	[dreg:$0x2] =	wrdreg s24  }
0xbe: {  	[dreg:$0x3] =	wrdreg $0xA  }
0xbf: {  	_ =	task.clear_ibuf [dreg:s22], $0x4FFFF;
	_ =	strace $0x90000049  }
0xc0: {  	s29 =	simm.s32 $0xA;
	_ =	strace $0x8000004B  }
0xc1: {  	_ =	swait.ge [sflag:s29], $0x1  }
0xc2: {  	[sflag:s29] =	ssyncadd.s32 $0xFFFFFFFF  }
0xc3: {  	_ =	strace $0x9000004B  }
0xc4: {  	_ =	sfence  }
0xc5: {  	s30 =	sld [smem:$0x0];
	_ =	sdelay $0x2  }
0xc6: {  	s31 =	sshll.u32 s1, $0xD;
	s1 =	sshrl.u32 s1, $0x2  }
0xc7: {  	s4 =	sand.u32 $0x4000, s31;
	s1 =	sadd.s32 s1, s30  }
0xc8: {  	s0 =	sor.u32 s4, s0;
	s1 =	sshll.u32 s1, $0x11  }
0xc9: {  	s0 =	sor.u32 s1, s0  }
0xca: {  	s0 =	sadd.s32 $0x8F2B, s0  }
0xcb: {  	[sflag:s0] =	ssyncadd.remote.s32 $0x1  }
0xcc: {  	_ =	sfence.sel $0xFFFF  }
0xcd: {  	[dreg:$0x0] =	wrdreg $0xFFFFFFFF;
	(pc) =	sbr.abs _section_cstart, $3  }
0xce: {  	[dreg:$0x1] =	wrdreg $0xFFFFFFFF  }
0xcf: {  	_ =	task.clear_ibuf [dreg:s22], $0x2FFFF;
	_ =	strace $0x9FFFFFFF  }
0xd0: {  	(tm) =	ssettm $0x7FFFFFFF  }
0xd1: {  	_ =	shalt  }
tec
execute0_lowered:
.L_overlay_start_1:
0x0: {  	(tag) =	ssettag $0x1  }
0x1: {  	s3 =	rddreg [dreg:$0x0];
	s2 =	srdreg.scid  }
0x2: {  	s1 =	stileid.u32;
	s0 =	rddreg [dreg:$0x1];
	s8 =	simm.s32 $0x0  }
0x3: {  	s4 =	sand.u32 $0x1, s2;
	s5 =	smul.u32 $0xC800, s1;
	s7 =	sshll.u32 s1, $0x1  }
0x4: {  	s2 =	simm.s32 $0x0;
	s6 =	smul.u32 $0x6400, s4;
	s7 =	sor.u32 s4, s7  }
0x5: {  	[smem:$0x7FF] =	sst s2;
	s4 =	ssub.s32 $0x2, s4;
	s30 =	smul.u32 $0x500, s7  }
0x6: {  	_ =	strace $0x8000004A;
	s31 =	sshrl.u32 s4, $0x1;
	s5 =	sadd.s32 s6, s5  }
0x7: {  	s7 =	simm.s32 $0x400;
	s4 =	ssub.s32 s4, s31;
	s5 =	sshrl.u32 s5, $0x3  }
0x8: {  	s6 =	simm.s32 $0x1;
	s5 =	sadd.s32 s5, s3;
	s3 =	sadd.s32 s30, s3  }
0x9: {  	v0 =	vimm.f32 $0.0e+00;
	v1 =	vimm.f32 $1.000000000e+00;
	s4 =	smax.u32 s4, $0x1;
	s3 =	sadd.s32 $0xA8C00, s3;
	s5 =	sadd.s32 $0x8FC00, s5  }
.LBB2_1:
0xa: {  	s9 =	simm.s32 $0x0;
	s10 =	simm.s32 $0x200  }
.LBB2_2:
0xb: {  	p0 =	sne.s32 s10, $0x9E00;
	[tilespmem:s9+$0x470] =	vst v0  }
0xc: {  	[tilespmem:s9+$0x400] =	vst v0  }
0xd: {  	[tilespmem:s9+$0x410] =	vst v0  }
.Ltmp0:
0xe: {  	[tilespmem:s9+$0x420] =	vst v0;
	(pc) =	sbr.rel @p0 .LBB2_2-.Ltmp0, $4  }
0xf: {  	[tilespmem:s9+$0x430] =	vst v0  }
0x10: {  	[tilespmem:s9+$0x440] =	vst v0  }
0x11: {  	[tilespmem:s9+$0x450] =	vst v0  }
0x12: {  	[tilespmem:s9+$0x460] =	vst v0;
	s9 =	sshra.s32 s10, $0x2;
	s10 =	sadd.s32 $0x200, s10  }
0x13: {  	[tilespmem:s9+$0x470] =	vst v0  }
0x14: {  	[tilespmem:s9+$0x400] =	vst v0  }
0x15: {  	[tilespmem:s9+$0x410] =	vst v0  }
0x16: {  	[tilespmem:s9+$0x420] =	vst v0  }
0x17: {  	[tilespmem:s9+$0x430] =	vst v0  }
0x18: {  	[tilespmem:s9+$0x440] =	vst v0  }
0x19: {  	[tilespmem:s9+$0x450] =	vst v0  }
0x1a: {  	[tilespmem:s9+$0x460] =	vst v0;
	s9 =	simm.s32 $0x0  }
.LBB2_4:
0x1b: {  	s10 =	sadd.s32 s9, s5  }
0x1c: {  	[tilespmem:s2], [sflag:$0x1] =	stream.linear.gather [hbm4b:s10+s2], $0x280, $0x38;
	[tilespmem:$0x2C00] =	vst v63  }
0x1d: {  	_ =	swait.ge [sflag:s6], $0x280  }
0x1e: {  	[sflag:s6] =	ssyncset.done $0x0  }
0x1f: {  	[sflag:s6] =	ssyncadd.s32 $0xFFFFFD80  }
0x20: {  	v2 =	vld [tilespmem:$0x0];
	_ =	sdelay $0x7  }
0x21: {  	[tilespmem:v2+s7+$0x0] =	vst.idx.add.f32.msk $0xffff, v1  }
0x22: {  	v2 =	vld [tilespmem:$0x10];
	_ =	sdelay $0x7  }
0x23: {  	[tilespmem:v2+s7+$0x0] =	vst.idx.add.f32.msk $0xffff, v1  }
0x24: {  	v2 =	vld [tilespmem:$0x20];
	_ =	sdelay $0x7  }
0x25: {  	[tilespmem:v2+s7+$0x0] =	vst.idx.add.f32.msk $0xffff, v1  }
0x26: {  	v2 =	vld [tilespmem:$0x30];
	_ =	sdelay $0x7  }
0x27: {  	[tilespmem:v2+s7+$0x0] =	vst.idx.add.f32.msk $0xffff, v1  }
0x28: {  	v2 =	vld [tilespmem:$0x40];
	_ =	sdelay $0x7  }
0x29: {  	[tilespmem:v2+s7+$0x0] =	vst.idx.add.f32.msk $0xffff, v1  }
0x2a: {  	v2 =	vld [tilespmem:$0x80];
	_ =	sdelay $0x7  }
0x2b: {  	[tilespmem:v2+s7+$0x0] =	vst.idx.add.f32.msk $0xffff, v1  }
0x2c: {  	v2 =	vld [tilespmem:$0x90];
	_ =	sdelay $0x7  }
0x2d: {  	[tilespmem:v2+s7+$0x0] =	vst.idx.add.f32.msk $0xffff, v1  }
0x2e: {  	v2 =	vld [tilespmem:$0xA0];
	_ =	sdelay $0x7  }
0x2f: {  	[tilespmem:v2+s7+$0x0] =	vst.idx.add.f32.msk $0xffff, v1  }
0x30: {  	v2 =	vld [tilespmem:$0xB0];
	_ =	sdelay $0x7  }
0x31: {  	[tilespmem:v2+s7+$0x0] =	vst.idx.add.f32.msk $0xffff, v1  }
0x32: {  	v2 =	vld [tilespmem:$0xC0];
	_ =	sdelay $0x7  }
0x33: {  	[tilespmem:v2+s7+$0x0] =	vst.idx.add.f32.msk $0xffff, v1  }
0x34: {  	v2 =	vld [tilespmem:$0x100];
	_ =	sdelay $0x7  }
0x35: {  	[tilespmem:v2+s7+$0x0] =	vst.idx.add.f32.msk $0xffff, v1  }
0x36: {  	v2 =	vld [tilespmem:$0x110];
	_ =	sdelay $0x7  }
0x37: {  	[tilespmem:v2+s7+$0x0] =	vst.idx.add.f32.msk $0xffff, v1  }
0x38: {  	v2 =	vld [tilespmem:$0x120];
	_ =	sdelay $0x7  }
0x39: {  	[tilespmem:v2+s7+$0x0] =	vst.idx.add.f32.msk $0xffff, v1  }
0x3a: {  	v2 =	vld [tilespmem:$0x130];
	_ =	sdelay $0x7  }
0x3b: {  	[tilespmem:v2+s7+$0x0] =	vst.idx.add.f32.msk $0xffff, v1  }
0x3c: {  	v2 =	vld [tilespmem:$0x140];
	_ =	sdelay $0x7  }
0x3d: {  	[tilespmem:v2+s7+$0x0] =	vst.idx.add.f32.msk $0xffff, v1  }
0x3e: {  	v2 =	vld [tilespmem:$0x180];
	_ =	sdelay $0x7  }
0x3f: {  	[tilespmem:v2+s7+$0x0] =	vst.idx.add.f32.msk $0xffff, v1  }
0x40: {  	v2 =	vld [tilespmem:$0x190];
	_ =	sdelay $0x7  }
0x41: {  	[tilespmem:v2+s7+$0x0] =	vst.idx.add.f32.msk $0xffff, v1  }
0x42: {  	v2 =	vld [tilespmem:$0x1A0];
	_ =	sdelay $0x7  }
0x43: {  	[tilespmem:v2+s7+$0x0] =	vst.idx.add.f32.msk $0xffff, v1  }
0x44: {  	v2 =	vld [tilespmem:$0x1B0];
	_ =	sdelay $0x7  }
0x45: {  	[tilespmem:v2+s7+$0x0] =	vst.idx.add.f32.msk $0xffff, v1  }
0x46: {  	v2 =	vld [tilespmem:$0x1C0];
	_ =	sdelay $0x7  }
0x47: {  	[tilespmem:v2+s7+$0x0] =	vst.idx.add.f32.msk $0xffff, v1  }
0x48: {  	v2 =	vld [tilespmem:$0x200];
	_ =	sdelay $0x7  }
0x49: {  	[tilespmem:v2+s7+$0x0] =	vst.idx.add.f32.msk $0xffff, v1  }
0x4a: {  	v2 =	vld [tilespmem:$0x210];
	_ =	sdelay $0x7  }
0x4b: {  	[tilespmem:v2+s7+$0x0] =	vst.idx.add.f32.msk $0xffff, v1  }
0x4c: {  	v2 =	vld [tilespmem:$0x220];
	_ =	sdelay $0x7  }
0x4d: {  	[tilespmem:v2+s7+$0x0] =	vst.idx.add.f32.msk $0xffff, v1  }
0x4e: {  	v2 =	vld [tilespmem:$0x230];
	_ =	sdelay $0x7  }
0x4f: {  	[tilespmem:v2+s7+$0x0] =	vst.idx.add.f32.msk $0xffff, v1  }
0x50: {  	v2 =	vld [tilespmem:$0x240];
	_ =	sdelay $0x2  }
0x51: {  	p0 =	sne.s32 s9, $0xC00  }
.Ltmp1:
0x52: {  	_ = 	snop;
	(pc) =	sbr.rel @p0 .LBB2_4-.Ltmp1, $2  }
0x53: {  	_ =	sdelay $0x2  }
0x54: {  	s9 =	sadd.s32 $0x80, s9;
	[tilespmem:v2+s7+$0x0] =	vst.idx.add.f32.msk $0xffff, v1  }
0x55: {  	s8 =	sadd.s32 $0x1, s8  }
0x56: {  	p0 =	sne.s32 s8, s4  }
.Ltmp2:
0x57: {  	_ = 	snop;
	(pc) =	sbr.rel @p0 .LBB2_1-.Ltmp2, $4  }
0x58: {  	[hbm4b:s3+s2] =	stream.linear.scatter [tilespmem:s7], [sflag:$0x1], $0x2800, $0x38;
	[tilespmem:$0x2C00] =	vst v63  }
0x59: {  	_ =	swait.ge [sflag:s6], $0x2800  }
0x5a: {  	[sflag:s6] =	ssyncset.done $0x0  }
0x5b: {  	[sflag:s6] =	ssyncadd.s32 $0xFFFFD800  }
0x5c: {  	_ =	sfence.sel $0x180000  }
0x5d: {  	[bflag:$0x0] =	sbarrier.arrive $0xFFFF  }
0x5e: {  	p0 =	sne.s32 s1, $0x0;
	_ =	strace $0x9000004A  }
0x5f: {  	s0 =	sadd.s32 @!p0 $0x100000, s0;
	[bflag:$0x2] =	sbarrier.arrive $0xFFFF  }
0x60: {  	[sflag:s0] =	ssyncadd.tile.s32 @!p0 $0x1;
	_ =	shalt  }
.Lfunc_end2:
_tile_overlayer_lowered:
.L_overlay_start_2:
0x61: {  	(tag) =	ssettag $0x2  }
0x62: {  	s0 =	rddreg [dreg:$0x0];
	s2 =	stileid.u32  }
0x63: {  	s1 =	rddreg [dreg:$0x1];
	p0 =	sne.s32 s2, $0x0  }
0x64: {  	s3 =	rddreg [dreg:$0x2];
	[bflag:$0x3] =	sbarrier.arrive $0xFFFF;
	s2 =	simm.s32 @!p0 $0x1C01  }
0x65: {  	[timem:s3], [sflag:s2] =	dma.local @!p0 [hbm:s0], s1  }
0x66: {  	s0 =	simm.s32 @!p0 $0x1  }
0x67: {  	_ =	swait.ge @!p0 [sflag:s0], s1  }
0x68: {  	s1 =	ssub.s32 @!p0 $0x0, s1;
	[sflag:s0] =	ssyncset.done @!p0 $0x0  }
0x69: {  	[sflag:s0] =	ssyncadd.s32 @!p0 s1  }
0x6a: {  	[bflag:$0x3] =	sbarrier.arrive $0xFFFF  }
0x6b: {  	_ =	shalt  }

// kernel: kernel.15.cloned.1.call-start
scs
__scs_entry_jumppad:
0x0: {  	(pc) =	sbr.rel $0x88, $3  }
0x1: {  	(tag) =	ssettag $0x0;
	lr =	simm.s32 $0x1  }
0x2: {  	[smem:$0x3F94] =	sst lr;
	_ =	strace $0xD0000000  }
0x3: {  	_ = 	snop  }
0x4: {  	_ = 	snop  }
0x5: {  	_ = 	snop  }
0x6: {  	_ = 	snop  }
0x7: {  	_ = 	snop  }
__scs_overlays_trampoline_lowered:
0x8: {  	[smem:$0x3FA3] =	sst s0  }
0x9: {  	[smem:$0x3FA4] =	sst s1  }
0xa: {  	[smem:$0x3FA5] =	sst s2  }
0xb: {  	[smem:$0x3FA6] =	sst s3  }
0xc: {  	[smem:$0x3FA7] =	sst s4  }
0xd: {  	[smem:$0x3FA8] =	sst s5  }
0xe: {  	[smem:$0x3FA9] =	sst s6  }
0xf: {  	[smem:$0x3FAA] =	sst s7  }
0x10: {  	[smem:$0x3FAB] =	sst s8  }
0x11: {  	[smem:$0x3FAC] =	sst s9;
	s0 =	simm.s32 @!p0 $0x0  }
0x12: {  	s1 =	sld [smem:$0x3F92];
	s0 =	simm.s32 @p0 $0x1  }
0x13: {  	[smem:$0x3FAD] =	sst s0;
	s0 =	simm.s32 @!p1 $0x0  }
0x14: {  	s2 =	sld [smem:$0x3F91];
	s0 =	simm.s32 @p1 $0x1  }
0x15: {  	[smem:$0x3FAE] =	sst s0;
	s0 =	simm.s32 @!p2 $0x0  }
0x16: {  	s3 =	sld [smem:$0x3FDB];
	s0 =	simm.s32 @p2 $0x1  }
0x17: {  	s4 =	simm.s32 $0x1BF5;
	[smem:$0x3FB0] =	sst s0  }
0x18: {  	s0 =	sld [smem:$0x3F93];
	_ =	swait.ge [sflag:s4], $0x0  }
0x19: {  	s7 =	sld [smem:$0x3F94]  }
0x1a: {  	s8 =	sadd.s32 $0xFFFFE003, lr  }
0x1b: {  	s9 =	sadd.s32 $0xFFFFFEF7, lr;
	s5 =	simm.s32 $0xFFFFFFFF;
	p2 =	slt.u32 s8, $0xFFFFF086  }
0x1c: {  	p1 =	slt.u32 s9, $0xF7A;
	s5 =	simm.s32 @!p2 $0x0  }
0x1d: {  	s5 =	simm.s32 @p1 $0x1;
	p0 =	seq.s32 s7, s2  }
0x1e: {  	s7 =	smul.u32 @!p0 $0xF7A, s2;
	p2 =	seq.s32 @!p0 s5, $0x0  }
0x1f: {  	s9 =	smul.u32 $0xF7A, s1;
	s8 =	simm.s32 @!p0 $0x1BF5;
	p2 =	por !p2, p0  }
0x20: {  	[sflag:s8] =	ssyncset.s32 @!p0 $0xFFFFF086;
	s6 =	sadd.s32 @!p0 s3, s7;
	s7 =	simm.s32 @!p0 $0x108  }
0x21: {  	s3 =	sadd.s32 s3, s9;
	s6 =	sadd.s32 @!p0 $0x88, s6;
	s7 =	simm.s32 @p2 $0x1082  }
0x22: {  	[simem:s7], [sflag:s8] =	dma.local @!p0 [hbm:s6], $0xF7A  }
0x23: {  	s9 =	sor.u32 $0xD0000000, s2;
	s6 =	simm.s32 $0x108;
	_ =	swait.ge @!p0 [sflag:s8], $0x0  }
0x24: {  	s3 =	sadd.s32 $0x88, s3;
	s6 =	simm.s32 @!p1 $0x1082;
	[sflag:s4] =	ssyncset.s32 $0xFFFFF086  }
0x25: {  	[simem:s6], [sflag:s4] =	dma.local [hbm:s3], $0xF7A  }
0x26: {  	[smem:$0x3F94] =	sst s1;
	(tag) =	ssettag s2;
	_ =	strace s9  }
0x27: {  	s1 =	sld [smem:$0x3FA4]  }
0x28: {  	s2 =	sld [smem:$0x3FA5]  }
0x29: {  	s4 =	sld [smem:$0x3FA7]  }
0x2a: {  	p0 =	seq.s32 s5, $0x0;
	s5 =	sld [smem:$0x3FA8]  }
0x2b: {  	s6 =	sld [smem:$0x3FA9]  }
0x2c: {  	s7 =	sld [smem:$0x3FAA]  }
0x2d: {  	s3 =	simm.s32 $0x108;
	s8 =	sld [smem:$0x3FAB]  }
0x2e: {  	s3 =	simm.s32 @!p0 $0x1082;
	s9 =	sld [smem:$0x3FAC]  }
0x2f: {  	lr =	sadd.s32 s0, s3;
	s0 =	sld [smem:$0x3FA3]  }
0x30: {  	s3 =	sld [smem:$0x3FA6]  }
0x31: {  	[smem:$0x3FAF] =	sst s10  }
0x32: {  	s10 =	sld [smem:$0x3FAD];
	_ =	sdelay $0x3  }
0x33: {  	p0 =	seq.s32 s10, $0x1;
	s10 =	sld [smem:$0x3FAF];
	_ =	sdelay $0x3  }
0x34: {  	[smem:$0x3FAF] =	sst s10  }
0x35: {  	s10 =	sld [smem:$0x3FAE];
	_ =	sdelay $0x3  }
0x36: {  	p1 =	seq.s32 s10, $0x1;
	s10 =	sld [smem:$0x3FAF];
	_ =	sdelay $0x3  }
0x37: {  	[smem:$0x3FAF] =	sst s10  }
0x38: {  	s10 =	sld [smem:$0x3FB0]  }
0x39: {  	_ = 	snop;
	(pc) =	sbr.ind lr, $3  }
0x3a: {  	_ = 	snop  }
0x3b: {  	_ = 	snop  }
0x3c: {  	p2 =	seq.s32 s10, $0x1;
	s10 =	sld [smem:$0x3FAF]  }
0x3d: {  	_ =	shalt  }
0x3e: {  	_ =	shalt  }
0x3f: {  	_ =	shalt  }
0x40: {  	_ =	shalt  }
0x41: {  	_ =	shalt  }
0x42: {  	_ =	shalt  }
0x43: {  	_ =	shalt  }
0x44: {  	_ =	shalt  }
0x45: {  	_ =	shalt  }
0x46: {  	_ =	shalt  }
0x47: {  	_ =	shalt  }
0x48: {  	_ =	shalt  }
0x49: {  	_ =	shalt  }
0x4a: {  	_ =	shalt  }
0x4b: {  	_ =	shalt  }
0x4c: {  	_ =	shalt  }
0x4d: {  	_ =	shalt  }
0x4e: {  	_ =	shalt  }
0x4f: {  	_ =	shalt  }
0x50: {  	_ =	shalt  }
0x51: {  	_ =	shalt  }
0x52: {  	_ =	shalt  }
0x53: {  	_ =	shalt  }
0x54: {  	_ =	shalt  }
0x55: {  	_ =	shalt  }
0x56: {  	_ =	shalt  }
0x57: {  	_ =	shalt  }
0x58: {  	_ =	shalt  }
0x59: {  	_ =	shalt  }
0x5a: {  	_ =	shalt  }
0x5b: {  	_ =	shalt  }
0x5c: {  	_ =	shalt  }
0x5d: {  	_ =	shalt  }
0x5e: {  	_ =	shalt  }
0x5f: {  	_ =	shalt  }
0x60: {  	_ =	shalt  }
0x61: {  	_ =	shalt  }
0x62: {  	_ =	shalt  }
0x63: {  	_ =	shalt  }
0x64: {  	_ =	shalt  }
0x65: {  	_ =	shalt  }
0x66: {  	_ =	shalt  }
0x67: {  	_ =	shalt  }
0x68: {  	_ =	shalt  }
0x69: {  	_ =	shalt  }
0x6a: {  	_ =	shalt  }
0x6b: {  	_ =	shalt  }
0x6c: {  	_ =	shalt  }
0x6d: {  	_ =	shalt  }
0x6e: {  	_ =	shalt  }
0x6f: {  	_ =	shalt  }
0x70: {  	_ =	shalt  }
0x71: {  	_ =	shalt  }
0x72: {  	_ =	shalt  }
0x73: {  	_ =	shalt  }
0x74: {  	_ =	shalt  }
0x75: {  	_ =	shalt  }
0x76: {  	_ =	shalt  }
0x77: {  	_ =	shalt  }
0x78: {  	_ =	shalt  }
0x79: {  	_ =	shalt  }
0x7a: {  	_ =	shalt  }
0x7b: {  	_ =	shalt  }
0x7c: {  	_ =	shalt  }
0x7d: {  	_ =	shalt  }
0x7e: {  	_ =	shalt  }
0x7f: {  	_ =	shalt  }
0x80: {  	_ =	shalt  }
0x81: {  	_ =	shalt  }
0x82: {  	_ =	shalt  }
0x83: {  	_ =	shalt  }
0x84: {  	_ =	shalt  }
0x85: {  	_ =	shalt  }
0x86: {  	_ =	shalt  }
0x87: {  	_ =	shalt  }
.Lfunc_end0:
.L_simem_size_0:
called_computation.2_lowered:
.L_overlay_start_0:
0x88: {  	s2 =	sld [smem:$0x3FD9]  }
0x89: {  	s3 =	sld [smem:$0x3FFE];
	_ =	sdelay $0x1  }
0x8a: {  	s1 =	srdreg.scid  }
0x8b: {  	s0 =	sand.u32 $0x1, s1  }
0x8c: {  	s16 =	sshll.u32 s0, $0xA;
	s2 =	sadd.s32 s3, s2  }
0x8d: {  	s2 =	sadd.s32 s2, s16  }
0x8e: {  	[smem:$0x3FBB] =	sst s2  }
0x8f: {  	_ = 	snop  }
0x90: {  	(tm) =	ssettm $0x1  }
0x91: {  	s17 =	sld [smem:$0x3FFB];
	_ =	sdelay $0x3  }
0x92: {  	_ =	strace s17  }
0x93: {  	s2 =	sld [smem:$0x3FFC];
	_ =	sdelay $0x3  }
0x94: {  	_ =	strace s2  }
0x95: {  	s2 =	sld [smem:$0x3FFD];
	_ =	sdelay $0x3  }
0x96: {  	_ =	strace s2  }
0x97: {  	_ =	strace $0x8FFFFFFF  }
0x98: {  	s18 =	sld [smem:$0x3FDB];
	_ =	sdelay $0x1  }
0x99: {  	s19 =	simm.s32 $_scs_section_size  }
0x9a: {  	s4 =	simm.s32 $_size__tile_overlayer_lowered;
	s5 =	simm.s32 $_tile_overlayer_lowered  }
0x9b: {  	s22 =	simm.s32 $0x1BFF;
	s21 =	sshll.u32 s5, $0x1;
	s2 =	sadd.s32 s19, s18  }
0x9c: {  	s6 =	simm.s32 $0x0;
	s20 =	sshll.u32 s4, $0x1;
	s4 =	sadd.s32 s21, s2  }
0x9d: {  	[timem:s6], [sflag:s22] =	dma.local [hbm:s4], s20  }
0x9e: {  	_ =	swait.ge [sflag:s22], s20  }
0x9f: {  	s3 =	ssub.s32 $0x0, s20;
	[sflag:s22] =	ssyncset.done $0x0  }
0xa0: {  	[sflag:s22] =	ssyncadd.s32 s3;
	_ =	sdelay $0x1  }
0xa1: {  	s23 =	simm.s32 $0x1B8B  }
0xa2: {  	_ =	swait.ge [sflag:s23], $0x1  }
0xa3: {  	[sflag:s23] =	ssyncset.done $0x0  }
0xa4: {  	s25 =	simm.s32 $0x1B8E;
	s24 =	sld [smem:$0x3FFE];
	[sflag:s23] =	ssyncadd.s32 $0xFFFFFFFF  }
0xa5: {  	s26 =	simm.s32 $execute0_lowered;
	[smem:$0x3FD2] =	sst s25  }
0xa6: {  	s4 =	sshll.u32 s26, $0x1;
	_ =	strace $0x8000004C;
	[dreg:$0x1] =	wrdreg $0xFFFFFFFF  }
0xa7: {  	s28 =	simm.s32 $_size_execute0_lowered;
	s2 =	sadd.s32 s2, s4;
	[dreg:$0x0] =	wrdreg $0x0  }
0xa8: {  	s4 =	sshll.u32 s28, $0x1;
	[dreg:$0x2] =	wrdreg s2  }
0xa9: {  	[dreg:$0x3] =	wrdreg s4  }
0xaa: {  	[dreg:$0x4] =	wrdreg $0xC0  }
0xab: {  	_ =	task [dreg:s6], $0x5FFFF  }
0xac: {  	[dreg:$0x1] =	wrdreg $0xFFFFFFFF  }
0xad: {  	[dreg:$0x0] =	wrdreg $0x60  }
0xae: {  	[dreg:$0x2] =	wrdreg s24  }
0xaf: {  	[dreg:$0x3] =	wrdreg $0x88000  }
0xb0: {  	[dreg:$0x4] =	wrdreg $0x9  }
0xb1: {  	_ =	task.clear_ibuf [dreg:s6], $0x5FFFF;
	_ =	strace $0x9000004C  }
0xb2: {  	s29 =	simm.s32 $0x9;
	_ =	strace $0x8000004E  }
0xb3: {  	_ =	swait.ge [sflag:s29], $0x1  }
0xb4: {  	[sflag:s29] =	ssyncadd.s32 $0xFFFFFFFF  }
0xb5: {  	_ =	strace $0x9000004E  }
0xb6: {  	_ =	sfence  }
0xb7: {  	s30 =	sld [smem:$0x0];
	_ =	sdelay $0x2  }
0xb8: {  	s31 =	sshll.u32 s1, $0xD;
	s1 =	sshrl.u32 s1, $0x2  }
0xb9: {  	s3 =	sand.u32 $0x4000, s31;
	s1 =	sadd.s32 s1, s30  }
0xba: {  	s0 =	sor.u32 s3, s0;
	s1 =	sshll.u32 s1, $0x11  }
0xbb: {  	s0 =	sor.u32 s1, s0  }
0xbc: {  	s0 =	sadd.s32 $0x8F2B, s0  }
0xbd: {  	[sflag:s0] =	ssyncadd.remote.s32 $0x1  }
0xbe: {  	_ =	sfence.sel $0xFFFF  }
0xbf: {  	[dreg:$0x0] =	wrdreg $0xFFFFFFFF;
	(pc) =	sbr.abs _section_cstart, $3  }
0xc0: {  	[dreg:$0x1] =	wrdreg $0xFFFFFFFF  }
0xc1: {  	_ =	task.clear_ibuf [dreg:s6], $0x2FFFF;
	_ =	strace $0x9FFFFFFF  }
0xc2: {  	(tm) =	ssettm $0x7FFFFFFF  }
0xc3: {  	_ =	shalt  }
tec
execute0_lowered:
.L_overlay_start_1:
0x0: {  	(tag) =	ssettag $0x1  }
0x1: {  	s0 =	rddreg [dreg:$0x0]  }
0x2: {  	s1 =	rddreg [dreg:$0x1];
	s2 =	simm.s32 $0x0  }
0x3: {  	s3 =	srdreg.scid;
	s11 =	stileid.u32;
	s28 =	simm.s32 $0x7D  }
0x4: {  	s29 =	simm.s32 $0x400;
	s30 =	simm.s32 $0x600;
	s31 =	simm.s32 $0x1  }
0x5: {  	[smem:$0x7FF] =	sst s2;
	s4 =	sadd.s32 $0x17C00, s0;
	s5 =	sadd.s32 $0xDC00, s0  }
0x6: {  	s6 =	sadd.s32 $0x3C00, s0;
	s7 =	sand.u32 $0x1, s3;
	s8 =	smul.u32 $0x50000, s11  }
0x7: {  	s0 =	sadd.s32 $0x3FC00, s0;
	s10 =	sshll.u32 s11, $0x1;
	s12 =	smul.u32 $0x14000, s11  }
0x8: {  	s21 =	smul.u32 $0x5000, s11;
	_ =	strace $0x8000004D;
	s3 =	ssub.s32 $0x2, s7  }
0x9: {  	s10 =	sor.u32 s7, s10;
	s22 =	smul.u32 $0x2800, s7;
	s9 =	sshrl.u32 s3, $0x1  }
0xa: {  	s8 =	sshrl.u32 s8, $0x2;
	s13 =	sor.u32 $0x2800, s12;
	s14 =	sadd.s32 $0x5000, s12  }
0xb: {  	s16 =	sadd.s32 $0xA000, s12;
	s19 =	smul.u32 $0x2800, s10;
	s26 =	sadd.s32 $0xF000, s12  }
0xc: {  	s3 =	ssub.s32 s3, s9;
	s8 =	sadd.s32 s8, s1;
	s23 =	sadd.s32 s13, s1  }
0xd: {  	s15 =	sadd.s32 s14, s1;
	s11 =	sadd.s32 s22, s21;
	s18 =	sadd.s32 s16, s1  }
0xe: {  	s21 =	smul.u32 $0x140000, s7;
	[dreg:$0xb] =	wrdreg s15;
	s15 =	sadd.s32 $0x7800, s12  }
0xf: {  	s17 =	sor.u32 $0x400, s11;
	[dreg:$0xc] =	wrdreg s18;
	s18 =	sadd.s32 $0xC800, s12  }
0x10: {  	s11 =	sor.u32 $0x200, s11;
	s19 =	sshrl.u32 s19, $0x3;
	s3 =	smax.u32 s3, $0x1  }
0x11: {  	s9 =	sadd.s32 s15, s1;
	s17 =	sshrl.u32 s17, $0x3;
	s20 =	sshrl.u32 s11, $0x3  }
0x12: {  	s25 =	sadd.s32 s18, s1;
	s22 =	sadd.s32 s5, s19;
	s13 =	sadd.s32 s21, s13  }
0x13: {  	s15 =	sadd.s32 s21, s15;
	s16 =	sadd.s32 s21, s16;
	s18 =	sadd.s32 s21, s18  }
0x14: {  	[dreg:$0x1a] =	wrdreg s3;
	s3 =	simm.s32 $0x2;
	s24 =	sadd.s32 s17, s6  }
0x15: {  	s17 =	sadd.s32 s17, s5;
	[dreg:$0xd] =	wrdreg s25;
	s11 =	sadd.s32 s20, s6  }
0x16: {  	s6 =	sadd.s32 s6, s19;
	[dreg:$0x10] =	wrdreg s22;
	s5 =	sadd.s32 s20, s5  }
0x17: {  	s25 =	sadd.s32 s21, s14;
	s10 =	sshrl.u32 s13, $0x3;
	[dreg:$0x3] =	wrdreg s24  }
0x18: {  	s15 =	sshrl.u32 s15, $0x3;
	s16 =	sshrl.u32 s16, $0x3;
	[dreg:$0x4] =	wrdreg s17  }
0x19: {  	s18 =	sshrl.u32 s18, $0x3;
	s22 =	simm.s32 $0x80;
	[dreg:$0x5] =	wrdreg s11  }
0x1a: {  	s13 =	simm.s32 $0x4;
	s11 =	sadd.s32 s26, s1;
	[dreg:$0xf] =	wrdreg s6  }
0x1b: {  	s24 =	sadd.s32 $0x11800, s12;
	s12 =	sadd.s32 s12, s21;
	s17 =	sadd.s32 s21, s26  }
0x1c: {  	s19 =	sadd.s32 s0, s16;
	s20 =	sadd.s32 s0, s18;
	[dreg:$0x6] =	wrdreg s5  }
0x1d: {  	[dreg:$0x7] =	wrdreg s22;
	s16 =	simm.s32 $0x480;
	s18 =	simm.s32 $0x680  }
0x1e: {  	s22 =	simm.s32 $0x0;
	[dreg:$0xe] =	wrdreg s11;
	s6 =	sadd.s32 s21, s24  }
0x1f: {  	s7 =	sadd.s32 s24, s1;
	s26 =	sshrl.u32 s12, $0x3;
	[dreg:$0x16] =	wrdreg s19  }
0x20: {  	s11 =	sshrl.u32 s25, $0x3;
	s12 =	sadd.s32 s0, s10;
	[dreg:$0x17] =	wrdreg s20  }
0x21: {  	s21 =	sshrl.u32 s17, $0x3;
	s24 =	simm.s32 $0x100;
	[dreg:$0x11] =	wrdreg s7  }
0x22: {  	s25 =	simm.s32 $0x280;
	s17 =	simm.s32 $0x500;
	[dreg:$0x13] =	wrdreg s12  }
0x23: {  	s19 =	simm.s32 $0x580;
	s20 =	simm.s32 $0x700;
	[dreg:$0x8] =	wrdreg s24  }
0x24: {  	s7 =	sadd.s32 s0, s26;
	s14 =	sadd.s32 s0, s11;
	[dreg:$0x9] =	wrdreg s25  }
0x25: {  	s6 =	sshrl.u32 s6, $0x3;
	s26 =	simm.s32 $0x180;
	[dreg:$0x12] =	wrdreg s7  }
0x26: {  	s24 =	simm.s32 $0x800;
	s25 =	simm.s32 $0x5;
	[dreg:$0x14] =	wrdreg s14  }
0x27: {  	s12 =	simm.s32 $0x300;
	s7 =	sadd.s32 s0, s15;
	[dreg:$0xa] =	wrdreg s26  }
0x28: {  	s26 =	simm.s32 $0x200;
	[dreg:$0x15] =	wrdreg s7;
	s7 =	sadd.s32 s0, s21  }
0x29: {  	s15 =	simm.s32 $0x380;
	s0 =	sadd.s32 s0, s6;
	[dreg:$0x18] =	wrdreg s7  }
0x2a: {  	v0 =	vimm.f32 $0.0e+00;
	s21 =	simm.s32 $0x780;
	[dreg:$0x19] =	wrdreg s0;
	s0 =	simm.s32 $0x4800  }
.LBB2_1:
0x2b: {  	s5 =	simm.s32 $0x0;
	s6 =	simm.s32 $0x200  }
.LBB2_2:
0x2c: {  	p0 =	sne.s32 s6, $0x9E00;
	[tilespmem:s5+$0x870] =	vst v0  }
0x2d: {  	[tilespmem:s5+$0x800] =	vst v0  }
0x2e: {  	[tilespmem:s5+$0x810] =	vst v0  }
.Ltmp0:
0x2f: {  	[tilespmem:s5+$0x820] =	vst v0;
	(pc) =	sbr.rel @p0 .LBB2_2-.Ltmp0, $4  }
0x30: {  	[tilespmem:s5+$0x830] =	vst v0  }
0x31: {  	[tilespmem:s5+$0x840] =	vst v0  }
0x32: {  	[tilespmem:s5+$0x850] =	vst v0  }
0x33: {  	[tilespmem:s5+$0x860] =	vst v0;
	s5 =	sshra.s32 s6, $0x2;
	s6 =	sadd.s32 $0x200, s6  }
0x34: {  	[tilespmem:s5+$0x870] =	vst v0  }
0x35: {  	[tilespmem:s5+$0x800] =	vst v0  }
0x36: {  	[tilespmem:s5+$0x810] =	vst v0  }
0x37: {  	[tilespmem:s5+$0x820] =	vst v0  }
0x38: {  	[tilespmem:s5+$0x830] =	vst v0  }
0x39: {  	[tilespmem:s5+$0x840] =	vst v0  }
0x3a: {  	[tilespmem:s5+$0x850] =	vst v0  }
0x3b: {  	[tilespmem:s5+$0x860] =	vst v0  }
0x3c: {  	[spmem:s8] =	stream.linear.scatter [tilespmem:s24], [sflag:$0x5], $0x2800, $0x38;
	[tilespmem:$0x1C800] =	vst v63  }
0x3d: {  	_ =	swait.ge [sflag:s25], $0x2800  }
0x3e: {  	[sflag:s25] =	ssyncset.done $0x0  }
0x3f: {  	[sflag:s25] =	ssyncadd.s32 $0xFFFFD800  }
0x40: {  	[spmem:s23] =	stream.linear.scatter [tilespmem:s24], [sflag:$0x5], $0x2800, $0x38;
	[tilespmem:$0x1C800] =	vst v63  }
0x41: {  	_ =	swait.ge [sflag:s25], $0x2800  }
0x42: {  	[sflag:s25] =	ssyncset.done $0x0  }
0x43: {  	s7 =	rddreg [dreg:$0xb];
	[sflag:s25] =	ssyncadd.s32 $0xFFFFD800  }
0x44: {  	[spmem:s7] =	stream.linear.scatter [tilespmem:s24], [sflag:$0x5], $0x2800, $0x38;
	[tilespmem:$0x1C800] =	vst v63  }
0x45: {  	_ =	swait.ge [sflag:s25], $0x2800  }
0x46: {  	[sflag:s25] =	ssyncset.done $0x0  }
0x47: {  	[sflag:s25] =	ssyncadd.s32 $0xFFFFD800  }
0x48: {  	[spmem:s9] =	stream.linear.scatter [tilespmem:s24], [sflag:$0x5], $0x2800, $0x38;
	[tilespmem:$0x1C800] =	vst v63  }
0x49: {  	_ =	swait.ge [sflag:s25], $0x2800  }
0x4a: {  	[sflag:s25] =	ssyncset.done $0x0  }
0x4b: {  	s10 =	smov.u32 s8;
	s8 =	rddreg [dreg:$0xc];
	[sflag:s25] =	ssyncadd.s32 $0xFFFFD800  }
0x4c: {  	[spmem:s8] =	stream.linear.scatter [tilespmem:s24], [sflag:$0x5], $0x2800, $0x38;
	[tilespmem:$0x1C800] =	vst v63  }
0x4d: {  	_ =	swait.ge [sflag:s25], $0x2800  }
0x4e: {  	[sflag:s25] =	ssyncset.done $0x0  }
0x4f: {  	s14 =	smov.u32 s9;
	s9 =	rddreg [dreg:$0xd];
	[sflag:s25] =	ssyncadd.s32 $0xFFFFD800  }
0x50: {  	[spmem:s9] =	stream.linear.scatter [tilespmem:s24], [sflag:$0x5], $0x2800, $0x38;
	[tilespmem:$0x1C800] =	vst v63  }
0x51: {  	_ =	swait.ge [sflag:s25], $0x2800  }
0x52: {  	[sflag:s25] =	ssyncset.done $0x0  }
0x53: {  	s11 =	smov.u32 s23;
	s23 =	rddreg [dreg:$0xe];
	[sflag:s25] =	ssyncadd.s32 $0xFFFFD800  }
0x54: {  	[spmem:s23] =	stream.linear.scatter [tilespmem:s24], [sflag:$0x5], $0x2800, $0x38;
	[tilespmem:$0x1C800] =	vst v63  }
0x55: {  	_ =	swait.ge [sflag:s25], $0x2800  }
0x56: {  	[sflag:s25] =	ssyncset.done $0x0  }
0x57: {  	s6 =	rddreg [dreg:$0x11];
	[sflag:s25] =	ssyncadd.s32 $0xFFFFD800  }
0x58: {  	[spmem:s6] =	stream.linear.scatter [tilespmem:s24], [sflag:$0x5], $0x2800, $0x38;
	[tilespmem:$0x1C800] =	vst v63  }
0x59: {  	_ =	swait.ge [sflag:s25], $0x2800  }
0x5a: {  	[sflag:s25] =	ssyncset.done $0x0  }
0x5b: {  	[sflag:s25] =	ssyncadd.s32 $0xFFFFD800  }
0x5c: {  	[bflag:$0x0] =	sbarrier.arrive $0xFFFF  }
0x5d: {  	s7 =	simm.s32 $0x0;
	s6 =	rddreg [dreg:$0x10]  }
0x5e: {  	[tilespmem:s7], [sflag:$0x5] =	stream.linear.gather [hbm4b:s6+s7], $0x200, $0x38;
	[tilespmem:$0x1C800] =	vst v63  }
0x5f: {  	_ =	swait.ge [sflag:s25], $0x200  }
0x60: {  	[sflag:s25] =	ssyncset.done $0x0  }
0x61: {  	s8 =	rddreg [dreg:$0xf];
	[sflag:s25] =	ssyncadd.s32 $0xFFFFFE00  }
0x62: {  	[tilespmem:s26], [sflag:$0x5] =	stream.linear.gather [hbm4b:s8+s7], $0x200, $0x38;
	[tilespmem:$0x1C800] =	vst v63  }
0x63: {  	_ =	swait.ge [sflag:s25], $0x200  }
0x64: {  	[sflag:s25] =	ssyncset.done $0x0  }
0x65: {  	s9 =	rddreg [dreg:$0x6];
	[sflag:s25] =	ssyncadd.s32 $0xFFFFFE00  }
0x66: {  	[tilespmem:s24], [sflag:$0x1] =	stream.indirect.gather [hbm4b:s4+s28], $0x80, s7, s28, $0xb8;
	[tilespmem:$0x1C800] =	vst v63  }
0x67: {  	s23 =	rddreg [dreg:$0x5];
	s6 =	sadd.s32 $0x0, s9  }
0x68: {  	[tilespmem:s29], [sflag:$0x4] =	stream.linear.gather [hbm4b:s6+s2], $0x200, $0x38;
	[tilespmem:$0x1C800] =	vst v63  }
0x69: {  	s5 =	sadd.s32 $0x0, s23  }
0x6a: {  	[tilespmem:s30], [sflag:$0x4] =	stream.linear.gather [hbm4b:s5+s2], $0x200, $0x38;
	[tilespmem:$0x1C800] =	vst v63  }
0x6b: {  	_ =	swait.ge [sflag:s31], $0x3E80  }
0x6c: {  	[sflag:s31] =	ssyncset.done $0x0  }
0x6d: {  	s7 =	rddreg [dreg:$0x7];
	[sflag:s31] =	ssyncadd.s32 $0xFFFFC180  }
0x6e: {  	[tilespmem:s0], [sflag:$0x2] =	stream.indirect.gather [hbm4b:s4+s28], $0x80, s7, s28, $0xb8;
	[tilespmem:$0x1C800] =	vst v63  }
0x6f: {  	_ = 	snop  }
0x70: {  	[spmem:s1] =	stream.indirect.scatter.add.f32 [tilespmem:s24], [sflag:$0x5], $0x80, s26, s28, $0xb8;
	[tilespmem:$0x1C800] =	vst v63  }
0x71: {  	_ =	swait.ge [sflag:s25], $0x3E80  }
0x72: {  	[sflag:s25] =	ssyncset.done $0x0  }
0x73: {  	[sflag:s25] =	ssyncadd.s32 $0xFFFFC180  }
0x74: {  	_ =	swait.ge [sflag:s3], $0x3E80  }
0x75: {  	[sflag:s3] =	ssyncset.done $0x0  }
0x76: {  	s8 =	rddreg [dreg:$0x8];
	[sflag:s3] =	ssyncadd.s32 $0xFFFFC180  }
0x77: {  	[tilespmem:s24], [sflag:$0x1] =	stream.indirect.gather [hbm4b:s4+s28], $0x80, s8, s28, $0xb8;
	[tilespmem:$0x1C800] =	vst v63  }
0x78: {  	s9 =	rddreg [dreg:$0x9]  }
0x79: {  	[spmem:s1] =	stream.indirect.scatter.add.f32 [tilespmem:s0], [sflag:$0x5], $0x80, s9, s28, $0xb8;
	[tilespmem:$0x1C800] =	vst v63  }
0x7a: {  	_ =	swait.ge [sflag:s25], $0x3E80  }
0x7b: {  	[sflag:s25] =	ssyncset.done $0x0  }
0x7c: {  	[sflag:s25] =	ssyncadd.s32 $0xFFFFC180  }
0x7d: {  	_ =	swait.ge [sflag:s31], $0x3E80  }
0x7e: {  	[sflag:s31] =	ssyncset.done $0x0  }
0x7f: {  	s23 =	rddreg [dreg:$0xa];
	[sflag:s31] =	ssyncadd.s32 $0xFFFFC180  }
0x80: {  	[tilespmem:s0], [sflag:$0x2] =	stream.indirect.gather [hbm4b:s4+s28], $0x80, s23, s28, $0xb8;
	[tilespmem:$0x1C800] =	vst v63  }
0x81: {  	_ = 	snop  }
0x82: {  	[spmem:s1] =	stream.indirect.scatter.add.f32 [tilespmem:s24], [sflag:$0x5], $0x80, s12, s28, $0xb8;
	[tilespmem:$0x1C800] =	vst v63  }
0x83: {  	_ =	swait.ge [sflag:s25], $0x3E80  }
0x84: {  	[sflag:s25] =	ssyncset.done $0x0  }
0x85: {  	[sflag:s25] =	ssyncadd.s32 $0xFFFFC180  }
0x86: {  	_ =	swait.ge [sflag:s3], $0x3E80  }
0x87: {  	[sflag:s3] =	ssyncset.done $0x0  }
0x88: {  	[sflag:s3] =	ssyncadd.s32 $0xFFFFC180  }
0x89: {  	_ =	swait.ge [sflag:s13], $0x200  }
0x8a: {  	[sflag:s13] =	ssyncset.done $0x0  }
0x8b: {  	[sflag:s13] =	ssyncadd.s32 $0xFFFFFE00  }
0x8c: {  	_ =	swait.ge [sflag:s13], $0x200  }
0x8d: {  	[sflag:s13] =	ssyncset.done $0x0  }
0x8e: {  	[sflag:s13] =	ssyncadd.s32 $0xFFFFFE00  }
0x8f: {  	[tilespmem:s24], [sflag:$0x1] =	stream.indirect.gather [hbm4b:s4+s28], $0x80, s29, s28, $0xb8;
	[tilespmem:$0x1C800] =	vst v63  }
0x90: {  	_ = 	snop  }
0x91: {  	[spmem:s1] =	stream.indirect.scatter.add.f32 [tilespmem:s0], [sflag:$0x5], $0x80, s15, s28, $0xb8;
	[tilespmem:$0x1C800] =	vst v63  }
0x92: {  	p0 =	por $0x0, $0x0;
	_ =	swait.ge [sflag:s25], $0x3E80  }
0x93: {  	s7 =	simm.s32 @!p0 $0x0;
	s5 =	rddreg [dreg:$0x4];
	[sflag:s25] =	ssyncset.done $0x0  }
0x94: {  	s6 =	rddreg [dreg:$0x3];
	[sflag:s25] =	ssyncadd.s32 $0xFFFFC180;
	s5 =	sadd.s32 @!p0 $0x0, s5  }
0x95: {  	[tilespmem:s7], [sflag:$0x3] =	stream.linear.gather @!p0 [hbm4b:s5+s7], $0x200, $0x38;
	[tilespmem:$0x1C800] =	vst v63  }
0x96: {  	s5 =	sadd.s32 @!p0 $0x0, s6;
	s6 =	simm.s32 @!p0 $0x200  }
0x97: {  	[tilespmem:s6], [sflag:$0x3] =	stream.linear.gather @!p0 [hbm4b:s5+s7], $0x200, $0x38;
	[tilespmem:$0x1C800] =	vst v63  }
0x98: {  	_ =	swait.ge [sflag:s31], $0x3E80  }
0x99: {  	[sflag:s31] =	ssyncset.done $0x0  }
0x9a: {  	[sflag:s31] =	ssyncadd.s32 $0xFFFFC180  }
0x9b: {  	[tilespmem:s0], [sflag:$0x2] =	stream.indirect.gather [hbm4b:s4+s28], $0x80, s16, s28, $0xb8;
	[tilespmem:$0x1C800] =	vst v63  }
0x9c: {  	_ = 	snop  }
0x9d: {  	[spmem:s1] =	stream.indirect.scatter.add.f32 [tilespmem:s24], [sflag:$0x5], $0x80, s30, s28, $0xb8;
	[tilespmem:$0x1C800] =	vst v63  }
0x9e: {  	_ =	swait.ge [sflag:s25], $0x3E80  }
0x9f: {  	[sflag:s25] =	ssyncset.done $0x0  }
0xa0: {  	[sflag:s25] =	ssyncadd.s32 $0xFFFFC180  }
0xa1: {  	_ =	swait.ge [sflag:s3], $0x3E80  }
0xa2: {  	[sflag:s3] =	ssyncset.done $0x0  }
0xa3: {  	[sflag:s3] =	ssyncadd.s32 $0xFFFFC180  }
0xa4: {  	[tilespmem:s24], [sflag:$0x1] =	stream.indirect.gather [hbm4b:s4+s28], $0x80, s17, s28, $0xb8;
	[tilespmem:$0x1C800] =	vst v63  }
0xa5: {  	_ = 	snop  }
0xa6: {  	[spmem:s1] =	stream.indirect.scatter.add.f32 [tilespmem:s0], [sflag:$0x5], $0x80, s18, s28, $0xb8;
	[tilespmem:$0x1C800] =	vst v63  }
0xa7: {  	_ =	swait.ge [sflag:s25], $0x3E80  }
0xa8: {  	[sflag:s25] =	ssyncset.done $0x0  }
0xa9: {  	[sflag:s25] =	ssyncadd.s32 $0xFFFFC180  }
0xaa: {  	_ =	swait.ge [sflag:s31], $0x3E80  }
0xab: {  	[sflag:s31] =	ssyncset.done $0x0  }
0xac: {  	[sflag:s31] =	ssyncadd.s32 $0xFFFFC180  }
0xad: {  	[tilespmem:s0], [sflag:$0x2] =	stream.indirect.gather [hbm4b:s4+s28], $0x80, s19, s28, $0xb8;
	[tilespmem:$0x1C800] =	vst v63  }
0xae: {  	_ = 	snop  }
0xaf: {  	[spmem:s1] =	stream.indirect.scatter.add.f32 [tilespmem:s24], [sflag:$0x5], $0x80, s20, s28, $0xb8;
	[tilespmem:$0x1C800] =	vst v63  }
0xb0: {  	_ =	swait.ge [sflag:s25], $0x3E80  }
0xb1: {  	[sflag:s25] =	ssyncset.done $0x0  }
0xb2: {  	[sflag:s25] =	ssyncadd.s32 $0xFFFFC180  }
0xb3: {  	_ =	swait.ge [sflag:s3], $0x3E80  }
0xb4: {  	[sflag:s3] =	ssyncset.done $0x0  }
0xb5: {  	s5 =	simm.s32 @!p0 $0x3;
	[sflag:s3] =	ssyncadd.s32 $0xFFFFC180  }
0xb6: {  	_ =	swait.ge @!p0 [sflag:s5], $0x200  }
0xb7: {  	[sflag:s5] =	ssyncset.done @!p0 $0x0  }
0xb8: {  	[sflag:s5] =	ssyncadd.s32 @!p0 $0xFFFFFE00  }
0xb9: {  	_ =	swait.ge @!p0 [sflag:s5], $0x200  }
0xba: {  	[sflag:s5] =	ssyncset.done @!p0 $0x0  }
0xbb: {  	s6 =	simm.s32 @!p0 $0x800;
	[sflag:s5] =	ssyncadd.s32 @!p0 $0xFFFFFE00;
	s5 =	simm.s32 @!p0 $0x7D  }
0xbc: {  	[tilespmem:s6], [sflag:$0x1] =	stream.indirect.gather @!p0 [hbm4b:s4+s5], $0x80, s7, s5, $0xb8;
	[tilespmem:$0x1C800] =	vst v63  }
0xbd: {  	_ = 	snop  }
0xbe: {  	[spmem:s1] =	stream.indirect.scatter.add.f32 [tilespmem:s0], [sflag:$0x5], $0x80, s21, s28, $0xb8;
	[tilespmem:$0x1C800] =	vst v63  }
0xbf: {  	_ =	swait.ge [sflag:s25], $0x3E80  }
0xc0: {  	s23 =	simm.s32 $0x80;
	s5 =	simm.s32 $0x100;
	[sflag:s25] =	ssyncset.done $0x0  }
.LBB2_4:
0xc1: {  	s7 =	rddreg [dreg:$0x6]  }
0xc2: {  	[sflag:s25] =	ssyncadd.s32 $0xFFFFC180;
	s8 =	rddreg [dreg:$0x5];
	s7 =	sadd.s32 s23, s7  }
0xc3: {  	[tilespmem:s29], [sflag:$0x4] =	stream.linear.gather [hbm4b:s7+s2], $0x200, $0x38;
	[tilespmem:$0x1C800] =	vst v63  }
0xc4: {  	s8 =	sadd.s32 s23, s8  }
0xc5: {  	[tilespmem:s30], [sflag:$0x4] =	stream.linear.gather [hbm4b:s8+s2], $0x200, $0x38;
	[tilespmem:$0x1C800] =	vst v63  }
0xc6: {  	_ =	swait.ge [sflag:s31], $0x3E80  }
0xc7: {  	[sflag:s31] =	ssyncset.done $0x0  }
0xc8: {  	s9 =	rddreg [dreg:$0x7];
	[sflag:s31] =	ssyncadd.s32 $0xFFFFC180  }
0xc9: {  	[tilespmem:s0], [sflag:$0x2] =	stream.indirect.gather [hbm4b:s4+s28], $0x80, s9, s28, $0xb8;
	[tilespmem:$0x1C800] =	vst v63  }
0xca: {  	_ = 	snop  }
0xcb: {  	[spmem:s1] =	stream.indirect.scatter.add.f32 [tilespmem:s24], [sflag:$0x5], $0x80, s26, s28, $0xb8;
	[tilespmem:$0x1C800] =	vst v63  }
0xcc: {  	_ =	swait.ge [sflag:s25], $0x3E80  }
0xcd: {  	[sflag:s25] =	ssyncset.done $0x0  }
0xce: {  	[sflag:s25] =	ssyncadd.s32 $0xFFFFC180  }
0xcf: {  	_ =	swait.ge [sflag:s3], $0x3E80  }
0xd0: {  	[sflag:s3] =	ssyncset.done $0x0  }
0xd1: {  	s8 =	rddreg [dreg:$0x8];
	[sflag:s3] =	ssyncadd.s32 $0xFFFFC180  }
0xd2: {  	[tilespmem:s24], [sflag:$0x1] =	stream.indirect.gather [hbm4b:s4+s28], $0x80, s8, s28, $0xb8;
	[tilespmem:$0x1C800] =	vst v63  }
0xd3: {  	s9 =	rddreg [dreg:$0x9]  }
0xd4: {  	[spmem:s1] =	stream.indirect.scatter.add.f32 [tilespmem:s0], [sflag:$0x5], $0x80, s9, s28, $0xb8;
	[tilespmem:$0x1C800] =	vst v63  }
0xd5: {  	_ =	swait.ge [sflag:s25], $0x3E80  }
0xd6: {  	[sflag:s25] =	ssyncset.done $0x0  }
0xd7: {  	[sflag:s25] =	ssyncadd.s32 $0xFFFFC180  }
0xd8: {  	_ =	swait.ge [sflag:s31], $0x3E80  }
0xd9: {  	[sflag:s31] =	ssyncset.done $0x0  }
0xda: {  	s9 =	rddreg [dreg:$0xa];
	[sflag:s31] =	ssyncadd.s32 $0xFFFFC180  }
0xdb: {  	[tilespmem:s0], [sflag:$0x2] =	stream.indirect.gather [hbm4b:s4+s28], $0x80, s9, s28, $0xb8;
	[tilespmem:$0x1C800] =	vst v63  }
0xdc: {  	_ = 	snop  }
0xdd: {  	[spmem:s1] =	stream.indirect.scatter.add.f32 [tilespmem:s24], [sflag:$0x5], $0x80, s12, s28, $0xb8;
	[tilespmem:$0x1C800] =	vst v63  }
0xde: {  	_ =	swait.ge [sflag:s25], $0x3E80  }
0xdf: {  	[sflag:s25] =	ssyncset.done $0x0  }
0xe0: {  	[sflag:s25] =	ssyncadd.s32 $0xFFFFC180  }
0xe1: {  	_ =	swait.ge [sflag:s3], $0x3E80  }
0xe2: {  	[sflag:s3] =	ssyncset.done $0x0  }
0xe3: {  	[sflag:s3] =	ssyncadd.s32 $0xFFFFC180  }
0xe4: {  	_ =	swait.ge [sflag:s13], $0x200  }
0xe5: {  	[sflag:s13] =	ssyncset.done $0x0  }
0xe6: {  	[sflag:s13] =	ssyncadd.s32 $0xFFFFFE00  }
0xe7: {  	_ =	swait.ge [sflag:s13], $0x200  }
0xe8: {  	[sflag:s13] =	ssyncset.done $0x0  }
0xe9: {  	[sflag:s13] =	ssyncadd.s32 $0xFFFFFE00  }
0xea: {  	[tilespmem:s24], [sflag:$0x1] =	stream.indirect.gather [hbm4b:s4+s28], $0x80, s29, s28, $0xb8;
	[tilespmem:$0x1C800] =	vst v63  }
0xeb: {  	_ = 	snop  }
0xec: {  	[spmem:s1] =	stream.indirect.scatter.add.f32 [tilespmem:s0], [sflag:$0x5], $0x80, s15, s28, $0xb8;
	[tilespmem:$0x1C800] =	vst v63  }
0xed: {  	_ =	swait.ge [sflag:s25], $0x3E80  }
0xee: {  	s7 =	rddreg [dreg:$0x4]  }
0xef: {  	p1 =	seq.s32 s23, $0x480;
	[sflag:s25] =	ssyncset.done $0x0;
	s8 =	rddreg [dreg:$0x3]  }
0xf0: {  	[sflag:s25] =	ssyncadd.s32 $0xFFFFC180;
	s9 =	sadd.s32 @!p1 s23, s7;
	s7 =	simm.s32 @!p1 $0x0  }
0xf1: {  	[tilespmem:s7], [sflag:$0x3] =	stream.linear.gather @!p1 [hbm4b:s9+s7], $0x200, $0x38;
	[tilespmem:$0x1C800] =	vst v63  }
0xf2: {  	s8 =	sadd.s32 @!p1 s23, s8;
	s9 =	simm.s32 @!p1 $0x200  }
0xf3: {  	[tilespmem:s9], [sflag:$0x3] =	stream.linear.gather @!p1 [hbm4b:s8+s7], $0x200, $0x38;
	[tilespmem:$0x1C800] =	vst v63  }
0xf4: {  	_ =	swait.ge [sflag:s31], $0x3E80  }
0xf5: {  	[sflag:s31] =	ssyncset.done $0x0  }
0xf6: {  	[sflag:s31] =	ssyncadd.s32 $0xFFFFC180  }
0xf7: {  	[tilespmem:s0], [sflag:$0x2] =	stream.indirect.gather [hbm4b:s4+s28], $0x80, s16, s28, $0xb8;
	[tilespmem:$0x1C800] =	vst v63  }
0xf8: {  	_ = 	snop  }
0xf9: {  	[spmem:s1] =	stream.indirect.scatter.add.f32 [tilespmem:s24], [sflag:$0x5], $0x80, s30, s28, $0xb8;
	[tilespmem:$0x1C800] =	vst v63  }
0xfa: {  	_ =	swait.ge [sflag:s25], $0x3E80  }
0xfb: {  	[sflag:s25] =	ssyncset.done $0x0  }
0xfc: {  	[sflag:s25] =	ssyncadd.s32 $0xFFFFC180  }
0xfd: {  	_ =	swait.ge [sflag:s3], $0x3E80  }
0xfe: {  	[sflag:s3] =	ssyncset.done $0x0  }
0xff: {  	[sflag:s3] =	ssyncadd.s32 $0xFFFFC180  }
0x100: {  	[tilespmem:s24], [sflag:$0x1] =	stream.indirect.gather [hbm4b:s4+s28], $0x80, s17, s28, $0xb8;
	[tilespmem:$0x1C800] =	vst v63  }
0x101: {  	_ = 	snop  }
0x102: {  	[spmem:s1] =	stream.indirect.scatter.add.f32 [tilespmem:s0], [sflag:$0x5], $0x80, s18, s28, $0xb8;
	[tilespmem:$0x1C800] =	vst v63  }
0x103: {  	_ =	swait.ge [sflag:s25], $0x3E80  }
0x104: {  	[sflag:s25] =	ssyncset.done $0x0  }
0x105: {  	[sflag:s25] =	ssyncadd.s32 $0xFFFFC180  }
0x106: {  	_ =	swait.ge [sflag:s31], $0x3E80  }
0x107: {  	[sflag:s31] =	ssyncset.done $0x0  }
0x108: {  	[sflag:s31] =	ssyncadd.s32 $0xFFFFC180  }
0x109: {  	[tilespmem:s0], [sflag:$0x2] =	stream.indirect.gather [hbm4b:s4+s28], $0x80, s19, s28, $0xb8;
	[tilespmem:$0x1C800] =	vst v63  }
0x10a: {  	_ = 	snop  }
0x10b: {  	[spmem:s1] =	stream.indirect.scatter.add.f32 [tilespmem:s24], [sflag:$0x5], $0x80, s20, s28, $0xb8;
	[tilespmem:$0x1C800] =	vst v63  }
0x10c: {  	_ =	swait.ge [sflag:s25], $0x3E80  }
0x10d: {  	[sflag:s25] =	ssyncset.done $0x0  }
0x10e: {  	[sflag:s25] =	ssyncadd.s32 $0xFFFFC180  }
0x10f: {  	_ =	swait.ge [sflag:s3], $0x3E80  }
0x110: {  	s6 =	smov.u32 s5;
	[sflag:s3] =	ssyncset.done $0x0  }
0x111: {  	s23 =	smov.u32 s6;
	s6 =	simm.s32 @!p1 $0x3;
	[sflag:s3] =	ssyncadd.s32 $0xFFFFC180  }
0x112: {  	_ =	swait.ge @!p1 [sflag:s6], $0x200  }
0x113: {  	[sflag:s6] =	ssyncset.done @!p1 $0x0  }
0x114: {  	[sflag:s6] =	ssyncadd.s32 @!p1 $0xFFFFFE00  }
0x115: {  	s5 =	sadd.s32 $0x80, s5;
	_ =	swait.ge @!p1 [sflag:s6], $0x200  }
0x116: {  	p0 =	sne.s32 s5, $0x500;
	[sflag:s6] =	ssyncset.done @!p1 $0x0  }
0x117: {  	s8 =	simm.s32 @!p1 $0x800;
	[sflag:s6] =	ssyncadd.s32 @!p1 $0xFFFFFE00;
	s6 =	simm.s32 @!p1 $0x7D  }
0x118: {  	[tilespmem:s8], [sflag:$0x1] =	stream.indirect.gather @!p1 [hbm4b:s4+s6], $0x80, s7, s6, $0xb8;
	[tilespmem:$0x1C800] =	vst v63  }
.Ltmp1:
0x119: {  	_ = 	snop;
	(pc) =	sbr.rel @p0 .LBB2_4-.Ltmp1, $4  }
0x11a: {  	_ = 	snop  }
0x11b: {  	[spmem:s1] =	stream.indirect.scatter.add.f32 [tilespmem:s0], [sflag:$0x5], $0x80, s21, s28, $0xb8;
	[tilespmem:$0x1C800] =	vst v63  }
0x11c: {  	_ =	swait.ge [sflag:s25], $0x3E80  }
0x11d: {  	[sflag:s25] =	ssyncset.done $0x0  }
0x11e: {  	s5 =	rddreg [dreg:$0x6]  }
0x11f: {  	s6 =	rddreg [dreg:$0x5];
	[sflag:s25] =	ssyncadd.s32 $0xFFFFC180;
	s5 =	sadd.s32 s23, s5  }
0x120: {  	[tilespmem:s29], [sflag:$0x4] =	stream.linear.gather [hbm4b:s5+s2], $0x200, $0x38;
	[tilespmem:$0x1C800] =	vst v63  }
0x121: {  	s8 =	sadd.s32 s23, s6  }
0x122: {  	[tilespmem:s30], [sflag:$0x4] =	stream.linear.gather [hbm4b:s8+s2], $0x200, $0x38;
	[tilespmem:$0x1C800] =	vst v63  }
0x123: {  	_ =	swait.ge [sflag:s31], $0x3E80  }
0x124: {  	[sflag:s31] =	ssyncset.done $0x0  }
0x125: {  	s9 =	rddreg [dreg:$0x7];
	[sflag:s31] =	ssyncadd.s32 $0xFFFFC180  }
0x126: {  	[tilespmem:s0], [sflag:$0x2] =	stream.indirect.gather [hbm4b:s4+s28], $0x80, s9, s28, $0xb8;
	[tilespmem:$0x1C800] =	vst v63  }
0x127: {  	_ = 	snop  }
0x128: {  	[spmem:s1] =	stream.indirect.scatter.add.f32 [tilespmem:s24], [sflag:$0x5], $0x80, s26, s28, $0xb8;
	[tilespmem:$0x1C800] =	vst v63  }
0x129: {  	_ =	swait.ge [sflag:s25], $0x3E80  }
0x12a: {  	[sflag:s25] =	ssyncset.done $0x0  }
0x12b: {  	[sflag:s25] =	ssyncadd.s32 $0xFFFFC180  }
0x12c: {  	_ =	swait.ge [sflag:s3], $0x3E80  }
0x12d: {  	[sflag:s3] =	ssyncset.done $0x0  }
0x12e: {  	s6 =	rddreg [dreg:$0x8];
	[sflag:s3] =	ssyncadd.s32 $0xFFFFC180  }
0x12f: {  	[tilespmem:s24], [sflag:$0x1] =	stream.indirect.gather [hbm4b:s4+s28], $0x80, s6, s28, $0xb8;
	[tilespmem:$0x1C800] =	vst v63  }
0x130: {  	s7 =	rddreg [dreg:$0x9]  }
0x131: {  	[spmem:s1] =	stream.indirect.scatter.add.f32 [tilespmem:s0], [sflag:$0x5], $0x80, s7, s28, $0xb8;
	[tilespmem:$0x1C800] =	vst v63  }
0x132: {  	_ =	swait.ge [sflag:s25], $0x3E80  }
0x133: {  	[sflag:s25] =	ssyncset.done $0x0  }
0x134: {  	[sflag:s25] =	ssyncadd.s32 $0xFFFFC180  }
0x135: {  	_ =	swait.ge [sflag:s31], $0x3E80  }
0x136: {  	[sflag:s31] =	ssyncset.done $0x0  }
0x137: {  	s8 =	rddreg [dreg:$0xa];
	[sflag:s31] =	ssyncadd.s32 $0xFFFFC180  }
0x138: {  	[tilespmem:s0], [sflag:$0x2] =	stream.indirect.gather [hbm4b:s4+s28], $0x80, s8, s28, $0xb8;
	[tilespmem:$0x1C800] =	vst v63  }
0x139: {  	_ = 	snop  }
0x13a: {  	[spmem:s1] =	stream.indirect.scatter.add.f32 [tilespmem:s24], [sflag:$0x5], $0x80, s12, s28, $0xb8;
	[tilespmem:$0x1C800] =	vst v63  }
0x13b: {  	_ =	swait.ge [sflag:s25], $0x3E80  }
0x13c: {  	[sflag:s25] =	ssyncset.done $0x0  }
0x13d: {  	[sflag:s25] =	ssyncadd.s32 $0xFFFFC180  }
0x13e: {  	_ =	swait.ge [sflag:s3], $0x3E80  }
0x13f: {  	[sflag:s3] =	ssyncset.done $0x0  }
0x140: {  	[sflag:s3] =	ssyncadd.s32 $0xFFFFC180  }
0x141: {  	_ =	swait.ge [sflag:s13], $0x200  }
0x142: {  	[sflag:s13] =	ssyncset.done $0x0  }
0x143: {  	[sflag:s13] =	ssyncadd.s32 $0xFFFFFE00  }
0x144: {  	_ =	swait.ge [sflag:s13], $0x200  }
0x145: {  	[sflag:s13] =	ssyncset.done $0x0  }
0x146: {  	[sflag:s13] =	ssyncadd.s32 $0xFFFFFE00  }
0x147: {  	[tilespmem:s24], [sflag:$0x1] =	stream.indirect.gather [hbm4b:s4+s28], $0x80, s29, s28, $0xb8;
	[tilespmem:$0x1C800] =	vst v63  }
0x148: {  	_ = 	snop  }
0x149: {  	[spmem:s1] =	stream.indirect.scatter.add.f32 [tilespmem:s0], [sflag:$0x5], $0x80, s15, s28, $0xb8;
	[tilespmem:$0x1C800] =	vst v63  }
0x14a: {  	p0 =	seq.s32 s23, $0x480;
	_ =	swait.ge [sflag:s25], $0x3E80  }
0x14b: {  	s7 =	simm.s32 @!p0 $0x0;
	s5 =	rddreg [dreg:$0x4];
	[sflag:s25] =	ssyncset.done $0x0  }
0x14c: {  	s6 =	rddreg [dreg:$0x3];
	[sflag:s25] =	ssyncadd.s32 $0xFFFFC180;
	s5 =	sadd.s32 @!p0 s23, s5  }
0x14d: {  	[tilespmem:s7], [sflag:$0x3] =	stream.linear.gather @!p0 [hbm4b:s5+s7], $0x200, $0x38;
	[tilespmem:$0x1C800] =	vst v63  }
0x14e: {  	s5 =	sadd.s32 @!p0 s23, s6;
	s6 =	simm.s32 @!p0 $0x200  }
0x14f: {  	[tilespmem:s6], [sflag:$0x3] =	stream.linear.gather @!p0 [hbm4b:s5+s7], $0x200, $0x38;
	[tilespmem:$0x1C800] =	vst v63  }
0x150: {  	_ =	swait.ge [sflag:s31], $0x3E80  }
0x151: {  	[sflag:s31] =	ssyncset.done $0x0  }
0x152: {  	[sflag:s31] =	ssyncadd.s32 $0xFFFFC180  }
0x153: {  	[tilespmem:s0], [sflag:$0x2] =	stream.indirect.gather [hbm4b:s4+s28], $0x80, s16, s28, $0xb8;
	[tilespmem:$0x1C800] =	vst v63  }
0x154: {  	_ = 	snop  }
0x155: {  	[spmem:s1] =	stream.indirect.scatter.add.f32 [tilespmem:s24], [sflag:$0x5], $0x80, s30, s28, $0xb8;
	[tilespmem:$0x1C800] =	vst v63  }
0x156: {  	_ =	swait.ge [sflag:s25], $0x3E80  }
0x157: {  	[sflag:s25] =	ssyncset.done $0x0  }
0x158: {  	[sflag:s25] =	ssyncadd.s32 $0xFFFFC180  }
0x159: {  	_ =	swait.ge [sflag:s3], $0x3E80  }
0x15a: {  	[sflag:s3] =	ssyncset.done $0x0  }
0x15b: {  	[sflag:s3] =	ssyncadd.s32 $0xFFFFC180  }
0x15c: {  	[tilespmem:s24], [sflag:$0x1] =	stream.indirect.gather [hbm4b:s4+s28], $0x80, s17, s28, $0xb8;
	[tilespmem:$0x1C800] =	vst v63  }
0x15d: {  	_ = 	snop  }
0x15e: {  	[spmem:s1] =	stream.indirect.scatter.add.f32 [tilespmem:s0], [sflag:$0x5], $0x80, s18, s28, $0xb8;
	[tilespmem:$0x1C800] =	vst v63  }
0x15f: {  	_ =	swait.ge [sflag:s25], $0x3E80  }
0x160: {  	[sflag:s25] =	ssyncset.done $0x0  }
0x161: {  	[sflag:s25] =	ssyncadd.s32 $0xFFFFC180  }
0x162: {  	_ =	swait.ge [sflag:s31], $0x3E80  }
0x163: {  	[sflag:s31] =	ssyncset.done $0x0  }
0x164: {  	[sflag:s31] =	ssyncadd.s32 $0xFFFFC180  }
0x165: {  	[tilespmem:s0], [sflag:$0x2] =	stream.indirect.gather [hbm4b:s4+s28], $0x80, s19, s28, $0xb8;
	[tilespmem:$0x1C800] =	vst v63  }
0x166: {  	_ = 	snop  }
0x167: {  	[spmem:s1] =	stream.indirect.scatter.add.f32 [tilespmem:s24], [sflag:$0x5], $0x80, s20, s28, $0xb8;
	[tilespmem:$0x1C800] =	vst v63  }
0x168: {  	_ =	swait.ge [sflag:s25], $0x3E80  }
0x169: {  	[sflag:s25] =	ssyncset.done $0x0  }
0x16a: {  	[sflag:s25] =	ssyncadd.s32 $0xFFFFC180  }
0x16b: {  	_ =	swait.ge [sflag:s3], $0x3E80  }
0x16c: {  	[sflag:s3] =	ssyncset.done $0x0  }
0x16d: {  	s5 =	simm.s32 @!p0 $0x3;
	[sflag:s3] =	ssyncadd.s32 $0xFFFFC180  }
0x16e: {  	_ =	swait.ge @!p0 [sflag:s5], $0x200  }
0x16f: {  	[sflag:s5] =	ssyncset.done @!p0 $0x0  }
0x170: {  	[sflag:s5] =	ssyncadd.s32 @!p0 $0xFFFFFE00  }
0x171: {  	_ =	swait.ge @!p0 [sflag:s5], $0x200  }
0x172: {  	[sflag:s5] =	ssyncset.done @!p0 $0x0  }
0x173: {  	s6 =	simm.s32 @!p0 $0x800;
	[sflag:s5] =	ssyncadd.s32 @!p0 $0xFFFFFE00;
	s5 =	simm.s32 @!p0 $0x7D  }
0x174: {  	[tilespmem:s6], [sflag:$0x1] =	stream.indirect.gather @!p0 [hbm4b:s4+s5], $0x80, s7, s5, $0xb8;
	[tilespmem:$0x1C800] =	vst v63  }
0x175: {  	_ = 	snop  }
0x176: {  	[spmem:s1] =	stream.indirect.scatter.add.f32 [tilespmem:s0], [sflag:$0x5], $0x80, s21, s28, $0xb8;
	[tilespmem:$0x1C800] =	vst v63  }
0x177: {  	_ =	swait.ge [sflag:s25], $0x3E80  }
0x178: {  	[sflag:s25] =	ssyncset.done $0x0  }
0x179: {  	s9 =	stileid.u32;
	[sflag:s25] =	ssyncadd.s32 $0xFFFFC180  }
0x17a: {  	s8 =	smov.u32 s10;
	s5 =	sshll.u32 s9, $0x6;
	[bflag:$0x0] =	sbarrier.arrive $0xFFFF  }
0x17b: {  	s10 =	sshrl.u32 s10, $0x3;
	s5 =	sor.u32 $0x1C05, s5;
	s23 =	rddreg [dreg:$0x12]  }
0x17c: {  	[hbm:s23], [sflag:s5] =	dma.local [spmem:s10], $0x500  }
0x17d: {  	_ =	swait.ge [sflag:s25], $0x500  }
0x17e: {  	[sflag:s25] =	ssyncset.done $0x0  }
0x17f: {  	s7 =	sshrl.u32 s11, $0x3;
	s9 =	rddreg [dreg:$0x13];
	[sflag:s25] =	ssyncadd.s32 $0xFFFFFB00  }
0x180: {  	[hbm:s9], [sflag:s5] =	dma.local [spmem:s7], $0x500  }
0x181: {  	_ =	swait.ge [sflag:s25], $0x500  }
0x182: {  	s23 =	smov.u32 s11;
	[sflag:s25] =	ssyncset.done $0x0;
	s10 =	rddreg [dreg:$0xb]  }
0x183: {  	s11 =	rddreg [dreg:$0x14];
	[sflag:s25] =	ssyncadd.s32 $0xFFFFFB00;
	s6 =	sshrl.u32 s10, $0x3  }
0x184: {  	[hbm:s11], [sflag:s5] =	dma.local [spmem:s6], $0x500  }
0x185: {  	_ =	swait.ge [sflag:s25], $0x500  }
0x186: {  	[sflag:s25] =	ssyncset.done $0x0  }
0x187: {  	s7 =	sshrl.u32 s14, $0x3;
	s10 =	rddreg [dreg:$0x15];
	[sflag:s25] =	ssyncadd.s32 $0xFFFFFB00  }
0x188: {  	[hbm:s10], [sflag:s5] =	dma.local [spmem:s7], $0x500  }
0x189: {  	_ =	swait.ge [sflag:s25], $0x500  }
0x18a: {  	s9 =	smov.u32 s14;
	[sflag:s25] =	ssyncset.done $0x0;
	s11 =	rddreg [dreg:$0xc]  }
0x18b: {  	s14 =	rddreg [dreg:$0x16];
	[sflag:s25] =	ssyncadd.s32 $0xFFFFFB00;
	s6 =	sshrl.u32 s11, $0x3  }
0x18c: {  	[hbm:s14], [sflag:s5] =	dma.local [spmem:s6], $0x500  }
0x18d: {  	_ =	swait.ge [sflag:s25], $0x500  }
0x18e: {  	[sflag:s25] =	ssyncset.done $0x0;
	s7 =	rddreg [dreg:$0xd]  }
0x18f: {  	s10 =	rddreg [dreg:$0x17];
	[sflag:s25] =	ssyncadd.s32 $0xFFFFFB00;
	s6 =	sshrl.u32 s7, $0x3  }
0x190: {  	[hbm:s10], [sflag:s5] =	dma.local [spmem:s6], $0x500  }
0x191: {  	_ =	swait.ge [sflag:s25], $0x500  }
0x192: {  	[sflag:s25] =	ssyncset.done $0x0;
	s11 =	rddreg [dreg:$0xe]  }
0x193: {  	s14 =	rddreg [dreg:$0x18];
	[sflag:s25] =	ssyncadd.s32 $0xFFFFFB00;
	s6 =	sshrl.u32 s11, $0x3  }
0x194: {  	[hbm:s14], [sflag:s5] =	dma.local [spmem:s6], $0x500  }
0x195: {  	_ =	swait.ge [sflag:s25], $0x500  }
0x196: {  	[sflag:s25] =	ssyncset.done $0x0;
	s10 =	rddreg [dreg:$0x11]  }
0x197: {  	s11 =	rddreg [dreg:$0x19];
	[sflag:s25] =	ssyncadd.s32 $0xFFFFFB00;
	s6 =	sshrl.u32 s10, $0x3  }
0x198: {  	[hbm:s11], [sflag:s5] =	dma.local [spmem:s6], $0x500  }
0x199: {  	_ =	swait.ge [sflag:s25], $0x500  }
0x19a: {  	s22 =	sadd.s32 $0x1, s22;
	s14 =	rddreg [dreg:$0x1a]  }
0x19b: {  	p0 =	sne.s32 s22, s14  }
.Ltmp2:
0x19c: {  	_ = 	snop;
	(pc) =	sbr.rel @p0 .LBB2_1-.Ltmp2, $3  }
0x19d: {  	_ =	sdelay $0x1  }
0x19e: {  	[sflag:s25] =	ssyncset.done $0x0  }
0x19f: {  	[sflag:s25] =	ssyncadd.s32 $0xFFFFFB00  }
0x1a0: {  	_ =	sfence.sel $0x180000  }
0x1a1: {  	[bflag:$0x0] =	sbarrier.arrive $0xFFFF  }
0x1a2: {  	_ =	strace $0x9000004D  }
0x1a3: {  	s0 =	stileid.u32;
	[bflag:$0x2] =	sbarrier.arrive $0xFFFF  }
0x1a4: {  	p0 =	sne.s32 s0, $0x0;
	s0 =	rddreg [dreg:$0x2]  }
0x1a5: {  	s0 =	sadd.s32 @!p0 $0x100000, s0  }
0x1a6: {  	[sflag:s0] =	ssyncadd.tile.s32 @!p0 $0x1;
	_ =	shalt  }
.Lfunc_end2:
_tile_overlayer_lowered:
.L_overlay_start_2:
0x1a7: {  	(tag) =	ssettag $0x2  }
0x1a8: {  	s0 =	rddreg [dreg:$0x0];
	s2 =	stileid.u32  }
0x1a9: {  	s1 =	rddreg [dreg:$0x1];
	p0 =	sne.s32 s2, $0x0  }
0x1aa: {  	s3 =	rddreg [dreg:$0x2];
	[bflag:$0x3] =	sbarrier.arrive $0xFFFF;
	s2 =	simm.s32 @!p0 $0x1C05  }
0x1ab: {  	[timem:s3], [sflag:s2] =	dma.local @!p0 [hbm:s0], s1  }
0x1ac: {  	s0 =	simm.s32 @!p0 $0x5  }
0x1ad: {  	_ =	swait.ge @!p0 [sflag:s0], s1  }
0x1ae: {  	s1 =	ssub.s32 @!p0 $0x0, s1;
	[sflag:s0] =	ssyncset.done @!p0 $0x0  }
0x1af: {  	[sflag:s0] =	ssyncadd.s32 @!p0 s1  }
0x1b0: {  	[bflag:$0x3] =	sbarrier.arrive $0xFFFF  }
0x1b1: {  	_ =	shalt  }

// kernel: kernel.18.cloned.1.call-start
scs
__scs_entry_jumppad:
0x0: {  	(pc) =	sbr.rel $0x88, $3  }
0x1: {  	(tag) =	ssettag $0x0;
	lr =	simm.s32 $0x1  }
0x2: {  	[smem:$0x3F94] =	sst lr;
	_ =	strace $0xD0000000  }
0x3: {  	_ = 	snop  }
0x4: {  	_ = 	snop  }
0x5: {  	_ = 	snop  }
0x6: {  	_ = 	snop  }
0x7: {  	_ = 	snop  }
__scs_overlays_trampoline_lowered:
0x8: {  	[smem:$0x3FA3] =	sst s0  }
0x9: {  	[smem:$0x3FA4] =	sst s1  }
0xa: {  	[smem:$0x3FA5] =	sst s2  }
0xb: {  	[smem:$0x3FA6] =	sst s3  }
0xc: {  	[smem:$0x3FA7] =	sst s4  }
0xd: {  	[smem:$0x3FA8] =	sst s5  }
0xe: {  	[smem:$0x3FA9] =	sst s6  }
0xf: {  	[smem:$0x3FAA] =	sst s7  }
0x10: {  	[smem:$0x3FAB] =	sst s8  }
0x11: {  	[smem:$0x3FAC] =	sst s9;
	s0 =	simm.s32 @!p0 $0x0  }
0x12: {  	s1 =	sld [smem:$0x3F92];
	s0 =	simm.s32 @p0 $0x1  }
0x13: {  	[smem:$0x3FAD] =	sst s0;
	s0 =	simm.s32 @!p1 $0x0  }
0x14: {  	s2 =	sld [smem:$0x3F91];
	s0 =	simm.s32 @p1 $0x1  }
0x15: {  	[smem:$0x3FAE] =	sst s0;
	s0 =	simm.s32 @!p2 $0x0  }
0x16: {  	s3 =	sld [smem:$0x3FDB];
	s0 =	simm.s32 @p2 $0x1  }
0x17: {  	s4 =	simm.s32 $0x1BF5;
	[smem:$0x3FB0] =	sst s0  }
0x18: {  	s0 =	sld [smem:$0x3F93];
	_ =	swait.ge [sflag:s4], $0x0  }
0x19: {  	s7 =	sld [smem:$0x3F94]  }
0x1a: {  	s8 =	sadd.s32 $0xFFFFE003, lr  }
0x1b: {  	s9 =	sadd.s32 $0xFFFFFEF7, lr;
	s5 =	simm.s32 $0xFFFFFFFF;
	p2 =	slt.u32 s8, $0xFFFFF086  }
0x1c: {  	p1 =	slt.u32 s9, $0xF7A;
	s5 =	simm.s32 @!p2 $0x0  }
0x1d: {  	s5 =	simm.s32 @p1 $0x1;
	p0 =	seq.s32 s7, s2  }
0x1e: {  	s7 =	smul.u32 @!p0 $0xF7A, s2;
	p2 =	seq.s32 @!p0 s5, $0x0  }
0x1f: {  	s9 =	smul.u32 $0xF7A, s1;
	s8 =	simm.s32 @!p0 $0x1BF5;
	p2 =	por !p2, p0  }
0x20: {  	[sflag:s8] =	ssyncset.s32 @!p0 $0xFFFFF086;
	s6 =	sadd.s32 @!p0 s3, s7;
	s7 =	simm.s32 @!p0 $0x108  }
0x21: {  	s3 =	sadd.s32 s3, s9;
	s6 =	sadd.s32 @!p0 $0x88, s6;
	s7 =	simm.s32 @p2 $0x1082  }
0x22: {  	[simem:s7], [sflag:s8] =	dma.local @!p0 [hbm:s6], $0xF7A  }
0x23: {  	s9 =	sor.u32 $0xD0000000, s2;
	s6 =	simm.s32 $0x108;
	_ =	swait.ge @!p0 [sflag:s8], $0x0  }
0x24: {  	s3 =	sadd.s32 $0x88, s3;
	s6 =	simm.s32 @!p1 $0x1082;
	[sflag:s4] =	ssyncset.s32 $0xFFFFF086  }
0x25: {  	[simem:s6], [sflag:s4] =	dma.local [hbm:s3], $0xF7A  }
0x26: {  	[smem:$0x3F94] =	sst s1;
	(tag) =	ssettag s2;
	_ =	strace s9  }
0x27: {  	s1 =	sld [smem:$0x3FA4]  }
0x28: {  	s2 =	sld [smem:$0x3FA5]  }
0x29: {  	s4 =	sld [smem:$0x3FA7]  }
0x2a: {  	p0 =	seq.s32 s5, $0x0;
	s5 =	sld [smem:$0x3FA8]  }
0x2b: {  	s6 =	sld [smem:$0x3FA9]  }
0x2c: {  	s7 =	sld [smem:$0x3FAA]  }
0x2d: {  	s3 =	simm.s32 $0x108;
	s8 =	sld [smem:$0x3FAB]  }
0x2e: {  	s3 =	simm.s32 @!p0 $0x1082;
	s9 =	sld [smem:$0x3FAC]  }
0x2f: {  	lr =	sadd.s32 s0, s3;
	s0 =	sld [smem:$0x3FA3]  }
0x30: {  	s3 =	sld [smem:$0x3FA6]  }
0x31: {  	[smem:$0x3FAF] =	sst s10  }
0x32: {  	s10 =	sld [smem:$0x3FAD];
	_ =	sdelay $0x3  }
0x33: {  	p0 =	seq.s32 s10, $0x1;
	s10 =	sld [smem:$0x3FAF];
	_ =	sdelay $0x3  }
0x34: {  	[smem:$0x3FAF] =	sst s10  }
0x35: {  	s10 =	sld [smem:$0x3FAE];
	_ =	sdelay $0x3  }
0x36: {  	p1 =	seq.s32 s10, $0x1;
	s10 =	sld [smem:$0x3FAF];
	_ =	sdelay $0x3  }
0x37: {  	[smem:$0x3FAF] =	sst s10  }
0x38: {  	s10 =	sld [smem:$0x3FB0]  }
0x39: {  	_ = 	snop;
	(pc) =	sbr.ind lr, $3  }
0x3a: {  	_ = 	snop  }
0x3b: {  	_ = 	snop  }
0x3c: {  	p2 =	seq.s32 s10, $0x1;
	s10 =	sld [smem:$0x3FAF]  }
0x3d: {  	_ =	shalt  }
0x3e: {  	_ =	shalt  }
0x3f: {  	_ =	shalt  }
0x40: {  	_ =	shalt  }
0x41: {  	_ =	shalt  }
0x42: {  	_ =	shalt  }
0x43: {  	_ =	shalt  }
0x44: {  	_ =	shalt  }
0x45: {  	_ =	shalt  }
0x46: {  	_ =	shalt  }
0x47: {  	_ =	shalt  }
0x48: {  	_ =	shalt  }
0x49: {  	_ =	shalt  }
0x4a: {  	_ =	shalt  }
0x4b: {  	_ =	shalt  }
0x4c: {  	_ =	shalt  }
0x4d: {  	_ =	shalt  }
0x4e: {  	_ =	shalt  }
0x4f: {  	_ =	shalt  }
0x50: {  	_ =	shalt  }
0x51: {  	_ =	shalt  }
0x52: {  	_ =	shalt  }
0x53: {  	_ =	shalt  }
0x54: {  	_ =	shalt  }
0x55: {  	_ =	shalt  }
0x56: {  	_ =	shalt  }
0x57: {  	_ =	shalt  }
0x58: {  	_ =	shalt  }
0x59: {  	_ =	shalt  }
0x5a: {  	_ =	shalt  }
0x5b: {  	_ =	shalt  }
0x5c: {  	_ =	shalt  }
0x5d: {  	_ =	shalt  }
0x5e: {  	_ =	shalt  }
0x5f: {  	_ =	shalt  }
0x60: {  	_ =	shalt  }
0x61: {  	_ =	shalt  }
0x62: {  	_ =	shalt  }
0x63: {  	_ =	shalt  }
0x64: {  	_ =	shalt  }
0x65: {  	_ =	shalt  }
0x66: {  	_ =	shalt  }
0x67: {  	_ =	shalt  }
0x68: {  	_ =	shalt  }
0x69: {  	_ =	shalt  }
0x6a: {  	_ =	shalt  }
0x6b: {  	_ =	shalt  }
0x6c: {  	_ =	shalt  }
0x6d: {  	_ =	shalt  }
0x6e: {  	_ =	shalt  }
0x6f: {  	_ =	shalt  }
0x70: {  	_ =	shalt  }
0x71: {  	_ =	shalt  }
0x72: {  	_ =	shalt  }
0x73: {  	_ =	shalt  }
0x74: {  	_ =	shalt  }
0x75: {  	_ =	shalt  }
0x76: {  	_ =	shalt  }
0x77: {  	_ =	shalt  }
0x78: {  	_ =	shalt  }
0x79: {  	_ =	shalt  }
0x7a: {  	_ =	shalt  }
0x7b: {  	_ =	shalt  }
0x7c: {  	_ =	shalt  }
0x7d: {  	_ =	shalt  }
0x7e: {  	_ =	shalt  }
0x7f: {  	_ =	shalt  }
0x80: {  	_ =	shalt  }
0x81: {  	_ =	shalt  }
0x82: {  	_ =	shalt  }
0x83: {  	_ =	shalt  }
0x84: {  	_ =	shalt  }
0x85: {  	_ =	shalt  }
0x86: {  	_ =	shalt  }
0x87: {  	_ =	shalt  }
.Lfunc_end0:
.L_simem_size_0:
called_computation.3_lowered:
.L_overlay_start_0:
0x88: {  	s2 =	sld [smem:$0x3FD9]  }
0x89: {  	s3 =	sld [smem:$0x3FFE];
	_ =	sdelay $0x1  }
0x8a: {  	s1 =	srdreg.scid  }
0x8b: {  	s0 =	sand.u32 $0x1, s1  }
0x8c: {  	s17 =	sshll.u32 s0, $0xA;
	s2 =	sadd.s32 s3, s2  }
0x8d: {  	s2 =	sadd.s32 s2, s17  }
0x8e: {  	[smem:$0x3FBB] =	sst s2  }
0x8f: {  	_ = 	snop  }
0x90: {  	s2 =	sld [smem:$0x3FC5]  }
0x91: {  	s18 =	sld [smem:$0x3FD0];
	(tm) =	ssettm $0x1  }
0x92: {  	s4 =	sld [smem:$0x3FFB];
	_ =	sdelay $0x3  }
0x93: {  	_ =	strace s4  }
0x94: {  	s4 =	sld [smem:$0x3FFC];
	_ =	sdelay $0x3  }
0x95: {  	_ =	strace s4  }
0x96: {  	s4 =	sld [smem:$0x3FFD];
	_ =	sdelay $0x3  }
0x97: {  	_ =	strace s4  }
0x98: {  	_ =	strace $0x8FFFFFFF  }
0x99: {  	s19 =	sld [smem:$0x3FDB];
	_ =	sdelay $0x1  }
0x9a: {  	s5 =	simm.s32 $_scs_section_size  }
0x9b: {  	s6 =	simm.s32 $_size__tile_overlayer_lowered;
	s7 =	simm.s32 $_tile_overlayer_lowered  }
0x9c: {  	s22 =	simm.s32 $0x1BFF;
	s21 =	sshll.u32 s7, $0x1;
	s4 =	sadd.s32 s5, s19  }
0x9d: {  	s8 =	simm.s32 $0x0;
	s20 =	sshll.u32 s6, $0x1;
	s6 =	sadd.s32 s21, s4  }
0x9e: {  	[timem:s8], [sflag:s22] =	dma.local [hbm:s6], s20  }
0x9f: {  	_ =	swait.ge [sflag:s22], s20  }
0xa0: {  	s5 =	ssub.s32 $0x0, s20;
	[sflag:s22] =	ssyncset.done $0x0  }
0xa1: {  	[sflag:s22] =	ssyncadd.s32 s5;
	_ =	sdelay $0x1  }
0xa2: {  	s23 =	simm.s32 $0x1B8B  }
0xa3: {  	_ =	swait.ge [sflag:s23], $0x1  }
0xa4: {  	[sflag:s23] =	ssyncset.done $0x0  }
0xa5: {  	s25 =	simm.s32 $0x1B8E;
	s24 =	sld [smem:$0x3FFE];
	[sflag:s23] =	ssyncadd.s32 $0xFFFFFFFF  }
0xa6: {  	s26 =	simm.s32 $execute0_lowered;
	[smem:$0x3FD2] =	sst s25  }
0xa7: {  	s6 =	sshll.u32 s26, $0x1;
	_ =	strace $0x8000004F;
	[dreg:$0x1] =	wrdreg $0xFFFFFFFF  }
0xa8: {  	s28 =	simm.s32 $_size_execute0_lowered;
	s4 =	sadd.s32 s4, s6;
	[dreg:$0x0] =	wrdreg $0x0  }
0xa9: {  	s6 =	sshll.u32 s28, $0x1;
	[dreg:$0x2] =	wrdreg s4  }
0xaa: {  	[dreg:$0x3] =	wrdreg s6  }
0xab: {  	[dreg:$0x4] =	wrdreg $0xC0  }
0xac: {  	_ =	task [dreg:s8], $0x5FFFF  }
0xad: {  	[dreg:$0x1] =	wrdreg $0xFFFFFFFF  }
0xae: {  	[dreg:$0x0] =	wrdreg $0x60  }
0xaf: {  	[dreg:$0x2] =	wrdreg s24  }
0xb0: {  	[dreg:$0x3] =	wrdreg s2  }
0xb1: {  	[dreg:$0x4] =	wrdreg s18  }
0xb2: {  	[dreg:$0x5] =	wrdreg $0x9  }
0xb3: {  	_ =	task.clear_ibuf [dreg:s8], $0x6FFFF;
	_ =	strace $0x9000004F  }
0xb4: {  	s29 =	simm.s32 $0x9;
	_ =	strace $0x80000051  }
0xb5: {  	_ =	swait.ge [sflag:s29], $0x1  }
0xb6: {  	[sflag:s29] =	ssyncadd.s32 $0xFFFFFFFF  }
0xb7: {  	_ =	strace $0x90000051  }
0xb8: {  	_ =	sfence  }
0xb9: {  	s30 =	sld [smem:$0x0];
	_ =	sdelay $0x2  }
0xba: {  	s31 =	sshll.u32 s1, $0xD;
	s1 =	sshrl.u32 s1, $0x2  }
0xbb: {  	s3 =	sand.u32 $0x4000, s31;
	s1 =	sadd.s32 s1, s30  }
0xbc: {  	s0 =	sor.u32 s3, s0;
	s1 =	sshll.u32 s1, $0x11  }
0xbd: {  	s0 =	sor.u32 s1, s0  }
0xbe: {  	s0 =	sadd.s32 $0x8F2B, s0  }
0xbf: {  	[sflag:s0] =	ssyncadd.remote.s32 $0x1  }
0xc0: {  	_ =	sfence.sel $0xFFFF  }
0xc1: {  	[dreg:$0x0] =	wrdreg $0xFFFFFFFF;
	(pc) =	sbr.abs _section_cstart, $3  }
0xc2: {  	[dreg:$0x1] =	wrdreg $0xFFFFFFFF  }
0xc3: {  	_ =	task.clear_ibuf [dreg:s8], $0x2FFFF;
	_ =	strace $0x9FFFFFFF  }
0xc4: {  	(tm) =	ssettm $0x7FFFFFFF  }
0xc5: {  	_ =	shalt  }
tec
execute0_lowered:
.L_overlay_start_1:
0x0: {  	(tag) =	ssettag $0x1  }
0x1: {  	s0 =	rddreg [dreg:$0x0]  }
0x2: {  	s1 =	rddreg [dreg:$0x2];
	s2 =	srdreg.scid  }
0x3: {  	s3 =	simm.s32 $0x0;
	s4 =	stileid.u32;
	s14 =	simm.s32 $0x2  }
0x4: {  	s15 =	simm.s32 $0x20;
	s16 =	simm.s32 $0x3500;
	s17 =	simm.s32 $0x1  }
0x5: {  	s18 =	simm.s32 $0x3080;
	s19 =	simm.s32 $0x1000;
	s20 =	simm.s32 $0x3000  }
0x6: {  	s21 =	simm.s32 $0x0;
	s2 =	sand.u32 $0x1, s2;
	[smem:$0x7FF] =	sst s3  }
0x7: {  	s5 =	sshll.u32 s4, $0x6;
	s4 =	sadd.s32 $0x3C00, s0;
	s7 =	sadd.s32 $0x8FC00, s0  }
.Ltmp0:
0x8: {  	s6 =	sshll.u32 s2, $0x5;
	s2 =	ssub.s32 $0x2, s2;
	(pc) =	sbr.rel .LBB2_1-.Ltmp0, $4  }
0x9: {  	_ =	strace $0x80000050;
	s5 =	sor.u32 s6, s5;
	s8 =	sshrl.u32 s2, $0x1  }
0xa: {  	s6 =	sadd.s32 $0x8FE00, s0;
	s11 =	sshll.u32 s5, $0x4;
	s2 =	ssub.s32 s2, s8  }
0xb: {  	s8 =	sadd.s32 $0x3100, s5;
	s10 =	sadd.s32 $0x20, s5;
	s0 =	sadd.s32 s11, s0  }
0xc: {  	v0 =	vimm.f32 $0.0e+00;
	s11 =	sadd.s32 s1, s11;
	s12 =	smax.u32 s2, $0x1;
	s9 =	sadd.s32 $0x2BC00, s0  }
.LBB2_11:
0xd: {  	s21 =	sadd.s32 $0x1, s21  }
0xe: {  	p0 =	sne.s32 s21, s12  }
.Ltmp1:
0xf: {  	_ = 	snop;
	(pc) =	sbr.rel @!p0 .LBB2_12-.Ltmp1, $4  }
0x10: {  	[hbm4b:s11+s3] =	stream.linear.scatter [tilespmem:s3], [sflag:$0x2], $0x1000, $0x38;
	[tilespmem:$0x4500] =	vst v63  }
0x11: {  	_ =	swait.ge [sflag:s14], $0x1000  }
0x12: {  	[sflag:s14] =	ssyncset.done $0x0  }
0x13: {  	[sflag:s14] =	ssyncadd.s32 $0xFFFFF000  }
.LBB2_1:
0x14: {  	s0 =	simm.s32 $0x3100  }
0x15: {  	[tilespmem:s0], [sflag:$0x2] =	stream.linear.gather [hbm4b:s7+s3], $0x400, $0x38;
	[tilespmem:$0x4500] =	vst v63  }
0x16: {  	_ =	swait.ge [sflag:s14], $0x400  }
0x17: {  	[sflag:s14] =	ssyncset.done $0x0  }
0x18: {  	[sflag:s14] =	ssyncadd.s32 $0xFFFFFC00  }
0x19: {  	s31 =	rddreg [dreg:$0x1]  }
0x1a: {  	[tilespmem:s16], [sflag:$0x1] =	stream.indirect.gather [hbm4b:s31+s15], $0x80, s8, s15, $0xb8;
	[tilespmem:$0x4500] =	vst v63  }
0x1b: {  	_ =	swait.ge [sflag:s17], $0x1000  }
0x1c: {  	[sflag:s17] =	ssyncset.done $0x0  }
0x1d: {  	[sflag:s17] =	ssyncadd.s32 $0xFFFFF000  }
0x1e: {  	[hbm4b:s9+s3] =	stream.linear.scatter [tilespmem:s16], [sflag:$0x2], $0x1000, $0x38;
	[tilespmem:$0x4500] =	vst v63  }
0x1f: {  	_ =	swait.ge [sflag:s14], $0x1000  }
0x20: {  	[sflag:s14] =	ssyncset.done $0x0  }
0x21: {  	s1 =	simm.s32 $0x0;
	s0 =	simm.s32 $0x200;
	[sflag:s14] =	ssyncadd.s32 $0xFFFFF000  }
.LBB2_2:
0x22: {  	p0 =	sne.s32 s0, $0x3E00;
	[tilespmem:s1+$0x70] =	vst v0  }
0x23: {  	[tilespmem:s1+$0x0] =	vst v0  }
0x24: {  	[tilespmem:s1+$0x10] =	vst v0  }
.Ltmp2:
0x25: {  	[tilespmem:s1+$0x20] =	vst v0;
	(pc) =	sbr.rel @p0 .LBB2_2-.Ltmp2, $4  }
0x26: {  	[tilespmem:s1+$0x30] =	vst v0  }
0x27: {  	[tilespmem:s1+$0x40] =	vst v0  }
0x28: {  	[tilespmem:s1+$0x50] =	vst v0  }
0x29: {  	[tilespmem:s1+$0x60] =	vst v0;
	s1 =	sshra.s32 s0, $0x2;
	s0 =	sadd.s32 $0x200, s0  }
0x2a: {  	s0 =	simm.s32 $0x4E2  }
0x2b: {  	[tilespmem:s1+$0x70] =	vst v0;
	s0 =	sand.u32 $0x1, s0  }
0x2c: {  	[tilespmem:s1+$0x0] =	vst v0;
	p0 =	por $0x0, $0x0;
	p1 =	seq.s32 s0, $0x1  }
0x2d: {  	[tilespmem:s1+$0x10] =	vst v0;
	p0 =	por !p0, !p1  }
0x2e: {  	[tilespmem:s1+$0x20] =	vst v0;
	s0 =	simm.s32 $0x1;
	p0 =	por !p0, !p0  }
0x2f: {  	[tilespmem:s1+$0x30] =	vst v0;
	s0 =	simm.s32 @!p0 $0x0  }
0x30: {  	[tilespmem:s1+$0x40] =	vst v0;
	s0 =	ssub.s32 $0x271, s0  }
0x31: {  	[tilespmem:s1+$0x50] =	vst v0;
	s2 =	sand.u32 $0x1FFFFFFF, s0  }
0x32: {  	[tilespmem:s1+$0x60] =	vst v0;
	s31 =	sadd.s32 s6, s2  }
0x33: {  	[tilespmem:s18], [sflag:$0x2] =	stream.linear.gather [hbm4b:s31+s3], $0x10, $0x38;
	[tilespmem:$0x4500] =	vst v63  }
0x34: {  	_ =	swait.ge [sflag:s14], $0x10  }
0x35: {  	[sflag:s14] =	ssyncset.done $0x0  }
0x36: {  	[sflag:s14] =	ssyncadd.s32 $0xFFFFFFF0  }
0x37: {  	v1 =	vld [tilespmem:$0x3080];
	_ =	sdelay $0x4  }
0x38: {  	(v2sf) =	vpush v1, $0x0;
	_ =	sdelay $0xe  }
0x39: {  	s23 =	simm.s32 $0x0;
	s1 =	simm.s32 $0xA;
	s22 =	spop (v2sf)  }
0x3a: {  	s2 =	simm.s32 $0x4E2;
	p1 =	slt.s32 s22, s5;
	s22 =	sadd.s32 $0x1, s0  }
.LBB2_4:
0x3b: {  	p0 =	sne.s32 s1, $0x1;
	s23 =	smov.u32 @p1 s22;
	s0 =	smov.u32 @p1 s2  }
0x3c: {  	s1 =	sadd.s32 $0xFFFFFFFF, s1;
	s2 =	sadd.s32 s23, s0  }
0x3d: {  	s22 =	sshrl.u32 s2, $0x1F;
	s24 =	sand.u32 $0x1, s2  }
0x3e: {  	p1 =	slt.s32 s2, $0x1;
	s22 =	sadd.s32 s22, s2;
	p2 =	seq.s32 s24, $0x1  }
0x3f: {  	p1 =	por !p1, !p2  }
0x40: {  	s2 =	sshra.s32 s22, $0x1;
	s22 =	simm.s32 $0x1;
	p1 =	por !p1, !p1  }
0x41: {  	s22 =	simm.s32 @!p1 $0x0  }
0x42: {  	s24 =	ssub.s32 s2, s22  }
0x43: {  	s2 =	sand.u32 $0x1FFFFFFF, s24  }
0x44: {  	s2 =	sadd.s32 s6, s2  }
0x45: {  	[tilespmem:s18], [sflag:$0x2] =	stream.linear.gather [hbm4b:s2+s3], $0x10, $0x38;
	[tilespmem:$0x4500] =	vst v63  }
0x46: {  	_ =	swait.ge [sflag:s14], $0x10  }
0x47: {  	[sflag:s14] =	ssyncset.done $0x0  }
0x48: {  	[sflag:s14] =	ssyncadd.s32 $0xFFFFFFF0  }
0x49: {  	v1 =	vld [tilespmem:$0x3080];
	_ =	sdelay $0x4  }
0x4a: {  	(v2sf) =	vpush v1, $0x0;
	_ =	sdelay $0xb  }
.Ltmp3:
0x4b: {  	(pc) =	sbr.rel @p0 .LBB2_4-.Ltmp3, $3  }
0x4c: {  	_ =	sdelay $0x1  }
0x4d: {  	s22 =	sadd.s32 $0x1, s24;
	s2 =	spop (v2sf)  }
0x4e: {  	p1 =	slt.s32 s2, s5;
	s2 =	smov.u32 s0;
	s0 =	smov.u32 s24  }
0x4f: {  	s23 =	smov.u32 @p1 s22  }
0x50: {  	p0 =	sgt.s32 s23, $0x1;
	s0 =	smov.u32 s23  }
0x51: {  	s0 =	simm.s32 @!p0 $0x1  }
0x52: {  	s25 =	sadd.s32 $0xFFFFFFFF, s0  }
0x53: {  	s0 =	sand.u32 $0x1FFFFFFF, s25  }
0x54: {  	s24 =	simm.s32 $0x0;
	s0 =	sadd.s32 s6, s0  }
0x55: {  	[tilespmem:s18], [sflag:$0x2] =	stream.linear.gather [hbm4b:s0+s24], $0x10, $0x38;
	[tilespmem:$0x4500] =	vst v63  }
0x56: {  	_ =	swait.ge [sflag:s14], $0x10  }
0x57: {  	s31 =	simm.s32 $0x4E2;
	[sflag:s14] =	ssyncset.done $0x0  }
0x58: {  	s0 =	sand.u32 $0x1, s31;
	[sflag:s14] =	ssyncadd.s32 $0xFFFFFFF0  }
0x59: {  	p5 =	por $0x0, $0x0;
	p6 =	seq.s32 s0, $0x1;
	v1 =	vld [tilespmem:$0x3080]  }
0x5a: {  	p0 =	por !p5, !p6;
	v2 =	vld [tilespmem:$0x3081]  }
0x5b: {  	s0 =	simm.s32 $0x1;
	p0 =	por !p0, !p0;
	v3 =	vld [tilespmem:$0x3082]  }
0x5c: {  	v4 =	vld [tilespmem:$0x3083];
	s0 =	simm.s32 @!p0 $0x0  }
0x5d: {  	v5 =	vld [tilespmem:$0x3084];
	s0 =	ssub.s32 $0x271, s0  }
0x5e: {  	v6 =	vld [tilespmem:$0x3085];
	s1 =	sand.u32 $0x1FFFFFFF, s0  }
0x5f: {  	v7 =	vld [tilespmem:$0x3086];
	s1 =	sadd.s32 s6, s1  }
0x60: {  	v8 =	vld [tilespmem:$0x3087];
	[tilespmem:s18], [sflag:$0x2] =	stream.linear.gather [hbm4b:s1+s3], $0x10, $0x38  }
0x61: {  	_ =	swait.ge [sflag:s14], $0x10  }
0x62: {  	[sflag:s14] =	ssyncset.done $0x0  }
0x63: {  	[sflag:s14] =	ssyncadd.s32 $0xFFFFFFF0  }
0x64: {  	v9 =	vld [tilespmem:$0x3080];
	_ =	sdelay $0x4  }
0x65: {  	(v2sf) =	vpush v9, $0x0;
	_ =	sdelay $0xe  }
0x66: {  	s22 =	simm.s32 $0x4E2;
	s2 =	spop (v2sf)  }
0x67: {  	s1 =	simm.s32 $0xA;
	p1 =	slt.s32 s2, s10;
	s2 =	sadd.s32 $0x1, s0  }
.LBB2_6:
0x68: {  	p0 =	sne.s32 s1, $0x1;
	s24 =	smov.u32 @p1 s2;
	s0 =	smov.u32 @p1 s22  }
0x69: {  	s1 =	sadd.s32 $0xFFFFFFFF, s1;
	s2 =	sadd.s32 s24, s0  }
0x6a: {  	s22 =	sshrl.u32 s2, $0x1F;
	s26 =	sand.u32 $0x1, s2  }
0x6b: {  	p1 =	slt.s32 s2, $0x1;
	s22 =	sadd.s32 s22, s2;
	p2 =	seq.s32 s26, $0x1  }
0x6c: {  	p1 =	por !p1, !p2  }
0x6d: {  	s2 =	sshra.s32 s22, $0x1;
	s22 =	simm.s32 $0x1;
	p1 =	por !p1, !p1  }
0x6e: {  	s22 =	simm.s32 @!p1 $0x0  }
0x6f: {  	s26 =	ssub.s32 s2, s22  }
0x70: {  	s2 =	sand.u32 $0x1FFFFFFF, s26  }
0x71: {  	s2 =	sadd.s32 s6, s2  }
0x72: {  	[tilespmem:s18], [sflag:$0x2] =	stream.linear.gather [hbm4b:s2+s3], $0x10, $0x38;
	[tilespmem:$0x4500] =	vst v63  }
0x73: {  	_ =	swait.ge [sflag:s14], $0x10  }
0x74: {  	[sflag:s14] =	ssyncset.done $0x0  }
0x75: {  	[sflag:s14] =	ssyncadd.s32 $0xFFFFFFF0  }
0x76: {  	v9 =	vld [tilespmem:$0x3080];
	_ =	sdelay $0x4  }
0x77: {  	(v2sf) =	vpush v9, $0x0;
	_ =	sdelay $0xb  }
.Ltmp4:
0x78: {  	(pc) =	sbr.rel @p0 .LBB2_6-.Ltmp4, $3  }
0x79: {  	_ =	sdelay $0x1  }
0x7a: {  	s22 =	smov.u32 s0;
	s2 =	spop (v2sf)  }
0x7b: {  	s0 =	smov.u32 s26;
	p1 =	slt.s32 s2, s10;
	s2 =	sadd.s32 $0x1, s26  }
0x7c: {  	(v2sf) =	vpush v1, $0x0  }
0x7d: {  	(v2sf) =	vpush v2, $0x0  }
0x7e: {  	(v2sf) =	vpush v3, $0x0  }
0x7f: {  	(v2sf) =	vpush v4, $0x0  }
0x80: {  	(v2sf) =	vpush v5, $0x0  }
0x81: {  	(v2sf) =	vpush v6, $0x0  }
0x82: {  	(v2sf) =	vpush v7, $0x0  }
0x83: {  	(v2sf) =	vpush v8, $0x0  }
0x84: {  	s24 =	smov.u32 @p1 s2  }
0x85: {  	p0 =	sgt.s32 s24, $0x1;
	s0 =	smov.u32 s24  }
0x86: {  	s0 =	simm.s32 @!p0 $0x1  }
0x87: {  	s0 =	sadd.s32 $0xFFFFFFFF, s0  }
0x88: {  	s22 =	sand.u32 $0x1FFFFFFF, s0  }
0x89: {  	s13 =	sadd.s32 s6, s22;
	s22 =	simm.s32 $0x0  }
0x8a: {  	[tilespmem:s18], [sflag:$0x2] =	stream.linear.gather [hbm4b:s13+s22], $0x10, $0x38;
	[tilespmem:$0x4500] =	vst v63  }
0x8b: {  	s1 =	spop (v2sf)  }
0x8c: {  	s2 =	spop (v2sf)  }
0x8d: {  	s26 =	spop (v2sf)  }
0x8e: {  	s28 =	spop (v2sf)  }
0x8f: {  	s29 =	spop (v2sf)  }
0x90: {  	s30 =	spop (v2sf)  }
0x91: {  	s31 =	spop (v2sf)  }
0x92: {  	s13 =	spop (v2sf)  }
0x93: {  	_ =	swait.ge [sflag:s14], $0x10  }
0x94: {  	[sflag:s14] =	ssyncset.done $0x0  }
0x95: {  	[sflag:s14] =	ssyncadd.s32 $0xFFFFFFF0  }
0x96: {  	v1 =	vld [tilespmem:$0x3080]  }
0x97: {  	v2 =	vld [tilespmem:$0x3081]  }
0x98: {  	v3 =	vld [tilespmem:$0x3082];
	_ =	sdelay $0x2  }
0x99: {  	(v2sf) =	vpush v1, $0x0;
	v1 =	vld [tilespmem:$0x3083]  }
0x9a: {  	(v2sf) =	vpush v2, $0x0;
	v2 =	vld [tilespmem:$0x3084]  }
0x9b: {  	(v2sf) =	vpush v3, $0x0;
	_ =	sdelay $0x2  }
0x9c: {  	p0 =	slt.s32 s1, s5;
	s1 =	simm.s32 $0x1;
	(v2sf) =	vpush v1, $0x0;
	v1 =	vld [tilespmem:$0x3085]  }
0x9d: {  	s1 =	simm.s32 @!p0 $0x0;
	p0 =	slt.s32 s2, s5;
	s2 =	simm.s32 $0x1;
	(v2sf) =	vpush v2, $0x0;
	v2 =	vld [tilespmem:$0x3086]  }
0x9e: {  	s2 =	simm.s32 @!p0 $0x0;
	p0 =	slt.s32 s26, s5;
	s26 =	simm.s32 $0x1  }
0x9f: {  	s1 =	sadd.s32 s1, s2;
	s26 =	simm.s32 @!p0 $0x0;
	v3 =	vld [tilespmem:$0x3087]  }
0xa0: {  	p0 =	slt.s32 s28, s5;
	s2 =	simm.s32 $0x1;
	s1 =	sadd.s32 s26, s1  }
0xa1: {  	s2 =	simm.s32 @!p0 $0x0;
	p0 =	slt.s32 s29, s5;
	s26 =	simm.s32 $0x1;
	(v2sf) =	vpush v1, $0x0  }
0xa2: {  	s1 =	sadd.s32 s2, s1;
	s26 =	simm.s32 @!p0 $0x0;
	(v2sf) =	vpush v2, $0x0  }
0xa3: {  	p0 =	slt.s32 s30, s5;
	s2 =	simm.s32 $0x1;
	s1 =	sadd.s32 s26, s1  }
0xa4: {  	s2 =	simm.s32 @!p0 $0x0;
	p0 =	slt.s32 s31, s5;
	s26 =	simm.s32 $0x1;
	(v2sf) =	vpush v3, $0x0  }
0xa5: {  	s1 =	sadd.s32 s2, s1;
	s26 =	simm.s32 @!p0 $0x0  }
0xa6: {  	s2 =	simm.s32 $0x1;
	s1 =	sadd.s32 s26, s1;
	s28 =	spop (v2sf)  }
0xa7: {  	s31 =	spop (v2sf);
	p0 =	slt.s32 s28, s10;
	s28 =	simm.s32 $0x1  }
0xa8: {  	s30 =	spop (v2sf);
	s28 =	simm.s32 @!p0 $0x0;
	p0 =	slt.s32 s31, s10  }
0xa9: {  	s26 =	simm.s32 $0x1;
	s2 =	simm.s32 @!p0 $0x0;
	p0 =	slt.s32 s30, s10  }
0xaa: {  	s2 =	sadd.s32 s28, s2;
	s26 =	simm.s32 @!p0 $0x0;
	p0 =	slt.s32 s13, s5  }
0xab: {  	s13 =	simm.s32 $0x1;
	s28 =	spop (v2sf);
	s2 =	sadd.s32 s26, s2  }
0xac: {  	s26 =	simm.s32 $0x1;
	p1 =	slt.s32 s28, s10;
	s28 =	simm.s32 $0x1  }
0xad: {  	s31 =	spop (v2sf);
	s26 =	simm.s32 @!p0 $0x0;
	s28 =	simm.s32 @!p1 $0x0  }
0xae: {  	p1 =	slt.s32 s31, s10;
	s1 =	sadd.s32 s26, s1;
	s26 =	simm.s32 $0x1  }
0xaf: {  	s2 =	sadd.s32 s28, s2;
	s13 =	simm.s32 @!p1 $0x0;
	p1 =	sgt.s32 s23, $0x0  }
0xb0: {  	s2 =	sadd.s32 s13, s2;
	s13 =	simm.s32 $0x1;
	s30 =	spop (v2sf)  }
0xb1: {  	s1 =	simm.s32 @!p1 $0x0;
	s31 =	spop (v2sf);
	p0 =	slt.s32 s30, s10  }
0xb2: {  	s30 =	sshll.u32 s25, $0x3;
	s26 =	simm.s32 @!p0 $0x0;
	p0 =	slt.s32 s31, s10  }
0xb3: {  	s31 =	spop (v2sf);
	s23 =	sadd.s32 s30, s1;
	s1 =	sand.u32 $0x7, s1  }
0xb4: {  	s2 =	sadd.s32 s26, s2;
	s13 =	simm.s32 @!p0 $0x0;
	p0 =	slt.s32 s31, s10  }
0xb5: {  	p3 =	sne.s32 s1, $0x0;
	s25 =	sshra.s32 s23, $0x1F;
	p4 =	slt.s32 s23, $0x1  }
0xb6: {  	s2 =	sadd.s32 s13, s2;
	s13 =	simm.s32 $0x1;
	s1 =	sshrl.u32 s25, $0x1D  }
0xb7: {  	s13 =	simm.s32 @!p0 $0x0;
	p0 =	por !p4, !p3;
	s1 =	sadd.s32 s1, s23  }
0xb8: {  	s2 =	sadd.s32 s13, s2;
	p0 =	por !p0, !p0;
	s13 =	simm.s32 $0x1  }
0xb9: {  	p1 =	sgt.s32 s24, $0x0;
	s1 =	sshrl.u32 s1, $0x3;
	s13 =	simm.s32 @!p0 $0x0  }
0xba: {  	s0 =	sshll.u32 s0, $0x3;
	s2 =	simm.s32 @!p1 $0x0;
	s1 =	ssub.s32 s1, s13  }
0xbb: {  	s24 =	sadd.s32 s0, s2;
	s25 =	sshll.u32 s1, $0x3  }
0xbc: {  	s0 =	ssub.s32 s24, s25  }
0xbd: {  	s0 =	sadd.s32 $0x3F, s0  }
0xbe: {  	s26 =	sand.u32 $0x3F, s0  }
0xbf: {  	s30 =	sshra.s32 s0, $0x1F;
	p5 =	slt.s32 s0, $0x1;
	p6 =	sne.s32 s26, $0x0  }
0xc0: {  	s31 =	sshrl.u32 s30, $0x1A;
	p0 =	por !p5, !p6  }
0xc1: {  	s1 =	simm.s32 $0x1;
	s0 =	sadd.s32 s31, s0;
	p0 =	por !p0, !p0  }
0xc2: {  	s0 =	sshra.s32 s0, $0x6;
	s1 =	simm.s32 @!p0 $0x0  }
0xc3: {  	s26 =	ssub.s32 s0, s1  }
0xc4: {  	p0 =	slt.s32 s26, $0x1  }
.Ltmp5:
0xc5: {  	_ = 	snop;
	(pc) =	sbr.rel @p0 .LBB2_11-.Ltmp5, $2  }
0xc6: {  	_ =	sdelay $0x2  }
0xc7: {  	s29 =	simm.s32 $0x0;
	s28 =	smov.u32 s25  }
.LBB2_8:
0xc8: {  	s0 =	sshll.u32 s29, $0x6  }
0xc9: {  	s0 =	sadd.s32 s25, s0  }
0xca: {  	p0 =	slt.s32 s0, $0x26D0  }
0xcb: {  	s0 =	simm.s32 @!p0 $0x26D0  }
0xcc: {  	s1 =	sshll.u32 s0, $0x4  }
0xcd: {  	s1 =	sadd.s32 s4, s1  }
0xce: {  	[tilespmem:s19], [sflag:$0x2] =	stream.linear.gather [hbm4b:s1+s22], $0x2000, $0x38;
	[tilespmem:$0x4500] =	vst v63  }
0xcf: {  	p0 =	slt.s32 s28, $0x26D0;
	s1 =	smov.u32 s28;
	_ =	swait.ge [sflag:s14], $0x2000  }
0xd0: {  	s0 =	sshrl.u32 s0, $0x3;
	s1 =	simm.s32 @!p0 $0x26D0;
	[sflag:s14] =	ssyncset.done $0x0  }
0xd1: {  	s0 =	sadd.s32 s6, s0;
	p0 =	slt.s32 s1, s23;
	[sflag:s14] =	ssyncadd.s32 $0xFFFFE000  }
0xd2: {  	[tilespmem:s20], [sflag:$0x2] =	stream.linear.gather [hbm4b:s0+s22], $0x40, $0x38;
	[tilespmem:$0x4500] =	vst v63  }
0xd3: {  	p1 =	sge.s32 @!p0 s1, s24;
	_ =	swait.ge [sflag:s14], $0x40  }
0xd4: {  	p1 =	por p1, p0;
	[sflag:s14] =	ssyncset.done $0x0  }
0xd5: {  	s0 =	simm.s32 @!p1 $0x0;
	p0 =	por p1, p1;
	[sflag:s14] =	ssyncadd.s32 $0xFFFFFFC0  }
0xd6: {  	v1 =	vld @!p0 [tilespmem:s0+$0x3000];
	_ =	sdelay $0x4  }
0xd7: {  	(v2sf) =	vpush @!p0 v1, $0x0;
	_ =	sdelay $0xe  }
0xd8: {  	s0 =	spop @!p1 (v2sf)  }
0xd9: {  	s0 =	ssub.s32 @!p0 s0, s5  }
0xda: {  	s30 =	simm.s32 $0x1040;
	s0 =	sshll.u32 @!p0 s0, $0x9  }
0xdb: {  	v1 =	vld @!p0 [tilespmem:s30+$0xFFFFFFC0];
	s0 =	sshra.s32 @!p0 s0, $0x2  }
0xdc: {  	v2 =	vld @!p0 [tilespmem:s0+$0x0];
	_ =	sdelay $0x4  }
0xdd: {  	v1 =	vmax.f32 @!p0 v2, v1  }
0xde: {  	[tilespmem:s0+$0x0] =	vst @!p0 v1;
	v1 =	vld @!p0 [tilespmem:s0+$0x10]  }
0xdf: {  	v2 =	vld @!p0 [tilespmem:s30+$0xFFFFFFD0];
	_ =	sdelay $0x4  }
0xe0: {  	v1 =	vmax.f32 @!p0 v1, v2  }
0xe1: {  	[tilespmem:s0+$0x10] =	vst @!p0 v1;
	v1 =	vld @!p0 [tilespmem:s0+$0x20]  }
0xe2: {  	v2 =	vld @!p0 [tilespmem:s30+$0xFFFFFFE0];
	_ =	sdelay $0x4  }
0xe3: {  	v1 =	vmax.f32 @!p0 v1, v2  }
0xe4: {  	[tilespmem:s0+$0x20] =	vst @!p0 v1;
	v1 =	vld @!p0 [tilespmem:s0+$0x30]  }
0xe5: {  	v2 =	vld @!p0 [tilespmem:s30+$0xFFFFFFF0];
	_ =	sdelay $0x4  }
0xe6: {  	v1 =	vmax.f32 @!p0 v1, v2  }
0xe7: {  	[tilespmem:s0+$0x30] =	vst @!p0 v1;
	v1 =	vld @!p0 [tilespmem:s0+$0x40]  }
0xe8: {  	v2 =	vld @!p0 [tilespmem:s30+$0x0];
	_ =	sdelay $0x4  }
0xe9: {  	v1 =	vmax.f32 @!p0 v1, v2  }
0xea: {  	[tilespmem:s0+$0x40] =	vst @!p0 v1;
	v1 =	vld @!p0 [tilespmem:s0+$0x50]  }
0xeb: {  	v2 =	vld @!p0 [tilespmem:s30+$0x10];
	_ =	sdelay $0x4  }
0xec: {  	v1 =	vmax.f32 @!p0 v1, v2  }
0xed: {  	[tilespmem:s0+$0x50] =	vst @!p0 v1;
	v1 =	vld @!p0 [tilespmem:s0+$0x60]  }
0xee: {  	v2 =	vld @!p0 [tilespmem:s30+$0x20];
	_ =	sdelay $0x4  }
0xef: {  	v1 =	vmax.f32 @!p0 v1, v2  }
0xf0: {  	[tilespmem:s0+$0x60] =	vst @!p0 v1;
	v1 =	vld @!p0 [tilespmem:s0+$0x70]  }
0xf1: {  	v2 =	vld @!p0 [tilespmem:s30+$0x30];
	_ =	sdelay $0x1  }
0xf2: {  	s31 =	sadd.s32 $0x1, s1  }
0xf3: {  	p1 =	slt.s32 s31, s23  }
0xf4: {  	p2 =	sge.s32 @!p1 s31, s24  }
0xf5: {  	s2 =	simm.s32 $0x8;
	s1 =	simm.s32 $0x4;
	p2 =	por p2, p1;
	v1 =	vmax.f32 @!p0 v1, v2  }
.LBB2_9:
0xf6: {  	s13 =	sshra.s32 @!p2 s1, $0x2;
	s30 =	sadd.s32 $0x80, s30  }
0xf7: {  	[tilespmem:s0+$0x70] =	vst @!p0 v1;
	s1 =	smov.u32 s2;
	s2 =	sadd.s32 $0x4, s2;
	p0 =	por p2, p2  }
0xf8: {  	p1 =	sne.s32 s2, $0x100;
	v1 =	vld @!p0 [tilespmem:s13+$0x3000];
	_ =	sdelay $0x4  }
0xf9: {  	(v2sf) =	vpush @!p0 v1, $0x0;
	_ =	sdelay $0xe  }
0xfa: {  	s0 =	spop @!p2 (v2sf)  }
0xfb: {  	s0 =	ssub.s32 @!p0 s0, s5  }
0xfc: {  	s0 =	sshll.u32 @!p0 s0, $0x9  }
0xfd: {  	s0 =	sshra.s32 @!p0 s0, $0x2;
	v1 =	vld @!p0 [tilespmem:s30+$0xFFFFFFC0]  }
0xfe: {  	v2 =	vld @!p0 [tilespmem:s0+$0x0];
	_ =	sdelay $0x4  }
0xff: {  	v1 =	vmax.f32 @!p0 v2, v1  }
0x100: {  	[tilespmem:s0+$0x0] =	vst @!p0 v1;
	v1 =	vld @!p0 [tilespmem:s0+$0x10]  }
0x101: {  	v2 =	vld @!p0 [tilespmem:s30+$0xFFFFFFD0];
	_ =	sdelay $0x4  }
0x102: {  	v1 =	vmax.f32 @!p0 v1, v2  }
0x103: {  	[tilespmem:s0+$0x10] =	vst @!p0 v1;
	v1 =	vld @!p0 [tilespmem:s0+$0x20]  }
0x104: {  	v2 =	vld @!p0 [tilespmem:s30+$0xFFFFFFE0];
	_ =	sdelay $0x4  }
0x105: {  	v1 =	vmax.f32 @!p0 v1, v2  }
0x106: {  	[tilespmem:s0+$0x20] =	vst @!p0 v1;
	v1 =	vld @!p0 [tilespmem:s0+$0x30]  }
0x107: {  	v2 =	vld @!p0 [tilespmem:s30+$0xFFFFFFF0];
	_ =	sdelay $0x4  }
0x108: {  	v1 =	vmax.f32 @!p0 v1, v2  }
0x109: {  	[tilespmem:s0+$0x30] =	vst @!p0 v1;
	v1 =	vld @!p0 [tilespmem:s0+$0x40]  }
0x10a: {  	v2 =	vld @!p0 [tilespmem:s30+$0x0];
	_ =	sdelay $0x4  }
0x10b: {  	v1 =	vmax.f32 @!p0 v1, v2  }
0x10c: {  	[tilespmem:s0+$0x40] =	vst @!p0 v1;
	v1 =	vld @!p0 [tilespmem:s0+$0x50]  }
0x10d: {  	v2 =	vld @!p0 [tilespmem:s30+$0x10];
	_ =	sdelay $0x4  }
0x10e: {  	v1 =	vmax.f32 @!p0 v1, v2  }
0x10f: {  	[tilespmem:s0+$0x50] =	vst @!p0 v1;
	v1 =	vld @!p0 [tilespmem:s0+$0x60]  }
0x110: {  	v2 =	vld @!p0 [tilespmem:s30+$0x20];
	_ =	sdelay $0x4  }
0x111: {  	v1 =	vmax.f32 @!p0 v1, v2  }
0x112: {  	[tilespmem:s0+$0x60] =	vst @!p0 v1;
	v1 =	vld @!p0 [tilespmem:s0+$0x70]  }
0x113: {  	v2 =	vld @!p0 [tilespmem:s30+$0x30]  }
.Ltmp6:
0x114: {  	(pc) =	sbr.rel @p1 .LBB2_9-.Ltmp6, $4  }
0x115: {  	s31 =	sadd.s32 $0x1, s31  }
0x116: {  	p2 =	slt.s32 s31, s23  }
0x117: {  	p3 =	sge.s32 @!p2 s31, s24  }
0x118: {  	p2 =	por p3, p2;
	v1 =	vmax.f32 @!p0 v1, v2  }
0x119: {  	s1 =	sshra.s32 @!p2 s1, $0x2;
	[tilespmem:s0+$0x70] =	vst @!p0 v1;
	p0 =	por p2, p2  }
0x11a: {  	v1 =	vld @!p0 [tilespmem:s1+$0x3000];
	_ =	sdelay $0x4  }
0x11b: {  	(v2sf) =	vpush @!p0 v1, $0x0;
	_ =	sdelay $0xe  }
0x11c: {  	s0 =	spop @!p2 (v2sf)  }
0x11d: {  	s0 =	ssub.s32 @!p0 s0, s5  }
0x11e: {  	s1 =	sadd.s32 $0x80, s30;
	s0 =	sshll.u32 @!p0 s0, $0x9  }
0x11f: {  	v1 =	vld @!p0 [tilespmem:s1+$0xFFFFFFC0];
	s0 =	sshra.s32 @!p0 s0, $0x2  }
0x120: {  	v2 =	vld @!p0 [tilespmem:s0+$0x0];
	_ =	sdelay $0x4  }
0x121: {  	v1 =	vmax.f32 @!p0 v2, v1  }
0x122: {  	[tilespmem:s0+$0x0] =	vst @!p0 v1;
	v1 =	vld @!p0 [tilespmem:s0+$0x10]  }
0x123: {  	v2 =	vld @!p0 [tilespmem:s1+$0xFFFFFFD0];
	_ =	sdelay $0x4  }
0x124: {  	v1 =	vmax.f32 @!p0 v1, v2  }
0x125: {  	[tilespmem:s0+$0x10] =	vst @!p0 v1;
	v1 =	vld @!p0 [tilespmem:s0+$0x20]  }
0x126: {  	v2 =	vld @!p0 [tilespmem:s1+$0xFFFFFFE0];
	_ =	sdelay $0x4  }
0x127: {  	v1 =	vmax.f32 @!p0 v1, v2  }
0x128: {  	[tilespmem:s0+$0x20] =	vst @!p0 v1;
	v1 =	vld @!p0 [tilespmem:s0+$0x30]  }
0x129: {  	v2 =	vld @!p0 [tilespmem:s1+$0xFFFFFFF0];
	_ =	sdelay $0x4  }
0x12a: {  	v1 =	vmax.f32 @!p0 v1, v2  }
0x12b: {  	[tilespmem:s0+$0x30] =	vst @!p0 v1;
	v1 =	vld @!p0 [tilespmem:s0+$0x40]  }
0x12c: {  	v2 =	vld @!p0 [tilespmem:s1+$0x0];
	_ =	sdelay $0x4  }
0x12d: {  	v1 =	vmax.f32 @!p0 v1, v2  }
0x12e: {  	[tilespmem:s0+$0x40] =	vst @!p0 v1;
	v1 =	vld @!p0 [tilespmem:s0+$0x50]  }
0x12f: {  	v2 =	vld @!p0 [tilespmem:s1+$0x10];
	_ =	sdelay $0x4  }
0x130: {  	v1 =	vmax.f32 @!p0 v1, v2  }
0x131: {  	[tilespmem:s0+$0x50] =	vst @!p0 v1;
	v1 =	vld @!p0 [tilespmem:s0+$0x60]  }
0x132: {  	v2 =	vld @!p0 [tilespmem:s1+$0x20];
	_ =	sdelay $0x4  }
0x133: {  	v1 =	vmax.f32 @!p0 v1, v2  }
0x134: {  	[tilespmem:s0+$0x60] =	vst @!p0 v1;
	v1 =	vld @!p0 [tilespmem:s0+$0x70]  }
0x135: {  	s29 =	sadd.s32 $0x1, s29;
	v2 =	vld @!p0 [tilespmem:s1+$0x30]  }
0x136: {  	p1 =	sne.s32 s29, s26  }
.Ltmp7:
0x137: {  	_ = 	snop;
	(pc) =	sbr.rel @p1 .LBB2_8-.Ltmp7, $4  }
.Ltmp8:
0x138: {  	_ = 	snop;
	(pc) =	sbr.rel @!p1 .LBB2_11-.Ltmp8, $4  }
0x139: {  	_ = 	snop  }
0x13a: {  	v1 =	vmax.f32 @!p0 v1, v2  }
0x13b: {  	s28 =	sadd.s32 $0x40, s28;
	[tilespmem:s0+$0x70] =	vst @!p0 v1  }
0x13c: {  	_ = 	snop  }
.LBB2_12:
0x13d: {  	_ =	sfence.sel $0x180000  }
0x13e: {  	[bflag:$0x0] =	sbarrier.arrive $0xFFFF  }
0x13f: {  	_ =	strace $0x90000050  }
0x140: {  	s0 =	stileid.u32;
	[bflag:$0x2] =	sbarrier.arrive $0xFFFF  }
0x141: {  	p0 =	sne.s32 s0, $0x0;
	s0 =	rddreg [dreg:$0x3]  }
0x142: {  	s0 =	sadd.s32 @!p0 $0x100000, s0  }
0x143: {  	[sflag:s0] =	ssyncadd.tile.s32 @!p0 $0x1;
	_ =	shalt  }
.Lfunc_end2:
_tile_overlayer_lowered:
.L_overlay_start_2:
0x144: {  	(tag) =	ssettag $0x2  }
0x145: {  	s0 =	rddreg [dreg:$0x0];
	s2 =	stileid.u32  }
0x146: {  	s1 =	rddreg [dreg:$0x1];
	p0 =	sne.s32 s2, $0x0  }
0x147: {  	s3 =	rddreg [dreg:$0x2];
	[bflag:$0x3] =	sbarrier.arrive $0xFFFF;
	s2 =	simm.s32 @!p0 $0x1C02  }
0x148: {  	[timem:s3], [sflag:s2] =	dma.local @!p0 [hbm:s0], s1  }
0x149: {  	s0 =	simm.s32 @!p0 $0x2  }
0x14a: {  	_ =	swait.ge @!p0 [sflag:s0], s1  }
0x14b: {  	s1 =	ssub.s32 @!p0 $0x0, s1;
	[sflag:s0] =	ssyncset.done @!p0 $0x0  }
0x14c: {  	[sflag:s0] =	ssyncadd.s32 @!p0 s1  }
0x14d: {  	[bflag:$0x3] =	sbarrier.arrive $0xFFFF  }
0x14e: {  	_ =	shalt  }

// kernel: kernel.9.cloned.1.call-start
scs
__scs_entry_jumppad:
0x0: {  	(pc) =	sbr.rel $0x88, $3  }
0x1: {  	(tag) =	ssettag $0x0;
	lr =	simm.s32 $0x1  }
0x2: {  	[smem:$0x3F94] =	sst lr;
	_ =	strace $0xD0000000  }
0x3: {  	_ = 	snop  }
0x4: {  	_ = 	snop  }
0x5: {  	_ = 	snop  }
0x6: {  	_ = 	snop  }
0x7: {  	_ = 	snop  }
__scs_overlays_trampoline_lowered:
0x8: {  	[smem:$0x3FA3] =	sst s0  }
0x9: {  	[smem:$0x3FA4] =	sst s1  }
0xa: {  	[smem:$0x3FA5] =	sst s2  }
0xb: {  	[smem:$0x3FA6] =	sst s3  }
0xc: {  	[smem:$0x3FA7] =	sst s4  }
0xd: {  	[smem:$0x3FA8] =	sst s5  }
0xe: {  	[smem:$0x3FA9] =	sst s6  }
0xf: {  	[smem:$0x3FAA] =	sst s7  }
0x10: {  	[smem:$0x3FAB] =	sst s8  }
0x11: {  	[smem:$0x3FAC] =	sst s9;
	s0 =	simm.s32 @!p0 $0x0  }
0x12: {  	s1 =	sld [smem:$0x3F92];
	s0 =	simm.s32 @p0 $0x1  }
0x13: {  	[smem:$0x3FAD] =	sst s0;
	s0 =	simm.s32 @!p1 $0x0  }
0x14: {  	s2 =	sld [smem:$0x3F91];
	s0 =	simm.s32 @p1 $0x1  }
0x15: {  	[smem:$0x3FAE] =	sst s0;
	s0 =	simm.s32 @!p2 $0x0  }
0x16: {  	s3 =	sld [smem:$0x3FDB];
	s0 =	simm.s32 @p2 $0x1  }
0x17: {  	s4 =	simm.s32 $0x1BF5;
	[smem:$0x3FB0] =	sst s0  }
0x18: {  	s0 =	sld [smem:$0x3F93];
	_ =	swait.ge [sflag:s4], $0x0  }
0x19: {  	s7 =	sld [smem:$0x3F94]  }
0x1a: {  	s8 =	sadd.s32 $0xFFFFE003, lr  }
0x1b: {  	s9 =	sadd.s32 $0xFFFFFEF7, lr;
	s5 =	simm.s32 $0xFFFFFFFF;
	p2 =	slt.u32 s8, $0xFFFFF086  }
0x1c: {  	p1 =	slt.u32 s9, $0xF7A;
	s5 =	simm.s32 @!p2 $0x0  }
0x1d: {  	s5 =	simm.s32 @p1 $0x1;
	p0 =	seq.s32 s7, s2  }
0x1e: {  	s7 =	smul.u32 @!p0 $0xF7A, s2;
	p2 =	seq.s32 @!p0 s5, $0x0  }
0x1f: {  	s9 =	smul.u32 $0xF7A, s1;
	s8 =	simm.s32 @!p0 $0x1BF5;
	p2 =	por !p2, p0  }
0x20: {  	[sflag:s8] =	ssyncset.s32 @!p0 $0xFFFFF086;
	s6 =	sadd.s32 @!p0 s3, s7;
	s7 =	simm.s32 @!p0 $0x108  }
0x21: {  	s3 =	sadd.s32 s3, s9;
	s6 =	sadd.s32 @!p0 $0x88, s6;
	s7 =	simm.s32 @p2 $0x1082  }
0x22: {  	[simem:s7], [sflag:s8] =	dma.local @!p0 [hbm:s6], $0xF7A  }
0x23: {  	s9 =	sor.u32 $0xD0000000, s2;
	s6 =	simm.s32 $0x108;
	_ =	swait.ge @!p0 [sflag:s8], $0x0  }
0x24: {  	s3 =	sadd.s32 $0x88, s3;
	s6 =	simm.s32 @!p1 $0x1082;
	[sflag:s4] =	ssyncset.s32 $0xFFFFF086  }
0x25: {  	[simem:s6], [sflag:s4] =	dma.local [hbm:s3], $0xF7A  }
0x26: {  	[smem:$0x3F94] =	sst s1;
	(tag) =	ssettag s2;
	_ =	strace s9  }
0x27: {  	s1 =	sld [smem:$0x3FA4]  }
0x28: {  	s2 =	sld [smem:$0x3FA5]  }
0x29: {  	s4 =	sld [smem:$0x3FA7]  }
0x2a: {  	p0 =	seq.s32 s5, $0x0;
	s5 =	sld [smem:$0x3FA8]  }
0x2b: {  	s6 =	sld [smem:$0x3FA9]  }
0x2c: {  	s7 =	sld [smem:$0x3FAA]  }
0x2d: {  	s3 =	simm.s32 $0x108;
	s8 =	sld [smem:$0x3FAB]  }
0x2e: {  	s3 =	simm.s32 @!p0 $0x1082;
	s9 =	sld [smem:$0x3FAC]  }
0x2f: {  	lr =	sadd.s32 s0, s3;
	s0 =	sld [smem:$0x3FA3]  }
0x30: {  	s3 =	sld [smem:$0x3FA6]  }
0x31: {  	[smem:$0x3FAF] =	sst s10  }
0x32: {  	s10 =	sld [smem:$0x3FAD];
	_ =	sdelay $0x3  }
0x33: {  	p0 =	seq.s32 s10, $0x1;
	s10 =	sld [smem:$0x3FAF];
	_ =	sdelay $0x3  }
0x34: {  	[smem:$0x3FAF] =	sst s10  }
0x35: {  	s10 =	sld [smem:$0x3FAE];
	_ =	sdelay $0x3  }
0x36: {  	p1 =	seq.s32 s10, $0x1;
	s10 =	sld [smem:$0x3FAF];
	_ =	sdelay $0x3  }
0x37: {  	[smem:$0x3FAF] =	sst s10  }
0x38: {  	s10 =	sld [smem:$0x3FB0]  }
0x39: {  	_ = 	snop;
	(pc) =	sbr.ind lr, $3  }
0x3a: {  	_ = 	snop  }
0x3b: {  	_ = 	snop  }
0x3c: {  	p2 =	seq.s32 s10, $0x1;
	s10 =	sld [smem:$0x3FAF]  }
0x3d: {  	_ =	shalt  }
0x3e: {  	_ =	shalt  }
0x3f: {  	_ =	shalt  }
0x40: {  	_ =	shalt  }
0x41: {  	_ =	shalt  }
0x42: {  	_ =	shalt  }
0x43: {  	_ =	shalt  }
0x44: {  	_ =	shalt  }
0x45: {  	_ =	shalt  }
0x46: {  	_ =	shalt  }
0x47: {  	_ =	shalt  }
0x48: {  	_ =	shalt  }
0x49: {  	_ =	shalt  }
0x4a: {  	_ =	shalt  }
0x4b: {  	_ =	shalt  }
0x4c: {  	_ =	shalt  }
0x4d: {  	_ =	shalt  }
0x4e: {  	_ =	shalt  }
0x4f: {  	_ =	shalt  }
0x50: {  	_ =	shalt  }
0x51: {  	_ =	shalt  }
0x52: {  	_ =	shalt  }
0x53: {  	_ =	shalt  }
0x54: {  	_ =	shalt  }
0x55: {  	_ =	shalt  }
0x56: {  	_ =	shalt  }
0x57: {  	_ =	shalt  }
0x58: {  	_ =	shalt  }
0x59: {  	_ =	shalt  }
0x5a: {  	_ =	shalt  }
0x5b: {  	_ =	shalt  }
0x5c: {  	_ =	shalt  }
0x5d: {  	_ =	shalt  }
0x5e: {  	_ =	shalt  }
0x5f: {  	_ =	shalt  }
0x60: {  	_ =	shalt  }
0x61: {  	_ =	shalt  }
0x62: {  	_ =	shalt  }
0x63: {  	_ =	shalt  }
0x64: {  	_ =	shalt  }
0x65: {  	_ =	shalt  }
0x66: {  	_ =	shalt  }
0x67: {  	_ =	shalt  }
0x68: {  	_ =	shalt  }
0x69: {  	_ =	shalt  }
0x6a: {  	_ =	shalt  }
0x6b: {  	_ =	shalt  }
0x6c: {  	_ =	shalt  }
0x6d: {  	_ =	shalt  }
0x6e: {  	_ =	shalt  }
0x6f: {  	_ =	shalt  }
0x70: {  	_ =	shalt  }
0x71: {  	_ =	shalt  }
0x72: {  	_ =	shalt  }
0x73: {  	_ =	shalt  }
0x74: {  	_ =	shalt  }
0x75: {  	_ =	shalt  }
0x76: {  	_ =	shalt  }
0x77: {  	_ =	shalt  }
0x78: {  	_ =	shalt  }
0x79: {  	_ =	shalt  }
0x7a: {  	_ =	shalt  }
0x7b: {  	_ =	shalt  }
0x7c: {  	_ =	shalt  }
0x7d: {  	_ =	shalt  }
0x7e: {  	_ =	shalt  }
0x7f: {  	_ =	shalt  }
0x80: {  	_ =	shalt  }
0x81: {  	_ =	shalt  }
0x82: {  	_ =	shalt  }
0x83: {  	_ =	shalt  }
0x84: {  	_ =	shalt  }
0x85: {  	_ =	shalt  }
0x86: {  	_ =	shalt  }
0x87: {  	_ =	shalt  }
.Lfunc_end0:
.L_simem_size_0:
called_computation_lowered:
.L_overlay_start_0:
0x88: {  	s2 =	sld [smem:$0x3FD9]  }
0x89: {  	s3 =	sld [smem:$0x3FFE];
	_ =	sdelay $0x1  }
0x8a: {  	s1 =	srdreg.scid  }
0x8b: {  	s0 =	sand.u32 $0x1, s1  }
0x8c: {  	s16 =	sshll.u32 s0, $0xA;
	s2 =	sadd.s32 s3, s2  }
0x8d: {  	s2 =	sadd.s32 s2, s16  }
0x8e: {  	[smem:$0x3FBB] =	sst s2  }
0x8f: {  	_ = 	snop  }
0x90: {  	(tm) =	ssettm $0x1  }
0x91: {  	s17 =	sld [smem:$0x3FFB];
	_ =	sdelay $0x3  }
0x92: {  	_ =	strace s17  }
0x93: {  	s2 =	sld [smem:$0x3FFC];
	_ =	sdelay $0x3  }
0x94: {  	_ =	strace s2  }
0x95: {  	s2 =	sld [smem:$0x3FFD];
	_ =	sdelay $0x3  }
0x96: {  	_ =	strace s2  }
0x97: {  	_ =	strace $0x8FFFFFFF  }
0x98: {  	s18 =	sld [smem:$0x3FDB];
	_ =	sdelay $0x1  }
0x99: {  	s19 =	simm.s32 $_scs_section_size  }
0x9a: {  	s4 =	simm.s32 $_size__tile_overlayer_lowered;
	s5 =	simm.s32 $_tile_overlayer_lowered  }
0x9b: {  	s22 =	simm.s32 $0x1BFF;
	s21 =	sshll.u32 s5, $0x1;
	s2 =	sadd.s32 s19, s18  }
0x9c: {  	s6 =	simm.s32 $0x0;
	s20 =	sshll.u32 s4, $0x1;
	s4 =	sadd.s32 s21, s2  }
0x9d: {  	[timem:s6], [sflag:s22] =	dma.local [hbm:s4], s20  }
0x9e: {  	_ =	swait.ge [sflag:s22], s20  }
0x9f: {  	s3 =	ssub.s32 $0x0, s20;
	[sflag:s22] =	ssyncset.done $0x0  }
0xa0: {  	[sflag:s22] =	ssyncadd.s32 s3;
	_ =	sdelay $0x1  }
0xa1: {  	s23 =	simm.s32 $0x1B8B  }
0xa2: {  	_ =	swait.ge [sflag:s23], $0x1  }
0xa3: {  	[sflag:s23] =	ssyncset.done $0x0  }
0xa4: {  	s25 =	simm.s32 $0x1B8E;
	s24 =	sld [smem:$0x3FFE];
	[sflag:s23] =	ssyncadd.s32 $0xFFFFFFFF  }
0xa5: {  	s26 =	simm.s32 $execute0_lowered;
	[smem:$0x3FD2] =	sst s25  }
0xa6: {  	s4 =	sshll.u32 s26, $0x1;
	_ =	strace $0x80000046;
	[dreg:$0x1] =	wrdreg $0xFFFFFFFF  }
0xa7: {  	s28 =	simm.s32 $_size_execute0_lowered;
	s2 =	sadd.s32 s2, s4;
	[dreg:$0x0] =	wrdreg $0x0  }
0xa8: {  	s4 =	sshll.u32 s28, $0x1;
	[dreg:$0x2] =	wrdreg s2  }
0xa9: {  	[dreg:$0x3] =	wrdreg s4  }
0xaa: {  	[dreg:$0x4] =	wrdreg $0xC0  }
0xab: {  	_ =	task [dreg:s6], $0x5FFFF  }
0xac: {  	[dreg:$0x1] =	wrdreg $0xFFFFFFFF  }
0xad: {  	[dreg:$0x0] =	wrdreg $0x60  }
0xae: {  	[dreg:$0x2] =	wrdreg s24  }
0xaf: {  	[dreg:$0x3] =	wrdreg $0x88000  }
0xb0: {  	[dreg:$0x4] =	wrdreg $0x9  }
0xb1: {  	_ =	task.clear_ibuf [dreg:s6], $0x5FFFF;
	_ =	strace $0x90000046  }
0xb2: {  	s29 =	simm.s32 $0x9;
	_ =	strace $0x80000048  }
0xb3: {  	_ =	swait.ge [sflag:s29], $0x1  }
0xb4: {  	[sflag:s29] =	ssyncadd.s32 $0xFFFFFFFF  }
0xb5: {  	_ =	strace $0x90000048  }
0xb6: {  	_ =	sfence  }
0xb7: {  	s30 =	sld [smem:$0x0];
	_ =	sdelay $0x2  }
0xb8: {  	s31 =	sshll.u32 s1, $0xD;
	s1 =	sshrl.u32 s1, $0x2  }
0xb9: {  	s3 =	sand.u32 $0x4000, s31;
	s1 =	sadd.s32 s1, s30  }
0xba: {  	s0 =	sor.u32 s3, s0;
	s1 =	sshll.u32 s1, $0x11  }
0xbb: {  	s0 =	sor.u32 s1, s0  }
0xbc: {  	s0 =	sadd.s32 $0x8F2B, s0  }
0xbd: {  	[sflag:s0] =	ssyncadd.remote.s32 $0x1  }
0xbe: {  	_ =	sfence.sel $0xFFFF  }
0xbf: {  	[dreg:$0x0] =	wrdreg $0xFFFFFFFF;
	(pc) =	sbr.abs _section_cstart, $3  }
0xc0: {  	[dreg:$0x1] =	wrdreg $0xFFFFFFFF  }
0xc1: {  	_ =	task.clear_ibuf [dreg:s6], $0x2FFFF;
	_ =	strace $0x9FFFFFFF  }
0xc2: {  	(tm) =	ssettm $0x7FFFFFFF  }
0xc3: {  	_ =	shalt  }
tec
execute0_lowered:
.L_overlay_start_1:
0x0: {  	(tag) =	ssettag $0x1  }
0x1: {  	s0 =	rddreg [dreg:$0x0]  }
0x2: {  	s1 =	rddreg [dreg:$0x1];
	s2 =	simm.s32 $0x0  }
0x3: {  	s3 =	srdreg.scid;
	s11 =	stileid.u32;
	s28 =	simm.s32 $0x7D  }
0x4: {  	s29 =	simm.s32 $0x400;
	s30 =	simm.s32 $0x600;
	s31 =	simm.s32 $0x1  }
0x5: {  	[smem:$0x7FF] =	sst s2;
	s4 =	sadd.s32 $0x17C00, s0;
	s5 =	sadd.s32 $0xDC00, s0  }
0x6: {  	s6 =	sadd.s32 $0x3C00, s0;
	s7 =	sand.u32 $0x1, s3;
	s8 =	smul.u32 $0x50000, s11  }
0x7: {  	s0 =	sadd.s32 $0x3FC00, s0;
	s10 =	sshll.u32 s11, $0x1;
	s12 =	smul.u32 $0x14000, s11  }
0x8: {  	s21 =	smul.u32 $0x5000, s11;
	_ =	strace $0x80000047;
	s3 =	ssub.s32 $0x2, s7  }
0x9: {  	s10 =	sor.u32 s7, s10;
	s22 =	smul.u32 $0x2800, s7;
	s9 =	sshrl.u32 s3, $0x1  }
0xa: {  	s8 =	sshrl.u32 s8, $0x2;
	s13 =	sor.u32 $0x2800, s12;
	s14 =	sadd.s32 $0x5000, s12  }
0xb: {  	s16 =	sadd.s32 $0xA000, s12;
	s19 =	smul.u32 $0x2800, s10;
	s26 =	sadd.s32 $0xF000, s12  }
0xc: {  	s3 =	ssub.s32 s3, s9;
	s8 =	sadd.s32 s8, s1;
	s23 =	sadd.s32 s13, s1  }
0xd: {  	s15 =	sadd.s32 s14, s1;
	s11 =	sadd.s32 s22, s21;
	s18 =	sadd.s32 s16, s1  }
0xe: {  	s21 =	smul.u32 $0x140000, s7;
	[dreg:$0xb] =	wrdreg s15;
	s15 =	sadd.s32 $0x7800, s12  }
0xf: {  	s17 =	sor.u32 $0x400, s11;
	[dreg:$0xc] =	wrdreg s18;
	s18 =	sadd.s32 $0xC800, s12  }
0x10: {  	s11 =	sor.u32 $0x200, s11;
	s19 =	sshrl.u32 s19, $0x3;
	s3 =	smax.u32 s3, $0x1  }
0x11: {  	s9 =	sadd.s32 s15, s1;
	s17 =	sshrl.u32 s17, $0x3;
	s20 =	sshrl.u32 s11, $0x3  }
0x12: {  	s25 =	sadd.s32 s18, s1;
	s22 =	sadd.s32 s5, s19;
	s13 =	sadd.s32 s21, s13  }
0x13: {  	s15 =	sadd.s32 s21, s15;
	s16 =	sadd.s32 s21, s16;
	s18 =	sadd.s32 s21, s18  }
0x14: {  	[dreg:$0x1a] =	wrdreg s3;
	s3 =	simm.s32 $0x2;
	s24 =	sadd.s32 s17, s6  }
0x15: {  	s17 =	sadd.s32 s17, s5;
	[dreg:$0xd] =	wrdreg s25;
	s11 =	sadd.s32 s20, s6  }
0x16: {  	s6 =	sadd.s32 s6, s19;
	[dreg:$0x10] =	wrdreg s22;
	s5 =	sadd.s32 s20, s5  }
0x17: {  	s25 =	sadd.s32 s21, s14;
	s10 =	sshrl.u32 s13, $0x3;
	[dreg:$0x3] =	wrdreg s24  }
0x18: {  	s15 =	sshrl.u32 s15, $0x3;
	s16 =	sshrl.u32 s16, $0x3;
	[dreg:$0x4] =	wrdreg s17  }
0x19: {  	s18 =	sshrl.u32 s18, $0x3;
	s22 =	simm.s32 $0x80;
	[dreg:$0x5] =	wrdreg s11  }
0x1a: {  	s13 =	simm.s32 $0x4;
	s11 =	sadd.s32 s26, s1;
	[dreg:$0xf] =	wrdreg s6  }
0x1b: {  	s24 =	sadd.s32 $0x11800, s12;
	s12 =	sadd.s32 s12, s21;
	s17 =	sadd.s32 s21, s26  }
0x1c: {  	s19 =	sadd.s32 s0, s16;
	s20 =	sadd.s32 s0, s18;
	[dreg:$0x6] =	wrdreg s5  }
0x1d: {  	[dreg:$0x7] =	wrdreg s22;
	s16 =	simm.s32 $0x480;
	s18 =	simm.s32 $0x680  }
0x1e: {  	s22 =	simm.s32 $0x0;
	[dreg:$0xe] =	wrdreg s11;
	s6 =	sadd.s32 s21, s24  }
0x1f: {  	s7 =	sadd.s32 s24, s1;
	s26 =	sshrl.u32 s12, $0x3;
	[dreg:$0x16] =	wrdreg s19  }
0x20: {  	s11 =	sshrl.u32 s25, $0x3;
	s12 =	sadd.s32 s0, s10;
	[dreg:$0x17] =	wrdreg s20  }
0x21: {  	s21 =	sshrl.u32 s17, $0x3;
	s24 =	simm.s32 $0x100;
	[dreg:$0x11] =	wrdreg s7  }
0x22: {  	s25 =	simm.s32 $0x280;
	s17 =	simm.s32 $0x500;
	[dreg:$0x13] =	wrdreg s12  }
0x23: {  	s19 =	simm.s32 $0x580;
	s20 =	simm.s32 $0x700;
	[dreg:$0x8] =	wrdreg s24  }
0x24: {  	s7 =	sadd.s32 s0, s26;
	s14 =	sadd.s32 s0, s11;
	[dreg:$0x9] =	wrdreg s25  }
0x25: {  	s6 =	sshrl.u32 s6, $0x3;
	s26 =	simm.s32 $0x180;
	[dreg:$0x12] =	wrdreg s7  }
0x26: {  	s24 =	simm.s32 $0x800;
	s25 =	simm.s32 $0x5;
	[dreg:$0x14] =	wrdreg s14  }
0x27: {  	s12 =	simm.s32 $0x300;
	s7 =	sadd.s32 s0, s15;
	[dreg:$0xa] =	wrdreg s26  }
0x28: {  	s26 =	simm.s32 $0x200;
	[dreg:$0x15] =	wrdreg s7;
	s7 =	sadd.s32 s0, s21  }
0x29: {  	s15 =	simm.s32 $0x380;
	s0 =	sadd.s32 s0, s6;
	[dreg:$0x18] =	wrdreg s7  }
0x2a: {  	v0 =	vimm.f32 $0.0e+00;
	s21 =	simm.s32 $0x780;
	[dreg:$0x19] =	wrdreg s0;
	s0 =	simm.s32 $0x4800  }
.LBB2_1:
0x2b: {  	s5 =	simm.s32 $0x0;
	s6 =	simm.s32 $0x200  }
.LBB2_2:
0x2c: {  	p0 =	sne.s32 s6, $0x9E00;
	[tilespmem:s5+$0x870] =	vst v0  }
0x2d: {  	[tilespmem:s5+$0x800] =	vst v0  }
0x2e: {  	[tilespmem:s5+$0x810] =	vst v0  }
.Ltmp0:
0x2f: {  	[tilespmem:s5+$0x820] =	vst v0;
	(pc) =	sbr.rel @p0 .LBB2_2-.Ltmp0, $4  }
0x30: {  	[tilespmem:s5+$0x830] =	vst v0  }
0x31: {  	[tilespmem:s5+$0x840] =	vst v0  }
0x32: {  	[tilespmem:s5+$0x850] =	vst v0  }
0x33: {  	[tilespmem:s5+$0x860] =	vst v0;
	s5 =	sshra.s32 s6, $0x2;
	s6 =	sadd.s32 $0x200, s6  }
0x34: {  	[tilespmem:s5+$0x870] =	vst v0  }
0x35: {  	[tilespmem:s5+$0x800] =	vst v0  }
0x36: {  	[tilespmem:s5+$0x810] =	vst v0  }
0x37: {  	[tilespmem:s5+$0x820] =	vst v0  }
0x38: {  	[tilespmem:s5+$0x830] =	vst v0  }
0x39: {  	[tilespmem:s5+$0x840] =	vst v0  }
0x3a: {  	[tilespmem:s5+$0x850] =	vst v0  }
0x3b: {  	[tilespmem:s5+$0x860] =	vst v0  }
0x3c: {  	[spmem:s8] =	stream.linear.scatter [tilespmem:s24], [sflag:$0x5], $0x2800, $0x38;
	[tilespmem:$0x1C800] =	vst v63  }
0x3d: {  	_ =	swait.ge [sflag:s25], $0x2800  }
0x3e: {  	[sflag:s25] =	ssyncset.done $0x0  }
0x3f: {  	[sflag:s25] =	ssyncadd.s32 $0xFFFFD800  }
0x40: {  	[spmem:s23] =	stream.linear.scatter [tilespmem:s24], [sflag:$0x5], $0x2800, $0x38;
	[tilespmem:$0x1C800] =	vst v63  }
0x41: {  	_ =	swait.ge [sflag:s25], $0x2800  }
0x42: {  	[sflag:s25] =	ssyncset.done $0x0  }
0x43: {  	s7 =	rddreg [dreg:$0xb];
	[sflag:s25] =	ssyncadd.s32 $0xFFFFD800  }
0x44: {  	[spmem:s7] =	stream.linear.scatter [tilespmem:s24], [sflag:$0x5], $0x2800, $0x38;
	[tilespmem:$0x1C800] =	vst v63  }
0x45: {  	_ =	swait.ge [sflag:s25], $0x2800  }
0x46: {  	[sflag:s25] =	ssyncset.done $0x0  }
0x47: {  	[sflag:s25] =	ssyncadd.s32 $0xFFFFD800  }
0x48: {  	[spmem:s9] =	stream.linear.scatter [tilespmem:s24], [sflag:$0x5], $0x2800, $0x38;
	[tilespmem:$0x1C800] =	vst v63  }
0x49: {  	_ =	swait.ge [sflag:s25], $0x2800  }
0x4a: {  	[sflag:s25] =	ssyncset.done $0x0  }
0x4b: {  	s10 =	smov.u32 s8;
	s8 =	rddreg [dreg:$0xc];
	[sflag:s25] =	ssyncadd.s32 $0xFFFFD800  }
0x4c: {  	[spmem:s8] =	stream.linear.scatter [tilespmem:s24], [sflag:$0x5], $0x2800, $0x38;
	[tilespmem:$0x1C800] =	vst v63  }
0x4d: {  	_ =	swait.ge [sflag:s25], $0x2800  }
0x4e: {  	[sflag:s25] =	ssyncset.done $0x0  }
0x4f: {  	s14 =	smov.u32 s9;
	s9 =	rddreg [dreg:$0xd];
	[sflag:s25] =	ssyncadd.s32 $0xFFFFD800  }
0x50: {  	[spmem:s9] =	stream.linear.scatter [tilespmem:s24], [sflag:$0x5], $0x2800, $0x38;
	[tilespmem:$0x1C800] =	vst v63  }
0x51: {  	_ =	swait.ge [sflag:s25], $0x2800  }
0x52: {  	[sflag:s25] =	ssyncset.done $0x0  }
0x53: {  	s11 =	smov.u32 s23;
	s23 =	rddreg [dreg:$0xe];
	[sflag:s25] =	ssyncadd.s32 $0xFFFFD800  }
0x54: {  	[spmem:s23] =	stream.linear.scatter [tilespmem:s24], [sflag:$0x5], $0x2800, $0x38;
	[tilespmem:$0x1C800] =	vst v63  }
0x55: {  	_ =	swait.ge [sflag:s25], $0x2800  }
0x56: {  	[sflag:s25] =	ssyncset.done $0x0  }
0x57: {  	s6 =	rddreg [dreg:$0x11];
	[sflag:s25] =	ssyncadd.s32 $0xFFFFD800  }
0x58: {  	[spmem:s6] =	stream.linear.scatter [tilespmem:s24], [sflag:$0x5], $0x2800, $0x38;
	[tilespmem:$0x1C800] =	vst v63  }
0x59: {  	_ =	swait.ge [sflag:s25], $0x2800  }
0x5a: {  	[sflag:s25] =	ssyncset.done $0x0  }
0x5b: {  	[sflag:s25] =	ssyncadd.s32 $0xFFFFD800  }
0x5c: {  	[bflag:$0x0] =	sbarrier.arrive $0xFFFF  }
0x5d: {  	s7 =	simm.s32 $0x0;
	s6 =	rddreg [dreg:$0x10]  }
0x5e: {  	[tilespmem:s7], [sflag:$0x5] =	stream.linear.gather [hbm4b:s6+s7], $0x200, $0x38;
	[tilespmem:$0x1C800] =	vst v63  }
0x5f: {  	_ =	swait.ge [sflag:s25], $0x200  }
0x60: {  	[sflag:s25] =	ssyncset.done $0x0  }
0x61: {  	s8 =	rddreg [dreg:$0xf];
	[sflag:s25] =	ssyncadd.s32 $0xFFFFFE00  }
0x62: {  	[tilespmem:s26], [sflag:$0x5] =	stream.linear.gather [hbm4b:s8+s7], $0x200, $0x38;
	[tilespmem:$0x1C800] =	vst v63  }
0x63: {  	_ =	swait.ge [sflag:s25], $0x200  }
0x64: {  	[sflag:s25] =	ssyncset.done $0x0  }
0x65: {  	s9 =	rddreg [dreg:$0x6];
	[sflag:s25] =	ssyncadd.s32 $0xFFFFFE00  }
0x66: {  	[tilespmem:s24], [sflag:$0x1] =	stream.indirect.gather [hbm4b:s4+s28], $0x80, s7, s28, $0xb8;
	[tilespmem:$0x1C800] =	vst v63  }
0x67: {  	s23 =	rddreg [dreg:$0x5];
	s6 =	sadd.s32 $0x0, s9  }
0x68: {  	[tilespmem:s29], [sflag:$0x4] =	stream.linear.gather [hbm4b:s6+s2], $0x200, $0x38;
	[tilespmem:$0x1C800] =	vst v63  }
0x69: {  	s5 =	sadd.s32 $0x0, s23  }
0x6a: {  	[tilespmem:s30], [sflag:$0x4] =	stream.linear.gather [hbm4b:s5+s2], $0x200, $0x38;
	[tilespmem:$0x1C800] =	vst v63  }
0x6b: {  	_ =	swait.ge [sflag:s31], $0x3E80  }
0x6c: {  	[sflag:s31] =	ssyncset.done $0x0  }
0x6d: {  	s7 =	rddreg [dreg:$0x7];
	[sflag:s31] =	ssyncadd.s32 $0xFFFFC180  }
0x6e: {  	[tilespmem:s0], [sflag:$0x2] =	stream.indirect.gather [hbm4b:s4+s28], $0x80, s7, s28, $0xb8;
	[tilespmem:$0x1C800] =	vst v63  }
0x6f: {  	_ = 	snop  }
0x70: {  	[spmem:s1] =	stream.indirect.scatter.add.f32 [tilespmem:s24], [sflag:$0x5], $0x80, s26, s28, $0xb8;
	[tilespmem:$0x1C800] =	vst v63  }
0x71: {  	_ =	swait.ge [sflag:s25], $0x3E80  }
0x72: {  	[sflag:s25] =	ssyncset.done $0x0  }
0x73: {  	[sflag:s25] =	ssyncadd.s32 $0xFFFFC180  }
0x74: {  	_ =	swait.ge [sflag:s3], $0x3E80  }
0x75: {  	[sflag:s3] =	ssyncset.done $0x0  }
0x76: {  	s8 =	rddreg [dreg:$0x8];
	[sflag:s3] =	ssyncadd.s32 $0xFFFFC180  }
0x77: {  	[tilespmem:s24], [sflag:$0x1] =	stream.indirect.gather [hbm4b:s4+s28], $0x80, s8, s28, $0xb8;
	[tilespmem:$0x1C800] =	vst v63  }
0x78: {  	s9 =	rddreg [dreg:$0x9]  }
0x79: {  	[spmem:s1] =	stream.indirect.scatter.add.f32 [tilespmem:s0], [sflag:$0x5], $0x80, s9, s28, $0xb8;
	[tilespmem:$0x1C800] =	vst v63  }
0x7a: {  	_ =	swait.ge [sflag:s25], $0x3E80  }
0x7b: {  	[sflag:s25] =	ssyncset.done $0x0  }
0x7c: {  	[sflag:s25] =	ssyncadd.s32 $0xFFFFC180  }
0x7d: {  	_ =	swait.ge [sflag:s31], $0x3E80  }
0x7e: {  	[sflag:s31] =	ssyncset.done $0x0  }
0x7f: {  	s23 =	rddreg [dreg:$0xa];
	[sflag:s31] =	ssyncadd.s32 $0xFFFFC180  }
0x80: {  	[tilespmem:s0], [sflag:$0x2] =	stream.indirect.gather [hbm4b:s4+s28], $0x80, s23, s28, $0xb8;
	[tilespmem:$0x1C800] =	vst v63  }
0x81: {  	_ = 	snop  }
0x82: {  	[spmem:s1] =	stream.indirect.scatter.add.f32 [tilespmem:s24], [sflag:$0x5], $0x80, s12, s28, $0xb8;
	[tilespmem:$0x1C800] =	vst v63  }
0x83: {  	_ =	swait.ge [sflag:s25], $0x3E80  }
0x84: {  	[sflag:s25] =	ssyncset.done $0x0  }
0x85: {  	[sflag:s25] =	ssyncadd.s32 $0xFFFFC180  }
0x86: {  	_ =	swait.ge [sflag:s3], $0x3E80  }
0x87: {  	[sflag:s3] =	ssyncset.done $0x0  }
0x88: {  	[sflag:s3] =	ssyncadd.s32 $0xFFFFC180  }
0x89: {  	_ =	swait.ge [sflag:s13], $0x200  }
0x8a: {  	[sflag:s13] =	ssyncset.done $0x0  }
0x8b: {  	[sflag:s13] =	ssyncadd.s32 $0xFFFFFE00  }
0x8c: {  	_ =	swait.ge [sflag:s13], $0x200  }
0x8d: {  	[sflag:s13] =	ssyncset.done $0x0  }
0x8e: {  	[sflag:s13] =	ssyncadd.s32 $0xFFFFFE00  }
0x8f: {  	[tilespmem:s24], [sflag:$0x1] =	stream.indirect.gather [hbm4b:s4+s28], $0x80, s29, s28, $0xb8;
	[tilespmem:$0x1C800] =	vst v63  }
0x90: {  	_ = 	snop  }
0x91: {  	[spmem:s1] =	stream.indirect.scatter.add.f32 [tilespmem:s0], [sflag:$0x5], $0x80, s15, s28, $0xb8;
	[tilespmem:$0x1C800] =	vst v63  }
0x92: {  	p0 =	por $0x0, $0x0;
	_ =	swait.ge [sflag:s25], $0x3E80  }
0x93: {  	s7 =	simm.s32 @!p0 $0x0;
	s5 =	rddreg [dreg:$0x4];
	[sflag:s25] =	ssyncset.done $0x0  }
0x94: {  	s6 =	rddreg [dreg:$0x3];
	[sflag:s25] =	ssyncadd.s32 $0xFFFFC180;
	s5 =	sadd.s32 @!p0 $0x0, s5  }
0x95: {  	[tilespmem:s7], [sflag:$0x3] =	stream.linear.gather @!p0 [hbm4b:s5+s7], $0x200, $0x38;
	[tilespmem:$0x1C800] =	vst v63  }
0x96: {  	s5 =	sadd.s32 @!p0 $0x0, s6;
	s6 =	simm.s32 @!p0 $0x200  }
0x97: {  	[tilespmem:s6], [sflag:$0x3] =	stream.linear.gather @!p0 [hbm4b:s5+s7], $0x200, $0x38;
	[tilespmem:$0x1C800] =	vst v63  }
0x98: {  	_ =	swait.ge [sflag:s31], $0x3E80  }
0x99: {  	[sflag:s31] =	ssyncset.done $0x0  }
0x9a: {  	[sflag:s31] =	ssyncadd.s32 $0xFFFFC180  }
0x9b: {  	[tilespmem:s0], [sflag:$0x2] =	stream.indirect.gather [hbm4b:s4+s28], $0x80, s16, s28, $0xb8;
	[tilespmem:$0x1C800] =	vst v63  }
0x9c: {  	_ = 	snop  }
0x9d: {  	[spmem:s1] =	stream.indirect.scatter.add.f32 [tilespmem:s24], [sflag:$0x5], $0x80, s30, s28, $0xb8;
	[tilespmem:$0x1C800] =	vst v63  }
0x9e: {  	_ =	swait.ge [sflag:s25], $0x3E80  }
0x9f: {  	[sflag:s25] =	ssyncset.done $0x0  }
0xa0: {  	[sflag:s25] =	ssyncadd.s32 $0xFFFFC180  }
0xa1: {  	_ =	swait.ge [sflag:s3], $0x3E80  }
0xa2: {  	[sflag:s3] =	ssyncset.done $0x0  }
0xa3: {  	[sflag:s3] =	ssyncadd.s32 $0xFFFFC180  }
0xa4: {  	[tilespmem:s24], [sflag:$0x1] =	stream.indirect.gather [hbm4b:s4+s28], $0x80, s17, s28, $0xb8;
	[tilespmem:$0x1C800] =	vst v63  }
0xa5: {  	_ = 	snop  }
0xa6: {  	[spmem:s1] =	stream.indirect.scatter.add.f32 [tilespmem:s0], [sflag:$0x5], $0x80, s18, s28, $0xb8;
	[tilespmem:$0x1C800] =	vst v63  }
0xa7: {  	_ =	swait.ge [sflag:s25], $0x3E80  }
0xa8: {  	[sflag:s25] =	ssyncset.done $0x0  }
0xa9: {  	[sflag:s25] =	ssyncadd.s32 $0xFFFFC180  }
0xaa: {  	_ =	swait.ge [sflag:s31], $0x3E80  }
0xab: {  	[sflag:s31] =	ssyncset.done $0x0  }
0xac: {  	[sflag:s31] =	ssyncadd.s32 $0xFFFFC180  }
0xad: {  	[tilespmem:s0], [sflag:$0x2] =	stream.indirect.gather [hbm4b:s4+s28], $0x80, s19, s28, $0xb8;
	[tilespmem:$0x1C800] =	vst v63  }
0xae: {  	_ = 	snop  }
0xaf: {  	[spmem:s1] =	stream.indirect.scatter.add.f32 [tilespmem:s24], [sflag:$0x5], $0x80, s20, s28, $0xb8;
	[tilespmem:$0x1C800] =	vst v63  }
0xb0: {  	_ =	swait.ge [sflag:s25], $0x3E80  }
0xb1: {  	[sflag:s25] =	ssyncset.done $0x0  }
0xb2: {  	[sflag:s25] =	ssyncadd.s32 $0xFFFFC180  }
0xb3: {  	_ =	swait.ge [sflag:s3], $0x3E80  }
0xb4: {  	[sflag:s3] =	ssyncset.done $0x0  }
0xb5: {  	s5 =	simm.s32 @!p0 $0x3;
	[sflag:s3] =	ssyncadd.s32 $0xFFFFC180  }
0xb6: {  	_ =	swait.ge @!p0 [sflag:s5], $0x200  }
0xb7: {  	[sflag:s5] =	ssyncset.done @!p0 $0x0  }
0xb8: {  	[sflag:s5] =	ssyncadd.s32 @!p0 $0xFFFFFE00  }
0xb9: {  	_ =	swait.ge @!p0 [sflag:s5], $0x200  }
0xba: {  	[sflag:s5] =	ssyncset.done @!p0 $0x0  }
0xbb: {  	s6 =	simm.s32 @!p0 $0x800;
	[sflag:s5] =	ssyncadd.s32 @!p0 $0xFFFFFE00;
	s5 =	simm.s32 @!p0 $0x7D  }
0xbc: {  	[tilespmem:s6], [sflag:$0x1] =	stream.indirect.gather @!p0 [hbm4b:s4+s5], $0x80, s7, s5, $0xb8;
	[tilespmem:$0x1C800] =	vst v63  }
0xbd: {  	_ = 	snop  }
0xbe: {  	[spmem:s1] =	stream.indirect.scatter.add.f32 [tilespmem:s0], [sflag:$0x5], $0x80, s21, s28, $0xb8;
	[tilespmem:$0x1C800] =	vst v63  }
0xbf: {  	_ =	swait.ge [sflag:s25], $0x3E80  }
0xc0: {  	s23 =	simm.s32 $0x80;
	s5 =	simm.s32 $0x100;
	[sflag:s25] =	ssyncset.done $0x0  }
.LBB2_4:
0xc1: {  	s7 =	rddreg [dreg:$0x6]  }
0xc2: {  	[sflag:s25] =	ssyncadd.s32 $0xFFFFC180;
	s8 =	rddreg [dreg:$0x5];
	s7 =	sadd.s32 s23, s7  }
0xc3: {  	[tilespmem:s29], [sflag:$0x4] =	stream.linear.gather [hbm4b:s7+s2], $0x200, $0x38;
	[tilespmem:$0x1C800] =	vst v63  }
0xc4: {  	s8 =	sadd.s32 s23, s8  }
0xc5: {  	[tilespmem:s30], [sflag:$0x4] =	stream.linear.gather [hbm4b:s8+s2], $0x200, $0x38;
	[tilespmem:$0x1C800] =	vst v63  }
0xc6: {  	_ =	swait.ge [sflag:s31], $0x3E80  }
0xc7: {  	[sflag:s31] =	ssyncset.done $0x0  }
0xc8: {  	s9 =	rddreg [dreg:$0x7];
	[sflag:s31] =	ssyncadd.s32 $0xFFFFC180  }
0xc9: {  	[tilespmem:s0], [sflag:$0x2] =	stream.indirect.gather [hbm4b:s4+s28], $0x80, s9, s28, $0xb8;
	[tilespmem:$0x1C800] =	vst v63  }
0xca: {  	_ = 	snop  }
0xcb: {  	[spmem:s1] =	stream.indirect.scatter.add.f32 [tilespmem:s24], [sflag:$0x5], $0x80, s26, s28, $0xb8;
	[tilespmem:$0x1C800] =	vst v63  }
0xcc: {  	_ =	swait.ge [sflag:s25], $0x3E80  }
0xcd: {  	[sflag:s25] =	ssyncset.done $0x0  }
0xce: {  	[sflag:s25] =	ssyncadd.s32 $0xFFFFC180  }
0xcf: {  	_ =	swait.ge [sflag:s3], $0x3E80  }
0xd0: {  	[sflag:s3] =	ssyncset.done $0x0  }
0xd1: {  	s8 =	rddreg [dreg:$0x8];
	[sflag:s3] =	ssyncadd.s32 $0xFFFFC180  }
0xd2: {  	[tilespmem:s24], [sflag:$0x1] =	stream.indirect.gather [hbm4b:s4+s28], $0x80, s8, s28, $0xb8;
	[tilespmem:$0x1C800] =	vst v63  }
0xd3: {  	s9 =	rddreg [dreg:$0x9]  }
0xd4: {  	[spmem:s1] =	stream.indirect.scatter.add.f32 [tilespmem:s0], [sflag:$0x5], $0x80, s9, s28, $0xb8;
	[tilespmem:$0x1C800] =	vst v63  }
0xd5: {  	_ =	swait.ge [sflag:s25], $0x3E80  }
0xd6: {  	[sflag:s25] =	ssyncset.done $0x0  }
0xd7: {  	[sflag:s25] =	ssyncadd.s32 $0xFFFFC180  }
0xd8: {  	_ =	swait.ge [sflag:s31], $0x3E80  }
0xd9: {  	[sflag:s31] =	ssyncset.done $0x0  }
0xda: {  	s9 =	rddreg [dreg:$0xa];
	[sflag:s31] =	ssyncadd.s32 $0xFFFFC180  }
0xdb: {  	[tilespmem:s0], [sflag:$0x2] =	stream.indirect.gather [hbm4b:s4+s28], $0x80, s9, s28, $0xb8;
	[tilespmem:$0x1C800] =	vst v63  }
0xdc: {  	_ = 	snop  }
0xdd: {  	[spmem:s1] =	stream.indirect.scatter.add.f32 [tilespmem:s24], [sflag:$0x5], $0x80, s12, s28, $0xb8;
	[tilespmem:$0x1C800] =	vst v63  }
0xde: {  	_ =	swait.ge [sflag:s25], $0x3E80  }
0xdf: {  	[sflag:s25] =	ssyncset.done $0x0  }
0xe0: {  	[sflag:s25] =	ssyncadd.s32 $0xFFFFC180  }
0xe1: {  	_ =	swait.ge [sflag:s3], $0x3E80  }
0xe2: {  	[sflag:s3] =	ssyncset.done $0x0  }
0xe3: {  	[sflag:s3] =	ssyncadd.s32 $0xFFFFC180  }
0xe4: {  	_ =	swait.ge [sflag:s13], $0x200  }
0xe5: {  	[sflag:s13] =	ssyncset.done $0x0  }
0xe6: {  	[sflag:s13] =	ssyncadd.s32 $0xFFFFFE00  }
0xe7: {  	_ =	swait.ge [sflag:s13], $0x200  }
0xe8: {  	[sflag:s13] =	ssyncset.done $0x0  }
0xe9: {  	[sflag:s13] =	ssyncadd.s32 $0xFFFFFE00  }
0xea: {  	[tilespmem:s24], [sflag:$0x1] =	stream.indirect.gather [hbm4b:s4+s28], $0x80, s29, s28, $0xb8;
	[tilespmem:$0x1C800] =	vst v63  }
0xeb: {  	_ = 	snop  }
0xec: {  	[spmem:s1] =	stream.indirect.scatter.add.f32 [tilespmem:s0], [sflag:$0x5], $0x80, s15, s28, $0xb8;
	[tilespmem:$0x1C800] =	vst v63  }
0xed: {  	_ =	swait.ge [sflag:s25], $0x3E80  }
0xee: {  	s7 =	rddreg [dreg:$0x4]  }
0xef: {  	p1 =	seq.s32 s23, $0x480;
	[sflag:s25] =	ssyncset.done $0x0;
	s8 =	rddreg [dreg:$0x3]  }
0xf0: {  	[sflag:s25] =	ssyncadd.s32 $0xFFFFC180;
	s9 =	sadd.s32 @!p1 s23, s7;
	s7 =	simm.s32 @!p1 $0x0  }
0xf1: {  	[tilespmem:s7], [sflag:$0x3] =	stream.linear.gather @!p1 [hbm4b:s9+s7], $0x200, $0x38;
	[tilespmem:$0x1C800] =	vst v63  }
0xf2: {  	s8 =	sadd.s32 @!p1 s23, s8;
	s9 =	simm.s32 @!p1 $0x200  }
0xf3: {  	[tilespmem:s9], [sflag:$0x3] =	stream.linear.gather @!p1 [hbm4b:s8+s7], $0x200, $0x38;
	[tilespmem:$0x1C800] =	vst v63  }
0xf4: {  	_ =	swait.ge [sflag:s31], $0x3E80  }
0xf5: {  	[sflag:s31] =	ssyncset.done $0x0  }
0xf6: {  	[sflag:s31] =	ssyncadd.s32 $0xFFFFC180  }
0xf7: {  	[tilespmem:s0], [sflag:$0x2] =	stream.indirect.gather [hbm4b:s4+s28], $0x80, s16, s28, $0xb8;
	[tilespmem:$0x1C800] =	vst v63  }
0xf8: {  	_ = 	snop  }
0xf9: {  	[spmem:s1] =	stream.indirect.scatter.add.f32 [tilespmem:s24], [sflag:$0x5], $0x80, s30, s28, $0xb8;
	[tilespmem:$0x1C800] =	vst v63  }
0xfa: {  	_ =	swait.ge [sflag:s25], $0x3E80  }
0xfb: {  	[sflag:s25] =	ssyncset.done $0x0  }
0xfc: {  	[sflag:s25] =	ssyncadd.s32 $0xFFFFC180  }
0xfd: {  	_ =	swait.ge [sflag:s3], $0x3E80  }
0xfe: {  	[sflag:s3] =	ssyncset.done $0x0  }
0xff: {  	[sflag:s3] =	ssyncadd.s32 $0xFFFFC180  }
0x100: {  	[tilespmem:s24], [sflag:$0x1] =	stream.indirect.gather [hbm4b:s4+s28], $0x80, s17, s28, $0xb8;
	[tilespmem:$0x1C800] =	vst v63  }
0x101: {  	_ = 	snop  }
0x102: {  	[spmem:s1] =	stream.indirect.scatter.add.f32 [tilespmem:s0], [sflag:$0x5], $0x80, s18, s28, $0xb8;
	[tilespmem:$0x1C800] =	vst v63  }
0x103: {  	_ =	swait.ge [sflag:s25], $0x3E80  }
0x104: {  	[sflag:s25] =	ssyncset.done $0x0  }
0x105: {  	[sflag:s25] =	ssyncadd.s32 $0xFFFFC180  }
0x106: {  	_ =	swait.ge [sflag:s31], $0x3E80  }
0x107: {  	[sflag:s31] =	ssyncset.done $0x0  }
0x108: {  	[sflag:s31] =	ssyncadd.s32 $0xFFFFC180  }
0x109: {  	[tilespmem:s0], [sflag:$0x2] =	stream.indirect.gather [hbm4b:s4+s28], $0x80, s19, s28, $0xb8;
	[tilespmem:$0x1C800] =	vst v63  }
0x10a: {  	_ = 	snop  }
0x10b: {  	[spmem:s1] =	stream.indirect.scatter.add.f32 [tilespmem:s24], [sflag:$0x5], $0x80, s20, s28, $0xb8;
	[tilespmem:$0x1C800] =	vst v63  }
0x10c: {  	_ =	swait.ge [sflag:s25], $0x3E80  }
0x10d: {  	[sflag:s25] =	ssyncset.done $0x0  }
0x10e: {  	[sflag:s25] =	ssyncadd.s32 $0xFFFFC180  }
0x10f: {  	_ =	swait.ge [sflag:s3], $0x3E80  }
0x110: {  	s6 =	smov.u32 s5;
	[sflag:s3] =	ssyncset.done $0x0  }
0x111: {  	s23 =	smov.u32 s6;
	s6 =	simm.s32 @!p1 $0x3;
	[sflag:s3] =	ssyncadd.s32 $0xFFFFC180  }
0x112: {  	_ =	swait.ge @!p1 [sflag:s6], $0x200  }
0x113: {  	[sflag:s6] =	ssyncset.done @!p1 $0x0  }
0x114: {  	[sflag:s6] =	ssyncadd.s32 @!p1 $0xFFFFFE00  }
0x115: {  	s5 =	sadd.s32 $0x80, s5;
	_ =	swait.ge @!p1 [sflag:s6], $0x200  }
0x116: {  	p0 =	sne.s32 s5, $0x500;
	[sflag:s6] =	ssyncset.done @!p1 $0x0  }
0x117: {  	s8 =	simm.s32 @!p1 $0x800;
	[sflag:s6] =	ssyncadd.s32 @!p1 $0xFFFFFE00;
	s6 =	simm.s32 @!p1 $0x7D  }
0x118: {  	[tilespmem:s8], [sflag:$0x1] =	stream.indirect.gather @!p1 [hbm4b:s4+s6], $0x80, s7, s6, $0xb8;
	[tilespmem:$0x1C800] =	vst v63  }
.Ltmp1:
0x119: {  	_ = 	snop;
	(pc) =	sbr.rel @p0 .LBB2_4-.Ltmp1, $4  }
0x11a: {  	_ = 	snop  }
0x11b: {  	[spmem:s1] =	stream.indirect.scatter.add.f32 [tilespmem:s0], [sflag:$0x5], $0x80, s21, s28, $0xb8;
	[tilespmem:$0x1C800] =	vst v63  }
0x11c: {  	_ =	swait.ge [sflag:s25], $0x3E80  }
0x11d: {  	[sflag:s25] =	ssyncset.done $0x0  }
0x11e: {  	s5 =	rddreg [dreg:$0x6]  }
0x11f: {  	s6 =	rddreg [dreg:$0x5];
	[sflag:s25] =	ssyncadd.s32 $0xFFFFC180;
	s5 =	sadd.s32 s23, s5  }
0x120: {  	[tilespmem:s29], [sflag:$0x4] =	stream.linear.gather [hbm4b:s5+s2], $0x200, $0x38;
	[tilespmem:$0x1C800] =	vst v63  }
0x121: {  	s8 =	sadd.s32 s23, s6  }
0x122: {  	[tilespmem:s30], [sflag:$0x4] =	stream.linear.gather [hbm4b:s8+s2], $0x200, $0x38;
	[tilespmem:$0x1C800] =	vst v63  }
0x123: {  	_ =	swait.ge [sflag:s31], $0x3E80  }
0x124: {  	[sflag:s31] =	ssyncset.done $0x0  }
0x125: {  	s9 =	rddreg [dreg:$0x7];
	[sflag:s31] =	ssyncadd.s32 $0xFFFFC180  }
0x126: {  	[tilespmem:s0], [sflag:$0x2] =	stream.indirect.gather [hbm4b:s4+s28], $0x80, s9, s28, $0xb8;
	[tilespmem:$0x1C800] =	vst v63  }
0x127: {  	_ = 	snop  }
0x128: {  	[spmem:s1] =	stream.indirect.scatter.add.f32 [tilespmem:s24], [sflag:$0x5], $0x80, s26, s28, $0xb8;
	[tilespmem:$0x1C800] =	vst v63  }
0x129: {  	_ =	swait.ge [sflag:s25], $0x3E80  }
0x12a: {  	[sflag:s25] =	ssyncset.done $0x0  }
0x12b: {  	[sflag:s25] =	ssyncadd.s32 $0xFFFFC180  }
0x12c: {  	_ =	swait.ge [sflag:s3], $0x3E80  }
0x12d: {  	[sflag:s3] =	ssyncset.done $0x0  }
0x12e: {  	s6 =	rddreg [dreg:$0x8];
	[sflag:s3] =	ssyncadd.s32 $0xFFFFC180  }
0x12f: {  	[tilespmem:s24], [sflag:$0x1] =	stream.indirect.gather [hbm4b:s4+s28], $0x80, s6, s28, $0xb8;
	[tilespmem:$0x1C800] =	vst v63  }
0x130: {  	s7 =	rddreg [dreg:$0x9]  }
0x131: {  	[spmem:s1] =	stream.indirect.scatter.add.f32 [tilespmem:s0], [sflag:$0x5], $0x80, s7, s28, $0xb8;
	[tilespmem:$0x1C800] =	vst v63  }
0x132: {  	_ =	swait.ge [sflag:s25], $0x3E80  }
0x133: {  	[sflag:s25] =	ssyncset.done $0x0  }
0x134: {  	[sflag:s25] =	ssyncadd.s32 $0xFFFFC180  }
0x135: {  	_ =	swait.ge [sflag:s31], $0x3E80  }
0x136: {  	[sflag:s31] =	ssyncset.done $0x0  }
0x137: {  	s8 =	rddreg [dreg:$0xa];
	[sflag:s31] =	ssyncadd.s32 $0xFFFFC180  }
0x138: {  	[tilespmem:s0], [sflag:$0x2] =	stream.indirect.gather [hbm4b:s4+s28], $0x80, s8, s28, $0xb8;
	[tilespmem:$0x1C800] =	vst v63  }
0x139: {  	_ = 	snop  }
0x13a: {  	[spmem:s1] =	stream.indirect.scatter.add.f32 [tilespmem:s24], [sflag:$0x5], $0x80, s12, s28, $0xb8;
	[tilespmem:$0x1C800] =	vst v63  }
0x13b: {  	_ =	swait.ge [sflag:s25], $0x3E80  }
0x13c: {  	[sflag:s25] =	ssyncset.done $0x0  }
0x13d: {  	[sflag:s25] =	ssyncadd.s32 $0xFFFFC180  }
0x13e: {  	_ =	swait.ge [sflag:s3], $0x3E80  }
0x13f: {  	[sflag:s3] =	ssyncset.done $0x0  }
0x140: {  	[sflag:s3] =	ssyncadd.s32 $0xFFFFC180  }
0x141: {  	_ =	swait.ge [sflag:s13], $0x200  }
0x142: {  	[sflag:s13] =	ssyncset.done $0x0  }
0x143: {  	[sflag:s13] =	ssyncadd.s32 $0xFFFFFE00  }
0x144: {  	_ =	swait.ge [sflag:s13], $0x200  }
0x145: {  	[sflag:s13] =	ssyncset.done $0x0  }
0x146: {  	[sflag:s13] =	ssyncadd.s32 $0xFFFFFE00  }
0x147: {  	[tilespmem:s24], [sflag:$0x1] =	stream.indirect.gather [hbm4b:s4+s28], $0x80, s29, s28, $0xb8;
	[tilespmem:$0x1C800] =	vst v63  }
0x148: {  	_ = 	snop  }
0x149: {  	[spmem:s1] =	stream.indirect.scatter.add.f32 [tilespmem:s0], [sflag:$0x5], $0x80, s15, s28, $0xb8;
	[tilespmem:$0x1C800] =	vst v63  }
0x14a: {  	p0 =	seq.s32 s23, $0x480;
	_ =	swait.ge [sflag:s25], $0x3E80  }
0x14b: {  	s7 =	simm.s32 @!p0 $0x0;
	s5 =	rddreg [dreg:$0x4];
	[sflag:s25] =	ssyncset.done $0x0  }
0x14c: {  	s6 =	rddreg [dreg:$0x3];
	[sflag:s25] =	ssyncadd.s32 $0xFFFFC180;
	s5 =	sadd.s32 @!p0 s23, s5  }
0x14d: {  	[tilespmem:s7], [sflag:$0x3] =	stream.linear.gather @!p0 [hbm4b:s5+s7], $0x200, $0x38;
	[tilespmem:$0x1C800] =	vst v63  }
0x14e: {  	s5 =	sadd.s32 @!p0 s23, s6;
	s6 =	simm.s32 @!p0 $0x200  }
0x14f: {  	[tilespmem:s6], [sflag:$0x3] =	stream.linear.gather @!p0 [hbm4b:s5+s7], $0x200, $0x38;
	[tilespmem:$0x1C800] =	vst v63  }
0x150: {  	_ =	swait.ge [sflag:s31], $0x3E80  }
0x151: {  	[sflag:s31] =	ssyncset.done $0x0  }
0x152: {  	[sflag:s31] =	ssyncadd.s32 $0xFFFFC180  }
0x153: {  	[tilespmem:s0], [sflag:$0x2] =	stream.indirect.gather [hbm4b:s4+s28], $0x80, s16, s28, $0xb8;
	[tilespmem:$0x1C800] =	vst v63  }
0x154: {  	_ = 	snop  }
0x155: {  	[spmem:s1] =	stream.indirect.scatter.add.f32 [tilespmem:s24], [sflag:$0x5], $0x80, s30, s28, $0xb8;
	[tilespmem:$0x1C800] =	vst v63  }
0x156: {  	_ =	swait.ge [sflag:s25], $0x3E80  }
0x157: {  	[sflag:s25] =	ssyncset.done $0x0  }
0x158: {  	[sflag:s25] =	ssyncadd.s32 $0xFFFFC180  }
0x159: {  	_ =	swait.ge [sflag:s3], $0x3E80  }
0x15a: {  	[sflag:s3] =	ssyncset.done $0x0  }
0x15b: {  	[sflag:s3] =	ssyncadd.s32 $0xFFFFC180  }
0x15c: {  	[tilespmem:s24], [sflag:$0x1] =	stream.indirect.gather [hbm4b:s4+s28], $0x80, s17, s28, $0xb8;
	[tilespmem:$0x1C800] =	vst v63  }
0x15d: {  	_ = 	snop  }
0x15e: {  	[spmem:s1] =	stream.indirect.scatter.add.f32 [tilespmem:s0], [sflag:$0x5], $0x80, s18, s28, $0xb8;
	[tilespmem:$0x1C800] =	vst v63  }
0x15f: {  	_ =	swait.ge [sflag:s25], $0x3E80  }
0x160: {  	[sflag:s25] =	ssyncset.done $0x0  }
0x161: {  	[sflag:s25] =	ssyncadd.s32 $0xFFFFC180  }
0x162: {  	_ =	swait.ge [sflag:s31], $0x3E80  }
0x163: {  	[sflag:s31] =	ssyncset.done $0x0  }
0x164: {  	[sflag:s31] =	ssyncadd.s32 $0xFFFFC180  }
0x165: {  	[tilespmem:s0], [sflag:$0x2] =	stream.indirect.gather [hbm4b:s4+s28], $0x80, s19, s28, $0xb8;
	[tilespmem:$0x1C800] =	vst v63  }
0x166: {  	_ = 	snop  }
0x167: {  	[spmem:s1] =	stream.indirect.scatter.add.f32 [tilespmem:s24], [sflag:$0x5], $0x80, s20, s28, $0xb8;
	[tilespmem:$0x1C800] =	vst v63  }
0x168: {  	_ =	swait.ge [sflag:s25], $0x3E80  }
0x169: {  	[sflag:s25] =	ssyncset.done $0x0  }
0x16a: {  	[sflag:s25] =	ssyncadd.s32 $0xFFFFC180  }
0x16b: {  	_ =	swait.ge [sflag:s3], $0x3E80  }
0x16c: {  	[sflag:s3] =	ssyncset.done $0x0  }
0x16d: {  	s5 =	simm.s32 @!p0 $0x3;
	[sflag:s3] =	ssyncadd.s32 $0xFFFFC180  }
0x16e: {  	_ =	swait.ge @!p0 [sflag:s5], $0x200  }
0x16f: {  	[sflag:s5] =	ssyncset.done @!p0 $0x0  }
0x170: {  	[sflag:s5] =	ssyncadd.s32 @!p0 $0xFFFFFE00  }
0x171: {  	_ =	swait.ge @!p0 [sflag:s5], $0x200  }
0x172: {  	[sflag:s5] =	ssyncset.done @!p0 $0x0  }
0x173: {  	s6 =	simm.s32 @!p0 $0x800;
	[sflag:s5] =	ssyncadd.s32 @!p0 $0xFFFFFE00;
	s5 =	simm.s32 @!p0 $0x7D  }
0x174: {  	[tilespmem:s6], [sflag:$0x1] =	stream.indirect.gather @!p0 [hbm4b:s4+s5], $0x80, s7, s5, $0xb8;
	[tilespmem:$0x1C800] =	vst v63  }
0x175: {  	_ = 	snop  }
0x176: {  	[spmem:s1] =	stream.indirect.scatter.add.f32 [tilespmem:s0], [sflag:$0x5], $0x80, s21, s28, $0xb8;
	[tilespmem:$0x1C800] =	vst v63  }
0x177: {  	_ =	swait.ge [sflag:s25], $0x3E80  }
0x178: {  	[sflag:s25] =	ssyncset.done $0x0  }
0x179: {  	s9 =	stileid.u32;
	[sflag:s25] =	ssyncadd.s32 $0xFFFFC180  }
0x17a: {  	s8 =	smov.u32 s10;
	s5 =	sshll.u32 s9, $0x6;
	[bflag:$0x0] =	sbarrier.arrive $0xFFFF  }
0x17b: {  	s10 =	sshrl.u32 s10, $0x3;
	s5 =	sor.u32 $0x1C05, s5;
	s23 =	rddreg [dreg:$0x12]  }
0x17c: {  	[hbm:s23], [sflag:s5] =	dma.local [spmem:s10], $0x500  }
0x17d: {  	_ =	swait.ge [sflag:s25], $0x500  }
0x17e: {  	[sflag:s25] =	ssyncset.done $0x0  }
0x17f: {  	s7 =	sshrl.u32 s11, $0x3;
	s9 =	rddreg [dreg:$0x13];
	[sflag:s25] =	ssyncadd.s32 $0xFFFFFB00  }
0x180: {  	[hbm:s9], [sflag:s5] =	dma.local [spmem:s7], $0x500  }
0x181: {  	_ =	swait.ge [sflag:s25], $0x500  }
0x182: {  	s23 =	smov.u32 s11;
	[sflag:s25] =	ssyncset.done $0x0;
	s10 =	rddreg [dreg:$0xb]  }
0x183: {  	s11 =	rddreg [dreg:$0x14];
	[sflag:s25] =	ssyncadd.s32 $0xFFFFFB00;
	s6 =	sshrl.u32 s10, $0x3  }
0x184: {  	[hbm:s11], [sflag:s5] =	dma.local [spmem:s6], $0x500  }
0x185: {  	_ =	swait.ge [sflag:s25], $0x500  }
0x186: {  	[sflag:s25] =	ssyncset.done $0x0  }
0x187: {  	s7 =	sshrl.u32 s14, $0x3;
	s10 =	rddreg [dreg:$0x15];
	[sflag:s25] =	ssyncadd.s32 $0xFFFFFB00  }
0x188: {  	[hbm:s10], [sflag:s5] =	dma.local [spmem:s7], $0x500  }
0x189: {  	_ =	swait.ge [sflag:s25], $0x500  }
0x18a: {  	s9 =	smov.u32 s14;
	[sflag:s25] =	ssyncset.done $0x0;
	s11 =	rddreg [dreg:$0xc]  }
0x18b: {  	s14 =	rddreg [dreg:$0x16];
	[sflag:s25] =	ssyncadd.s32 $0xFFFFFB00;
	s6 =	sshrl.u32 s11, $0x3  }
0x18c: {  	[hbm:s14], [sflag:s5] =	dma.local [spmem:s6], $0x500  }
0x18d: {  	_ =	swait.ge [sflag:s25], $0x500  }
0x18e: {  	[sflag:s25] =	ssyncset.done $0x0;
	s7 =	rddreg [dreg:$0xd]  }
0x18f: {  	s10 =	rddreg [dreg:$0x17];
	[sflag:s25] =	ssyncadd.s32 $0xFFFFFB00;
	s6 =	sshrl.u32 s7, $0x3  }
0x190: {  	[hbm:s10], [sflag:s5] =	dma.local [spmem:s6], $0x500  }
0x191: {  	_ =	swait.ge [sflag:s25], $0x500  }
0x192: {  	[sflag:s25] =	ssyncset.done $0x0;
	s11 =	rddreg [dreg:$0xe]  }
0x193: {  	s14 =	rddreg [dreg:$0x18];
	[sflag:s25] =	ssyncadd.s32 $0xFFFFFB00;
	s6 =	sshrl.u32 s11, $0x3  }
0x194: {  	[hbm:s14], [sflag:s5] =	dma.local [spmem:s6], $0x500  }
0x195: {  	_ =	swait.ge [sflag:s25], $0x500  }
0x196: {  	[sflag:s25] =	ssyncset.done $0x0;
	s10 =	rddreg [dreg:$0x11]  }
0x197: {  	s11 =	rddreg [dreg:$0x19];
	[sflag:s25] =	ssyncadd.s32 $0xFFFFFB00;
	s6 =	sshrl.u32 s10, $0x3  }
0x198: {  	[hbm:s11], [sflag:s5] =	dma.local [spmem:s6], $0x500  }
0x199: {  	_ =	swait.ge [sflag:s25], $0x500  }
0x19a: {  	s22 =	sadd.s32 $0x1, s22;
	s14 =	rddreg [dreg:$0x1a]  }
0x19b: {  	p0 =	sne.s32 s22, s14  }
.Ltmp2:
0x19c: {  	_ = 	snop;
	(pc) =	sbr.rel @p0 .LBB2_1-.Ltmp2, $3  }
0x19d: {  	_ =	sdelay $0x1  }
0x19e: {  	[sflag:s25] =	ssyncset.done $0x0  }
0x19f: {  	[sflag:s25] =	ssyncadd.s32 $0xFFFFFB00  }
0x1a0: {  	_ =	sfence.sel $0x180000  }
0x1a1: {  	[bflag:$0x0] =	sbarrier.arrive $0xFFFF  }
0x1a2: {  	_ =	strace $0x90000047  }
0x1a3: {  	s0 =	stileid.u32;
	[bflag:$0x2] =	sbarrier.arrive $0xFFFF  }
0x1a4: {  	p0 =	sne.s32 s0, $0x0;
	s0 =	rddreg [dreg:$0x2]  }
0x1a5: {  	s0 =	sadd.s32 @!p0 $0x100000, s0  }
0x1a6: {  	[sflag:s0] =	ssyncadd.tile.s32 @!p0 $0x1;
	_ =	shalt  }
.Lfunc_end2:
_tile_overlayer_lowered:
.L_overlay_start_2:
0x1a7: {  	(tag) =	ssettag $0x2  }
0x1a8: {  	s0 =	rddreg [dreg:$0x0];
	s2 =	stileid.u32  }
0x1a9: {  	s1 =	rddreg [dreg:$0x1];
	p0 =	sne.s32 s2, $0x0  }
0x1aa: {  	s3 =	rddreg [dreg:$0x2];
	[bflag:$0x3] =	sbarrier.arrive $0xFFFF;
	s2 =	simm.s32 @!p0 $0x1C05  }
0x1ab: {  	[timem:s3], [sflag:s2] =	dma.local @!p0 [hbm:s0], s1  }
0x1ac: {  	s0 =	simm.s32 @!p0 $0x5  }
0x1ad: {  	_ =	swait.ge @!p0 [sflag:s0], s1  }
0x1ae: {  	s1 =	ssub.s32 @!p0 $0x0, s1;
	[sflag:s0] =	ssyncset.done @!p0 $0x0  }
0x1af: {  	[sflag:s0] =	ssyncadd.s32 @!p0 s1  }
0x1b0: {  	[bflag:$0x3] =	sbarrier.arrive $0xFFFF  }
0x1b1: {  	_ =	shalt  }

</sc_bundles>
